<compile_context>
chip_gen: v7x
topology: tpu7x:2x2x1
jax: 0.10.2.dev20260603
libtpu: 0.0.44.dev20260713+nightly
codegen_flags: <defaults>
</compile_context>

<pallas_src>
import functools

import jax
import jax.numpy as jnp
from jax import lax
from jax.experimental import pallas as pl
from jax.experimental.pallas import tpu as pltpu
from jax.experimental.pallas import tpu_sc as plsc

DIM = 32
BATCH = 16384
FIELDS = 26

NC = 2
NS = 16
NW = NC * NS
G = 128
TCD = BATCH // G
TPW = TCD // NW
BPW = TPW * FIELDS
NBUF = 2 * TPW
RPW = TPW * G


def _sc_gather(xt, table):
    mesh = plsc.VectorSubcoreMesh(core_axis_name="c", subcore_axis_name="s")

    scratch = (
        [pltpu.VMEM((FIELDS * RPW,), jnp.int32)]
        + [pltpu.VMEM((G, DIM), jnp.float32) for _ in range(NBUF)]
        + [pltpu.VMEM((G * DIM,), jnp.float32) for _ in range(NBUF)]
        + [pltpu.SemaphoreType.DMA] * (2 * NBUF + 1)
    )

    @functools.partial(
        pl.kernel,
        mesh=mesh,
        out_type=jax.ShapeDtypeStruct((FIELDS * DIM * BATCH,), jnp.float32),
        scratch_types=scratch,
        compiler_params=pltpu.CompilerParams(
            use_tc_tiling_on_sc=False, needs_layout_passes=False),
    )
    def k(xt_hbm, table_hbm, out_hbm, idx_v, *bufs):
        rows = bufs[:NBUF]
        rowsT = bufs[NBUF:2 * NBUF]
        sem_g = bufs[2 * NBUF:3 * NBUF]
        sem_w = bufs[3 * NBUF:4 * NBUF]
        sem_x = bufs[4 * NBUF]

        wid = lax.axis_index("s") * NC + lax.axis_index("c")
        tc0 = wid * TPW

        xcps = [
            pltpu.make_async_copy(
                xt_hbm.at[f, pl.ds(tc0 * G, RPW)],
                idx_v.at[pl.ds(f * RPW, RPW)], sem_x)
            for f in range(FIELDS)
        ]
        for cp in xcps:
            cp.start()
        for cp in xcps:
            cp.wait()

        iota = lax.iota(jnp.int32, 16)
        iv128 = [(iota + h * 16) * G for h in range(2)]

        def gather(k_, u):
            f = k_ // TPW
            return pltpu.make_async_copy(
                table_hbm.at[idx_v.at[pl.ds(f * RPW + (u % TPW) * G, G)]],
                rows[u], sem_g[u])

        def write(k_, u):
            f = k_ // TPW
            base = f * (DIM * BATCH) + (tc0 + u % TPW) * (8 * G)
            cps = []
            for tr in range(DIM // 8):
                cps.append(pltpu.make_async_copy(
                    rowsT[u].at[pl.ds(tr * (8 * G), 8 * G)],
                    out_hbm.at[pl.ds(base + tr * (8 * G * TCD), 8 * G)],
                    sem_w[u]))
            return cps

        def start_writes(k_, u):
            for cp in write(k_, u):
                cp.start()

        def wait_writes(k_, u):
            for cp in write(k_, u):
                cp.wait()

        def transpose(u):
            rows_u = rows[u]
            rowsT_u = rowsT[u]

            @pl.loop(0, G)
            def _(c):
                csplat = jnp.full((16,), c, jnp.int32)
                for h in range(2):
                    v = rows_u[c, pl.ds(h * 16, 16)]
                    plsc.store_scatter(rowsT_u, [iv128[h] + csplat], v)

        for u in range(NBUF):
            gather(u, u).start()

        for u in range(NBUF):
            gather(u, u).wait()
            transpose(u)
            gather(u + NBUF, u).start()
            start_writes(u, u)

        @pl.loop(NBUF, BPW - NBUF, step=NBUF)
        def _(i):
            for u in range(NBUF):
                k_ = i + u
                gather(k_, u).wait()
                wait_writes(k_ - NBUF, u)
                transpose(u)
                gather(k_ + NBUF, u).start()
                start_writes(k_, u)

        for u in range(NBUF):
            k_ = BPW - NBUF + u
            gather(k_, u).wait()
            wait_writes(k_ - NBUF, u)
            transpose(u)
            start_writes(k_, u)
        for u in range(NBUF):
            wait_writes(BPW - NBUF + u, u)

    return k(xt, table)


def kernel(x, embedding):
    xt = x.T.astype(jnp.int32)
    flat = _sc_gather(xt, embedding)
    out5d = flat.reshape(FIELDS, DIM // 8, TCD, 8, G)
    return out5d.transpose(2, 4, 0, 1, 3).reshape(BATCH, FIELDS, DIM)

# --- scband reference (transcript-rebuilt; emitter-appended) ---
"""Pipeline reference for scband-embedding-77077483094385 (READ-ONLY COPY).

The authoritative reference and input builder live on the scoring server;
editing this copy changes nothing except your own understanding.
"""

import jax, jax.numpy as jnp
import numpy as np

VOCAB = 1000000
DIM = 32
BATCH = 16384
FIELDS = 26
STD_INIT = 0.01

def setup_inputs(seed: int = 0) -> dict:
    key = jax.random.key(seed)
    k_emb, k_x = jax.random.split(key)
    embedding = jax.random.normal(k_emb, (VOCAB, DIM), dtype=jnp.float32) * STD_INIT
    x = jax.random.randint(k_x, (BATCH, FIELDS), 0, VOCAB, dtype=jnp.int64)
    return {"x": x, "embedding": embedding}

def reference(x, embedding):
    # padding_idx=0 -> padding row of shape [1, DIM] concatenated along axis 0
    padding = jnp.zeros((1, DIM), dtype=embedding.dtype)
    V = jnp.concatenate([embedding, padding], axis=0)
    # 2D embedding case: V[x]
    return V[x]

if __name__ == "__main__":
    import jax
    _d = setup_inputs()
    print(jax.jit(kernel)(*tuple(_d.values())))

</pallas_src>

<mosaic_0001>
#map = affine_map<(d0, d1) -> (0, 0)>
#map1 = affine_map<(d0, d1) -> (0)>
module attributes {stable_mosaic.version = 14 : i64} {
  func.func @k(%arg0: i32, %arg1: i32, %arg2: memref<26x16384xi32, #tpu.memory_space<hbm>>, %arg3: memref<1000000x32xf32, #tpu.memory_space<hbm>>, %arg4: memref<13631488xf32, #tpu.memory_space<hbm>>, %arg5: memref<13312xi32, #tpu.memory_space<vmem>>, %arg6: memref<128x32xf32, #tpu.memory_space<vmem>>, %arg7: memref<128x32xf32, #tpu.memory_space<vmem>>, %arg8: memref<128x32xf32, #tpu.memory_space<vmem>>, %arg9: memref<128x32xf32, #tpu.memory_space<vmem>>, %arg10: memref<128x32xf32, #tpu.memory_space<vmem>>, %arg11: memref<128x32xf32, #tpu.memory_space<vmem>>, %arg12: memref<128x32xf32, #tpu.memory_space<vmem>>, %arg13: memref<128x32xf32, #tpu.memory_space<vmem>>, %arg14: memref<4096xf32, #tpu.memory_space<vmem>>, %arg15: memref<4096xf32, #tpu.memory_space<vmem>>, %arg16: memref<4096xf32, #tpu.memory_space<vmem>>, %arg17: memref<4096xf32, #tpu.memory_space<vmem>>, %arg18: memref<4096xf32, #tpu.memory_space<vmem>>, %arg19: memref<4096xf32, #tpu.memory_space<vmem>>, %arg20: memref<4096xf32, #tpu.memory_space<vmem>>, %arg21: memref<4096xf32, #tpu.memory_space<vmem>>, %arg22: memref<!tpu.dma_semaphore, #tpu.memory_space<semaphore_mem>>, %arg23: memref<!tpu.dma_semaphore, #tpu.memory_space<semaphore_mem>>, %arg24: memref<!tpu.dma_semaphore, #tpu.memory_space<semaphore_mem>>, %arg25: memref<!tpu.dma_semaphore, #tpu.memory_space<semaphore_mem>>, %arg26: memref<!tpu.dma_semaphore, #tpu.memory_space<semaphore_mem>>, %arg27: memref<!tpu.dma_semaphore, #tpu.memory_space<semaphore_mem>>, %arg28: memref<!tpu.dma_semaphore, #tpu.memory_space<semaphore_mem>>, %arg29: memref<!tpu.dma_semaphore, #tpu.memory_space<semaphore_mem>>, %arg30: memref<!tpu.dma_semaphore, #tpu.memory_space<semaphore_mem>>, %arg31: memref<!tpu.dma_semaphore, #tpu.memory_space<semaphore_mem>>, %arg32: memref<!tpu.dma_semaphore, #tpu.memory_space<semaphore_mem>>, %arg33: memref<!tpu.dma_semaphore, #tpu.memory_space<semaphore_mem>>, %arg34: memref<!tpu.dma_semaphore, #tpu.memory_space<semaphore_mem>>, %arg35: memref<!tpu.dma_semaphore, #tpu.memory_space<semaphore_mem>>, %arg36: memref<!tpu.dma_semaphore, #tpu.memory_space<semaphore_mem>>, %arg37: memref<!tpu.dma_semaphore, #tpu.memory_space<semaphore_mem>>, %arg38: memref<!tpu.dma_semaphore, #tpu.memory_space<semaphore_mem>>) attributes {dimension_semantics = [#tpu.dimension_semantics<core_parallel>, #tpu.dimension_semantics<subcore_parallel>], iteration_bounds = array<i64: 2, 16>, scalar_prefetch = 0 : i64, scratch_operands = 34 : i64, tpu.core_type = #tpu.core_type<sc_vector_subcore>, window_params = [{transform_indices = #map}, {transform_indices = #map}, {transform_indices = #map1}]} {
    %mul3A = arith.constant 2 : i32
    %mul3A_0 = arith.muli %arg1, %mul3A : i32
    %add3A = arith.addi %mul3A_0, %arg0 : i32
    %mul3A_1 = arith.constant 4 : i32
    %mul3A_2 = arith.muli %add3A, %mul3A_1 : i32
    %mul3A_3 = arith.constant 128 : i32
    %mul3A_4 = arith.muli %mul3A_2, %mul3A_3 : i32
    %mul3A_5 = arith.constant 128 : i32
    %mul3A_6 = arith.muli %mul3A_2, %mul3A_5 : i32
    %mul3A_7 = arith.constant 128 : i32
    %mul3A_8 = arith.muli %mul3A_2, %mul3A_7 : i32
    %mul3A_9 = arith.constant 128 : i32
    %mul3A_10 = arith.muli %mul3A_2, %mul3A_9 : i32
    %mul3A_11 = arith.constant 128 : i32
    %mul3A_12 = arith.muli %mul3A_2, %mul3A_11 : i32
    %mul3A_13 = arith.constant 128 : i32
    %mul3A_14 = arith.muli %mul3A_2, %mul3A_13 : i32
    %mul3A_15 = arith.constant 128 : i32
    %mul3A_16 = arith.muli %mul3A_2, %mul3A_15 : i32
    %mul3A_17 = arith.constant 128 : i32
    %mul3A_18 = arith.muli %mul3A_2, %mul3A_17 : i32
    %mul3A_19 = arith.constant 128 : i32
    %mul3A_20 = arith.muli %mul3A_2, %mul3A_19 : i32
    %mul3A_21 = arith.constant 128 : i32
    %mul3A_22 = arith.muli %mul3A_2, %mul3A_21 : i32
    %mul3A_23 = arith.constant 128 : i32
    %mul3A_24 = arith.muli %mul3A_2, %mul3A_23 : i32
    %mul3A_25 = arith.constant 128 : i32
    %mul3A_26 = arith.muli %mul3A_2, %mul3A_25 : i32
    %mul3A_27 = arith.constant 128 : i32
    %mul3A_28 = arith.muli %mul3A_2, %mul3A_27 : i32
    %mul3A_29 = arith.constant 128 : i32
    %mul3A_30 = arith.muli %mul3A_2, %mul3A_29 : i32
    %mul3A_31 = arith.constant 128 : i32
    %mul3A_32 = arith.muli %mul3A_2, %mul3A_31 : i32
    %mul3A_33 = arith.constant 128 : i32
    %mul3A_34 = arith.muli %mul3A_2, %mul3A_33 : i32
    %mul3A_35 = arith.constant 128 : i32
    %mul3A_36 = arith.muli %mul3A_2, %mul3A_35 : i32
    %mul3A_37 = arith.constant 128 : i32
    %mul3A_38 = arith.muli %mul3A_2, %mul3A_37 : i32
    %mul3A_39 = arith.constant 128 : i32
    %mul3A_40 = arith.muli %mul3A_2, %mul3A_39 : i32
    %mul3A_41 = arith.constant 128 : i32
    %mul3A_42 = arith.muli %mul3A_2, %mul3A_41 : i32
    %mul3A_43 = arith.constant 128 : i32
    %mul3A_44 = arith.muli %mul3A_2, %mul3A_43 : i32
    %mul3A_45 = arith.constant 128 : i32
    %mul3A_46 = arith.muli %mul3A_2, %mul3A_45 : i32
    %mul3A_47 = arith.constant 128 : i32
    %mul3A_48 = arith.muli %mul3A_2, %mul3A_47 : i32
    %mul3A_49 = arith.constant 128 : i32
    %mul3A_50 = arith.muli %mul3A_2, %mul3A_49 : i32
    %mul3A_51 = arith.constant 128 : i32
    %mul3A_52 = arith.muli %mul3A_2, %mul3A_51 : i32
    %mul3A_53 = arith.constant 128 : i32
    %mul3A_54 = arith.muli %mul3A_2, %mul3A_53 : i32
    %dma_start3A = arith.constant 0 : i32
    %dma_start3A_55 = arith.constant 0 : i32
    %dma_start3A_56 = tpu.memref_slice %arg5[%dma_start3A_55] : memref<13312xi32, #tpu.memory_space<vmem>> -> memref<512xi32, #tpu.memory_space<vmem>>
    %dma_start3A_57 = tpu.memref_slice %arg2[%dma_start3A, %mul3A_4] : memref<26x16384xi32, #tpu.memory_space<hbm>> -> memref<1x512xi32, #tpu.memory_space<hbm>>
    %dma_start3A_58 = tpu.memref_squeeze %dma_start3A_57 : memref<1x512xi32, #tpu.memory_space<hbm>> -> memref<512xi32, #tpu.memory_space<hbm>>
    %dma_start3A_59 = arith.constant 0 : i32
    %dma_start3A_60 = tpu.memref_slice %arg5[%dma_start3A_59] : memref<13312xi32, #tpu.memory_space<vmem>> -> memref<512xi32, #tpu.memory_space<vmem>>
    %dma_start3A_61 = tpu.memref_slice %arg2[%dma_start3A, %mul3A_4] : memref<26x16384xi32, #tpu.memory_space<hbm>> -> memref<1x512xi32, #tpu.memory_space<hbm>>
    %dma_start3A_62 = tpu.memref_squeeze %dma_start3A_61 : memref<1x512xi32, #tpu.memory_space<hbm>> -> memref<512xi32, #tpu.memory_space<hbm>>
    tpu.enqueue_dma source(%dma_start3A_62 : memref<512xi32, #tpu.memory_space<hbm>>) target(%dma_start3A_60 : memref<512xi32, #tpu.memory_space<vmem>>) target_semaphore(%arg38 : memref<!tpu.dma_semaphore, #tpu.memory_space<semaphore_mem>>)
    %dma_start3A_63 = arith.constant 1 : i32
    %dma_start3A_64 = arith.constant 512 : i32
    %dma_start3A_65 = tpu.memref_slice %arg5[%dma_start3A_64] : memref<13312xi32, #tpu.memory_space<vmem>> -> memref<512xi32, #tpu.memory_space<vmem>>
    %dma_start3A_66 = tpu.memref_slice %arg2[%dma_start3A_63, %mul3A_6] : memref<26x16384xi32, #tpu.memory_space<hbm>> -> memref<1x512xi32, #tpu.memory_space<hbm>>
    %dma_start3A_67 = tpu.memref_squeeze %dma_start3A_66 : memref<1x512xi32, #tpu.memory_space<hbm>> -> memref<512xi32, #tpu.memory_space<hbm>>
    %dma_start3A_68 = arith.constant 512 : i32
    %dma_start3A_69 = tpu.memref_slice %arg5[%dma_start3A_68] : memref<13312xi32, #tpu.memory_space<vmem>> -> memref<512xi32, #tpu.memory_space<vmem>>
    %dma_start3A_70 = tpu.memref_slice %arg2[%dma_start3A_63, %mul3A_6] : memref<26x16384xi32, #tpu.memory_space<hbm>> -> memref<1x512xi32, #tpu.memory_space<hbm>>
    %dma_start3A_71 = tpu.memref_squeeze %dma_start3A_70 : memref<1x512xi32, #tpu.memory_space<hbm>> -> memref<512xi32, #tpu.memory_space<hbm>>
    tpu.enqueue_dma source(%dma_start3A_71 : memref<512xi32, #tpu.memory_space<hbm>>) target(%dma_start3A_69 : memref<512xi32, #tpu.memory_space<vmem>>) target_semaphore(%arg38 : memref<!tpu.dma_semaphore, #tpu.memory_space<semaphore_mem>>)
    %dma_start3A_72 = arith.constant 2 : i32
    %dma_start3A_73 = arith.constant 1024 : i32
    %dma_start3A_74 = tpu.memref_slice %arg5[%dma_start3A_73] : memref<13312xi32, #tpu.memory_space<vmem>> -> memref<512xi32, #tpu.memory_space<vmem>>
    %dma_start3A_75 = tpu.memref_slice %arg2[%dma_start3A_72, %mul3A_8] : memref<26x16384xi32, #tpu.memory_space<hbm>> -> memref<1x512xi32, #tpu.memory_space<hbm>>
    %dma_start3A_76 = tpu.memref_squeeze %dma_start3A_75 : memref<1x512xi32, #tpu.memory_space<hbm>> -> memref<512xi32, #tpu.memory_space<hbm>>
    %dma_start3A_77 = arith.constant 1024 : i32
    %dma_start3A_78 = tpu.memref_slice %arg5[%dma_start3A_77] : memref<13312xi32, #tpu.memory_space<vmem>> -> memref<512xi32, #tpu.memory_space<vmem>>
    %dma_start3A_79 = tpu.memref_slice %arg2[%dma_start3A_72, %mul3A_8] : memref<26x16384xi32, #tpu.memory_space<hbm>> -> memref<1x512xi32, #tpu.memory_space<hbm>>
    %dma_start3A_80 = tpu.memref_squeeze %dma_start3A_79 : memref<1x512xi32, #tpu.memory_space<hbm>> -> memref<512xi32, #tpu.memory_space<hbm>>
    tpu.enqueue_dma source(%dma_start3A_80 : memref<512xi32, #tpu.memory_space<hbm>>) target(%dma_start3A_78 : memref<512xi32, #tpu.memory_space<vmem>>) target_semaphore(%arg38 : memref<!tpu.dma_semaphore, #tpu.memory_space<semaphore_mem>>)
    %dma_start3A_81 = arith.constant 3 : i32
    %dma_start3A_82 = arith.constant 1536 : i32
    %dma_start3A_83 = tpu.memref_slice %arg5[%dma_start3A_82] : memref<13312xi32, #tpu.memory_space<vmem>> -> memref<512xi32, #tpu.memory_space<vmem>>
    %dma_start3A_84 = tpu.memref_slice %arg2[%dma_start3A_81, %mul3A_10] : memref<26x16384xi32, #tpu.memory_space<hbm>> -> memref<1x512xi32, #tpu.memory_space<hbm>>
    %dma_start3A_85 = tpu.memref_squeeze %dma_start3A_84 : memref<1x512xi32, #tpu.memory_space<hbm>> -> memref<512xi32, #tpu.memory_space<hbm>>
    %dma_start3A_86 = arith.constant 1536 : i32
    %dma_start3A_87 = tpu.memref_slice %arg5[%dma_start3A_86] : memref<13312xi32, #tpu.memory_space<vmem>> -> memref<512xi32, #tpu.memory_space<vmem>>
    %dma_start3A_88 = tpu.memref_slice %arg2[%dma_start3A_81, %mul3A_10] : memref<26x16384xi32, #tpu.memory_space<hbm>> -> memref<1x512xi32, #tpu.memory_space<hbm>>
    %dma_start3A_89 = tpu.memref_squeeze %dma_start3A_88 : memref<1x512xi32, #tpu.memory_space<hbm>> -> memref<512xi32, #tpu.memory_space<hbm>>
    tpu.enqueue_dma source(%dma_start3A_89 : memref<512xi32, #tpu.memory_space<hbm>>) target(%dma_start3A_87 : memref<512xi32, #tpu.memory_space<vmem>>) target_semaphore(%arg38 : memref<!tpu.dma_semaphore, #tpu.memory_space<semaphore_mem>>)
    %dma_start3A_90 = arith.constant 4 : i32
    %dma_start3A_91 = arith.constant 2048 : i32
    %dma_start3A_92 = tpu.memref_slice %arg5[%dma_start3A_91] : memref<13312xi32, #tpu.memory_space<vmem>> -> memref<512xi32, #tpu.memory_space<vmem>>
    %dma_start3A_93 = tpu.memref_slice %arg2[%dma_start3A_90, %mul3A_12] : memref<26x16384xi32, #tpu.memory_space<hbm>> -> memref<1x512xi32, #tpu.memory_space<hbm>>
    %dma_start3A_94 = tpu.memref_squeeze %dma_start3A_93 : memref<1x512xi32, #tpu.memory_space<hbm>> -> memref<512xi32, #tpu.memory_space<hbm>>
    %dma_start3A_95 = arith.constant 2048 : i32
    %dma_start3A_96 = tpu.memref_slice %arg5[%dma_start3A_95] : memref<13312xi32, #tpu.memory_space<vmem>> -> memref<512xi32, #tpu.memory_space<vmem>>
    %dma_start3A_97 = tpu.memref_slice %arg2[%dma_start3A_90, %mul3A_12] : memref<26x16384xi32, #tpu.memory_space<hbm>> -> memref<1x512xi32, #tpu.memory_space<hbm>>
    %dma_start3A_98 = tpu.memref_squeeze %dma_start3A_97 : memref<1x512xi32, #tpu.memory_space<hbm>> -> memref<512xi32, #tpu.memory_space<hbm>>
    tpu.enqueue_dma source(%dma_start3A_98 : memref<512xi32, #tpu.memory_space<hbm>>) target(%dma_start3A_96 : memref<512xi32, #tpu.memory_space<vmem>>) target_semaphore(%arg38 : memref<!tpu.dma_semaphore, #tpu.memory_space<semaphore_mem>>)
    %dma_start3A_99 = arith.constant 5 : i32
    %dma_start3A_100 = arith.constant 2560 : i32
    %dma_start3A_101 = tpu.memref_slice %arg5[%dma_start3A_100] : memref<13312xi32, #tpu.memory_space<vmem>> -> memref<512xi32, #tpu.memory_space<vmem>>
    %dma_start3A_102 = tpu.memref_slice %arg2[%dma_start3A_99, %mul3A_14] : memref<26x16384xi32, #tpu.memory_space<hbm>> -> memref<1x512xi32, #tpu.memory_space<hbm>>
    %dma_start3A_103 = tpu.memref_squeeze %dma_start3A_102 : memref<1x512xi32, #tpu.memory_space<hbm>> -> memref<512xi32, #tpu.memory_space<hbm>>
    %dma_start3A_104 = arith.constant 2560 : i32
    %dma_start3A_105 = tpu.memref_slice %arg5[%dma_start3A_104] : memref<13312xi32, #tpu.memory_space<vmem>> -> memref<512xi32, #tpu.memory_space<vmem>>
    %dma_start3A_106 = tpu.memref_slice %arg2[%dma_start3A_99, %mul3A_14] : memref<26x16384xi32, #tpu.memory_space<hbm>> -> memref<1x512xi32, #tpu.memory_space<hbm>>
    %dma_start3A_107 = tpu.memref_squeeze %dma_start3A_106 : memref<1x512xi32, #tpu.memory_space<hbm>> -> memref<512xi32, #tpu.memory_space<hbm>>
    tpu.enqueue_dma source(%dma_start3A_107 : memref<512xi32, #tpu.memory_space<hbm>>) target(%dma_start3A_105 : memref<512xi32, #tpu.memory_space<vmem>>) target_semaphore(%arg38 : memref<!tpu.dma_semaphore, #tpu.memory_space<semaphore_mem>>)
    %dma_start3A_108 = arith.constant 6 : i32
    %dma_start3A_109 = arith.constant 3072 : i32
    %dma_start3A_110 = tpu.memref_slice %arg5[%dma_start3A_109] : memref<13312xi32, #tpu.memory_space<vmem>> -> memref<512xi32, #tpu.memory_space<vmem>>
    %dma_start3A_111 = tpu.memref_slice %arg2[%dma_start3A_108, %mul3A_16] : memref<26x16384xi32, #tpu.memory_space<hbm>> -> memref<1x512xi32, #tpu.memory_space<hbm>>
    %dma_start3A_112 = tpu.memref_squeeze %dma_start3A_111 : memref<1x512xi32, #tpu.memory_space<hbm>> -> memref<512xi32, #tpu.memory_space<hbm>>
    %dma_start3A_113 = arith.constant 3072 : i32
    %dma_start3A_114 = tpu.memref_slice %arg5[%dma_start3A_113] : memref<13312xi32, #tpu.memory_space<vmem>> -> memref<512xi32, #tpu.memory_space<vmem>>
    %dma_start3A_115 = tpu.memref_slice %arg2[%dma_start3A_108, %mul3A_16] : memref<26x16384xi32, #tpu.memory_space<hbm>> -> memref<1x512xi32, #tpu.memory_space<hbm>>
    %dma_start3A_116 = tpu.memref_squeeze %dma_start3A_115 : memref<1x512xi32, #tpu.memory_space<hbm>> -> memref<512xi32, #tpu.memory_space<hbm>>
    tpu.enqueue_dma source(%dma_start3A_116 : memref<512xi32, #tpu.memory_space<hbm>>) target(%dma_start3A_114 : memref<512xi32, #tpu.memory_space<vmem>>) target_semaphore(%arg38 : memref<!tpu.dma_semaphore, #tpu.memory_space<semaphore_mem>>)
    %dma_start3A_117 = arith.constant 7 : i32
    %dma_start3A_118 = arith.constant 3584 : i32
    %dma_start3A_119 = tpu.memref_slice %arg5[%dma_start3A_118] : memref<13312xi32, #tpu.memory_space<vmem>> -> memref<512xi32, #tpu.memory_space<vmem>>
    %dma_start3A_120 = tpu.memref_slice %arg2[%dma_start3A_117, %mul3A_18] : memref<26x16384xi32, #tpu.memory_space<hbm>> -> memref<1x512xi32, #tpu.memory_space<hbm>>
    %dma_start3A_121 = tpu.memref_squeeze %dma_start3A_120 : memref<1x512xi32, #tpu.memory_space<hbm>> -> memref<512xi32, #tpu.memory_space<hbm>>
    %dma_start3A_122 = arith.constant 3584 : i32
    %dma_start3A_123 = tpu.memref_slice %arg5[%dma_start3A_122] : memref<13312xi32, #tpu.memory_space<vmem>> -> memref<512xi32, #tpu.memory_space<vmem>>
    %dma_start3A_124 = tpu.memref_slice %arg2[%dma_start3A_117, %mul3A_18] : memref<26x16384xi32, #tpu.memory_space<hbm>> -> memref<1x512xi32, #tpu.memory_space<hbm>>
    %dma_start3A_125 = tpu.memref_squeeze %dma_start3A_124 : memref<1x512xi32, #tpu.memory_space<hbm>> -> memref<512xi32, #tpu.memory_space<hbm>>
    tpu.enqueue_dma source(%dma_start3A_125 : memref<512xi32, #tpu.memory_space<hbm>>) target(%dma_start3A_123 : memref<512xi32, #tpu.memory_space<vmem>>) target_semaphore(%arg38 : memref<!tpu.dma_semaphore, #tpu.memory_space<semaphore_mem>>)
    %dma_start3A_126 = arith.constant 8 : i32
    %dma_start3A_127 = arith.constant 4096 : i32
    %dma_start3A_128 = tpu.memref_slice %arg5[%dma_start3A_127] : memref<13312xi32, #tpu.memory_space<vmem>> -> memref<512xi32, #tpu.memory_space<vmem>>
    %dma_start3A_129 = tpu.memref_slice %arg2[%dma_start3A_126, %mul3A_20] : memref<26x16384xi32, #tpu.memory_space<hbm>> -> memref<1x512xi32, #tpu.memory_space<hbm>>
    %dma_start3A_130 = tpu.memref_squeeze %dma_start3A_129 : memref<1x512xi32, #tpu.memory_space<hbm>> -> memref<512xi32, #tpu.memory_space<hbm>>
    %dma_start3A_131 = arith.constant 4096 : i32
    %dma_start3A_132 = tpu.memref_slice %arg5[%dma_start3A_131] : memref<13312xi32, #tpu.memory_space<vmem>> -> memref<512xi32, #tpu.memory_space<vmem>>
    %dma_start3A_133 = tpu.memref_slice %arg2[%dma_start3A_126, %mul3A_20] : memref<26x16384xi32, #tpu.memory_space<hbm>> -> memref<1x512xi32, #tpu.memory_space<hbm>>
    %dma_start3A_134 = tpu.memref_squeeze %dma_start3A_133 : memref<1x512xi32, #tpu.memory_space<hbm>> -> memref<512xi32, #tpu.memory_space<hbm>>
    tpu.enqueue_dma source(%dma_start3A_134 : memref<512xi32, #tpu.memory_space<hbm>>) target(%dma_start3A_132 : memref<512xi32, #tpu.memory_space<vmem>>) target_semaphore(%arg38 : memref<!tpu.dma_semaphore, #tpu.memory_space<semaphore_mem>>)
    %dma_start3A_135 = arith.constant 9 : i32
    %dma_start3A_136 = arith.constant 4608 : i32
    %dma_start3A_137 = tpu.memref_slice %arg5[%dma_start3A_136] : memref<13312xi32, #tpu.memory_space<vmem>> -> memref<512xi32, #tpu.memory_space<vmem>>
    %dma_start3A_138 = tpu.memref_slice %arg2[%dma_start3A_135, %mul3A_22] : memref<26x16384xi32, #tpu.memory_space<hbm>> -> memref<1x512xi32, #tpu.memory_space<hbm>>
    %dma_start3A_139 = tpu.memref_squeeze %dma_start3A_138 : memref<1x512xi32, #tpu.memory_space<hbm>> -> memref<512xi32, #tpu.memory_space<hbm>>
    %dma_start3A_140 = arith.constant 4608 : i32
    %dma_start3A_141 = tpu.memref_slice %arg5[%dma_start3A_140] : memref<13312xi32, #tpu.memory_space<vmem>> -> memref<512xi32, #tpu.memory_space<vmem>>
    %dma_start3A_142 = tpu.memref_slice %arg2[%dma_start3A_135, %mul3A_22] : memref<26x16384xi32, #tpu.memory_space<hbm>> -> memref<1x512xi32, #tpu.memory_space<hbm>>
    %dma_start3A_143 = tpu.memref_squeeze %dma_start3A_142 : memref<1x512xi32, #tpu.memory_space<hbm>> -> memref<512xi32, #tpu.memory_space<hbm>>
    tpu.enqueue_dma source(%dma_start3A_143 : memref<512xi32, #tpu.memory_space<hbm>>) target(%dma_start3A_141 : memref<512xi32, #tpu.memory_space<vmem>>) target_semaphore(%arg38 : memref<!tpu.dma_semaphore, #tpu.memory_space<semaphore_mem>>)
    %dma_start3A_144 = arith.constant 10 : i32
    %dma_start3A_145 = arith.constant 5120 : i32
    %dma_start3A_146 = tpu.memref_slice %arg5[%dma_start3A_145] : memref<13312xi32, #tpu.memory_space<vmem>> -> memref<512xi32, #tpu.memory_space<vmem>>
    %dma_start3A_147 = tpu.memref_slice %arg2[%dma_start3A_144, %mul3A_24] : memref<26x16384xi32, #tpu.memory_space<hbm>> -> memref<1x512xi32, #tpu.memory_space<hbm>>
    %dma_start3A_148 = tpu.memref_squeeze %dma_start3A_147 : memref<1x512xi32, #tpu.memory_space<hbm>> -> memref<512xi32, #tpu.memory_space<hbm>>
    %dma_start3A_149 = arith.constant 5120 : i32
    %dma_start3A_150 = tpu.memref_slice %arg5[%dma_start3A_149] : memref<13312xi32, #tpu.memory_space<vmem>> -> memref<512xi32, #tpu.memory_space<vmem>>
    %dma_start3A_151 = tpu.memref_slice %arg2[%dma_start3A_144, %mul3A_24] : memref<26x16384xi32, #tpu.memory_space<hbm>> -> memref<1x512xi32, #tpu.memory_space<hbm>>
    %dma_start3A_152 = tpu.memref_squeeze %dma_start3A_151 : memref<1x512xi32, #tpu.memory_space<hbm>> -> memref<512xi32, #tpu.memory_space<hbm>>
    tpu.enqueue_dma source(%dma_start3A_152 : memref<512xi32, #tpu.memory_space<hbm>>) target(%dma_start3A_150 : memref<512xi32, #tpu.memory_space<vmem>>) target_semaphore(%arg38 : memref<!tpu.dma_semaphore, #tpu.memory_space<semaphore_mem>>)
    %dma_start3A_153 = arith.constant 11 : i32
    %dma_start3A_154 = arith.constant 5632 : i32
    %dma_start3A_155 = tpu.memref_slice %arg5[%dma_start3A_154] : memref<13312xi32, #tpu.memory_space<vmem>> -> memref<512xi32, #tpu.memory_space<vmem>>
    %dma_start3A_156 = tpu.memref_slice %arg2[%dma_start3A_153, %mul3A_26] : memref<26x16384xi32, #tpu.memory_space<hbm>> -> memref<1x512xi32, #tpu.memory_space<hbm>>
    %dma_start3A_157 = tpu.memref_squeeze %dma_start3A_156 : memref<1x512xi32, #tpu.memory_space<hbm>> -> memref<512xi32, #tpu.memory_space<hbm>>
    %dma_start3A_158 = arith.constant 5632 : i32
    %dma_start3A_159 = tpu.memref_slice %arg5[%dma_start3A_158] : memref<13312xi32, #tpu.memory_space<vmem>> -> memref<512xi32, #tpu.memory_space<vmem>>
    %dma_start3A_160 = tpu.memref_slice %arg2[%dma_start3A_153, %mul3A_26] : memref<26x16384xi32, #tpu.memory_space<hbm>> -> memref<1x512xi32, #tpu.memory_space<hbm>>
    %dma_start3A_161 = tpu.memref_squeeze %dma_start3A_160 : memref<1x512xi32, #tpu.memory_space<hbm>> -> memref<512xi32, #tpu.memory_space<hbm>>
    tpu.enqueue_dma source(%dma_start3A_161 : memref<512xi32, #tpu.memory_space<hbm>>) target(%dma_start3A_159 : memref<512xi32, #tpu.memory_space<vmem>>) target_semaphore(%arg38 : memref<!tpu.dma_semaphore, #tpu.memory_space<semaphore_mem>>)
    %dma_start3A_162 = arith.constant 12 : i32
    %dma_start3A_163 = arith.constant 6144 : i32
    %dma_start3A_164 = tpu.memref_slice %arg5[%dma_start3A_163] : memref<13312xi32, #tpu.memory_space<vmem>> -> memref<512xi32, #tpu.memory_space<vmem>>
    %dma_start3A_165 = tpu.memref_slice %arg2[%dma_start3A_162, %mul3A_28] : memref<26x16384xi32, #tpu.memory_space<hbm>> -> memref<1x512xi32, #tpu.memory_space<hbm>>
    %dma_start3A_166 = tpu.memref_squeeze %dma_start3A_165 : memref<1x512xi32, #tpu.memory_space<hbm>> -> memref<512xi32, #tpu.memory_space<hbm>>
    %dma_start3A_167 = arith.constant 6144 : i32
    %dma_start3A_168 = tpu.memref_slice %arg5[%dma_start3A_167] : memref<13312xi32, #tpu.memory_space<vmem>> -> memref<512xi32, #tpu.memory_space<vmem>>
    %dma_start3A_169 = tpu.memref_slice %arg2[%dma_start3A_162, %mul3A_28] : memref<26x16384xi32, #tpu.memory_space<hbm>> -> memref<1x512xi32, #tpu.memory_space<hbm>>
    %dma_start3A_170 = tpu.memref_squeeze %dma_start3A_169 : memref<1x512xi32, #tpu.memory_space<hbm>> -> memref<512xi32, #tpu.memory_space<hbm>>
    tpu.enqueue_dma source(%dma_start3A_170 : memref<512xi32, #tpu.memory_space<hbm>>) target(%dma_start3A_168 : memref<512xi32, #tpu.memory_space<vmem>>) target_semaphore(%arg38 : memref<!tpu.dma_semaphore, #tpu.memory_space<semaphore_mem>>)
    %dma_start3A_171 = arith.constant 13 : i32
    %dma_start3A_172 = arith.constant 6656 : i32
    %dma_start3A_173 = tpu.memref_slice %arg5[%dma_start3A_172] : memref<13312xi32, #tpu.memory_space<vmem>> -> memref<512xi32, #tpu.memory_space<vmem>>
    %dma_start3A_174 = tpu.memref_slice %arg2[%dma_start3A_171, %mul3A_30] : memref<26x16384xi32, #tpu.memory_space<hbm>> -> memref<1x512xi32, #tpu.memory_space<hbm>>
    %dma_start3A_175 = tpu.memref_squeeze %dma_start3A_174 : memref<1x512xi32, #tpu.memory_space<hbm>> -> memref<512xi32, #tpu.memory_space<hbm>>
    %dma_start3A_176 = arith.constant 6656 : i32
    %dma_start3A_177 = tpu.memref_slice %arg5[%dma_start3A_176] : memref<13312xi32, #tpu.memory_space<vmem>> -> memref<512xi32, #tpu.memory_space<vmem>>
    %dma_start3A_178 = tpu.memref_slice %arg2[%dma_start3A_171, %mul3A_30] : memref<26x16384xi32, #tpu.memory_space<hbm>> -> memref<1x512xi32, #tpu.memory_space<hbm>>
    %dma_start3A_179 = tpu.memref_squeeze %dma_start3A_178 : memref<1x512xi32, #tpu.memory_space<hbm>> -> memref<512xi32, #tpu.memory_space<hbm>>
    tpu.enqueue_dma source(%dma_start3A_179 : memref<512xi32, #tpu.memory_space<hbm>>) target(%dma_start3A_177 : memref<512xi32, #tpu.memory_space<vmem>>) target_semaphore(%arg38 : memref<!tpu.dma_semaphore, #tpu.memory_space<semaphore_mem>>)
    %dma_start3A_180 = arith.constant 14 : i32
    %dma_start3A_181 = arith.constant 7168 : i32
    %dma_start3A_182 = tpu.memref_slice %arg5[%dma_start3A_181] : memref<13312xi32, #tpu.memory_space<vmem>> -> memref<512xi32, #tpu.memory_space<vmem>>
    %dma_start3A_183 = tpu.memref_slice %arg2[%dma_start3A_180, %mul3A_32] : memref<26x16384xi32, #tpu.memory_space<hbm>> -> memref<1x512xi32, #tpu.memory_space<hbm>>
    %dma_start3A_184 = tpu.memref_squeeze %dma_start3A_183 : memref<1x512xi32, #tpu.memory_space<hbm>> -> memref<512xi32, #tpu.memory_space<hbm>>
    %dma_start3A_185 = arith.constant 7168 : i32
    %dma_start3A_186 = tpu.memref_slice %arg5[%dma_start3A_185] : memref<13312xi32, #tpu.memory_space<vmem>> -> memref<512xi32, #tpu.memory_space<vmem>>
    %dma_start3A_187 = tpu.memref_slice %arg2[%dma_start3A_180, %mul3A_32] : memref<26x16384xi32, #tpu.memory_space<hbm>> -> memref<1x512xi32, #tpu.memory_space<hbm>>
    %dma_start3A_188 = tpu.memref_squeeze %dma_start3A_187 : memref<1x512xi32, #tpu.memory_space<hbm>> -> memref<512xi32, #tpu.memory_space<hbm>>
    tpu.enqueue_dma source(%dma_start3A_188 : memref<512xi32, #tpu.memory_space<hbm>>) target(%dma_start3A_186 : memref<512xi32, #tpu.memory_space<vmem>>) target_semaphore(%arg38 : memref<!tpu.dma_semaphore, #tpu.memory_space<semaphore_mem>>)
    %dma_start3A_189 = arith.constant 15 : i32
    %dma_start3A_190 = arith.constant 7680 : i32
    %dma_start3A_191 = tpu.memref_slice %arg5[%dma_start3A_190] : memref<13312xi32, #tpu.memory_space<vmem>> -> memref<512xi32, #tpu.memory_space<vmem>>
    %dma_start3A_192 = tpu.memref_slice %arg2[%dma_start3A_189, %mul3A_34] : memref<26x16384xi32, #tpu.memory_space<hbm>> -> memref<1x512xi32, #tpu.memory_space<hbm>>
    %dma_start3A_193 = tpu.memref_squeeze %dma_start3A_192 : memref<1x512xi32, #tpu.memory_space<hbm>> -> memref<512xi32, #tpu.memory_space<hbm>>
    %dma_start3A_194 = arith.constant 7680 : i32
    %dma_start3A_195 = tpu.memref_slice %arg5[%dma_start3A_194] : memref<13312xi32, #tpu.memory_space<vmem>> -> memref<512xi32, #tpu.memory_space<vmem>>
    %dma_start3A_196 = tpu.memref_slice %arg2[%dma_start3A_189, %mul3A_34] : memref<26x16384xi32, #tpu.memory_space<hbm>> -> memref<1x512xi32, #tpu.memory_space<hbm>>
    %dma_start3A_197 = tpu.memref_squeeze %dma_start3A_196 : memref<1x512xi32, #tpu.memory_space<hbm>> -> memref<512xi32, #tpu.memory_space<hbm>>
    tpu.enqueue_dma source(%dma_start3A_197 : memref<512xi32, #tpu.memory_space<hbm>>) target(%dma_start3A_195 : memref<512xi32, #tpu.memory_space<vmem>>) target_semaphore(%arg38 : memref<!tpu.dma_semaphore, #tpu.memory_space<semaphore_mem>>)
    %dma_start3A_198 = arith.constant 16 : i32
    %dma_start3A_199 = arith.constant 8192 : i32
    %dma_start3A_200 = tpu.memref_slice %arg5[%dma_start3A_199] : memref<13312xi32, #tpu.memory_space<vmem>> -> memref<512xi32, #tpu.memory_space<vmem>>
    %dma_start3A_201 = tpu.memref_slice %arg2[%dma_start3A_198, %mul3A_36] : memref<26x16384xi32, #tpu.memory_space<hbm>> -> memref<1x512xi32, #tpu.memory_space<hbm>>
    %dma_start3A_202 = tpu.memref_squeeze %dma_start3A_201 : memref<1x512xi32, #tpu.memory_space<hbm>> -> memref<512xi32, #tpu.memory_space<hbm>>
    %dma_start3A_203 = arith.constant 8192 : i32
    %dma_start3A_204 = tpu.memref_slice %arg5[%dma_start3A_203] : memref<13312xi32, #tpu.memory_space<vmem>> -> memref<512xi32, #tpu.memory_space<vmem>>
    %dma_start3A_205 = tpu.memref_slice %arg2[%dma_start3A_198, %mul3A_36] : memref<26x16384xi32, #tpu.memory_space<hbm>> -> memref<1x512xi32, #tpu.memory_space<hbm>>
    %dma_start3A_206 = tpu.memref_squeeze %dma_start3A_205 : memref<1x512xi32, #tpu.memory_space<hbm>> -> memref<512xi32, #tpu.memory_space<hbm>>
    tpu.enqueue_dma source(%dma_start3A_206 : memref<512xi32, #tpu.memory_space<hbm>>) target(%dma_start3A_204 : memref<512xi32, #tpu.memory_space<vmem>>) target_semaphore(%arg38 : memref<!tpu.dma_semaphore, #tpu.memory_space<semaphore_mem>>)
    %dma_start3A_207 = arith.constant 17 : i32
    %dma_start3A_208 = arith.constant 8704 : i32
    %dma_start3A_209 = tpu.memref_slice %arg5[%dma_start3A_208] : memref<13312xi32, #tpu.memory_space<vmem>> -> memref<512xi32, #tpu.memory_space<vmem>>
    %dma_start3A_210 = tpu.memref_slice %arg2[%dma_start3A_207, %mul3A_38] : memref<26x16384xi32, #tpu.memory_space<hbm>> -> memref<1x512xi32, #tpu.memory_space<hbm>>
    %dma_start3A_211 = tpu.memref_squeeze %dma_start3A_210 : memref<1x512xi32, #tpu.memory_space<hbm>> -> memref<512xi32, #tpu.memory_space<hbm>>
    %dma_start3A_212 = arith.constant 8704 : i32
    %dma_start3A_213 = tpu.memref_slice %arg5[%dma_start3A_212] : memref<13312xi32, #tpu.memory_space<vmem>> -> memref<512xi32, #tpu.memory_space<vmem>>
    %dma_start3A_214 = tpu.memref_slice %arg2[%dma_start3A_207, %mul3A_38] : memref<26x16384xi32, #tpu.memory_space<hbm>> -> memref<1x512xi32, #tpu.memory_space<hbm>>
    %dma_start3A_215 = tpu.memref_squeeze %dma_start3A_214 : memref<1x512xi32, #tpu.memory_space<hbm>> -> memref<512xi32, #tpu.memory_space<hbm>>
    tpu.enqueue_dma source(%dma_start3A_215 : memref<512xi32, #tpu.memory_space<hbm>>) target(%dma_start3A_213 : memref<512xi32, #tpu.memory_space<vmem>>) target_semaphore(%arg38 : memref<!tpu.dma_semaphore, #tpu.memory_space<semaphore_mem>>)
    %dma_start3A_216 = arith.constant 18 : i32
    %dma_start3A_217 = arith.constant 9216 : i32
    %dma_start3A_218 = tpu.memref_slice %arg5[%dma_start3A_217] : memref<13312xi32, #tpu.memory_space<vmem>> -> memref<512xi32, #tpu.memory_space<vmem>>
    %dma_start3A_219 = tpu.memref_slice %arg2[%dma_start3A_216, %mul3A_40] : memref<26x16384xi32, #tpu.memory_space<hbm>> -> memref<1x512xi32, #tpu.memory_space<hbm>>
    %dma_start3A_220 = tpu.memref_squeeze %dma_start3A_219 : memref<1x512xi32, #tpu.memory_space<hbm>> -> memref<512xi32, #tpu.memory_space<hbm>>
    %dma_start3A_221 = arith.constant 9216 : i32
    %dma_start3A_222 = tpu.memref_slice %arg5[%dma_start3A_221] : memref<13312xi32, #tpu.memory_space<vmem>> -> memref<512xi32, #tpu.memory_space<vmem>>
    %dma_start3A_223 = tpu.memref_slice %arg2[%dma_start3A_216, %mul3A_40] : memref<26x16384xi32, #tpu.memory_space<hbm>> -> memref<1x512xi32, #tpu.memory_space<hbm>>
    %dma_start3A_224 = tpu.memref_squeeze %dma_start3A_223 : memref<1x512xi32, #tpu.memory_space<hbm>> -> memref<512xi32, #tpu.memory_space<hbm>>
    tpu.enqueue_dma source(%dma_start3A_224 : memref<512xi32, #tpu.memory_space<hbm>>) target(%dma_start3A_222 : memref<512xi32, #tpu.memory_space<vmem>>) target_semaphore(%arg38 : memref<!tpu.dma_semaphore, #tpu.memory_space<semaphore_mem>>)
    %dma_start3A_225 = arith.constant 19 : i32
    %dma_start3A_226 = arith.constant 9728 : i32
    %dma_start3A_227 = tpu.memref_slice %arg5[%dma_start3A_226] : memref<13312xi32, #tpu.memory_space<vmem>> -> memref<512xi32, #tpu.memory_space<vmem>>
    %dma_start3A_228 = tpu.memref_slice %arg2[%dma_start3A_225, %mul3A_42] : memref<26x16384xi32, #tpu.memory_space<hbm>> -> memref<1x512xi32, #tpu.memory_space<hbm>>
    %dma_start3A_229 = tpu.memref_squeeze %dma_start3A_228 : memref<1x512xi32, #tpu.memory_space<hbm>> -> memref<512xi32, #tpu.memory_space<hbm>>
    %dma_start3A_230 = arith.constant 9728 : i32
    %dma_start3A_231 = tpu.memref_slice %arg5[%dma_start3A_230] : memref<13312xi32, #tpu.memory_space<vmem>> -> memref<512xi32, #tpu.memory_space<vmem>>
    %dma_start3A_232 = tpu.memref_slice %arg2[%dma_start3A_225, %mul3A_42] : memref<26x16384xi32, #tpu.memory_space<hbm>> -> memref<1x512xi32, #tpu.memory_space<hbm>>
    %dma_start3A_233 = tpu.memref_squeeze %dma_start3A_232 : memref<1x512xi32, #tpu.memory_space<hbm>> -> memref<512xi32, #tpu.memory_space<hbm>>
    tpu.enqueue_dma source(%dma_start3A_233 : memref<512xi32, #tpu.memory_space<hbm>>) target(%dma_start3A_231 : memref<512xi32, #tpu.memory_space<vmem>>) target_semaphore(%arg38 : memref<!tpu.dma_semaphore, #tpu.memory_space<semaphore_mem>>)
    %dma_start3A_234 = arith.constant 20 : i32
    %dma_start3A_235 = arith.constant 10240 : i32
    %dma_start3A_236 = tpu.memref_slice %arg5[%dma_start3A_235] : memref<13312xi32, #tpu.memory_space<vmem>> -> memref<512xi32, #tpu.memory_space<vmem>>
    %dma_start3A_237 = tpu.memref_slice %arg2[%dma_start3A_234, %mul3A_44] : memref<26x16384xi32, #tpu.memory_space<hbm>> -> memref<1x512xi32, #tpu.memory_space<hbm>>
    %dma_start3A_238 = tpu.memref_squeeze %dma_start3A_237 : memref<1x512xi32, #tpu.memory_space<hbm>> -> memref<512xi32, #tpu.memory_space<hbm>>
    %dma_start3A_239 = arith.constant 10240 : i32
    %dma_start3A_240 = tpu.memref_slice %arg5[%dma_start3A_239] : memref<13312xi32, #tpu.memory_space<vmem>> -> memref<512xi32, #tpu.memory_space<vmem>>
    %dma_start3A_241 = tpu.memref_slice %arg2[%dma_start3A_234, %mul3A_44] : memref<26x16384xi32, #tpu.memory_space<hbm>> -> memref<1x512xi32, #tpu.memory_space<hbm>>
    %dma_start3A_242 = tpu.memref_squeeze %dma_start3A_241 : memref<1x512xi32, #tpu.memory_space<hbm>> -> memref<512xi32, #tpu.memory_space<hbm>>
    tpu.enqueue_dma source(%dma_start3A_242 : memref<512xi32, #tpu.memory_space<hbm>>) target(%dma_start3A_240 : memref<512xi32, #tpu.memory_space<vmem>>) target_semaphore(%arg38 : memref<!tpu.dma_semaphore, #tpu.memory_space<semaphore_mem>>)
    %dma_start3A_243 = arith.constant 21 : i32
    %dma_start3A_244 = arith.constant 10752 : i32
    %dma_start3A_245 = tpu.memref_slice %arg5[%dma_start3A_244] : memref<13312xi32, #tpu.memory_space<vmem>> -> memref<512xi32, #tpu.memory_space<vmem>>
    %dma_start3A_246 = tpu.memref_slice %arg2[%dma_start3A_243, %mul3A_46] : memref<26x16384xi32, #tpu.memory_space<hbm>> -> memref<1x512xi32, #tpu.memory_space<hbm>>
    %dma_start3A_247 = tpu.memref_squeeze %dma_start3A_246 : memref<1x512xi32, #tpu.memory_space<hbm>> -> memref<512xi32, #tpu.memory_space<hbm>>
    %dma_start3A_248 = arith.constant 10752 : i32
    %dma_start3A_249 = tpu.memref_slice %arg5[%dma_start3A_248] : memref<13312xi32, #tpu.memory_space<vmem>> -> memref<512xi32, #tpu.memory_space<vmem>>
    %dma_start3A_250 = tpu.memref_slice %arg2[%dma_start3A_243, %mul3A_46] : memref<26x16384xi32, #tpu.memory_space<hbm>> -> memref<1x512xi32, #tpu.memory_space<hbm>>
    %dma_start3A_251 = tpu.memref_squeeze %dma_start3A_250 : memref<1x512xi32, #tpu.memory_space<hbm>> -> memref<512xi32, #tpu.memory_space<hbm>>
    tpu.enqueue_dma source(%dma_start3A_251 : memref<512xi32, #tpu.memory_space<hbm>>) target(%dma_start3A_249 : memref<512xi32, #tpu.memory_space<vmem>>) target_semaphore(%arg38 : memref<!tpu.dma_semaphore, #tpu.memory_space<semaphore_mem>>)
    %dma_start3A_252 = arith.constant 22 : i32
    %dma_start3A_253 = arith.constant 11264 : i32
    %dma_start3A_254 = tpu.memref_slice %arg5[%dma_start3A_253] : memref<13312xi32, #tpu.memory_space<vmem>> -> memref<512xi32, #tpu.memory_space<vmem>>
    %dma_start3A_255 = tpu.memref_slice %arg2[%dma_start3A_252, %mul3A_48] : memref<26x16384xi32, #tpu.memory_space<hbm>> -> memref<1x512xi32, #tpu.memory_space<hbm>>
    %dma_start3A_256 = tpu.memref_squeeze %dma_start3A_255 : memref<1x512xi32, #tpu.memory_space<hbm>> -> memref<512xi32, #tpu.memory_space<hbm>>
    %dma_start3A_257 = arith.constant 11264 : i32
    %dma_start3A_258 = tpu.memref_slice %arg5[%dma_start3A_257] : memref<13312xi32, #tpu.memory_space<vmem>> -> memref<512xi32, #tpu.memory_space<vmem>>
    %dma_start3A_259 = tpu.memref_slice %arg2[%dma_start3A_252, %mul3A_48] : memref<26x16384xi32, #tpu.memory_space<hbm>> -> memref<1x512xi32, #tpu.memory_space<hbm>>
    %dma_start3A_260 = tpu.memref_squeeze %dma_start3A_259 : memref<1x512xi32, #tpu.memory_space<hbm>> -> memref<512xi32, #tpu.memory_space<hbm>>
    tpu.enqueue_dma source(%dma_start3A_260 : memref<512xi32, #tpu.memory_space<hbm>>) target(%dma_start3A_258 : memref<512xi32, #tpu.memory_space<vmem>>) target_semaphore(%arg38 : memref<!tpu.dma_semaphore, #tpu.memory_space<semaphore_mem>>)
    %dma_start3A_261 = arith.constant 23 : i32
    %dma_start3A_262 = arith.constant 11776 : i32
    %dma_start3A_263 = tpu.memref_slice %arg5[%dma_start3A_262] : memref<13312xi32, #tpu.memory_space<vmem>> -> memref<512xi32, #tpu.memory_space<vmem>>
    %dma_start3A_264 = tpu.memref_slice %arg2[%dma_start3A_261, %mul3A_50] : memref<26x16384xi32, #tpu.memory_space<hbm>> -> memref<1x512xi32, #tpu.memory_space<hbm>>
    %dma_start3A_265 = tpu.memref_squeeze %dma_start3A_264 : memref<1x512xi32, #tpu.memory_space<hbm>> -> memref<512xi32, #tpu.memory_space<hbm>>
    %dma_start3A_266 = arith.constant 11776 : i32
    %dma_start3A_267 = tpu.memref_slice %arg5[%dma_start3A_266] : memref<13312xi32, #tpu.memory_space<vmem>> -> memref<512xi32, #tpu.memory_space<vmem>>
    %dma_start3A_268 = tpu.memref_slice %arg2[%dma_start3A_261, %mul3A_50] : memref<26x16384xi32, #tpu.memory_space<hbm>> -> memref<1x512xi32, #tpu.memory_space<hbm>>
    %dma_start3A_269 = tpu.memref_squeeze %dma_start3A_268 : memref<1x512xi32, #tpu.memory_space<hbm>> -> memref<512xi32, #tpu.memory_space<hbm>>
    tpu.enqueue_dma source(%dma_start3A_269 : memref<512xi32, #tpu.memory_space<hbm>>) target(%dma_start3A_267 : memref<512xi32, #tpu.memory_space<vmem>>) target_semaphore(%arg38 : memref<!tpu.dma_semaphore, #tpu.memory_space<semaphore_mem>>)
    %dma_start3A_270 = arith.constant 24 : i32
    %dma_start3A_271 = arith.constant 12288 : i32
    %dma_start3A_272 = tpu.memref_slice %arg5[%dma_start3A_271] : memref<13312xi32, #tpu.memory_space<vmem>> -> memref<512xi32, #tpu.memory_space<vmem>>
    %dma_start3A_273 = tpu.memref_slice %arg2[%dma_start3A_270, %mul3A_52] : memref<26x16384xi32, #tpu.memory_space<hbm>> -> memref<1x512xi32, #tpu.memory_space<hbm>>
    %dma_start3A_274 = tpu.memref_squeeze %dma_start3A_273 : memref<1x512xi32, #tpu.memory_space<hbm>> -> memref<512xi32, #tpu.memory_space<hbm>>
    %dma_start3A_275 = arith.constant 12288 : i32
    %dma_start3A_276 = tpu.memref_slice %arg5[%dma_start3A_275] : memref<13312xi32, #tpu.memory_space<vmem>> -> memref<512xi32, #tpu.memory_space<vmem>>
    %dma_start3A_277 = tpu.memref_slice %arg2[%dma_start3A_270, %mul3A_52] : memref<26x16384xi32, #tpu.memory_space<hbm>> -> memref<1x512xi32, #tpu.memory_space<hbm>>
    %dma_start3A_278 = tpu.memref_squeeze %dma_start3A_277 : memref<1x512xi32, #tpu.memory_space<hbm>> -> memref<512xi32, #tpu.memory_space<hbm>>
    tpu.enqueue_dma source(%dma_start3A_278 : memref<512xi32, #tpu.memory_space<hbm>>) target(%dma_start3A_276 : memref<512xi32, #tpu.memory_space<vmem>>) target_semaphore(%arg38 : memref<!tpu.dma_semaphore, #tpu.memory_space<semaphore_mem>>)
    %dma_start3A_279 = arith.constant 25 : i32
    %dma_start3A_280 = arith.constant 12800 : i32
    %dma_start3A_281 = tpu.memref_slice %arg5[%dma_start3A_280] : memref<13312xi32, #tpu.memory_space<vmem>> -> memref<512xi32, #tpu.memory_space<vmem>>
    %dma_start3A_282 = tpu.memref_slice %arg2[%dma_start3A_279, %mul3A_54] : memref<26x16384xi32, #tpu.memory_space<hbm>> -> memref<1x512xi32, #tpu.memory_space<hbm>>
    %dma_start3A_283 = tpu.memref_squeeze %dma_start3A_282 : memref<1x512xi32, #tpu.memory_space<hbm>> -> memref<512xi32, #tpu.memory_space<hbm>>
    %dma_start3A_284 = arith.constant 12800 : i32
    %dma_start3A_285 = tpu.memref_slice %arg5[%dma_start3A_284] : memref<13312xi32, #tpu.memory_space<vmem>> -> memref<512xi32, #tpu.memory_space<vmem>>
    %dma_start3A_286 = tpu.memref_slice %arg2[%dma_start3A_279, %mul3A_54] : memref<26x16384xi32, #tpu.memory_space<hbm>> -> memref<1x512xi32, #tpu.memory_space<hbm>>
    %dma_start3A_287 = tpu.memref_squeeze %dma_start3A_286 : memref<1x512xi32, #tpu.memory_space<hbm>> -> memref<512xi32, #tpu.memory_space<hbm>>
    tpu.enqueue_dma source(%dma_start3A_287 : memref<512xi32, #tpu.memory_space<hbm>>) target(%dma_start3A_285 : memref<512xi32, #tpu.memory_space<vmem>>) target_semaphore(%arg38 : memref<!tpu.dma_semaphore, #tpu.memory_space<semaphore_mem>>)
    %dma_wait3A = arith.constant 0 : i32
    %dma_wait3A_288 = arith.constant 0 : i32
    %dma_wait3A_289 = tpu.memref_slice %arg5[%dma_wait3A_288] : memref<13312xi32, #tpu.memory_space<vmem>> -> memref<512xi32, #tpu.memory_space<vmem>>
    %dma_wait3A_290 = tpu.memref_slice %arg2[%dma_wait3A, %mul3A_4] : memref<26x16384xi32, #tpu.memory_space<hbm>> -> memref<1x512xi32, #tpu.memory_space<hbm>>
    %dma_wait3A_291 = tpu.memref_squeeze %dma_wait3A_290 : memref<1x512xi32, #tpu.memory_space<hbm>> -> memref<512xi32, #tpu.memory_space<hbm>>
    %dma_wait3A_292 = arith.constant 0 : i32
    %dma_wait3A_293 = tpu.memref_slice %arg5[%dma_wait3A_292] : memref<13312xi32, #tpu.memory_space<vmem>> -> memref<512xi32, #tpu.memory_space<vmem>>
    %dma_wait3A_294 = tpu.memref_slice %arg2[%dma_wait3A, %mul3A_4] : memref<26x16384xi32, #tpu.memory_space<hbm>> -> memref<1x512xi32, #tpu.memory_space<hbm>>
    %dma_wait3A_295 = tpu.memref_squeeze %dma_wait3A_294 : memref<1x512xi32, #tpu.memory_space<hbm>> -> memref<512xi32, #tpu.memory_space<hbm>>
    tpu.wait_dma2 semaphore(%arg38 : memref<!tpu.dma_semaphore, #tpu.memory_space<semaphore_mem>>) src(%dma_wait3A_295 : memref<512xi32, #tpu.memory_space<hbm>>) dst(%dma_wait3A_293 : memref<512xi32, #tpu.memory_space<vmem>>)
    %dma_wait3A_296 = arith.constant 1 : i32
    %dma_wait3A_297 = arith.constant 512 : i32
    %dma_wait3A_298 = tpu.memref_slice %arg5[%dma_wait3A_297] : memref<13312xi32, #tpu.memory_space<vmem>> -> memref<512xi32, #tpu.memory_space<vmem>>
    %dma_wait3A_299 = tpu.memref_slice %arg2[%dma_wait3A_296, %mul3A_6] : memref<26x16384xi32, #tpu.memory_space<hbm>> -> memref<1x512xi32, #tpu.memory_space<hbm>>
    %dma_wait3A_300 = tpu.memref_squeeze %dma_wait3A_299 : memref<1x512xi32, #tpu.memory_space<hbm>> -> memref<512xi32, #tpu.memory_space<hbm>>
    %dma_wait3A_301 = arith.constant 512 : i32
    %dma_wait3A_302 = tpu.memref_slice %arg5[%dma_wait3A_301] : memref<13312xi32, #tpu.memory_space<vmem>> -> memref<512xi32, #tpu.memory_space<vmem>>
    %dma_wait3A_303 = tpu.memref_slice %arg2[%dma_wait3A_296, %mul3A_6] : memref<26x16384xi32, #tpu.memory_space<hbm>> -> memref<1x512xi32, #tpu.memory_space<hbm>>
    %dma_wait3A_304 = tpu.memref_squeeze %dma_wait3A_303 : memref<1x512xi32, #tpu.memory_space<hbm>> -> memref<512xi32, #tpu.memory_space<hbm>>
    tpu.wait_dma2 semaphore(%arg38 : memref<!tpu.dma_semaphore, #tpu.memory_space<semaphore_mem>>) src(%dma_wait3A_304 : memref<512xi32, #tpu.memory_space<hbm>>) dst(%dma_wait3A_302 : memref<512xi32, #tpu.memory_space<vmem>>)
    %dma_wait3A_305 = arith.constant 2 : i32
    %dma_wait3A_306 = arith.constant 1024 : i32
    %dma_wait3A_307 = tpu.memref_slice %arg5[%dma_wait3A_306] : memref<13312xi32, #tpu.memory_space<vmem>> -> memref<512xi32, #tpu.memory_space<vmem>>
    %dma_wait3A_308 = tpu.memref_slice %arg2[%dma_wait3A_305, %mul3A_8] : memref<26x16384xi32, #tpu.memory_space<hbm>> -> memref<1x512xi32, #tpu.memory_space<hbm>>
    %dma_wait3A_309 = tpu.memref_squeeze %dma_wait3A_308 : memref<1x512xi32, #tpu.memory_space<hbm>> -> memref<512xi32, #tpu.memory_space<hbm>>
    %dma_wait3A_310 = arith.constant 1024 : i32
    %dma_wait3A_311 = tpu.memref_slice %arg5[%dma_wait3A_310] : memref<13312xi32, #tpu.memory_space<vmem>> -> memref<512xi32, #tpu.memory_space<vmem>>
    %dma_wait3A_312 = tpu.memref_slice %arg2[%dma_wait3A_305, %mul3A_8] : memref<26x16384xi32, #tpu.memory_space<hbm>> -> memref<1x512xi32, #tpu.memory_space<hbm>>
    %dma_wait3A_313 = tpu.memref_squeeze %dma_wait3A_312 : memref<1x512xi32, #tpu.memory_space<hbm>> -> memref<512xi32, #tpu.memory_space<hbm>>
    tpu.wait_dma2 semaphore(%arg38 : memref<!tpu.dma_semaphore, #tpu.memory_space<semaphore_mem>>) src(%dma_wait3A_313 : memref<512xi32, #tpu.memory_space<hbm>>) dst(%dma_wait3A_311 : memref<512xi32, #tpu.memory_space<vmem>>)
    %dma_wait3A_314 = arith.constant 3 : i32
    %dma_wait3A_315 = arith.constant 1536 : i32
    %dma_wait3A_316 = tpu.memref_slice %arg5[%dma_wait3A_315] : memref<13312xi32, #tpu.memory_space<vmem>> -> memref<512xi32, #tpu.memory_space<vmem>>
    %dma_wait3A_317 = tpu.memref_slice %arg2[%dma_wait3A_314, %mul3A_10] : memref<26x16384xi32, #tpu.memory_space<hbm>> -> memref<1x512xi32, #tpu.memory_space<hbm>>
    %dma_wait3A_318 = tpu.memref_squeeze %dma_wait3A_317 : memref<1x512xi32, #tpu.memory_space<hbm>> -> memref<512xi32, #tpu.memory_space<hbm>>
    %dma_wait3A_319 = arith.constant 1536 : i32
    %dma_wait3A_320 = tpu.memref_slice %arg5[%dma_wait3A_319] : memref<13312xi32, #tpu.memory_space<vmem>> -> memref<512xi32, #tpu.memory_space<vmem>>
    %dma_wait3A_321 = tpu.memref_slice %arg2[%dma_wait3A_314, %mul3A_10] : memref<26x16384xi32, #tpu.memory_space<hbm>> -> memref<1x512xi32, #tpu.memory_space<hbm>>
    %dma_wait3A_322 = tpu.memref_squeeze %dma_wait3A_321 : memref<1x512xi32, #tpu.memory_space<hbm>> -> memref<512xi32, #tpu.memory_space<hbm>>
    tpu.wait_dma2 semaphore(%arg38 : memref<!tpu.dma_semaphore, #tpu.memory_space<semaphore_mem>>) src(%dma_wait3A_322 : memref<512xi32, #tpu.memory_space<hbm>>) dst(%dma_wait3A_320 : memref<512xi32, #tpu.memory_space<vmem>>)
    %dma_wait3A_323 = arith.constant 4 : i32
    %dma_wait3A_324 = arith.constant 2048 : i32
    %dma_wait3A_325 = tpu.memref_slice %arg5[%dma_wait3A_324] : memref<13312xi32, #tpu.memory_space<vmem>> -> memref<512xi32, #tpu.memory_space<vmem>>
    %dma_wait3A_326 = tpu.memref_slice %arg2[%dma_wait3A_323, %mul3A_12] : memref<26x16384xi32, #tpu.memory_space<hbm>> -> memref<1x512xi32, #tpu.memory_space<hbm>>
    %dma_wait3A_327 = tpu.memref_squeeze %dma_wait3A_326 : memref<1x512xi32, #tpu.memory_space<hbm>> -> memref<512xi32, #tpu.memory_space<hbm>>
    %dma_wait3A_328 = arith.constant 2048 : i32
    %dma_wait3A_329 = tpu.memref_slice %arg5[%dma_wait3A_328] : memref<13312xi32, #tpu.memory_space<vmem>> -> memref<512xi32, #tpu.memory_space<vmem>>
    %dma_wait3A_330 = tpu.memref_slice %arg2[%dma_wait3A_323, %mul3A_12] : memref<26x16384xi32, #tpu.memory_space<hbm>> -> memref<1x512xi32, #tpu.memory_space<hbm>>
    %dma_wait3A_331 = tpu.memref_squeeze %dma_wait3A_330 : memref<1x512xi32, #tpu.memory_space<hbm>> -> memref<512xi32, #tpu.memory_space<hbm>>
    tpu.wait_dma2 semaphore(%arg38 : memref<!tpu.dma_semaphore, #tpu.memory_space<semaphore_mem>>) src(%dma_wait3A_331 : memref<512xi32, #tpu.memory_space<hbm>>) dst(%dma_wait3A_329 : memref<512xi32, #tpu.memory_space<vmem>>)
    %dma_wait3A_332 = arith.constant 5 : i32
    %dma_wait3A_333 = arith.constant 2560 : i32
    %dma_wait3A_334 = tpu.memref_slice %arg5[%dma_wait3A_333] : memref<13312xi32, #tpu.memory_space<vmem>> -> memref<512xi32, #tpu.memory_space<vmem>>
    %dma_wait3A_335 = tpu.memref_slice %arg2[%dma_wait3A_332, %mul3A_14] : memref<26x16384xi32, #tpu.memory_space<hbm>> -> memref<1x512xi32, #tpu.memory_space<hbm>>
    %dma_wait3A_336 = tpu.memref_squeeze %dma_wait3A_335 : memref<1x512xi32, #tpu.memory_space<hbm>> -> memref<512xi32, #tpu.memory_space<hbm>>
    %dma_wait3A_337 = arith.constant 2560 : i32
    %dma_wait3A_338 = tpu.memref_slice %arg5[%dma_wait3A_337] : memref<13312xi32, #tpu.memory_space<vmem>> -> memref<512xi32, #tpu.memory_space<vmem>>
    %dma_wait3A_339 = tpu.memref_slice %arg2[%dma_wait3A_332, %mul3A_14] : memref<26x16384xi32, #tpu.memory_space<hbm>> -> memref<1x512xi32, #tpu.memory_space<hbm>>
    %dma_wait3A_340 = tpu.memref_squeeze %dma_wait3A_339 : memref<1x512xi32, #tpu.memory_space<hbm>> -> memref<512xi32, #tpu.memory_space<hbm>>
    tpu.wait_dma2 semaphore(%arg38 : memref<!tpu.dma_semaphore, #tpu.memory_space<semaphore_mem>>) src(%dma_wait3A_340 : memref<512xi32, #tpu.memory_space<hbm>>) dst(%dma_wait3A_338 : memref<512xi32, #tpu.memory_space<vmem>>)
    %dma_wait3A_341 = arith.constant 6 : i32
    %dma_wait3A_342 = arith.constant 3072 : i32
    %dma_wait3A_343 = tpu.memref_slice %arg5[%dma_wait3A_342] : memref<13312xi32, #tpu.memory_space<vmem>> -> memref<512xi32, #tpu.memory_space<vmem>>
    %dma_wait3A_344 = tpu.memref_slice %arg2[%dma_wait3A_341, %mul3A_16] : memref<26x16384xi32, #tpu.memory_space<hbm>> -> memref<1x512xi32, #tpu.memory_space<hbm>>
    %dma_wait3A_345 = tpu.memref_squeeze %dma_wait3A_344 : memref<1x512xi32, #tpu.memory_space<hbm>> -> memref<512xi32, #tpu.memory_space<hbm>>
    %dma_wait3A_346 = arith.constant 3072 : i32
    %dma_wait3A_347 = tpu.memref_slice %arg5[%dma_wait3A_346] : memref<13312xi32, #tpu.memory_space<vmem>> -> memref<512xi32, #tpu.memory_space<vmem>>
    %dma_wait3A_348 = tpu.memref_slice %arg2[%dma_wait3A_341, %mul3A_16] : memref<26x16384xi32, #tpu.memory_space<hbm>> -> memref<1x512xi32, #tpu.memory_space<hbm>>
    %dma_wait3A_349 = tpu.memref_squeeze %dma_wait3A_348 : memref<1x512xi32, #tpu.memory_space<hbm>> -> memref<512xi32, #tpu.memory_space<hbm>>
    tpu.wait_dma2 semaphore(%arg38 : memref<!tpu.dma_semaphore, #tpu.memory_space<semaphore_mem>>) src(%dma_wait3A_349 : memref<512xi32, #tpu.memory_space<hbm>>) dst(%dma_wait3A_347 : memref<512xi32, #tpu.memory_space<vmem>>)
    %dma_wait3A_350 = arith.constant 7 : i32
    %dma_wait3A_351 = arith.constant 3584 : i32
    %dma_wait3A_352 = tpu.memref_slice %arg5[%dma_wait3A_351] : memref<13312xi32, #tpu.memory_space<vmem>> -> memref<512xi32, #tpu.memory_space<vmem>>
    %dma_wait3A_353 = tpu.memref_slice %arg2[%dma_wait3A_350, %mul3A_18] : memref<26x16384xi32, #tpu.memory_space<hbm>> -> memref<1x512xi32, #tpu.memory_space<hbm>>
    %dma_wait3A_354 = tpu.memref_squeeze %dma_wait3A_353 : memref<1x512xi32, #tpu.memory_space<hbm>> -> memref<512xi32, #tpu.memory_space<hbm>>
    %dma_wait3A_355 = arith.constant 3584 : i32
    %dma_wait3A_356 = tpu.memref_slice %arg5[%dma_wait3A_355] : memref<13312xi32, #tpu.memory_space<vmem>> -> memref<512xi32, #tpu.memory_space<vmem>>
    %dma_wait3A_357 = tpu.memref_slice %arg2[%dma_wait3A_350, %mul3A_18] : memref<26x16384xi32, #tpu.memory_space<hbm>> -> memref<1x512xi32, #tpu.memory_space<hbm>>
    %dma_wait3A_358 = tpu.memref_squeeze %dma_wait3A_357 : memref<1x512xi32, #tpu.memory_space<hbm>> -> memref<512xi32, #tpu.memory_space<hbm>>
    tpu.wait_dma2 semaphore(%arg38 : memref<!tpu.dma_semaphore, #tpu.memory_space<semaphore_mem>>) src(%dma_wait3A_358 : memref<512xi32, #tpu.memory_space<hbm>>) dst(%dma_wait3A_356 : memref<512xi32, #tpu.memory_space<vmem>>)
    %dma_wait3A_359 = arith.constant 8 : i32
    %dma_wait3A_360 = arith.constant 4096 : i32
    %dma_wait3A_361 = tpu.memref_slice %arg5[%dma_wait3A_360] : memref<13312xi32, #tpu.memory_space<vmem>> -> memref<512xi32, #tpu.memory_space<vmem>>
    %dma_wait3A_362 = tpu.memref_slice %arg2[%dma_wait3A_359, %mul3A_20] : memref<26x16384xi32, #tpu.memory_space<hbm>> -> memref<1x512xi32, #tpu.memory_space<hbm>>
    %dma_wait3A_363 = tpu.memref_squeeze %dma_wait3A_362 : memref<1x512xi32, #tpu.memory_space<hbm>> -> memref<512xi32, #tpu.memory_space<hbm>>
    %dma_wait3A_364 = arith.constant 4096 : i32
    %dma_wait3A_365 = tpu.memref_slice %arg5[%dma_wait3A_364] : memref<13312xi32, #tpu.memory_space<vmem>> -> memref<512xi32, #tpu.memory_space<vmem>>
    %dma_wait3A_366 = tpu.memref_slice %arg2[%dma_wait3A_359, %mul3A_20] : memref<26x16384xi32, #tpu.memory_space<hbm>> -> memref<1x512xi32, #tpu.memory_space<hbm>>
    %dma_wait3A_367 = tpu.memref_squeeze %dma_wait3A_366 : memref<1x512xi32, #tpu.memory_space<hbm>> -> memref<512xi32, #tpu.memory_space<hbm>>
    tpu.wait_dma2 semaphore(%arg38 : memref<!tpu.dma_semaphore, #tpu.memory_space<semaphore_mem>>) src(%dma_wait3A_367 : memref<512xi32, #tpu.memory_space<hbm>>) dst(%dma_wait3A_365 : memref<512xi32, #tpu.memory_space<vmem>>)
    %dma_wait3A_368 = arith.constant 9 : i32
    %dma_wait3A_369 = arith.constant 4608 : i32
    %dma_wait3A_370 = tpu.memref_slice %arg5[%dma_wait3A_369] : memref<13312xi32, #tpu.memory_space<vmem>> -> memref<512xi32, #tpu.memory_space<vmem>>
    %dma_wait3A_371 = tpu.memref_slice %arg2[%dma_wait3A_368, %mul3A_22] : memref<26x16384xi32, #tpu.memory_space<hbm>> -> memref<1x512xi32, #tpu.memory_space<hbm>>
    %dma_wait3A_372 = tpu.memref_squeeze %dma_wait3A_371 : memref<1x512xi32, #tpu.memory_space<hbm>> -> memref<512xi32, #tpu.memory_space<hbm>>
    %dma_wait3A_373 = arith.constant 4608 : i32
    %dma_wait3A_374 = tpu.memref_slice %arg5[%dma_wait3A_373] : memref<13312xi32, #tpu.memory_space<vmem>> -> memref<512xi32, #tpu.memory_space<vmem>>
    %dma_wait3A_375 = tpu.memref_slice %arg2[%dma_wait3A_368, %mul3A_22] : memref<26x16384xi32, #tpu.memory_space<hbm>> -> memref<1x512xi32, #tpu.memory_space<hbm>>
    %dma_wait3A_376 = tpu.memref_squeeze %dma_wait3A_375 : memref<1x512xi32, #tpu.memory_space<hbm>> -> memref<512xi32, #tpu.memory_space<hbm>>
    tpu.wait_dma2 semaphore(%arg38 : memref<!tpu.dma_semaphore, #tpu.memory_space<semaphore_mem>>) src(%dma_wait3A_376 : memref<512xi32, #tpu.memory_space<hbm>>) dst(%dma_wait3A_374 : memref<512xi32, #tpu.memory_space<vmem>>)
    %dma_wait3A_377 = arith.constant 10 : i32
    %dma_wait3A_378 = arith.constant 5120 : i32
    %dma_wait3A_379 = tpu.memref_slice %arg5[%dma_wait3A_378] : memref<13312xi32, #tpu.memory_space<vmem>> -> memref<512xi32, #tpu.memory_space<vmem>>
    %dma_wait3A_380 = tpu.memref_slice %arg2[%dma_wait3A_377, %mul3A_24] : memref<26x16384xi32, #tpu.memory_space<hbm>> -> memref<1x512xi32, #tpu.memory_space<hbm>>
    %dma_wait3A_381 = tpu.memref_squeeze %dma_wait3A_380 : memref<1x512xi32, #tpu.memory_space<hbm>> -> memref<512xi32, #tpu.memory_space<hbm>>
    %dma_wait3A_382 = arith.constant 5120 : i32
    %dma_wait3A_383 = tpu.memref_slice %arg5[%dma_wait3A_382] : memref<13312xi32, #tpu.memory_space<vmem>> -> memref<512xi32, #tpu.memory_space<vmem>>
    %dma_wait3A_384 = tpu.memref_slice %arg2[%dma_wait3A_377, %mul3A_24] : memref<26x16384xi32, #tpu.memory_space<hbm>> -> memref<1x512xi32, #tpu.memory_space<hbm>>
    %dma_wait3A_385 = tpu.memref_squeeze %dma_wait3A_384 : memref<1x512xi32, #tpu.memory_space<hbm>> -> memref<512xi32, #tpu.memory_space<hbm>>
    tpu.wait_dma2 semaphore(%arg38 : memref<!tpu.dma_semaphore, #tpu.memory_space<semaphore_mem>>) src(%dma_wait3A_385 : memref<512xi32, #tpu.memory_space<hbm>>) dst(%dma_wait3A_383 : memref<512xi32, #tpu.memory_space<vmem>>)
    %dma_wait3A_386 = arith.constant 11 : i32
    %dma_wait3A_387 = arith.constant 5632 : i32
    %dma_wait3A_388 = tpu.memref_slice %arg5[%dma_wait3A_387] : memref<13312xi32, #tpu.memory_space<vmem>> -> memref<512xi32, #tpu.memory_space<vmem>>
    %dma_wait3A_389 = tpu.memref_slice %arg2[%dma_wait3A_386, %mul3A_26] : memref<26x16384xi32, #tpu.memory_space<hbm>> -> memref<1x512xi32, #tpu.memory_space<hbm>>
    %dma_wait3A_390 = tpu.memref_squeeze %dma_wait3A_389 : memref<1x512xi32, #tpu.memory_space<hbm>> -> memref<512xi32, #tpu.memory_space<hbm>>
    %dma_wait3A_391 = arith.constant 5632 : i32
    %dma_wait3A_392 = tpu.memref_slice %arg5[%dma_wait3A_391] : memref<13312xi32, #tpu.memory_space<vmem>> -> memref<512xi32, #tpu.memory_space<vmem>>
    %dma_wait3A_393 = tpu.memref_slice %arg2[%dma_wait3A_386, %mul3A_26] : memref<26x16384xi32, #tpu.memory_space<hbm>> -> memref<1x512xi32, #tpu.memory_space<hbm>>
    %dma_wait3A_394 = tpu.memref_squeeze %dma_wait3A_393 : memref<1x512xi32, #tpu.memory_space<hbm>> -> memref<512xi32, #tpu.memory_space<hbm>>
    tpu.wait_dma2 semaphore(%arg38 : memref<!tpu.dma_semaphore, #tpu.memory_space<semaphore_mem>>) src(%dma_wait3A_394 : memref<512xi32, #tpu.memory_space<hbm>>) dst(%dma_wait3A_392 : memref<512xi32, #tpu.memory_space<vmem>>)
    %dma_wait3A_395 = arith.constant 12 : i32
    %dma_wait3A_396 = arith.constant 6144 : i32
    %dma_wait3A_397 = tpu.memref_slice %arg5[%dma_wait3A_396] : memref<13312xi32, #tpu.memory_space<vmem>> -> memref<512xi32, #tpu.memory_space<vmem>>
    %dma_wait3A_398 = tpu.memref_slice %arg2[%dma_wait3A_395, %mul3A_28] : memref<26x16384xi32, #tpu.memory_space<hbm>> -> memref<1x512xi32, #tpu.memory_space<hbm>>
    %dma_wait3A_399 = tpu.memref_squeeze %dma_wait3A_398 : memref<1x512xi32, #tpu.memory_space<hbm>> -> memref<512xi32, #tpu.memory_space<hbm>>
    %dma_wait3A_400 = arith.constant 6144 : i32
    %dma_wait3A_401 = tpu.memref_slice %arg5[%dma_wait3A_400] : memref<13312xi32, #tpu.memory_space<vmem>> -> memref<512xi32, #tpu.memory_space<vmem>>
    %dma_wait3A_402 = tpu.memref_slice %arg2[%dma_wait3A_395, %mul3A_28] : memref<26x16384xi32, #tpu.memory_space<hbm>> -> memref<1x512xi32, #tpu.memory_space<hbm>>
    %dma_wait3A_403 = tpu.memref_squeeze %dma_wait3A_402 : memref<1x512xi32, #tpu.memory_space<hbm>> -> memref<512xi32, #tpu.memory_space<hbm>>
    tpu.wait_dma2 semaphore(%arg38 : memref<!tpu.dma_semaphore, #tpu.memory_space<semaphore_mem>>) src(%dma_wait3A_403 : memref<512xi32, #tpu.memory_space<hbm>>) dst(%dma_wait3A_401 : memref<512xi32, #tpu.memory_space<vmem>>)
    %dma_wait3A_404 = arith.constant 13 : i32
    %dma_wait3A_405 = arith.constant 6656 : i32
    %dma_wait3A_406 = tpu.memref_slice %arg5[%dma_wait3A_405] : memref<13312xi32, #tpu.memory_space<vmem>> -> memref<512xi32, #tpu.memory_space<vmem>>
    %dma_wait3A_407 = tpu.memref_slice %arg2[%dma_wait3A_404, %mul3A_30] : memref<26x16384xi32, #tpu.memory_space<hbm>> -> memref<1x512xi32, #tpu.memory_space<hbm>>
    %dma_wait3A_408 = tpu.memref_squeeze %dma_wait3A_407 : memref<1x512xi32, #tpu.memory_space<hbm>> -> memref<512xi32, #tpu.memory_space<hbm>>
    %dma_wait3A_409 = arith.constant 6656 : i32
    %dma_wait3A_410 = tpu.memref_slice %arg5[%dma_wait3A_409] : memref<13312xi32, #tpu.memory_space<vmem>> -> memref<512xi32, #tpu.memory_space<vmem>>
    %dma_wait3A_411 = tpu.memref_slice %arg2[%dma_wait3A_404, %mul3A_30] : memref<26x16384xi32, #tpu.memory_space<hbm>> -> memref<1x512xi32, #tpu.memory_space<hbm>>
    %dma_wait3A_412 = tpu.memref_squeeze %dma_wait3A_411 : memref<1x512xi32, #tpu.memory_space<hbm>> -> memref<512xi32, #tpu.memory_space<hbm>>
    tpu.wait_dma2 semaphore(%arg38 : memref<!tpu.dma_semaphore, #tpu.memory_space<semaphore_mem>>) src(%dma_wait3A_412 : memref<512xi32, #tpu.memory_space<hbm>>) dst(%dma_wait3A_410 : memref<512xi32, #tpu.memory_space<vmem>>)
    %dma_wait3A_413 = arith.constant 14 : i32
    %dma_wait3A_414 = arith.constant 7168 : i32
    %dma_wait3A_415 = tpu.memref_slice %arg5[%dma_wait3A_414] : memref<13312xi32, #tpu.memory_space<vmem>> -> memref<512xi32, #tpu.memory_space<vmem>>
    %dma_wait3A_416 = tpu.memref_slice %arg2[%dma_wait3A_413, %mul3A_32] : memref<26x16384xi32, #tpu.memory_space<hbm>> -> memref<1x512xi32, #tpu.memory_space<hbm>>
    %dma_wait3A_417 = tpu.memref_squeeze %dma_wait3A_416 : memref<1x512xi32, #tpu.memory_space<hbm>> -> memref<512xi32, #tpu.memory_space<hbm>>
    %dma_wait3A_418 = arith.constant 7168 : i32
    %dma_wait3A_419 = tpu.memref_slice %arg5[%dma_wait3A_418] : memref<13312xi32, #tpu.memory_space<vmem>> -> memref<512xi32, #tpu.memory_space<vmem>>
    %dma_wait3A_420 = tpu.memref_slice %arg2[%dma_wait3A_413, %mul3A_32] : memref<26x16384xi32, #tpu.memory_space<hbm>> -> memref<1x512xi32, #tpu.memory_space<hbm>>
    %dma_wait3A_421 = tpu.memref_squeeze %dma_wait3A_420 : memref<1x512xi32, #tpu.memory_space<hbm>> -> memref<512xi32, #tpu.memory_space<hbm>>
    tpu.wait_dma2 semaphore(%arg38 : memref<!tpu.dma_semaphore, #tpu.memory_space<semaphore_mem>>) src(%dma_wait3A_421 : memref<512xi32, #tpu.memory_space<hbm>>) dst(%dma_wait3A_419 : memref<512xi32, #tpu.memory_space<vmem>>)
    %dma_wait3A_422 = arith.constant 15 : i32
    %dma_wait3A_423 = arith.constant 7680 : i32
    %dma_wait3A_424 = tpu.memref_slice %arg5[%dma_wait3A_423] : memref<13312xi32, #tpu.memory_space<vmem>> -> memref<512xi32, #tpu.memory_space<vmem>>
    %dma_wait3A_425 = tpu.memref_slice %arg2[%dma_wait3A_422, %mul3A_34] : memref<26x16384xi32, #tpu.memory_space<hbm>> -> memref<1x512xi32, #tpu.memory_space<hbm>>
    %dma_wait3A_426 = tpu.memref_squeeze %dma_wait3A_425 : memref<1x512xi32, #tpu.memory_space<hbm>> -> memref<512xi32, #tpu.memory_space<hbm>>
    %dma_wait3A_427 = arith.constant 7680 : i32
    %dma_wait3A_428 = tpu.memref_slice %arg5[%dma_wait3A_427] : memref<13312xi32, #tpu.memory_space<vmem>> -> memref<512xi32, #tpu.memory_space<vmem>>
    %dma_wait3A_429 = tpu.memref_slice %arg2[%dma_wait3A_422, %mul3A_34] : memref<26x16384xi32, #tpu.memory_space<hbm>> -> memref<1x512xi32, #tpu.memory_space<hbm>>
    %dma_wait3A_430 = tpu.memref_squeeze %dma_wait3A_429 : memref<1x512xi32, #tpu.memory_space<hbm>> -> memref<512xi32, #tpu.memory_space<hbm>>
    tpu.wait_dma2 semaphore(%arg38 : memref<!tpu.dma_semaphore, #tpu.memory_space<semaphore_mem>>) src(%dma_wait3A_430 : memref<512xi32, #tpu.memory_space<hbm>>) dst(%dma_wait3A_428 : memref<512xi32, #tpu.memory_space<vmem>>)
    %dma_wait3A_431 = arith.constant 16 : i32
    %dma_wait3A_432 = arith.constant 8192 : i32
    %dma_wait3A_433 = tpu.memref_slice %arg5[%dma_wait3A_432] : memref<13312xi32, #tpu.memory_space<vmem>> -> memref<512xi32, #tpu.memory_space<vmem>>
    %dma_wait3A_434 = tpu.memref_slice %arg2[%dma_wait3A_431, %mul3A_36] : memref<26x16384xi32, #tpu.memory_space<hbm>> -> memref<1x512xi32, #tpu.memory_space<hbm>>
    %dma_wait3A_435 = tpu.memref_squeeze %dma_wait3A_434 : memref<1x512xi32, #tpu.memory_space<hbm>> -> memref<512xi32, #tpu.memory_space<hbm>>
    %dma_wait3A_436 = arith.constant 8192 : i32
    %dma_wait3A_437 = tpu.memref_slice %arg5[%dma_wait3A_436] : memref<13312xi32, #tpu.memory_space<vmem>> -> memref<512xi32, #tpu.memory_space<vmem>>
    %dma_wait3A_438 = tpu.memref_slice %arg2[%dma_wait3A_431, %mul3A_36] : memref<26x16384xi32, #tpu.memory_space<hbm>> -> memref<1x512xi32, #tpu.memory_space<hbm>>
    %dma_wait3A_439 = tpu.memref_squeeze %dma_wait3A_438 : memref<1x512xi32, #tpu.memory_space<hbm>> -> memref<512xi32, #tpu.memory_space<hbm>>
    tpu.wait_dma2 semaphore(%arg38 : memref<!tpu.dma_semaphore, #tpu.memory_space<semaphore_mem>>) src(%dma_wait3A_439 : memref<512xi32, #tpu.memory_space<hbm>>) dst(%dma_wait3A_437 : memref<512xi32, #tpu.memory_space<vmem>>)
    %dma_wait3A_440 = arith.constant 17 : i32
    %dma_wait3A_441 = arith.constant 8704 : i32
    %dma_wait3A_442 = tpu.memref_slice %arg5[%dma_wait3A_441] : memref<13312xi32, #tpu.memory_space<vmem>> -> memref<512xi32, #tpu.memory_space<vmem>>
    %dma_wait3A_443 = tpu.memref_slice %arg2[%dma_wait3A_440, %mul3A_38] : memref<26x16384xi32, #tpu.memory_space<hbm>> -> memref<1x512xi32, #tpu.memory_space<hbm>>
    %dma_wait3A_444 = tpu.memref_squeeze %dma_wait3A_443 : memref<1x512xi32, #tpu.memory_space<hbm>> -> memref<512xi32, #tpu.memory_space<hbm>>
    %dma_wait3A_445 = arith.constant 8704 : i32
    %dma_wait3A_446 = tpu.memref_slice %arg5[%dma_wait3A_445] : memref<13312xi32, #tpu.memory_space<vmem>> -> memref<512xi32, #tpu.memory_space<vmem>>
    %dma_wait3A_447 = tpu.memref_slice %arg2[%dma_wait3A_440, %mul3A_38] : memref<26x16384xi32, #tpu.memory_space<hbm>> -> memref<1x512xi32, #tpu.memory_space<hbm>>
    %dma_wait3A_448 = tpu.memref_squeeze %dma_wait3A_447 : memref<1x512xi32, #tpu.memory_space<hbm>> -> memref<512xi32, #tpu.memory_space<hbm>>
    tpu.wait_dma2 semaphore(%arg38 : memref<!tpu.dma_semaphore, #tpu.memory_space<semaphore_mem>>) src(%dma_wait3A_448 : memref<512xi32, #tpu.memory_space<hbm>>) dst(%dma_wait3A_446 : memref<512xi32, #tpu.memory_space<vmem>>)
    %dma_wait3A_449 = arith.constant 18 : i32
    %dma_wait3A_450 = arith.constant 9216 : i32
    %dma_wait3A_451 = tpu.memref_slice %arg5[%dma_wait3A_450] : memref<13312xi32, #tpu.memory_space<vmem>> -> memref<512xi32, #tpu.memory_space<vmem>>
    %dma_wait3A_452 = tpu.memref_slice %arg2[%dma_wait3A_449, %mul3A_40] : memref<26x16384xi32, #tpu.memory_space<hbm>> -> memref<1x512xi32, #tpu.memory_space<hbm>>
    %dma_wait3A_453 = tpu.memref_squeeze %dma_wait3A_452 : memref<1x512xi32, #tpu.memory_space<hbm>> -> memref<512xi32, #tpu.memory_space<hbm>>
    %dma_wait3A_454 = arith.constant 9216 : i32
    %dma_wait3A_455 = tpu.memref_slice %arg5[%dma_wait3A_454] : memref<13312xi32, #tpu.memory_space<vmem>> -> memref<512xi32, #tpu.memory_space<vmem>>
    %dma_wait3A_456 = tpu.memref_slice %arg2[%dma_wait3A_449, %mul3A_40] : memref<26x16384xi32, #tpu.memory_space<hbm>> -> memref<1x512xi32, #tpu.memory_space<hbm>>
    %dma_wait3A_457 = tpu.memref_squeeze %dma_wait3A_456 : memref<1x512xi32, #tpu.memory_space<hbm>> -> memref<512xi32, #tpu.memory_space<hbm>>
    tpu.wait_dma2 semaphore(%arg38 : memref<!tpu.dma_semaphore, #tpu.memory_space<semaphore_mem>>) src(%dma_wait3A_457 : memref<512xi32, #tpu.memory_space<hbm>>) dst(%dma_wait3A_455 : memref<512xi32, #tpu.memory_space<vmem>>)
    %dma_wait3A_458 = arith.constant 19 : i32
    %dma_wait3A_459 = arith.constant 9728 : i32
    %dma_wait3A_460 = tpu.memref_slice %arg5[%dma_wait3A_459] : memref<13312xi32, #tpu.memory_space<vmem>> -> memref<512xi32, #tpu.memory_space<vmem>>
    %dma_wait3A_461 = tpu.memref_slice %arg2[%dma_wait3A_458, %mul3A_42] : memref<26x16384xi32, #tpu.memory_space<hbm>> -> memref<1x512xi32, #tpu.memory_space<hbm>>
    %dma_wait3A_462 = tpu.memref_squeeze %dma_wait3A_461 : memref<1x512xi32, #tpu.memory_space<hbm>> -> memref<512xi32, #tpu.memory_space<hbm>>
    %dma_wait3A_463 = arith.constant 9728 : i32
    %dma_wait3A_464 = tpu.memref_slice %arg5[%dma_wait3A_463] : memref<13312xi32, #tpu.memory_space<vmem>> -> memref<512xi32, #tpu.memory_space<vmem>>
    %dma_wait3A_465 = tpu.memref_slice %arg2[%dma_wait3A_458, %mul3A_42] : memref<26x16384xi32, #tpu.memory_space<hbm>> -> memref<1x512xi32, #tpu.memory_space<hbm>>
    %dma_wait3A_466 = tpu.memref_squeeze %dma_wait3A_465 : memref<1x512xi32, #tpu.memory_space<hbm>> -> memref<512xi32, #tpu.memory_space<hbm>>
    tpu.wait_dma2 semaphore(%arg38 : memref<!tpu.dma_semaphore, #tpu.memory_space<semaphore_mem>>) src(%dma_wait3A_466 : memref<512xi32, #tpu.memory_space<hbm>>) dst(%dma_wait3A_464 : memref<512xi32, #tpu.memory_space<vmem>>)
    %dma_wait3A_467 = arith.constant 20 : i32
    %dma_wait3A_468 = arith.constant 10240 : i32
    %dma_wait3A_469 = tpu.memref_slice %arg5[%dma_wait3A_468] : memref<13312xi32, #tpu.memory_space<vmem>> -> memref<512xi32, #tpu.memory_space<vmem>>
    %dma_wait3A_470 = tpu.memref_slice %arg2[%dma_wait3A_467, %mul3A_44] : memref<26x16384xi32, #tpu.memory_space<hbm>> -> memref<1x512xi32, #tpu.memory_space<hbm>>
    %dma_wait3A_471 = tpu.memref_squeeze %dma_wait3A_470 : memref<1x512xi32, #tpu.memory_space<hbm>> -> memref<512xi32, #tpu.memory_space<hbm>>
    %dma_wait3A_472 = arith.constant 10240 : i32
    %dma_wait3A_473 = tpu.memref_slice %arg5[%dma_wait3A_472] : memref<13312xi32, #tpu.memory_space<vmem>> -> memref<512xi32, #tpu.memory_space<vmem>>
    %dma_wait3A_474 = tpu.memref_slice %arg2[%dma_wait3A_467, %mul3A_44] : memref<26x16384xi32, #tpu.memory_space<hbm>> -> memref<1x512xi32, #tpu.memory_space<hbm>>
    %dma_wait3A_475 = tpu.memref_squeeze %dma_wait3A_474 : memref<1x512xi32, #tpu.memory_space<hbm>> -> memref<512xi32, #tpu.memory_space<hbm>>
    tpu.wait_dma2 semaphore(%arg38 : memref<!tpu.dma_semaphore, #tpu.memory_space<semaphore_mem>>) src(%dma_wait3A_475 : memref<512xi32, #tpu.memory_space<hbm>>) dst(%dma_wait3A_473 : memref<512xi32, #tpu.memory_space<vmem>>)
    %dma_wait3A_476 = arith.constant 21 : i32
    %dma_wait3A_477 = arith.constant 10752 : i32
    %dma_wait3A_478 = tpu.memref_slice %arg5[%dma_wait3A_477] : memref<13312xi32, #tpu.memory_space<vmem>> -> memref<512xi32, #tpu.memory_space<vmem>>
    %dma_wait3A_479 = tpu.memref_slice %arg2[%dma_wait3A_476, %mul3A_46] : memref<26x16384xi32, #tpu.memory_space<hbm>> -> memref<1x512xi32, #tpu.memory_space<hbm>>
    %dma_wait3A_480 = tpu.memref_squeeze %dma_wait3A_479 : memref<1x512xi32, #tpu.memory_space<hbm>> -> memref<512xi32, #tpu.memory_space<hbm>>
    %dma_wait3A_481 = arith.constant 10752 : i32
    %dma_wait3A_482 = tpu.memref_slice %arg5[%dma_wait3A_481] : memref<13312xi32, #tpu.memory_space<vmem>> -> memref<512xi32, #tpu.memory_space<vmem>>
    %dma_wait3A_483 = tpu.memref_slice %arg2[%dma_wait3A_476, %mul3A_46] : memref<26x16384xi32, #tpu.memory_space<hbm>> -> memref<1x512xi32, #tpu.memory_space<hbm>>
    %dma_wait3A_484 = tpu.memref_squeeze %dma_wait3A_483 : memref<1x512xi32, #tpu.memory_space<hbm>> -> memref<512xi32, #tpu.memory_space<hbm>>
    tpu.wait_dma2 semaphore(%arg38 : memref<!tpu.dma_semaphore, #tpu.memory_space<semaphore_mem>>) src(%dma_wait3A_484 : memref<512xi32, #tpu.memory_space<hbm>>) dst(%dma_wait3A_482 : memref<512xi32, #tpu.memory_space<vmem>>)
    %dma_wait3A_485 = arith.constant 22 : i32
    %dma_wait3A_486 = arith.constant 11264 : i32
    %dma_wait3A_487 = tpu.memref_slice %arg5[%dma_wait3A_486] : memref<13312xi32, #tpu.memory_space<vmem>> -> memref<512xi32, #tpu.memory_space<vmem>>
    %dma_wait3A_488 = tpu.memref_slice %arg2[%dma_wait3A_485, %mul3A_48] : memref<26x16384xi32, #tpu.memory_space<hbm>> -> memref<1x512xi32, #tpu.memory_space<hbm>>
    %dma_wait3A_489 = tpu.memref_squeeze %dma_wait3A_488 : memref<1x512xi32, #tpu.memory_space<hbm>> -> memref<512xi32, #tpu.memory_space<hbm>>
    %dma_wait3A_490 = arith.constant 11264 : i32
    %dma_wait3A_491 = tpu.memref_slice %arg5[%dma_wait3A_490] : memref<13312xi32, #tpu.memory_space<vmem>> -> memref<512xi32, #tpu.memory_space<vmem>>
    %dma_wait3A_492 = tpu.memref_slice %arg2[%dma_wait3A_485, %mul3A_48] : memref<26x16384xi32, #tpu.memory_space<hbm>> -> memref<1x512xi32, #tpu.memory_space<hbm>>
    %dma_wait3A_493 = tpu.memref_squeeze %dma_wait3A_492 : memref<1x512xi32, #tpu.memory_space<hbm>> -> memref<512xi32, #tpu.memory_space<hbm>>
    tpu.wait_dma2 semaphore(%arg38 : memref<!tpu.dma_semaphore, #tpu.memory_space<semaphore_mem>>) src(%dma_wait3A_493 : memref<512xi32, #tpu.memory_space<hbm>>) dst(%dma_wait3A_491 : memref<512xi32, #tpu.memory_space<vmem>>)
    %dma_wait3A_494 = arith.constant 23 : i32
    %dma_wait3A_495 = arith.constant 11776 : i32
    %dma_wait3A_496 = tpu.memref_slice %arg5[%dma_wait3A_495] : memref<13312xi32, #tpu.memory_space<vmem>> -> memref<512xi32, #tpu.memory_space<vmem>>
    %dma_wait3A_497 = tpu.memref_slice %arg2[%dma_wait3A_494, %mul3A_50] : memref<26x16384xi32, #tpu.memory_space<hbm>> -> memref<1x512xi32, #tpu.memory_space<hbm>>
    %dma_wait3A_498 = tpu.memref_squeeze %dma_wait3A_497 : memref<1x512xi32, #tpu.memory_space<hbm>> -> memref<512xi32, #tpu.memory_space<hbm>>
    %dma_wait3A_499 = arith.constant 11776 : i32
    %dma_wait3A_500 = tpu.memref_slice %arg5[%dma_wait3A_499] : memref<13312xi32, #tpu.memory_space<vmem>> -> memref<512xi32, #tpu.memory_space<vmem>>
    %dma_wait3A_501 = tpu.memref_slice %arg2[%dma_wait3A_494, %mul3A_50] : memref<26x16384xi32, #tpu.memory_space<hbm>> -> memref<1x512xi32, #tpu.memory_space<hbm>>
    %dma_wait3A_502 = tpu.memref_squeeze %dma_wait3A_501 : memref<1x512xi32, #tpu.memory_space<hbm>> -> memref<512xi32, #tpu.memory_space<hbm>>
    tpu.wait_dma2 semaphore(%arg38 : memref<!tpu.dma_semaphore, #tpu.memory_space<semaphore_mem>>) src(%dma_wait3A_502 : memref<512xi32, #tpu.memory_space<hbm>>) dst(%dma_wait3A_500 : memref<512xi32, #tpu.memory_space<vmem>>)
    %dma_wait3A_503 = arith.constant 24 : i32
    %dma_wait3A_504 = arith.constant 12288 : i32
    %dma_wait3A_505 = tpu.memref_slice %arg5[%dma_wait3A_504] : memref<13312xi32, #tpu.memory_space<vmem>> -> memref<512xi32, #tpu.memory_space<vmem>>
    %dma_wait3A_506 = tpu.memref_slice %arg2[%dma_wait3A_503, %mul3A_52] : memref<26x16384xi32, #tpu.memory_space<hbm>> -> memref<1x512xi32, #tpu.memory_space<hbm>>
    %dma_wait3A_507 = tpu.memref_squeeze %dma_wait3A_506 : memref<1x512xi32, #tpu.memory_space<hbm>> -> memref<512xi32, #tpu.memory_space<hbm>>
    %dma_wait3A_508 = arith.constant 12288 : i32
    %dma_wait3A_509 = tpu.memref_slice %arg5[%dma_wait3A_508] : memref<13312xi32, #tpu.memory_space<vmem>> -> memref<512xi32, #tpu.memory_space<vmem>>
    %dma_wait3A_510 = tpu.memref_slice %arg2[%dma_wait3A_503, %mul3A_52] : memref<26x16384xi32, #tpu.memory_space<hbm>> -> memref<1x512xi32, #tpu.memory_space<hbm>>
    %dma_wait3A_511 = tpu.memref_squeeze %dma_wait3A_510 : memref<1x512xi32, #tpu.memory_space<hbm>> -> memref<512xi32, #tpu.memory_space<hbm>>
    tpu.wait_dma2 semaphore(%arg38 : memref<!tpu.dma_semaphore, #tpu.memory_space<semaphore_mem>>) src(%dma_wait3A_511 : memref<512xi32, #tpu.memory_space<hbm>>) dst(%dma_wait3A_509 : memref<512xi32, #tpu.memory_space<vmem>>)
    %dma_wait3A_512 = arith.constant 25 : i32
    %dma_wait3A_513 = arith.constant 12800 : i32
    %dma_wait3A_514 = tpu.memref_slice %arg5[%dma_wait3A_513] : memref<13312xi32, #tpu.memory_space<vmem>> -> memref<512xi32, #tpu.memory_space<vmem>>
    %dma_wait3A_515 = tpu.memref_slice %arg2[%dma_wait3A_512, %mul3A_54] : memref<26x16384xi32, #tpu.memory_space<hbm>> -> memref<1x512xi32, #tpu.memory_space<hbm>>
    %dma_wait3A_516 = tpu.memref_squeeze %dma_wait3A_515 : memref<1x512xi32, #tpu.memory_space<hbm>> -> memref<512xi32, #tpu.memory_space<hbm>>
    %dma_wait3A_517 = arith.constant 12800 : i32
    %dma_wait3A_518 = tpu.memref_slice %arg5[%dma_wait3A_517] : memref<13312xi32, #tpu.memory_space<vmem>> -> memref<512xi32, #tpu.memory_space<vmem>>
    %dma_wait3A_519 = tpu.memref_slice %arg2[%dma_wait3A_512, %mul3A_54] : memref<26x16384xi32, #tpu.memory_space<hbm>> -> memref<1x512xi32, #tpu.memory_space<hbm>>
    %dma_wait3A_520 = tpu.memref_squeeze %dma_wait3A_519 : memref<1x512xi32, #tpu.memory_space<hbm>> -> memref<512xi32, #tpu.memory_space<hbm>>
    tpu.wait_dma2 semaphore(%arg38 : memref<!tpu.dma_semaphore, #tpu.memory_space<semaphore_mem>>) src(%dma_wait3A_520 : memref<512xi32, #tpu.memory_space<hbm>>) dst(%dma_wait3A_518 : memref<512xi32, #tpu.memory_space<vmem>>)
    %iota3A = tpu.iota {dimensions = array<i32: 0>} : vector<16xi32>
    %add3A_521 = arith.constant 0 : i32
    %add3A_522 = vector.broadcast %add3A_521 : i32 to vector<16xi32>
    %add3A_523 = arith.addi %iota3A, %add3A_522 : vector<16xi32>
    %mul3A_524 = arith.constant 128 : i32
    %mul3A_525 = vector.broadcast %mul3A_524 : i32 to vector<16xi32>
    %mul3A_526 = arith.muli %add3A_523, %mul3A_525 : vector<16xi32>
    %add3A_527 = arith.constant 16 : i32
    %add3A_528 = vector.broadcast %add3A_527 : i32 to vector<16xi32>
    %add3A_529 = arith.addi %iota3A, %add3A_528 : vector<16xi32>
    %mul3A_530 = arith.constant 128 : i32
    %mul3A_531 = vector.broadcast %mul3A_530 : i32 to vector<16xi32>
    %mul3A_532 = arith.muli %add3A_529, %mul3A_531 : vector<16xi32>
    %dma_start3A_533 = arith.constant 0 : i32
    %dma_start3A_534 = tpu.memref_slice %arg5[%dma_start3A_533] : memref<13312xi32, #tpu.memory_space<vmem>> -> memref<128xi32, #tpu.memory_space<vmem>>
    %dma_start3A_535 = arith.constant 0 : i32
    %dma_start3A_536 = arith.constant 0 : i32
    %dma_start3A_537 = tpu.memref_slice %arg3[%dma_start3A_535, %dma_start3A_536] : memref<1000000x32xf32, #tpu.memory_space<hbm>> -> memref<1000000x32xf32, #tpu.memory_space<hbm>>
    tpu.enqueue_indirect_dma source(%dma_start3A_537 : memref<1000000x32xf32, #tpu.memory_space<hbm>>) target(%arg6 : memref<128x32xf32, #tpu.memory_space<vmem>>) offsets(%dma_start3A_534 : memref<128xi32, #tpu.memory_space<vmem>>) semaphore(%arg22 : memref<!tpu.dma_semaphore, #tpu.memory_space<semaphore_mem>>)
    %dma_start3A_538 = arith.constant 128 : i32
    %dma_start3A_539 = tpu.memref_slice %arg5[%dma_start3A_538] : memref<13312xi32, #tpu.memory_space<vmem>> -> memref<128xi32, #tpu.memory_space<vmem>>
    %dma_start3A_540 = arith.constant 0 : i32
    %dma_start3A_541 = arith.constant 0 : i32
    %dma_start3A_542 = tpu.memref_slice %arg3[%dma_start3A_540, %dma_start3A_541] : memref<1000000x32xf32, #tpu.memory_space<hbm>> -> memref<1000000x32xf32, #tpu.memory_space<hbm>>
    tpu.enqueue_indirect_dma source(%dma_start3A_542 : memref<1000000x32xf32, #tpu.memory_space<hbm>>) target(%arg7 : memref<128x32xf32, #tpu.memory_space<vmem>>) offsets(%dma_start3A_539 : memref<128xi32, #tpu.memory_space<vmem>>) semaphore(%arg23 : memref<!tpu.dma_semaphore, #tpu.memory_space<semaphore_mem>>)
    %dma_start3A_543 = arith.constant 256 : i32
    %dma_start3A_544 = tpu.memref_slice %arg5[%dma_start3A_543] : memref<13312xi32, #tpu.memory_space<vmem>> -> memref<128xi32, #tpu.memory_space<vmem>>
    %dma_start3A_545 = arith.constant 0 : i32
    %dma_start3A_546 = arith.constant 0 : i32
    %dma_start3A_547 = tpu.memref_slice %arg3[%dma_start3A_545, %dma_start3A_546] : memref<1000000x32xf32, #tpu.memory_space<hbm>> -> memref<1000000x32xf32, #tpu.memory_space<hbm>>
    tpu.enqueue_indirect_dma source(%dma_start3A_547 : memref<1000000x32xf32, #tpu.memory_space<hbm>>) target(%arg8 : memref<128x32xf32, #tpu.memory_space<vmem>>) offsets(%dma_start3A_544 : memref<128xi32, #tpu.memory_space<vmem>>) semaphore(%arg24 : memref<!tpu.dma_semaphore, #tpu.memory_space<semaphore_mem>>)
    %dma_start3A_548 = arith.constant 384 : i32
    %dma_start3A_549 = tpu.memref_slice %arg5[%dma_start3A_548] : memref<13312xi32, #tpu.memory_space<vmem>> -> memref<128xi32, #tpu.memory_space<vmem>>
    %dma_start3A_550 = arith.constant 0 : i32
    %dma_start3A_551 = arith.constant 0 : i32
    %dma_start3A_552 = tpu.memref_slice %arg3[%dma_start3A_550, %dma_start3A_551] : memref<1000000x32xf32, #tpu.memory_space<hbm>> -> memref<1000000x32xf32, #tpu.memory_space<hbm>>
    tpu.enqueue_indirect_dma source(%dma_start3A_552 : memref<1000000x32xf32, #tpu.memory_space<hbm>>) target(%arg9 : memref<128x32xf32, #tpu.memory_space<vmem>>) offsets(%dma_start3A_549 : memref<128xi32, #tpu.memory_space<vmem>>) semaphore(%arg25 : memref<!tpu.dma_semaphore, #tpu.memory_space<semaphore_mem>>)
    %dma_start3A_553 = arith.constant 512 : i32
    %dma_start3A_554 = tpu.memref_slice %arg5[%dma_start3A_553] : memref<13312xi32, #tpu.memory_space<vmem>> -> memref<128xi32, #tpu.memory_space<vmem>>
    %dma_start3A_555 = arith.constant 0 : i32
    %dma_start3A_556 = arith.constant 0 : i32
    %dma_start3A_557 = tpu.memref_slice %arg3[%dma_start3A_555, %dma_start3A_556] : memref<1000000x32xf32, #tpu.memory_space<hbm>> -> memref<1000000x32xf32, #tpu.memory_space<hbm>>
    tpu.enqueue_indirect_dma source(%dma_start3A_557 : memref<1000000x32xf32, #tpu.memory_space<hbm>>) target(%arg10 : memref<128x32xf32, #tpu.memory_space<vmem>>) offsets(%dma_start3A_554 : memref<128xi32, #tpu.memory_space<vmem>>) semaphore(%arg26 : memref<!tpu.dma_semaphore, #tpu.memory_space<semaphore_mem>>)
    %dma_start3A_558 = arith.constant 640 : i32
    %dma_start3A_559 = tpu.memref_slice %arg5[%dma_start3A_558] : memref<13312xi32, #tpu.memory_space<vmem>> -> memref<128xi32, #tpu.memory_space<vmem>>
    %dma_start3A_560 = arith.constant 0 : i32
    %dma_start3A_561 = arith.constant 0 : i32
    %dma_start3A_562 = tpu.memref_slice %arg3[%dma_start3A_560, %dma_start3A_561] : memref<1000000x32xf32, #tpu.memory_space<hbm>> -> memref<1000000x32xf32, #tpu.memory_space<hbm>>
    tpu.enqueue_indirect_dma source(%dma_start3A_562 : memref<1000000x32xf32, #tpu.memory_space<hbm>>) target(%arg11 : memref<128x32xf32, #tpu.memory_space<vmem>>) offsets(%dma_start3A_559 : memref<128xi32, #tpu.memory_space<vmem>>) semaphore(%arg27 : memref<!tpu.dma_semaphore, #tpu.memory_space<semaphore_mem>>)
    %dma_start3A_563 = arith.constant 768 : i32
    %dma_start3A_564 = tpu.memref_slice %arg5[%dma_start3A_563] : memref<13312xi32, #tpu.memory_space<vmem>> -> memref<128xi32, #tpu.memory_space<vmem>>
    %dma_start3A_565 = arith.constant 0 : i32
    %dma_start3A_566 = arith.constant 0 : i32
    %dma_start3A_567 = tpu.memref_slice %arg3[%dma_start3A_565, %dma_start3A_566] : memref<1000000x32xf32, #tpu.memory_space<hbm>> -> memref<1000000x32xf32, #tpu.memory_space<hbm>>
    tpu.enqueue_indirect_dma source(%dma_start3A_567 : memref<1000000x32xf32, #tpu.memory_space<hbm>>) target(%arg12 : memref<128x32xf32, #tpu.memory_space<vmem>>) offsets(%dma_start3A_564 : memref<128xi32, #tpu.memory_space<vmem>>) semaphore(%arg28 : memref<!tpu.dma_semaphore, #tpu.memory_space<semaphore_mem>>)
    %dma_start3A_568 = arith.constant 896 : i32
    %dma_start3A_569 = tpu.memref_slice %arg5[%dma_start3A_568] : memref<13312xi32, #tpu.memory_space<vmem>> -> memref<128xi32, #tpu.memory_space<vmem>>
    %dma_start3A_570 = arith.constant 0 : i32
    %dma_start3A_571 = arith.constant 0 : i32
    %dma_start3A_572 = tpu.memref_slice %arg3[%dma_start3A_570, %dma_start3A_571] : memref<1000000x32xf32, #tpu.memory_space<hbm>> -> memref<1000000x32xf32, #tpu.memory_space<hbm>>
    tpu.enqueue_indirect_dma source(%dma_start3A_572 : memref<1000000x32xf32, #tpu.memory_space<hbm>>) target(%arg13 : memref<128x32xf32, #tpu.memory_space<vmem>>) offsets(%dma_start3A_569 : memref<128xi32, #tpu.memory_space<vmem>>) semaphore(%arg29 : memref<!tpu.dma_semaphore, #tpu.memory_space<semaphore_mem>>)
    %dma_wait3A_573 = arith.constant 0 : i32
    %dma_wait3A_574 = tpu.memref_slice %arg5[%dma_wait3A_573] : memref<13312xi32, #tpu.memory_space<vmem>> -> memref<128xi32, #tpu.memory_space<vmem>>
    %dma_wait3A_575 = arith.constant 0 : i32
    %dma_wait3A_576 = arith.constant 0 : i32
    %dma_wait3A_577 = tpu.memref_slice %arg3[%dma_wait3A_575, %dma_wait3A_576] : memref<1000000x32xf32, #tpu.memory_space<hbm>> -> memref<1000000x32xf32, #tpu.memory_space<hbm>>
    tpu.wait_indirect_dma semaphore(%arg22 : memref<!tpu.dma_semaphore, #tpu.memory_space<semaphore_mem>>) src(%dma_wait3A_577 : memref<1000000x32xf32, #tpu.memory_space<hbm>>) dst(%arg6 : memref<128x32xf32, #tpu.memory_space<vmem>>)
    %scan3A = arith.constant 0 : i32
    %scan3A_578 = arith.constant 128 : i32
    %scan3A_579 = arith.addi %scan3A, %scan3A_578 : i32
    %scan3A_580 = arith.constant 1 : i32
    scf.for %scan3A_1993 = %scan3A to %scan3A_579 step %scan3A_580  : i32 {
      %mul3A_1994 = arith.constant 1 : i32
      %mul3A_1995 = arith.muli %scan3A_1993, %mul3A_1994 : i32
      %add3A_1996 = arith.constant 0 : i32
      %add3A_1997 = arith.addi %add3A_1996, %mul3A_1995 : i32
      %broadcast_in_dim3A = vector.broadcast %add3A_1997 : i32 to vector<16xi32>
      %get3A = arith.index_cast %add3A_1997 : i32 to index
      %get3A_1998 = arith.constant 0 : index
      %get3A_1999 = tpu.vector_load %arg6[%get3A, %get3A_1998] {strides = array<i32>} : memref<128x32xf32, #tpu.memory_space<vmem>>, vector<16xf32>,
      %add3A_2000 = arith.addi %mul3A_526, %broadcast_in_dim3A : vector<16xi32>
      tpu.vector_store_idx %arg14[%add3A_2000], %get3A_1999 : memref<4096xf32, #tpu.memory_space<vmem>>[vector<16xi32>], vector<16xf32>,
      %get3A_2001 = arith.index_cast %add3A_1997 : i32 to index
      %get3A_2002 = arith.constant 16 : index
      %get3A_2003 = tpu.vector_load %arg6[%get3A_2001, %get3A_2002] {strides = array<i32>} : memref<128x32xf32, #tpu.memory_space<vmem>>, vector<16xf32>,
      %add3A_2004 = arith.addi %mul3A_532, %broadcast_in_dim3A : vector<16xi32>
      tpu.vector_store_idx %arg14[%add3A_2004], %get3A_2003 : memref<4096xf32, #tpu.memory_space<vmem>>[vector<16xi32>], vector<16xf32>,
    }
    %scan3A_581 = arith.constant 128 : i32
    %dma_start3A_582 = arith.constant 1024 : i32
    %dma_start3A_583 = tpu.memref_slice %arg5[%dma_start3A_582] : memref<13312xi32, #tpu.memory_space<vmem>> -> memref<128xi32, #tpu.memory_space<vmem>>
    %dma_start3A_584 = arith.constant 0 : i32
    %dma_start3A_585 = arith.constant 0 : i32
    %dma_start3A_586 = tpu.memref_slice %arg3[%dma_start3A_584, %dma_start3A_585] : memref<1000000x32xf32, #tpu.memory_space<hbm>> -> memref<1000000x32xf32, #tpu.memory_space<hbm>>
    tpu.enqueue_indirect_dma source(%dma_start3A_586 : memref<1000000x32xf32, #tpu.memory_space<hbm>>) target(%arg6 : memref<128x32xf32, #tpu.memory_space<vmem>>) offsets(%dma_start3A_583 : memref<128xi32, #tpu.memory_space<vmem>>) semaphore(%arg22 : memref<!tpu.dma_semaphore, #tpu.memory_space<semaphore_mem>>)
    %add3A_587 = arith.constant 0 : i32
    %add3A_588 = arith.addi %mul3A_2, %add3A_587 : i32
    %mul3A_589 = arith.constant 1024 : i32
    %mul3A_590 = arith.muli %add3A_588, %mul3A_589 : i32
    %add3A_591 = arith.constant 0 : i32
    %add3A_592 = arith.addi %add3A_591, %mul3A_590 : i32
    %add3A_593 = arith.constant 0 : i32
    %add3A_594 = arith.addi %add3A_592, %add3A_593 : i32
    %add3A_595 = arith.constant 131072 : i32
    %add3A_596 = arith.addi %add3A_592, %add3A_595 : i32
    %add3A_597 = arith.constant 262144 : i32
    %add3A_598 = arith.addi %add3A_592, %add3A_597 : i32
    %add3A_599 = arith.constant 393216 : i32
    %add3A_600 = arith.addi %add3A_592, %add3A_599 : i32
    %dma_start3A_601 = arith.constant 0 : i32
    %dma_start3A_602 = tpu.memref_slice %arg14[%dma_start3A_601] : memref<4096xf32, #tpu.memory_space<vmem>> -> memref<1024xf32, #tpu.memory_space<vmem>>
    %dma_start3A_603 = tpu.memref_slice %arg4[%add3A_594] : memref<13631488xf32, #tpu.memory_space<hbm>> -> memref<1024xf32, #tpu.memory_space<hbm>>
    %dma_start3A_604 = tpu.memref_slice %arg4[%add3A_594] : memref<13631488xf32, #tpu.memory_space<hbm>> -> memref<1024xf32, #tpu.memory_space<hbm>>
    %dma_start3A_605 = arith.constant 0 : i32
    %dma_start3A_606 = tpu.memref_slice %arg14[%dma_start3A_605] : memref<4096xf32, #tpu.memory_space<vmem>> -> memref<1024xf32, #tpu.memory_space<vmem>>
    tpu.enqueue_dma source(%dma_start3A_606 : memref<1024xf32, #tpu.memory_space<vmem>>) target(%dma_start3A_604 : memref<1024xf32, #tpu.memory_space<hbm>>) target_semaphore(%arg30 : memref<!tpu.dma_semaphore, #tpu.memory_space<semaphore_mem>>)
    %dma_start3A_607 = arith.constant 1024 : i32
    %dma_start3A_608 = tpu.memref_slice %arg14[%dma_start3A_607] : memref<4096xf32, #tpu.memory_space<vmem>> -> memref<1024xf32, #tpu.memory_space<vmem>>
    %dma_start3A_609 = tpu.memref_slice %arg4[%add3A_596] : memref<13631488xf32, #tpu.memory_space<hbm>> -> memref<1024xf32, #tpu.memory_space<hbm>>
    %dma_start3A_610 = tpu.memref_slice %arg4[%add3A_596] : memref<13631488xf32, #tpu.memory_space<hbm>> -> memref<1024xf32, #tpu.memory_space<hbm>>
    %dma_start3A_611 = arith.constant 1024 : i32
    %dma_start3A_612 = tpu.memref_slice %arg14[%dma_start3A_611] : memref<4096xf32, #tpu.memory_space<vmem>> -> memref<1024xf32, #tpu.memory_space<vmem>>
    tpu.enqueue_dma source(%dma_start3A_612 : memref<1024xf32, #tpu.memory_space<vmem>>) target(%dma_start3A_610 : memref<1024xf32, #tpu.memory_space<hbm>>) target_semaphore(%arg30 : memref<!tpu.dma_semaphore, #tpu.memory_space<semaphore_mem>>)
    %dma_start3A_613 = arith.constant 2048 : i32
    %dma_start3A_614 = tpu.memref_slice %arg14[%dma_start3A_613] : memref<4096xf32, #tpu.memory_space<vmem>> -> memref<1024xf32, #tpu.memory_space<vmem>>
    %dma_start3A_615 = tpu.memref_slice %arg4[%add3A_598] : memref<13631488xf32, #tpu.memory_space<hbm>> -> memref<1024xf32, #tpu.memory_space<hbm>>
    %dma_start3A_616 = tpu.memref_slice %arg4[%add3A_598] : memref<13631488xf32, #tpu.memory_space<hbm>> -> memref<1024xf32, #tpu.memory_space<hbm>>
    %dma_start3A_617 = arith.constant 2048 : i32
    %dma_start3A_618 = tpu.memref_slice %arg14[%dma_start3A_617] : memref<4096xf32, #tpu.memory_space<vmem>> -> memref<1024xf32, #tpu.memory_space<vmem>>
    tpu.enqueue_dma source(%dma_start3A_618 : memref<1024xf32, #tpu.memory_space<vmem>>) target(%dma_start3A_616 : memref<1024xf32, #tpu.memory_space<hbm>>) target_semaphore(%arg30 : memref<!tpu.dma_semaphore, #tpu.memory_space<semaphore_mem>>)
    %dma_start3A_619 = arith.constant 3072 : i32
    %dma_start3A_620 = tpu.memref_slice %arg14[%dma_start3A_619] : memref<4096xf32, #tpu.memory_space<vmem>> -> memref<1024xf32, #tpu.memory_space<vmem>>
    %dma_start3A_621 = tpu.memref_slice %arg4[%add3A_600] : memref<13631488xf32, #tpu.memory_space<hbm>> -> memref<1024xf32, #tpu.memory_space<hbm>>
    %dma_start3A_622 = tpu.memref_slice %arg4[%add3A_600] : memref<13631488xf32, #tpu.memory_space<hbm>> -> memref<1024xf32, #tpu.memory_space<hbm>>
    %dma_start3A_623 = arith.constant 3072 : i32
    %dma_start3A_624 = tpu.memref_slice %arg14[%dma_start3A_623] : memref<4096xf32, #tpu.memory_space<vmem>> -> memref<1024xf32, #tpu.memory_space<vmem>>
    tpu.enqueue_dma source(%dma_start3A_624 : memref<1024xf32, #tpu.memory_space<vmem>>) target(%dma_start3A_622 : memref<1024xf32, #tpu.memory_space<hbm>>) target_semaphore(%arg30 : memref<!tpu.dma_semaphore, #tpu.memory_space<semaphore_mem>>)
    %dma_wait3A_625 = arith.constant 128 : i32
    %dma_wait3A_626 = tpu.memref_slice %arg5[%dma_wait3A_625] : memref<13312xi32, #tpu.memory_space<vmem>> -> memref<128xi32, #tpu.memory_space<vmem>>
    %dma_wait3A_627 = arith.constant 0 : i32
    %dma_wait3A_628 = arith.constant 0 : i32
    %dma_wait3A_629 = tpu.memref_slice %arg3[%dma_wait3A_627, %dma_wait3A_628] : memref<1000000x32xf32, #tpu.memory_space<hbm>> -> memref<1000000x32xf32, #tpu.memory_space<hbm>>
    tpu.wait_indirect_dma semaphore(%arg23 : memref<!tpu.dma_semaphore, #tpu.memory_space<semaphore_mem>>) src(%dma_wait3A_629 : memref<1000000x32xf32, #tpu.memory_space<hbm>>) dst(%arg7 : memref<128x32xf32, #tpu.memory_space<vmem>>)
    %scan3A_630 = arith.constant 0 : i32
    %scan3A_631 = arith.constant 128 : i32
    %scan3A_632 = arith.addi %scan3A_630, %scan3A_631 : i32
    %scan3A_633 = arith.constant 1 : i32
    scf.for %scan3A_1993 = %scan3A_630 to %scan3A_632 step %scan3A_633  : i32 {
      %mul3A_1994 = arith.constant 1 : i32
      %mul3A_1995 = arith.muli %scan3A_1993, %mul3A_1994 : i32
      %add3A_1996 = arith.constant 0 : i32
      %add3A_1997 = arith.addi %add3A_1996, %mul3A_1995 : i32
      %broadcast_in_dim3A = vector.broadcast %add3A_1997 : i32 to vector<16xi32>
      %get3A = arith.index_cast %add3A_1997 : i32 to index
      %get3A_1998 = arith.constant 0 : index
      %get3A_1999 = tpu.vector_load %arg7[%get3A, %get3A_1998] {strides = array<i32>} : memref<128x32xf32, #tpu.memory_space<vmem>>, vector<16xf32>,
      %add3A_2000 = arith.addi %mul3A_526, %broadcast_in_dim3A : vector<16xi32>
      tpu.vector_store_idx %arg15[%add3A_2000], %get3A_1999 : memref<4096xf32, #tpu.memory_space<vmem>>[vector<16xi32>], vector<16xf32>,
      %get3A_2001 = arith.index_cast %add3A_1997 : i32 to index
      %get3A_2002 = arith.constant 16 : index
      %get3A_2003 = tpu.vector_load %arg7[%get3A_2001, %get3A_2002] {strides = array<i32>} : memref<128x32xf32, #tpu.memory_space<vmem>>, vector<16xf32>,
      %add3A_2004 = arith.addi %mul3A_532, %broadcast_in_dim3A : vector<16xi32>
      tpu.vector_store_idx %arg15[%add3A_2004], %get3A_2003 : memref<4096xf32, #tpu.memory_space<vmem>>[vector<16xi32>], vector<16xf32>,
    }
    %scan3A_634 = arith.constant 128 : i32
    %dma_start3A_635 = arith.constant 1152 : i32
    %dma_start3A_636 = tpu.memref_slice %arg5[%dma_start3A_635] : memref<13312xi32, #tpu.memory_space<vmem>> -> memref<128xi32, #tpu.memory_space<vmem>>
    %dma_start3A_637 = arith.constant 0 : i32
    %dma_start3A_638 = arith.constant 0 : i32
    %dma_start3A_639 = tpu.memref_slice %arg3[%dma_start3A_637, %dma_start3A_638] : memref<1000000x32xf32, #tpu.memory_space<hbm>> -> memref<1000000x32xf32, #tpu.memory_space<hbm>>
    tpu.enqueue_indirect_dma source(%dma_start3A_639 : memref<1000000x32xf32, #tpu.memory_space<hbm>>) target(%arg7 : memref<128x32xf32, #tpu.memory_space<vmem>>) offsets(%dma_start3A_636 : memref<128xi32, #tpu.memory_space<vmem>>) semaphore(%arg23 : memref<!tpu.dma_semaphore, #tpu.memory_space<semaphore_mem>>)
    %add3A_640 = arith.constant 1 : i32
    %add3A_641 = arith.addi %mul3A_2, %add3A_640 : i32
    %mul3A_642 = arith.constant 1024 : i32
    %mul3A_643 = arith.muli %add3A_641, %mul3A_642 : i32
    %add3A_644 = arith.constant 0 : i32
    %add3A_645 = arith.addi %add3A_644, %mul3A_643 : i32
    %add3A_646 = arith.constant 0 : i32
    %add3A_647 = arith.addi %add3A_645, %add3A_646 : i32
    %add3A_648 = arith.constant 131072 : i32
    %add3A_649 = arith.addi %add3A_645, %add3A_648 : i32
    %add3A_650 = arith.constant 262144 : i32
    %add3A_651 = arith.addi %add3A_645, %add3A_650 : i32
    %add3A_652 = arith.constant 393216 : i32
    %add3A_653 = arith.addi %add3A_645, %add3A_652 : i32
    %dma_start3A_654 = arith.constant 0 : i32
    %dma_start3A_655 = tpu.memref_slice %arg15[%dma_start3A_654] : memref<4096xf32, #tpu.memory_space<vmem>> -> memref<1024xf32, #tpu.memory_space<vmem>>
    %dma_start3A_656 = tpu.memref_slice %arg4[%add3A_647] : memref<13631488xf32, #tpu.memory_space<hbm>> -> memref<1024xf32, #tpu.memory_space<hbm>>
    %dma_start3A_657 = tpu.memref_slice %arg4[%add3A_647] : memref<13631488xf32, #tpu.memory_space<hbm>> -> memref<1024xf32, #tpu.memory_space<hbm>>
    %dma_start3A_658 = arith.constant 0 : i32
    %dma_start3A_659 = tpu.memref_slice %arg15[%dma_start3A_658] : memref<4096xf32, #tpu.memory_space<vmem>> -> memref<1024xf32, #tpu.memory_space<vmem>>
    tpu.enqueue_dma source(%dma_start3A_659 : memref<1024xf32, #tpu.memory_space<vmem>>) target(%dma_start3A_657 : memref<1024xf32, #tpu.memory_space<hbm>>) target_semaphore(%arg31 : memref<!tpu.dma_semaphore, #tpu.memory_space<semaphore_mem>>)
    %dma_start3A_660 = arith.constant 1024 : i32
    %dma_start3A_661 = tpu.memref_slice %arg15[%dma_start3A_660] : memref<4096xf32, #tpu.memory_space<vmem>> -> memref<1024xf32, #tpu.memory_space<vmem>>
    %dma_start3A_662 = tpu.memref_slice %arg4[%add3A_649] : memref<13631488xf32, #tpu.memory_space<hbm>> -> memref<1024xf32, #tpu.memory_space<hbm>>
    %dma_start3A_663 = tpu.memref_slice %arg4[%add3A_649] : memref<13631488xf32, #tpu.memory_space<hbm>> -> memref<1024xf32, #tpu.memory_space<hbm>>
    %dma_start3A_664 = arith.constant 1024 : i32
    %dma_start3A_665 = tpu.memref_slice %arg15[%dma_start3A_664] : memref<4096xf32, #tpu.memory_space<vmem>> -> memref<1024xf32, #tpu.memory_space<vmem>>
    tpu.enqueue_dma source(%dma_start3A_665 : memref<1024xf32, #tpu.memory_space<vmem>>) target(%dma_start3A_663 : memref<1024xf32, #tpu.memory_space<hbm>>) target_semaphore(%arg31 : memref<!tpu.dma_semaphore, #tpu.memory_space<semaphore_mem>>)
    %dma_start3A_666 = arith.constant 2048 : i32
    %dma_start3A_667 = tpu.memref_slice %arg15[%dma_start3A_666] : memref<4096xf32, #tpu.memory_space<vmem>> -> memref<1024xf32, #tpu.memory_space<vmem>>
    %dma_start3A_668 = tpu.memref_slice %arg4[%add3A_651] : memref<13631488xf32, #tpu.memory_space<hbm>> -> memref<1024xf32, #tpu.memory_space<hbm>>
    %dma_start3A_669 = tpu.memref_slice %arg4[%add3A_651] : memref<13631488xf32, #tpu.memory_space<hbm>> -> memref<1024xf32, #tpu.memory_space<hbm>>
    %dma_start3A_670 = arith.constant 2048 : i32
    %dma_start3A_671 = tpu.memref_slice %arg15[%dma_start3A_670] : memref<4096xf32, #tpu.memory_space<vmem>> -> memref<1024xf32, #tpu.memory_space<vmem>>
    tpu.enqueue_dma source(%dma_start3A_671 : memref<1024xf32, #tpu.memory_space<vmem>>) target(%dma_start3A_669 : memref<1024xf32, #tpu.memory_space<hbm>>) target_semaphore(%arg31 : memref<!tpu.dma_semaphore, #tpu.memory_space<semaphore_mem>>)
    %dma_start3A_672 = arith.constant 3072 : i32
    %dma_start3A_673 = tpu.memref_slice %arg15[%dma_start3A_672] : memref<4096xf32, #tpu.memory_space<vmem>> -> memref<1024xf32, #tpu.memory_space<vmem>>
    %dma_start3A_674 = tpu.memref_slice %arg4[%add3A_653] : memref<13631488xf32, #tpu.memory_space<hbm>> -> memref<1024xf32, #tpu.memory_space<hbm>>
    %dma_start3A_675 = tpu.memref_slice %arg4[%add3A_653] : memref<13631488xf32, #tpu.memory_space<hbm>> -> memref<1024xf32, #tpu.memory_space<hbm>>
    %dma_start3A_676 = arith.constant 3072 : i32
    %dma_start3A_677 = tpu.memref_slice %arg15[%dma_start3A_676] : memref<4096xf32, #tpu.memory_space<vmem>> -> memref<1024xf32, #tpu.memory_space<vmem>>
    tpu.enqueue_dma source(%dma_start3A_677 : memref<1024xf32, #tpu.memory_space<vmem>>) target(%dma_start3A_675 : memref<1024xf32, #tpu.memory_space<hbm>>) target_semaphore(%arg31 : memref<!tpu.dma_semaphore, #tpu.memory_space<semaphore_mem>>)
    %dma_wait3A_678 = arith.constant 256 : i32
    %dma_wait3A_679 = tpu.memref_slice %arg5[%dma_wait3A_678] : memref<13312xi32, #tpu.memory_space<vmem>> -> memref<128xi32, #tpu.memory_space<vmem>>
    %dma_wait3A_680 = arith.constant 0 : i32
    %dma_wait3A_681 = arith.constant 0 : i32
    %dma_wait3A_682 = tpu.memref_slice %arg3[%dma_wait3A_680, %dma_wait3A_681] : memref<1000000x32xf32, #tpu.memory_space<hbm>> -> memref<1000000x32xf32, #tpu.memory_space<hbm>>
    tpu.wait_indirect_dma semaphore(%arg24 : memref<!tpu.dma_semaphore, #tpu.memory_space<semaphore_mem>>) src(%dma_wait3A_682 : memref<1000000x32xf32, #tpu.memory_space<hbm>>) dst(%arg8 : memref<128x32xf32, #tpu.memory_space<vmem>>)
    %scan3A_683 = arith.constant 0 : i32
    %scan3A_684 = arith.constant 128 : i32
    %scan3A_685 = arith.addi %scan3A_683, %scan3A_684 : i32
    %scan3A_686 = arith.constant 1 : i32
    scf.for %scan3A_1993 = %scan3A_683 to %scan3A_685 step %scan3A_686  : i32 {
      %mul3A_1994 = arith.constant 1 : i32
      %mul3A_1995 = arith.muli %scan3A_1993, %mul3A_1994 : i32
      %add3A_1996 = arith.constant 0 : i32
      %add3A_1997 = arith.addi %add3A_1996, %mul3A_1995 : i32
      %broadcast_in_dim3A = vector.broadcast %add3A_1997 : i32 to vector<16xi32>
      %get3A = arith.index_cast %add3A_1997 : i32 to index
      %get3A_1998 = arith.constant 0 : index
      %get3A_1999 = tpu.vector_load %arg8[%get3A, %get3A_1998] {strides = array<i32>} : memref<128x32xf32, #tpu.memory_space<vmem>>, vector<16xf32>,
      %add3A_2000 = arith.addi %mul3A_526, %broadcast_in_dim3A : vector<16xi32>
      tpu.vector_store_idx %arg16[%add3A_2000], %get3A_1999 : memref<4096xf32, #tpu.memory_space<vmem>>[vector<16xi32>], vector<16xf32>,
      %get3A_2001 = arith.index_cast %add3A_1997 : i32 to index
      %get3A_2002 = arith.constant 16 : index
      %get3A_2003 = tpu.vector_load %arg8[%get3A_2001, %get3A_2002] {strides = array<i32>} : memref<128x32xf32, #tpu.memory_space<vmem>>, vector<16xf32>,
      %add3A_2004 = arith.addi %mul3A_532, %broadcast_in_dim3A : vector<16xi32>
      tpu.vector_store_idx %arg16[%add3A_2004], %get3A_2003 : memref<4096xf32, #tpu.memory_space<vmem>>[vector<16xi32>], vector<16xf32>,
    }
    %scan3A_687 = arith.constant 128 : i32
    %dma_start3A_688 = arith.constant 1280 : i32
    %dma_start3A_689 = tpu.memref_slice %arg5[%dma_start3A_688] : memref<13312xi32, #tpu.memory_space<vmem>> -> memref<128xi32, #tpu.memory_space<vmem>>
    %dma_start3A_690 = arith.constant 0 : i32
    %dma_start3A_691 = arith.constant 0 : i32
    %dma_start3A_692 = tpu.memref_slice %arg3[%dma_start3A_690, %dma_start3A_691] : memref<1000000x32xf32, #tpu.memory_space<hbm>> -> memref<1000000x32xf32, #tpu.memory_space<hbm>>
    tpu.enqueue_indirect_dma source(%dma_start3A_692 : memref<1000000x32xf32, #tpu.memory_space<hbm>>) target(%arg8 : memref<128x32xf32, #tpu.memory_space<vmem>>) offsets(%dma_start3A_689 : memref<128xi32, #tpu.memory_space<vmem>>) semaphore(%arg24 : memref<!tpu.dma_semaphore, #tpu.memory_space<semaphore_mem>>)
    %add3A_693 = arith.constant 2 : i32
    %add3A_694 = arith.addi %mul3A_2, %add3A_693 : i32
    %mul3A_695 = arith.constant 1024 : i32
    %mul3A_696 = arith.muli %add3A_694, %mul3A_695 : i32
    %add3A_697 = arith.constant 0 : i32
    %add3A_698 = arith.addi %add3A_697, %mul3A_696 : i32
    %add3A_699 = arith.constant 0 : i32
    %add3A_700 = arith.addi %add3A_698, %add3A_699 : i32
    %add3A_701 = arith.constant 131072 : i32
    %add3A_702 = arith.addi %add3A_698, %add3A_701 : i32
    %add3A_703 = arith.constant 262144 : i32
    %add3A_704 = arith.addi %add3A_698, %add3A_703 : i32
    %add3A_705 = arith.constant 393216 : i32
    %add3A_706 = arith.addi %add3A_698, %add3A_705 : i32
    %dma_start3A_707 = arith.constant 0 : i32
    %dma_start3A_708 = tpu.memref_slice %arg16[%dma_start3A_707] : memref<4096xf32, #tpu.memory_space<vmem>> -> memref<1024xf32, #tpu.memory_space<vmem>>
    %dma_start3A_709 = tpu.memref_slice %arg4[%add3A_700] : memref<13631488xf32, #tpu.memory_space<hbm>> -> memref<1024xf32, #tpu.memory_space<hbm>>
    %dma_start3A_710 = tpu.memref_slice %arg4[%add3A_700] : memref<13631488xf32, #tpu.memory_space<hbm>> -> memref<1024xf32, #tpu.memory_space<hbm>>
    %dma_start3A_711 = arith.constant 0 : i32
    %dma_start3A_712 = tpu.memref_slice %arg16[%dma_start3A_711] : memref<4096xf32, #tpu.memory_space<vmem>> -> memref<1024xf32, #tpu.memory_space<vmem>>
    tpu.enqueue_dma source(%dma_start3A_712 : memref<1024xf32, #tpu.memory_space<vmem>>) target(%dma_start3A_710 : memref<1024xf32, #tpu.memory_space<hbm>>) target_semaphore(%arg32 : memref<!tpu.dma_semaphore, #tpu.memory_space<semaphore_mem>>)
    %dma_start3A_713 = arith.constant 1024 : i32
    %dma_start3A_714 = tpu.memref_slice %arg16[%dma_start3A_713] : memref<4096xf32, #tpu.memory_space<vmem>> -> memref<1024xf32, #tpu.memory_space<vmem>>
    %dma_start3A_715 = tpu.memref_slice %arg4[%add3A_702] : memref<13631488xf32, #tpu.memory_space<hbm>> -> memref<1024xf32, #tpu.memory_space<hbm>>
    %dma_start3A_716 = tpu.memref_slice %arg4[%add3A_702] : memref<13631488xf32, #tpu.memory_space<hbm>> -> memref<1024xf32, #tpu.memory_space<hbm>>
    %dma_start3A_717 = arith.constant 1024 : i32
    %dma_start3A_718 = tpu.memref_slice %arg16[%dma_start3A_717] : memref<4096xf32, #tpu.memory_space<vmem>> -> memref<1024xf32, #tpu.memory_space<vmem>>
    tpu.enqueue_dma source(%dma_start3A_718 : memref<1024xf32, #tpu.memory_space<vmem>>) target(%dma_start3A_716 : memref<1024xf32, #tpu.memory_space<hbm>>) target_semaphore(%arg32 : memref<!tpu.dma_semaphore, #tpu.memory_space<semaphore_mem>>)
    %dma_start3A_719 = arith.constant 2048 : i32
    %dma_start3A_720 = tpu.memref_slice %arg16[%dma_start3A_719] : memref<4096xf32, #tpu.memory_space<vmem>> -> memref<1024xf32, #tpu.memory_space<vmem>>
    %dma_start3A_721 = tpu.memref_slice %arg4[%add3A_704] : memref<13631488xf32, #tpu.memory_space<hbm>> -> memref<1024xf32, #tpu.memory_space<hbm>>
    %dma_start3A_722 = tpu.memref_slice %arg4[%add3A_704] : memref<13631488xf32, #tpu.memory_space<hbm>> -> memref<1024xf32, #tpu.memory_space<hbm>>
    %dma_start3A_723 = arith.constant 2048 : i32
    %dma_start3A_724 = tpu.memref_slice %arg16[%dma_start3A_723] : memref<4096xf32, #tpu.memory_space<vmem>> -> memref<1024xf32, #tpu.memory_space<vmem>>
    tpu.enqueue_dma source(%dma_start3A_724 : memref<1024xf32, #tpu.memory_space<vmem>>) target(%dma_start3A_722 : memref<1024xf32, #tpu.memory_space<hbm>>) target_semaphore(%arg32 : memref<!tpu.dma_semaphore, #tpu.memory_space<semaphore_mem>>)
    %dma_start3A_725 = arith.constant 3072 : i32
    %dma_start3A_726 = tpu.memref_slice %arg16[%dma_start3A_725] : memref<4096xf32, #tpu.memory_space<vmem>> -> memref<1024xf32, #tpu.memory_space<vmem>>
    %dma_start3A_727 = tpu.memref_slice %arg4[%add3A_706] : memref<13631488xf32, #tpu.memory_space<hbm>> -> memref<1024xf32, #tpu.memory_space<hbm>>
    %dma_start3A_728 = tpu.memref_slice %arg4[%add3A_706] : memref<13631488xf32, #tpu.memory_space<hbm>> -> memref<1024xf32, #tpu.memory_space<hbm>>
    %dma_start3A_729 = arith.constant 3072 : i32
    %dma_start3A_730 = tpu.memref_slice %arg16[%dma_start3A_729] : memref<4096xf32, #tpu.memory_space<vmem>> -> memref<1024xf32, #tpu.memory_space<vmem>>
    tpu.enqueue_dma source(%dma_start3A_730 : memref<1024xf32, #tpu.memory_space<vmem>>) target(%dma_start3A_728 : memref<1024xf32, #tpu.memory_space<hbm>>) target_semaphore(%arg32 : memref<!tpu.dma_semaphore, #tpu.memory_space<semaphore_mem>>)
    %dma_wait3A_731 = arith.constant 384 : i32
    %dma_wait3A_732 = tpu.memref_slice %arg5[%dma_wait3A_731] : memref<13312xi32, #tpu.memory_space<vmem>> -> memref<128xi32, #tpu.memory_space<vmem>>
    %dma_wait3A_733 = arith.constant 0 : i32
    %dma_wait3A_734 = arith.constant 0 : i32
    %dma_wait3A_735 = tpu.memref_slice %arg3[%dma_wait3A_733, %dma_wait3A_734] : memref<1000000x32xf32, #tpu.memory_space<hbm>> -> memref<1000000x32xf32, #tpu.memory_space<hbm>>
    tpu.wait_indirect_dma semaphore(%arg25 : memref<!tpu.dma_semaphore, #tpu.memory_space<semaphore_mem>>) src(%dma_wait3A_735 : memref<1000000x32xf32, #tpu.memory_space<hbm>>) dst(%arg9 : memref<128x32xf32, #tpu.memory_space<vmem>>)
    %scan3A_736 = arith.constant 0 : i32
    %scan3A_737 = arith.constant 128 : i32
    %scan3A_738 = arith.addi %scan3A_736, %scan3A_737 : i32
    %scan3A_739 = arith.constant 1 : i32
    scf.for %scan3A_1993 = %scan3A_736 to %scan3A_738 step %scan3A_739  : i32 {
      %mul3A_1994 = arith.constant 1 : i32
      %mul3A_1995 = arith.muli %scan3A_1993, %mul3A_1994 : i32
      %add3A_1996 = arith.constant 0 : i32
      %add3A_1997 = arith.addi %add3A_1996, %mul3A_1995 : i32
      %broadcast_in_dim3A = vector.broadcast %add3A_1997 : i32 to vector<16xi32>
      %get3A = arith.index_cast %add3A_1997 : i32 to index
      %get3A_1998 = arith.constant 0 : index
      %get3A_1999 = tpu.vector_load %arg9[%get3A, %get3A_1998] {strides = array<i32>} : memref<128x32xf32, #tpu.memory_space<vmem>>, vector<16xf32>,
      %add3A_2000 = arith.addi %mul3A_526, %broadcast_in_dim3A : vector<16xi32>
      tpu.vector_store_idx %arg17[%add3A_2000], %get3A_1999 : memref<4096xf32, #tpu.memory_space<vmem>>[vector<16xi32>], vector<16xf32>,
      %get3A_2001 = arith.index_cast %add3A_1997 : i32 to index
      %get3A_2002 = arith.constant 16 : index
      %get3A_2003 = tpu.vector_load %arg9[%get3A_2001, %get3A_2002] {strides = array<i32>} : memref<128x32xf32, #tpu.memory_space<vmem>>, vector<16xf32>,
      %add3A_2004 = arith.addi %mul3A_532, %broadcast_in_dim3A : vector<16xi32>
      tpu.vector_store_idx %arg17[%add3A_2004], %get3A_2003 : memref<4096xf32, #tpu.memory_space<vmem>>[vector<16xi32>], vector<16xf32>,
    }
    %scan3A_740 = arith.constant 128 : i32
    %dma_start3A_741 = arith.constant 1408 : i32
    %dma_start3A_742 = tpu.memref_slice %arg5[%dma_start3A_741] : memref<13312xi32, #tpu.memory_space<vmem>> -> memref<128xi32, #tpu.memory_space<vmem>>
    %dma_start3A_743 = arith.constant 0 : i32
    %dma_start3A_744 = arith.constant 0 : i32
    %dma_start3A_745 = tpu.memref_slice %arg3[%dma_start3A_743, %dma_start3A_744] : memref<1000000x32xf32, #tpu.memory_space<hbm>> -> memref<1000000x32xf32, #tpu.memory_space<hbm>>
    tpu.enqueue_indirect_dma source(%dma_start3A_745 : memref<1000000x32xf32, #tpu.memory_space<hbm>>) target(%arg9 : memref<128x32xf32, #tpu.memory_space<vmem>>) offsets(%dma_start3A_742 : memref<128xi32, #tpu.memory_space<vmem>>) semaphore(%arg25 : memref<!tpu.dma_semaphore, #tpu.memory_space<semaphore_mem>>)
    %add3A_746 = arith.constant 3 : i32
    %add3A_747 = arith.addi %mul3A_2, %add3A_746 : i32
    %mul3A_748 = arith.constant 1024 : i32
    %mul3A_749 = arith.muli %add3A_747, %mul3A_748 : i32
    %add3A_750 = arith.constant 0 : i32
    %add3A_751 = arith.addi %add3A_750, %mul3A_749 : i32
    %add3A_752 = arith.constant 0 : i32
    %add3A_753 = arith.addi %add3A_751, %add3A_752 : i32
    %add3A_754 = arith.constant 131072 : i32
    %add3A_755 = arith.addi %add3A_751, %add3A_754 : i32
    %add3A_756 = arith.constant 262144 : i32
    %add3A_757 = arith.addi %add3A_751, %add3A_756 : i32
    %add3A_758 = arith.constant 393216 : i32
    %add3A_759 = arith.addi %add3A_751, %add3A_758 : i32
    %dma_start3A_760 = arith.constant 0 : i32
    %dma_start3A_761 = tpu.memref_slice %arg17[%dma_start3A_760] : memref<4096xf32, #tpu.memory_space<vmem>> -> memref<1024xf32, #tpu.memory_space<vmem>>
    %dma_start3A_762 = tpu.memref_slice %arg4[%add3A_753] : memref<13631488xf32, #tpu.memory_space<hbm>> -> memref<1024xf32, #tpu.memory_space<hbm>>
    %dma_start3A_763 = tpu.memref_slice %arg4[%add3A_753] : memref<13631488xf32, #tpu.memory_space<hbm>> -> memref<1024xf32, #tpu.memory_space<hbm>>
    %dma_start3A_764 = arith.constant 0 : i32
    %dma_start3A_765 = tpu.memref_slice %arg17[%dma_start3A_764] : memref<4096xf32, #tpu.memory_space<vmem>> -> memref<1024xf32, #tpu.memory_space<vmem>>
    tpu.enqueue_dma source(%dma_start3A_765 : memref<1024xf32, #tpu.memory_space<vmem>>) target(%dma_start3A_763 : memref<1024xf32, #tpu.memory_space<hbm>>) target_semaphore(%arg33 : memref<!tpu.dma_semaphore, #tpu.memory_space<semaphore_mem>>)
    %dma_start3A_766 = arith.constant 1024 : i32
    %dma_start3A_767 = tpu.memref_slice %arg17[%dma_start3A_766] : memref<4096xf32, #tpu.memory_space<vmem>> -> memref<1024xf32, #tpu.memory_space<vmem>>
    %dma_start3A_768 = tpu.memref_slice %arg4[%add3A_755] : memref<13631488xf32, #tpu.memory_space<hbm>> -> memref<1024xf32, #tpu.memory_space<hbm>>
    %dma_start3A_769 = tpu.memref_slice %arg4[%add3A_755] : memref<13631488xf32, #tpu.memory_space<hbm>> -> memref<1024xf32, #tpu.memory_space<hbm>>
    %dma_start3A_770 = arith.constant 1024 : i32
    %dma_start3A_771 = tpu.memref_slice %arg17[%dma_start3A_770] : memref<4096xf32, #tpu.memory_space<vmem>> -> memref<1024xf32, #tpu.memory_space<vmem>>
    tpu.enqueue_dma source(%dma_start3A_771 : memref<1024xf32, #tpu.memory_space<vmem>>) target(%dma_start3A_769 : memref<1024xf32, #tpu.memory_space<hbm>>) target_semaphore(%arg33 : memref<!tpu.dma_semaphore, #tpu.memory_space<semaphore_mem>>)
    %dma_start3A_772 = arith.constant 2048 : i32
    %dma_start3A_773 = tpu.memref_slice %arg17[%dma_start3A_772] : memref<4096xf32, #tpu.memory_space<vmem>> -> memref<1024xf32, #tpu.memory_space<vmem>>
    %dma_start3A_774 = tpu.memref_slice %arg4[%add3A_757] : memref<13631488xf32, #tpu.memory_space<hbm>> -> memref<1024xf32, #tpu.memory_space<hbm>>
    %dma_start3A_775 = tpu.memref_slice %arg4[%add3A_757] : memref<13631488xf32, #tpu.memory_space<hbm>> -> memref<1024xf32, #tpu.memory_space<hbm>>
    %dma_start3A_776 = arith.constant 2048 : i32
    %dma_start3A_777 = tpu.memref_slice %arg17[%dma_start3A_776] : memref<4096xf32, #tpu.memory_space<vmem>> -> memref<1024xf32, #tpu.memory_space<vmem>>
    tpu.enqueue_dma source(%dma_start3A_777 : memref<1024xf32, #tpu.memory_space<vmem>>) target(%dma_start3A_775 : memref<1024xf32, #tpu.memory_space<hbm>>) target_semaphore(%arg33 : memref<!tpu.dma_semaphore, #tpu.memory_space<semaphore_mem>>)
    %dma_start3A_778 = arith.constant 3072 : i32
    %dma_start3A_779 = tpu.memref_slice %arg17[%dma_start3A_778] : memref<4096xf32, #tpu.memory_space<vmem>> -> memref<1024xf32, #tpu.memory_space<vmem>>
    %dma_start3A_780 = tpu.memref_slice %arg4[%add3A_759] : memref<13631488xf32, #tpu.memory_space<hbm>> -> memref<1024xf32, #tpu.memory_space<hbm>>
    %dma_start3A_781 = tpu.memref_slice %arg4[%add3A_759] : memref<13631488xf32, #tpu.memory_space<hbm>> -> memref<1024xf32, #tpu.memory_space<hbm>>
    %dma_start3A_782 = arith.constant 3072 : i32
    %dma_start3A_783 = tpu.memref_slice %arg17[%dma_start3A_782] : memref<4096xf32, #tpu.memory_space<vmem>> -> memref<1024xf32, #tpu.memory_space<vmem>>
    tpu.enqueue_dma source(%dma_start3A_783 : memref<1024xf32, #tpu.memory_space<vmem>>) target(%dma_start3A_781 : memref<1024xf32, #tpu.memory_space<hbm>>) target_semaphore(%arg33 : memref<!tpu.dma_semaphore, #tpu.memory_space<semaphore_mem>>)
    %dma_wait3A_784 = arith.constant 512 : i32
    %dma_wait3A_785 = tpu.memref_slice %arg5[%dma_wait3A_784] : memref<13312xi32, #tpu.memory_space<vmem>> -> memref<128xi32, #tpu.memory_space<vmem>>
    %dma_wait3A_786 = arith.constant 0 : i32
    %dma_wait3A_787 = arith.constant 0 : i32
    %dma_wait3A_788 = tpu.memref_slice %arg3[%dma_wait3A_786, %dma_wait3A_787] : memref<1000000x32xf32, #tpu.memory_space<hbm>> -> memref<1000000x32xf32, #tpu.memory_space<hbm>>
    tpu.wait_indirect_dma semaphore(%arg26 : memref<!tpu.dma_semaphore, #tpu.memory_space<semaphore_mem>>) src(%dma_wait3A_788 : memref<1000000x32xf32, #tpu.memory_space<hbm>>) dst(%arg10 : memref<128x32xf32, #tpu.memory_space<vmem>>)
    %scan3A_789 = arith.constant 0 : i32
    %scan3A_790 = arith.constant 128 : i32
    %scan3A_791 = arith.addi %scan3A_789, %scan3A_790 : i32
    %scan3A_792 = arith.constant 1 : i32
    scf.for %scan3A_1993 = %scan3A_789 to %scan3A_791 step %scan3A_792  : i32 {
      %mul3A_1994 = arith.constant 1 : i32
      %mul3A_1995 = arith.muli %scan3A_1993, %mul3A_1994 : i32
      %add3A_1996 = arith.constant 0 : i32
      %add3A_1997 = arith.addi %add3A_1996, %mul3A_1995 : i32
      %broadcast_in_dim3A = vector.broadcast %add3A_1997 : i32 to vector<16xi32>
      %get3A = arith.index_cast %add3A_1997 : i32 to index
      %get3A_1998 = arith.constant 0 : index
      %get3A_1999 = tpu.vector_load %arg10[%get3A, %get3A_1998] {strides = array<i32>} : memref<128x32xf32, #tpu.memory_space<vmem>>, vector<16xf32>,
      %add3A_2000 = arith.addi %mul3A_526, %broadcast_in_dim3A : vector<16xi32>
      tpu.vector_store_idx %arg18[%add3A_2000], %get3A_1999 : memref<4096xf32, #tpu.memory_space<vmem>>[vector<16xi32>], vector<16xf32>,
      %get3A_2001 = arith.index_cast %add3A_1997 : i32 to index
      %get3A_2002 = arith.constant 16 : index
      %get3A_2003 = tpu.vector_load %arg10[%get3A_2001, %get3A_2002] {strides = array<i32>} : memref<128x32xf32, #tpu.memory_space<vmem>>, vector<16xf32>,
      %add3A_2004 = arith.addi %mul3A_532, %broadcast_in_dim3A : vector<16xi32>
      tpu.vector_store_idx %arg18[%add3A_2004], %get3A_2003 : memref<4096xf32, #tpu.memory_space<vmem>>[vector<16xi32>], vector<16xf32>,
    }
    %scan3A_793 = arith.constant 128 : i32
    %dma_start3A_794 = arith.constant 1536 : i32
    %dma_start3A_795 = tpu.memref_slice %arg5[%dma_start3A_794] : memref<13312xi32, #tpu.memory_space<vmem>> -> memref<128xi32, #tpu.memory_space<vmem>>
    %dma_start3A_796 = arith.constant 0 : i32
    %dma_start3A_797 = arith.constant 0 : i32
    %dma_start3A_798 = tpu.memref_slice %arg3[%dma_start3A_796, %dma_start3A_797] : memref<1000000x32xf32, #tpu.memory_space<hbm>> -> memref<1000000x32xf32, #tpu.memory_space<hbm>>
    tpu.enqueue_indirect_dma source(%dma_start3A_798 : memref<1000000x32xf32, #tpu.memory_space<hbm>>) target(%arg10 : memref<128x32xf32, #tpu.memory_space<vmem>>) offsets(%dma_start3A_795 : memref<128xi32, #tpu.memory_space<vmem>>) semaphore(%arg26 : memref<!tpu.dma_semaphore, #tpu.memory_space<semaphore_mem>>)
    %add3A_799 = arith.constant 0 : i32
    %add3A_800 = arith.addi %mul3A_2, %add3A_799 : i32
    %mul3A_801 = arith.constant 1024 : i32
    %mul3A_802 = arith.muli %add3A_800, %mul3A_801 : i32
    %add3A_803 = arith.constant 524288 : i32
    %add3A_804 = arith.addi %add3A_803, %mul3A_802 : i32
    %add3A_805 = arith.constant 0 : i32
    %add3A_806 = arith.addi %add3A_804, %add3A_805 : i32
    %add3A_807 = arith.constant 131072 : i32
    %add3A_808 = arith.addi %add3A_804, %add3A_807 : i32
    %add3A_809 = arith.constant 262144 : i32
    %add3A_810 = arith.addi %add3A_804, %add3A_809 : i32
    %add3A_811 = arith.constant 393216 : i32
    %add3A_812 = arith.addi %add3A_804, %add3A_811 : i32
    %dma_start3A_813 = arith.constant 0 : i32
    %dma_start3A_814 = tpu.memref_slice %arg18[%dma_start3A_813] : memref<4096xf32, #tpu.memory_space<vmem>> -> memref<1024xf32, #tpu.memory_space<vmem>>
    %dma_start3A_815 = tpu.memref_slice %arg4[%add3A_806] : memref<13631488xf32, #tpu.memory_space<hbm>> -> memref<1024xf32, #tpu.memory_space<hbm>>
    %dma_start3A_816 = tpu.memref_slice %arg4[%add3A_806] : memref<13631488xf32, #tpu.memory_space<hbm>> -> memref<1024xf32, #tpu.memory_space<hbm>>
    %dma_start3A_817 = arith.constant 0 : i32
    %dma_start3A_818 = tpu.memref_slice %arg18[%dma_start3A_817] : memref<4096xf32, #tpu.memory_space<vmem>> -> memref<1024xf32, #tpu.memory_space<vmem>>
    tpu.enqueue_dma source(%dma_start3A_818 : memref<1024xf32, #tpu.memory_space<vmem>>) target(%dma_start3A_816 : memref<1024xf32, #tpu.memory_space<hbm>>) target_semaphore(%arg34 : memref<!tpu.dma_semaphore, #tpu.memory_space<semaphore_mem>>)
    %dma_start3A_819 = arith.constant 1024 : i32
    %dma_start3A_820 = tpu.memref_slice %arg18[%dma_start3A_819] : memref<4096xf32, #tpu.memory_space<vmem>> -> memref<1024xf32, #tpu.memory_space<vmem>>
    %dma_start3A_821 = tpu.memref_slice %arg4[%add3A_808] : memref<13631488xf32, #tpu.memory_space<hbm>> -> memref<1024xf32, #tpu.memory_space<hbm>>
    %dma_start3A_822 = tpu.memref_slice %arg4[%add3A_808] : memref<13631488xf32, #tpu.memory_space<hbm>> -> memref<1024xf32, #tpu.memory_space<hbm>>
    %dma_start3A_823 = arith.constant 1024 : i32
    %dma_start3A_824 = tpu.memref_slice %arg18[%dma_start3A_823] : memref<4096xf32, #tpu.memory_space<vmem>> -> memref<1024xf32, #tpu.memory_space<vmem>>
    tpu.enqueue_dma source(%dma_start3A_824 : memref<1024xf32, #tpu.memory_space<vmem>>) target(%dma_start3A_822 : memref<1024xf32, #tpu.memory_space<hbm>>) target_semaphore(%arg34 : memref<!tpu.dma_semaphore, #tpu.memory_space<semaphore_mem>>)
    %dma_start3A_825 = arith.constant 2048 : i32
    %dma_start3A_826 = tpu.memref_slice %arg18[%dma_start3A_825] : memref<4096xf32, #tpu.memory_space<vmem>> -> memref<1024xf32, #tpu.memory_space<vmem>>
    %dma_start3A_827 = tpu.memref_slice %arg4[%add3A_810] : memref<13631488xf32, #tpu.memory_space<hbm>> -> memref<1024xf32, #tpu.memory_space<hbm>>
    %dma_start3A_828 = tpu.memref_slice %arg4[%add3A_810] : memref<13631488xf32, #tpu.memory_space<hbm>> -> memref<1024xf32, #tpu.memory_space<hbm>>
    %dma_start3A_829 = arith.constant 2048 : i32
    %dma_start3A_830 = tpu.memref_slice %arg18[%dma_start3A_829] : memref<4096xf32, #tpu.memory_space<vmem>> -> memref<1024xf32, #tpu.memory_space<vmem>>
    tpu.enqueue_dma source(%dma_start3A_830 : memref<1024xf32, #tpu.memory_space<vmem>>) target(%dma_start3A_828 : memref<1024xf32, #tpu.memory_space<hbm>>) target_semaphore(%arg34 : memref<!tpu.dma_semaphore, #tpu.memory_space<semaphore_mem>>)
    %dma_start3A_831 = arith.constant 3072 : i32
    %dma_start3A_832 = tpu.memref_slice %arg18[%dma_start3A_831] : memref<4096xf32, #tpu.memory_space<vmem>> -> memref<1024xf32, #tpu.memory_space<vmem>>
    %dma_start3A_833 = tpu.memref_slice %arg4[%add3A_812] : memref<13631488xf32, #tpu.memory_space<hbm>> -> memref<1024xf32, #tpu.memory_space<hbm>>
    %dma_start3A_834 = tpu.memref_slice %arg4[%add3A_812] : memref<13631488xf32, #tpu.memory_space<hbm>> -> memref<1024xf32, #tpu.memory_space<hbm>>
    %dma_start3A_835 = arith.constant 3072 : i32
    %dma_start3A_836 = tpu.memref_slice %arg18[%dma_start3A_835] : memref<4096xf32, #tpu.memory_space<vmem>> -> memref<1024xf32, #tpu.memory_space<vmem>>
    tpu.enqueue_dma source(%dma_start3A_836 : memref<1024xf32, #tpu.memory_space<vmem>>) target(%dma_start3A_834 : memref<1024xf32, #tpu.memory_space<hbm>>) target_semaphore(%arg34 : memref<!tpu.dma_semaphore, #tpu.memory_space<semaphore_mem>>)
    %dma_wait3A_837 = arith.constant 640 : i32
    %dma_wait3A_838 = tpu.memref_slice %arg5[%dma_wait3A_837] : memref<13312xi32, #tpu.memory_space<vmem>> -> memref<128xi32, #tpu.memory_space<vmem>>
    %dma_wait3A_839 = arith.constant 0 : i32
    %dma_wait3A_840 = arith.constant 0 : i32
    %dma_wait3A_841 = tpu.memref_slice %arg3[%dma_wait3A_839, %dma_wait3A_840] : memref<1000000x32xf32, #tpu.memory_space<hbm>> -> memref<1000000x32xf32, #tpu.memory_space<hbm>>
    tpu.wait_indirect_dma semaphore(%arg27 : memref<!tpu.dma_semaphore, #tpu.memory_space<semaphore_mem>>) src(%dma_wait3A_841 : memref<1000000x32xf32, #tpu.memory_space<hbm>>) dst(%arg11 : memref<128x32xf32, #tpu.memory_space<vmem>>)
    %scan3A_842 = arith.constant 0 : i32
    %scan3A_843 = arith.constant 128 : i32
    %scan3A_844 = arith.addi %scan3A_842, %scan3A_843 : i32
    %scan3A_845 = arith.constant 1 : i32
    scf.for %scan3A_1993 = %scan3A_842 to %scan3A_844 step %scan3A_845  : i32 {
      %mul3A_1994 = arith.constant 1 : i32
      %mul3A_1995 = arith.muli %scan3A_1993, %mul3A_1994 : i32
      %add3A_1996 = arith.constant 0 : i32
      %add3A_1997 = arith.addi %add3A_1996, %mul3A_1995 : i32
      %broadcast_in_dim3A = vector.broadcast %add3A_1997 : i32 to vector<16xi32>
      %get3A = arith.index_cast %add3A_1997 : i32 to index
      %get3A_1998 = arith.constant 0 : index
      %get3A_1999 = tpu.vector_load %arg11[%get3A, %get3A_1998] {strides = array<i32>} : memref<128x32xf32, #tpu.memory_space<vmem>>, vector<16xf32>,
      %add3A_2000 = arith.addi %mul3A_526, %broadcast_in_dim3A : vector<16xi32>
      tpu.vector_store_idx %arg19[%add3A_2000], %get3A_1999 : memref<4096xf32, #tpu.memory_space<vmem>>[vector<16xi32>], vector<16xf32>,
      %get3A_2001 = arith.index_cast %add3A_1997 : i32 to index
      %get3A_2002 = arith.constant 16 : index
      %get3A_2003 = tpu.vector_load %arg11[%get3A_2001, %get3A_2002] {strides = array<i32>} : memref<128x32xf32, #tpu.memory_space<vmem>>, vector<16xf32>,
      %add3A_2004 = arith.addi %mul3A_532, %broadcast_in_dim3A : vector<16xi32>
      tpu.vector_store_idx %arg19[%add3A_2004], %get3A_2003 : memref<4096xf32, #tpu.memory_space<vmem>>[vector<16xi32>], vector<16xf32>,
    }
    %scan3A_846 = arith.constant 128 : i32
    %dma_start3A_847 = arith.constant 1664 : i32
    %dma_start3A_848 = tpu.memref_slice %arg5[%dma_start3A_847] : memref<13312xi32, #tpu.memory_space<vmem>> -> memref<128xi32, #tpu.memory_space<vmem>>
    %dma_start3A_849 = arith.constant 0 : i32
    %dma_start3A_850 = arith.constant 0 : i32
    %dma_start3A_851 = tpu.memref_slice %arg3[%dma_start3A_849, %dma_start3A_850] : memref<1000000x32xf32, #tpu.memory_space<hbm>> -> memref<1000000x32xf32, #tpu.memory_space<hbm>>
    tpu.enqueue_indirect_dma source(%dma_start3A_851 : memref<1000000x32xf32, #tpu.memory_space<hbm>>) target(%arg11 : memref<128x32xf32, #tpu.memory_space<vmem>>) offsets(%dma_start3A_848 : memref<128xi32, #tpu.memory_space<vmem>>) semaphore(%arg27 : memref<!tpu.dma_semaphore, #tpu.memory_space<semaphore_mem>>)
    %add3A_852 = arith.constant 1 : i32
    %add3A_853 = arith.addi %mul3A_2, %add3A_852 : i32
    %mul3A_854 = arith.constant 1024 : i32
    %mul3A_855 = arith.muli %add3A_853, %mul3A_854 : i32
    %add3A_856 = arith.constant 524288 : i32
    %add3A_857 = arith.addi %add3A_856, %mul3A_855 : i32
    %add3A_858 = arith.constant 0 : i32
    %add3A_859 = arith.addi %add3A_857, %add3A_858 : i32
    %add3A_860 = arith.constant 131072 : i32
    %add3A_861 = arith.addi %add3A_857, %add3A_860 : i32
    %add3A_862 = arith.constant 262144 : i32
    %add3A_863 = arith.addi %add3A_857, %add3A_862 : i32
    %add3A_864 = arith.constant 393216 : i32
    %add3A_865 = arith.addi %add3A_857, %add3A_864 : i32
    %dma_start3A_866 = arith.constant 0 : i32
    %dma_start3A_867 = tpu.memref_slice %arg19[%dma_start3A_866] : memref<4096xf32, #tpu.memory_space<vmem>> -> memref<1024xf32, #tpu.memory_space<vmem>>
    %dma_start3A_868 = tpu.memref_slice %arg4[%add3A_859] : memref<13631488xf32, #tpu.memory_space<hbm>> -> memref<1024xf32, #tpu.memory_space<hbm>>
    %dma_start3A_869 = tpu.memref_slice %arg4[%add3A_859] : memref<13631488xf32, #tpu.memory_space<hbm>> -> memref<1024xf32, #tpu.memory_space<hbm>>
    %dma_start3A_870 = arith.constant 0 : i32
    %dma_start3A_871 = tpu.memref_slice %arg19[%dma_start3A_870] : memref<4096xf32, #tpu.memory_space<vmem>> -> memref<1024xf32, #tpu.memory_space<vmem>>
    tpu.enqueue_dma source(%dma_start3A_871 : memref<1024xf32, #tpu.memory_space<vmem>>) target(%dma_start3A_869 : memref<1024xf32, #tpu.memory_space<hbm>>) target_semaphore(%arg35 : memref<!tpu.dma_semaphore, #tpu.memory_space<semaphore_mem>>)
    %dma_start3A_872 = arith.constant 1024 : i32
    %dma_start3A_873 = tpu.memref_slice %arg19[%dma_start3A_872] : memref<4096xf32, #tpu.memory_space<vmem>> -> memref<1024xf32, #tpu.memory_space<vmem>>
    %dma_start3A_874 = tpu.memref_slice %arg4[%add3A_861] : memref<13631488xf32, #tpu.memory_space<hbm>> -> memref<1024xf32, #tpu.memory_space<hbm>>
    %dma_start3A_875 = tpu.memref_slice %arg4[%add3A_861] : memref<13631488xf32, #tpu.memory_space<hbm>> -> memref<1024xf32, #tpu.memory_space<hbm>>
    %dma_start3A_876 = arith.constant 1024 : i32
    %dma_start3A_877 = tpu.memref_slice %arg19[%dma_start3A_876] : memref<4096xf32, #tpu.memory_space<vmem>> -> memref<1024xf32, #tpu.memory_space<vmem>>
    tpu.enqueue_dma source(%dma_start3A_877 : memref<1024xf32, #tpu.memory_space<vmem>>) target(%dma_start3A_875 : memref<1024xf32, #tpu.memory_space<hbm>>) target_semaphore(%arg35 : memref<!tpu.dma_semaphore, #tpu.memory_space<semaphore_mem>>)
    %dma_start3A_878 = arith.constant 2048 : i32
    %dma_start3A_879 = tpu.memref_slice %arg19[%dma_start3A_878] : memref<4096xf32, #tpu.memory_space<vmem>> -> memref<1024xf32, #tpu.memory_space<vmem>>
    %dma_start3A_880 = tpu.memref_slice %arg4[%add3A_863] : memref<13631488xf32, #tpu.memory_space<hbm>> -> memref<1024xf32, #tpu.memory_space<hbm>>
    %dma_start3A_881 = tpu.memref_slice %arg4[%add3A_863] : memref<13631488xf32, #tpu.memory_space<hbm>> -> memref<1024xf32, #tpu.memory_space<hbm>>
    %dma_start3A_882 = arith.constant 2048 : i32
    %dma_start3A_883 = tpu.memref_slice %arg19[%dma_start3A_882] : memref<4096xf32, #tpu.memory_space<vmem>> -> memref<1024xf32, #tpu.memory_space<vmem>>
    tpu.enqueue_dma source(%dma_start3A_883 : memref<1024xf32, #tpu.memory_space<vmem>>) target(%dma_start3A_881 : memref<1024xf32, #tpu.memory_space<hbm>>) target_semaphore(%arg35 : memref<!tpu.dma_semaphore, #tpu.memory_space<semaphore_mem>>)
    %dma_start3A_884 = arith.constant 3072 : i32
    %dma_start3A_885 = tpu.memref_slice %arg19[%dma_start3A_884] : memref<4096xf32, #tpu.memory_space<vmem>> -> memref<1024xf32, #tpu.memory_space<vmem>>
    %dma_start3A_886 = tpu.memref_slice %arg4[%add3A_865] : memref<13631488xf32, #tpu.memory_space<hbm>> -> memref<1024xf32, #tpu.memory_space<hbm>>
    %dma_start3A_887 = tpu.memref_slice %arg4[%add3A_865] : memref<13631488xf32, #tpu.memory_space<hbm>> -> memref<1024xf32, #tpu.memory_space<hbm>>
    %dma_start3A_888 = arith.constant 3072 : i32
    %dma_start3A_889 = tpu.memref_slice %arg19[%dma_start3A_888] : memref<4096xf32, #tpu.memory_space<vmem>> -> memref<1024xf32, #tpu.memory_space<vmem>>
    tpu.enqueue_dma source(%dma_start3A_889 : memref<1024xf32, #tpu.memory_space<vmem>>) target(%dma_start3A_887 : memref<1024xf32, #tpu.memory_space<hbm>>) target_semaphore(%arg35 : memref<!tpu.dma_semaphore, #tpu.memory_space<semaphore_mem>>)
    %dma_wait3A_890 = arith.constant 768 : i32
    %dma_wait3A_891 = tpu.memref_slice %arg5[%dma_wait3A_890] : memref<13312xi32, #tpu.memory_space<vmem>> -> memref<128xi32, #tpu.memory_space<vmem>>
    %dma_wait3A_892 = arith.constant 0 : i32
    %dma_wait3A_893 = arith.constant 0 : i32
    %dma_wait3A_894 = tpu.memref_slice %arg3[%dma_wait3A_892, %dma_wait3A_893] : memref<1000000x32xf32, #tpu.memory_space<hbm>> -> memref<1000000x32xf32, #tpu.memory_space<hbm>>
    tpu.wait_indirect_dma semaphore(%arg28 : memref<!tpu.dma_semaphore, #tpu.memory_space<semaphore_mem>>) src(%dma_wait3A_894 : memref<1000000x32xf32, #tpu.memory_space<hbm>>) dst(%arg12 : memref<128x32xf32, #tpu.memory_space<vmem>>)
    %scan3A_895 = arith.constant 0 : i32
    %scan3A_896 = arith.constant 128 : i32
    %scan3A_897 = arith.addi %scan3A_895, %scan3A_896 : i32
    %scan3A_898 = arith.constant 1 : i32
    scf.for %scan3A_1993 = %scan3A_895 to %scan3A_897 step %scan3A_898  : i32 {
      %mul3A_1994 = arith.constant 1 : i32
      %mul3A_1995 = arith.muli %scan3A_1993, %mul3A_1994 : i32
      %add3A_1996 = arith.constant 0 : i32
      %add3A_1997 = arith.addi %add3A_1996, %mul3A_1995 : i32
      %broadcast_in_dim3A = vector.broadcast %add3A_1997 : i32 to vector<16xi32>
      %get3A = arith.index_cast %add3A_1997 : i32 to index
      %get3A_1998 = arith.constant 0 : index
      %get3A_1999 = tpu.vector_load %arg12[%get3A, %get3A_1998] {strides = array<i32>} : memref<128x32xf32, #tpu.memory_space<vmem>>, vector<16xf32>,
      %add3A_2000 = arith.addi %mul3A_526, %broadcast_in_dim3A : vector<16xi32>
      tpu.vector_store_idx %arg20[%add3A_2000], %get3A_1999 : memref<4096xf32, #tpu.memory_space<vmem>>[vector<16xi32>], vector<16xf32>,
      %get3A_2001 = arith.index_cast %add3A_1997 : i32 to index
      %get3A_2002 = arith.constant 16 : index
      %get3A_2003 = tpu.vector_load %arg12[%get3A_2001, %get3A_2002] {strides = array<i32>} : memref<128x32xf32, #tpu.memory_space<vmem>>, vector<16xf32>,
      %add3A_2004 = arith.addi %mul3A_532, %broadcast_in_dim3A : vector<16xi32>
      tpu.vector_store_idx %arg20[%add3A_2004], %get3A_2003 : memref<4096xf32, #tpu.memory_space<vmem>>[vector<16xi32>], vector<16xf32>,
    }
    %scan3A_899 = arith.constant 128 : i32
    %dma_start3A_900 = arith.constant 1792 : i32
    %dma_start3A_901 = tpu.memref_slice %arg5[%dma_start3A_900] : memref<13312xi32, #tpu.memory_space<vmem>> -> memref<128xi32, #tpu.memory_space<vmem>>
    %dma_start3A_902 = arith.constant 0 : i32
    %dma_start3A_903 = arith.constant 0 : i32
    %dma_start3A_904 = tpu.memref_slice %arg3[%dma_start3A_902, %dma_start3A_903] : memref<1000000x32xf32, #tpu.memory_space<hbm>> -> memref<1000000x32xf32, #tpu.memory_space<hbm>>
    tpu.enqueue_indirect_dma source(%dma_start3A_904 : memref<1000000x32xf32, #tpu.memory_space<hbm>>) target(%arg12 : memref<128x32xf32, #tpu.memory_space<vmem>>) offsets(%dma_start3A_901 : memref<128xi32, #tpu.memory_space<vmem>>) semaphore(%arg28 : memref<!tpu.dma_semaphore, #tpu.memory_space<semaphore_mem>>)
    %add3A_905 = arith.constant 2 : i32
    %add3A_906 = arith.addi %mul3A_2, %add3A_905 : i32
    %mul3A_907 = arith.constant 1024 : i32
    %mul3A_908 = arith.muli %add3A_906, %mul3A_907 : i32
    %add3A_909 = arith.constant 524288 : i32
    %add3A_910 = arith.addi %add3A_909, %mul3A_908 : i32
    %add3A_911 = arith.constant 0 : i32
    %add3A_912 = arith.addi %add3A_910, %add3A_911 : i32
    %add3A_913 = arith.constant 131072 : i32
    %add3A_914 = arith.addi %add3A_910, %add3A_913 : i32
    %add3A_915 = arith.constant 262144 : i32
    %add3A_916 = arith.addi %add3A_910, %add3A_915 : i32
    %add3A_917 = arith.constant 393216 : i32
    %add3A_918 = arith.addi %add3A_910, %add3A_917 : i32
    %dma_start3A_919 = arith.constant 0 : i32
    %dma_start3A_920 = tpu.memref_slice %arg20[%dma_start3A_919] : memref<4096xf32, #tpu.memory_space<vmem>> -> memref<1024xf32, #tpu.memory_space<vmem>>
    %dma_start3A_921 = tpu.memref_slice %arg4[%add3A_912] : memref<13631488xf32, #tpu.memory_space<hbm>> -> memref<1024xf32, #tpu.memory_space<hbm>>
    %dma_start3A_922 = tpu.memref_slice %arg4[%add3A_912] : memref<13631488xf32, #tpu.memory_space<hbm>> -> memref<1024xf32, #tpu.memory_space<hbm>>
    %dma_start3A_923 = arith.constant 0 : i32
    %dma_start3A_924 = tpu.memref_slice %arg20[%dma_start3A_923] : memref<4096xf32, #tpu.memory_space<vmem>> -> memref<1024xf32, #tpu.memory_space<vmem>>
    tpu.enqueue_dma source(%dma_start3A_924 : memref<1024xf32, #tpu.memory_space<vmem>>) target(%dma_start3A_922 : memref<1024xf32, #tpu.memory_space<hbm>>) target_semaphore(%arg36 : memref<!tpu.dma_semaphore, #tpu.memory_space<semaphore_mem>>)
    %dma_start3A_925 = arith.constant 1024 : i32
    %dma_start3A_926 = tpu.memref_slice %arg20[%dma_start3A_925] : memref<4096xf32, #tpu.memory_space<vmem>> -> memref<1024xf32, #tpu.memory_space<vmem>>
    %dma_start3A_927 = tpu.memref_slice %arg4[%add3A_914] : memref<13631488xf32, #tpu.memory_space<hbm>> -> memref<1024xf32, #tpu.memory_space<hbm>>
    %dma_start3A_928 = tpu.memref_slice %arg4[%add3A_914] : memref<13631488xf32, #tpu.memory_space<hbm>> -> memref<1024xf32, #tpu.memory_space<hbm>>
    %dma_start3A_929 = arith.constant 1024 : i32
    %dma_start3A_930 = tpu.memref_slice %arg20[%dma_start3A_929] : memref<4096xf32, #tpu.memory_space<vmem>> -> memref<1024xf32, #tpu.memory_space<vmem>>
    tpu.enqueue_dma source(%dma_start3A_930 : memref<1024xf32, #tpu.memory_space<vmem>>) target(%dma_start3A_928 : memref<1024xf32, #tpu.memory_space<hbm>>) target_semaphore(%arg36 : memref<!tpu.dma_semaphore, #tpu.memory_space<semaphore_mem>>)
    %dma_start3A_931 = arith.constant 2048 : i32
    %dma_start3A_932 = tpu.memref_slice %arg20[%dma_start3A_931] : memref<4096xf32, #tpu.memory_space<vmem>> -> memref<1024xf32, #tpu.memory_space<vmem>>
    %dma_start3A_933 = tpu.memref_slice %arg4[%add3A_916] : memref<13631488xf32, #tpu.memory_space<hbm>> -> memref<1024xf32, #tpu.memory_space<hbm>>
    %dma_start3A_934 = tpu.memref_slice %arg4[%add3A_916] : memref<13631488xf32, #tpu.memory_space<hbm>> -> memref<1024xf32, #tpu.memory_space<hbm>>
    %dma_start3A_935 = arith.constant 2048 : i32
    %dma_start3A_936 = tpu.memref_slice %arg20[%dma_start3A_935] : memref<4096xf32, #tpu.memory_space<vmem>> -> memref<1024xf32, #tpu.memory_space<vmem>>
    tpu.enqueue_dma source(%dma_start3A_936 : memref<1024xf32, #tpu.memory_space<vmem>>) target(%dma_start3A_934 : memref<1024xf32, #tpu.memory_space<hbm>>) target_semaphore(%arg36 : memref<!tpu.dma_semaphore, #tpu.memory_space<semaphore_mem>>)
    %dma_start3A_937 = arith.constant 3072 : i32
    %dma_start3A_938 = tpu.memref_slice %arg20[%dma_start3A_937] : memref<4096xf32, #tpu.memory_space<vmem>> -> memref<1024xf32, #tpu.memory_space<vmem>>
    %dma_start3A_939 = tpu.memref_slice %arg4[%add3A_918] : memref<13631488xf32, #tpu.memory_space<hbm>> -> memref<1024xf32, #tpu.memory_space<hbm>>
    %dma_start3A_940 = tpu.memref_slice %arg4[%add3A_918] : memref<13631488xf32, #tpu.memory_space<hbm>> -> memref<1024xf32, #tpu.memory_space<hbm>>
    %dma_start3A_941 = arith.constant 3072 : i32
    %dma_start3A_942 = tpu.memref_slice %arg20[%dma_start3A_941] : memref<4096xf32, #tpu.memory_space<vmem>> -> memref<1024xf32, #tpu.memory_space<vmem>>
    tpu.enqueue_dma source(%dma_start3A_942 : memref<1024xf32, #tpu.memory_space<vmem>>) target(%dma_start3A_940 : memref<1024xf32, #tpu.memory_space<hbm>>) target_semaphore(%arg36 : memref<!tpu.dma_semaphore, #tpu.memory_space<semaphore_mem>>)
    %dma_wait3A_943 = arith.constant 896 : i32
    %dma_wait3A_944 = tpu.memref_slice %arg5[%dma_wait3A_943] : memref<13312xi32, #tpu.memory_space<vmem>> -> memref<128xi32, #tpu.memory_space<vmem>>
    %dma_wait3A_945 = arith.constant 0 : i32
    %dma_wait3A_946 = arith.constant 0 : i32
    %dma_wait3A_947 = tpu.memref_slice %arg3[%dma_wait3A_945, %dma_wait3A_946] : memref<1000000x32xf32, #tpu.memory_space<hbm>> -> memref<1000000x32xf32, #tpu.memory_space<hbm>>
    tpu.wait_indirect_dma semaphore(%arg29 : memref<!tpu.dma_semaphore, #tpu.memory_space<semaphore_mem>>) src(%dma_wait3A_947 : memref<1000000x32xf32, #tpu.memory_space<hbm>>) dst(%arg13 : memref<128x32xf32, #tpu.memory_space<vmem>>)
    %scan3A_948 = arith.constant 0 : i32
    %scan3A_949 = arith.constant 128 : i32
    %scan3A_950 = arith.addi %scan3A_948, %scan3A_949 : i32
    %scan3A_951 = arith.constant 1 : i32
    scf.for %scan3A_1993 = %scan3A_948 to %scan3A_950 step %scan3A_951  : i32 {
      %mul3A_1994 = arith.constant 1 : i32
      %mul3A_1995 = arith.muli %scan3A_1993, %mul3A_1994 : i32
      %add3A_1996 = arith.constant 0 : i32
      %add3A_1997 = arith.addi %add3A_1996, %mul3A_1995 : i32
      %broadcast_in_dim3A = vector.broadcast %add3A_1997 : i32 to vector<16xi32>
      %get3A = arith.index_cast %add3A_1997 : i32 to index
      %get3A_1998 = arith.constant 0 : index
      %get3A_1999 = tpu.vector_load %arg13[%get3A, %get3A_1998] {strides = array<i32>} : memref<128x32xf32, #tpu.memory_space<vmem>>, vector<16xf32>,
      %add3A_2000 = arith.addi %mul3A_526, %broadcast_in_dim3A : vector<16xi32>
      tpu.vector_store_idx %arg21[%add3A_2000], %get3A_1999 : memref<4096xf32, #tpu.memory_space<vmem>>[vector<16xi32>], vector<16xf32>,
      %get3A_2001 = arith.index_cast %add3A_1997 : i32 to index
      %get3A_2002 = arith.constant 16 : index
      %get3A_2003 = tpu.vector_load %arg13[%get3A_2001, %get3A_2002] {strides = array<i32>} : memref<128x32xf32, #tpu.memory_space<vmem>>, vector<16xf32>,
      %add3A_2004 = arith.addi %mul3A_532, %broadcast_in_dim3A : vector<16xi32>
      tpu.vector_store_idx %arg21[%add3A_2004], %get3A_2003 : memref<4096xf32, #tpu.memory_space<vmem>>[vector<16xi32>], vector<16xf32>,
    }
    %scan3A_952 = arith.constant 128 : i32
    %dma_start3A_953 = arith.constant 1920 : i32
    %dma_start3A_954 = tpu.memref_slice %arg5[%dma_start3A_953] : memref<13312xi32, #tpu.memory_space<vmem>> -> memref<128xi32, #tpu.memory_space<vmem>>
    %dma_start3A_955 = arith.constant 0 : i32
    %dma_start3A_956 = arith.constant 0 : i32
    %dma_start3A_957 = tpu.memref_slice %arg3[%dma_start3A_955, %dma_start3A_956] : memref<1000000x32xf32, #tpu.memory_space<hbm>> -> memref<1000000x32xf32, #tpu.memory_space<hbm>>
    tpu.enqueue_indirect_dma source(%dma_start3A_957 : memref<1000000x32xf32, #tpu.memory_space<hbm>>) target(%arg13 : memref<128x32xf32, #tpu.memory_space<vmem>>) offsets(%dma_start3A_954 : memref<128xi32, #tpu.memory_space<vmem>>) semaphore(%arg29 : memref<!tpu.dma_semaphore, #tpu.memory_space<semaphore_mem>>)
    %add3A_958 = arith.constant 3 : i32
    %add3A_959 = arith.addi %mul3A_2, %add3A_958 : i32
    %mul3A_960 = arith.constant 1024 : i32
    %mul3A_961 = arith.muli %add3A_959, %mul3A_960 : i32
    %add3A_962 = arith.constant 524288 : i32
    %add3A_963 = arith.addi %add3A_962, %mul3A_961 : i32
    %add3A_964 = arith.constant 0 : i32
    %add3A_965 = arith.addi %add3A_963, %add3A_964 : i32
    %add3A_966 = arith.constant 131072 : i32
    %add3A_967 = arith.addi %add3A_963, %add3A_966 : i32
    %add3A_968 = arith.constant 262144 : i32
    %add3A_969 = arith.addi %add3A_963, %add3A_968 : i32
    %add3A_970 = arith.constant 393216 : i32
    %add3A_971 = arith.addi %add3A_963, %add3A_970 : i32
    %dma_start3A_972 = arith.constant 0 : i32
    %dma_start3A_973 = tpu.memref_slice %arg21[%dma_start3A_972] : memref<4096xf32, #tpu.memory_space<vmem>> -> memref<1024xf32, #tpu.memory_space<vmem>>
    %dma_start3A_974 = tpu.memref_slice %arg4[%add3A_965] : memref<13631488xf32, #tpu.memory_space<hbm>> -> memref<1024xf32, #tpu.memory_space<hbm>>
    %dma_start3A_975 = tpu.memref_slice %arg4[%add3A_965] : memref<13631488xf32, #tpu.memory_space<hbm>> -> memref<1024xf32, #tpu.memory_space<hbm>>
    %dma_start3A_976 = arith.constant 0 : i32
    %dma_start3A_977 = tpu.memref_slice %arg21[%dma_start3A_976] : memref<4096xf32, #tpu.memory_space<vmem>> -> memref<1024xf32, #tpu.memory_space<vmem>>
    tpu.enqueue_dma source(%dma_start3A_977 : memref<1024xf32, #tpu.memory_space<vmem>>) target(%dma_start3A_975 : memref<1024xf32, #tpu.memory_space<hbm>>) target_semaphore(%arg37 : memref<!tpu.dma_semaphore, #tpu.memory_space<semaphore_mem>>)
    %dma_start3A_978 = arith.constant 1024 : i32
    %dma_start3A_979 = tpu.memref_slice %arg21[%dma_start3A_978] : memref<4096xf32, #tpu.memory_space<vmem>> -> memref<1024xf32, #tpu.memory_space<vmem>>
    %dma_start3A_980 = tpu.memref_slice %arg4[%add3A_967] : memref<13631488xf32, #tpu.memory_space<hbm>> -> memref<1024xf32, #tpu.memory_space<hbm>>
    %dma_start3A_981 = tpu.memref_slice %arg4[%add3A_967] : memref<13631488xf32, #tpu.memory_space<hbm>> -> memref<1024xf32, #tpu.memory_space<hbm>>
    %dma_start3A_982 = arith.constant 1024 : i32
    %dma_start3A_983 = tpu.memref_slice %arg21[%dma_start3A_982] : memref<4096xf32, #tpu.memory_space<vmem>> -> memref<1024xf32, #tpu.memory_space<vmem>>
    tpu.enqueue_dma source(%dma_start3A_983 : memref<1024xf32, #tpu.memory_space<vmem>>) target(%dma_start3A_981 : memref<1024xf32, #tpu.memory_space<hbm>>) target_semaphore(%arg37 : memref<!tpu.dma_semaphore, #tpu.memory_space<semaphore_mem>>)
    %dma_start3A_984 = arith.constant 2048 : i32
    %dma_start3A_985 = tpu.memref_slice %arg21[%dma_start3A_984] : memref<4096xf32, #tpu.memory_space<vmem>> -> memref<1024xf32, #tpu.memory_space<vmem>>
    %dma_start3A_986 = tpu.memref_slice %arg4[%add3A_969] : memref<13631488xf32, #tpu.memory_space<hbm>> -> memref<1024xf32, #tpu.memory_space<hbm>>
    %dma_start3A_987 = tpu.memref_slice %arg4[%add3A_969] : memref<13631488xf32, #tpu.memory_space<hbm>> -> memref<1024xf32, #tpu.memory_space<hbm>>
    %dma_start3A_988 = arith.constant 2048 : i32
    %dma_start3A_989 = tpu.memref_slice %arg21[%dma_start3A_988] : memref<4096xf32, #tpu.memory_space<vmem>> -> memref<1024xf32, #tpu.memory_space<vmem>>
    tpu.enqueue_dma source(%dma_start3A_989 : memref<1024xf32, #tpu.memory_space<vmem>>) target(%dma_start3A_987 : memref<1024xf32, #tpu.memory_space<hbm>>) target_semaphore(%arg37 : memref<!tpu.dma_semaphore, #tpu.memory_space<semaphore_mem>>)
    %dma_start3A_990 = arith.constant 3072 : i32
    %dma_start3A_991 = tpu.memref_slice %arg21[%dma_start3A_990] : memref<4096xf32, #tpu.memory_space<vmem>> -> memref<1024xf32, #tpu.memory_space<vmem>>
    %dma_start3A_992 = tpu.memref_slice %arg4[%add3A_971] : memref<13631488xf32, #tpu.memory_space<hbm>> -> memref<1024xf32, #tpu.memory_space<hbm>>
    %dma_start3A_993 = tpu.memref_slice %arg4[%add3A_971] : memref<13631488xf32, #tpu.memory_space<hbm>> -> memref<1024xf32, #tpu.memory_space<hbm>>
    %dma_start3A_994 = arith.constant 3072 : i32
    %dma_start3A_995 = tpu.memref_slice %arg21[%dma_start3A_994] : memref<4096xf32, #tpu.memory_space<vmem>> -> memref<1024xf32, #tpu.memory_space<vmem>>
    tpu.enqueue_dma source(%dma_start3A_995 : memref<1024xf32, #tpu.memory_space<vmem>>) target(%dma_start3A_993 : memref<1024xf32, #tpu.memory_space<hbm>>) target_semaphore(%arg37 : memref<!tpu.dma_semaphore, #tpu.memory_space<semaphore_mem>>)
    %scan3A_996 = arith.constant 0 : i32
    %scan3A_997 = arith.constant 11 : i32
    %scan3A_998 = arith.addi %scan3A_996, %scan3A_997 : i32
    %scan3A_999 = arith.constant 1 : i32
    scf.for %scan3A_1993 = %scan3A_996 to %scan3A_998 step %scan3A_999  : i32 {
      %mul3A_1994 = arith.constant 8 : i32
      %mul3A_1995 = arith.muli %scan3A_1993, %mul3A_1994 : i32
      %add3A_1996 = arith.constant 8 : i32
      %add3A_1997 = arith.addi %add3A_1996, %mul3A_1995 : i32
      %add3A_1998 = arith.constant 0 : i32
      %add3A_1999 = arith.addi %add3A_1997, %add3A_1998 : i32
      %jit3A = arith.constant 4 : i32
      %div3A = arith.divsi %add3A_1999, %jit3A : i32
      %sign3A = arith.constant 0 : i32
      %sign3A_2000 = arith.cmpi sgt, %add3A_1999, %sign3A : i32
      %sign3A_2001 = arith.extui %sign3A_2000 : i1 to i32
      %sign3A_2002 = arith.constant 0 : i32
      %sign3A_2003 = arith.cmpi slt, %add3A_1999, %sign3A_2002 : i32
      %sign3A_2004 = arith.extui %sign3A_2003 : i1 to i32
      %sign3A_2005 = arith.subi %sign3A_2001, %sign3A_2004 : i32
      %sign3A_2006 = arith.constant 0 : i32
      %sign3A_2007 = arith.cmpi sgt, %jit3A, %sign3A_2006 : i32
      %sign3A_2008 = arith.extui %sign3A_2007 : i1 to i32
      %sign3A_2009 = arith.constant 0 : i32
      %sign3A_2010 = arith.cmpi slt, %jit3A, %sign3A_2009 : i32
      %sign3A_2011 = arith.extui %sign3A_2010 : i1 to i32
      %sign3A_2012 = arith.subi %sign3A_2008, %sign3A_2011 : i32
      %ne3A = arith.cmpi ne, %sign3A_2005, %sign3A_2012 : i32
      %rem3A = arith.remsi %add3A_1999, %jit3A : i32
      %ne3A_2013 = arith.constant 0 : i32
      %ne3A_2014 = arith.cmpi ne, %rem3A, %ne3A_2013 : i32
      %and3A = arith.andi %ne3A, %ne3A_2014 : i1
      %sub3A = arith.constant 1 : i32
      %sub3A_2015 = arith.subi %div3A, %sub3A : i32
      %select_n3A = arith.select %and3A, %sub3A_2015, %div3A : i32
      %mul3A_2016 = arith.constant 512 : i32
      %mul3A_2017 = arith.muli %select_n3A, %mul3A_2016 : i32
      %add3A_2018 = arith.constant 0 : i32
      %add3A_2019 = arith.addi %mul3A_2017, %add3A_2018 : i32
      %dma_wait3A_2020 = tpu.memref_slice %arg5[%add3A_2019] : memref<13312xi32, #tpu.memory_space<vmem>> -> memref<128xi32, #tpu.memory_space<vmem>>
      %dma_wait3A_2021 = arith.constant 0 : i32
      %dma_wait3A_2022 = arith.constant 0 : i32
      %dma_wait3A_2023 = tpu.memref_slice %arg3[%dma_wait3A_2021, %dma_wait3A_2022] : memref<1000000x32xf32, #tpu.memory_space<hbm>> -> memref<1000000x32xf32, #tpu.memory_space<hbm>>
      tpu.wait_indirect_dma semaphore(%arg22 : memref<!tpu.dma_semaphore, #tpu.memory_space<semaphore_mem>>) src(%dma_wait3A_2023 : memref<1000000x32xf32, #tpu.memory_space<hbm>>) dst(%arg6 : memref<128x32xf32, #tpu.memory_space<vmem>>)
      %sub3A_2024 = arith.constant 8 : i32
      %sub3A_2025 = arith.subi %add3A_1999, %sub3A_2024 : i32
      %jit3A_2026 = arith.constant 4 : i32
      %div3A_2027 = arith.divsi %sub3A_2025, %jit3A_2026 : i32
      %sign3A_2028 = arith.constant 0 : i32
      %sign3A_2029 = arith.cmpi sgt, %sub3A_2025, %sign3A_2028 : i32
      %sign3A_2030 = arith.extui %sign3A_2029 : i1 to i32
      %sign3A_2031 = arith.constant 0 : i32
      %sign3A_2032 = arith.cmpi slt, %sub3A_2025, %sign3A_2031 : i32
      %sign3A_2033 = arith.extui %sign3A_2032 : i1 to i32
      %sign3A_2034 = arith.subi %sign3A_2030, %sign3A_2033 : i32
      %sign3A_2035 = arith.constant 0 : i32
      %sign3A_2036 = arith.cmpi sgt, %jit3A_2026, %sign3A_2035 : i32
      %sign3A_2037 = arith.extui %sign3A_2036 : i1 to i32
      %sign3A_2038 = arith.constant 0 : i32
      %sign3A_2039 = arith.cmpi slt, %jit3A_2026, %sign3A_2038 : i32
      %sign3A_2040 = arith.extui %sign3A_2039 : i1 to i32
      %sign3A_2041 = arith.subi %sign3A_2037, %sign3A_2040 : i32
      %ne3A_2042 = arith.cmpi ne, %sign3A_2034, %sign3A_2041 : i32
      %rem3A_2043 = arith.remsi %sub3A_2025, %jit3A_2026 : i32
      %ne3A_2044 = arith.constant 0 : i32
      %ne3A_2045 = arith.cmpi ne, %rem3A_2043, %ne3A_2044 : i32
      %and3A_2046 = arith.andi %ne3A_2042, %ne3A_2045 : i1
      %sub3A_2047 = arith.constant 1 : i32
      %sub3A_2048 = arith.subi %div3A_2027, %sub3A_2047 : i32
      %select_n3A_2049 = arith.select %and3A_2046, %sub3A_2048, %div3A_2027 : i32
      %mul3A_2050 = arith.constant 524288 : i32
      %mul3A_2051 = arith.muli %select_n3A_2049, %mul3A_2050 : i32
      %add3A_2052 = arith.constant 0 : i32
      %add3A_2053 = arith.addi %mul3A_2, %add3A_2052 : i32
      %mul3A_2054 = arith.constant 1024 : i32
      %mul3A_2055 = arith.muli %add3A_2053, %mul3A_2054 : i32
      %add3A_2056 = arith.addi %mul3A_2051, %mul3A_2055 : i32
      %add3A_2057 = arith.constant 0 : i32
      %add3A_2058 = arith.addi %add3A_2056, %add3A_2057 : i32
      %add3A_2059 = arith.constant 131072 : i32
      %add3A_2060 = arith.addi %add3A_2056, %add3A_2059 : i32
      %add3A_2061 = arith.constant 262144 : i32
      %add3A_2062 = arith.addi %add3A_2056, %add3A_2061 : i32
      %add3A_2063 = arith.constant 393216 : i32
      %add3A_2064 = arith.addi %add3A_2056, %add3A_2063 : i32
      %dma_wait3A_2065 = arith.constant 0 : i32
      %dma_wait3A_2066 = tpu.memref_slice %arg14[%dma_wait3A_2065] : memref<4096xf32, #tpu.memory_space<vmem>> -> memref<1024xf32, #tpu.memory_space<vmem>>
      %dma_wait3A_2067 = tpu.memref_slice %arg4[%add3A_2058] : memref<13631488xf32, #tpu.memory_space<hbm>> -> memref<1024xf32, #tpu.memory_space<hbm>>
      %dma_wait3A_2068 = tpu.memref_slice %arg4[%add3A_2058] : memref<13631488xf32, #tpu.memory_space<hbm>> -> memref<1024xf32, #tpu.memory_space<hbm>>
      %dma_wait3A_2069 = arith.constant 0 : i32
      %dma_wait3A_2070 = tpu.memref_slice %arg14[%dma_wait3A_2069] : memref<4096xf32, #tpu.memory_space<vmem>> -> memref<1024xf32, #tpu.memory_space<vmem>>
      tpu.wait_dma2 semaphore(%arg30 : memref<!tpu.dma_semaphore, #tpu.memory_space<semaphore_mem>>) src(%dma_wait3A_2070 : memref<1024xf32, #tpu.memory_space<vmem>>) dst(%dma_wait3A_2068 : memref<1024xf32, #tpu.memory_space<hbm>>)
      %dma_wait3A_2071 = arith.constant 1024 : i32
      %dma_wait3A_2072 = tpu.memref_slice %arg14[%dma_wait3A_2071] : memref<4096xf32, #tpu.memory_space<vmem>> -> memref<1024xf32, #tpu.memory_space<vmem>>
      %dma_wait3A_2073 = tpu.memref_slice %arg4[%add3A_2060] : memref<13631488xf32, #tpu.memory_space<hbm>> -> memref<1024xf32, #tpu.memory_space<hbm>>
      %dma_wait3A_2074 = tpu.memref_slice %arg4[%add3A_2060] : memref<13631488xf32, #tpu.memory_space<hbm>> -> memref<1024xf32, #tpu.memory_space<hbm>>
      %dma_wait3A_2075 = arith.constant 1024 : i32
      %dma_wait3A_2076 = tpu.memref_slice %arg14[%dma_wait3A_2075] : memref<4096xf32, #tpu.memory_space<vmem>> -> memref<1024xf32, #tpu.memory_space<vmem>>
      tpu.wait_dma2 semaphore(%arg30 : memref<!tpu.dma_semaphore, #tpu.memory_space<semaphore_mem>>) src(%dma_wait3A_2076 : memref<1024xf32, #tpu.memory_space<vmem>>) dst(%dma_wait3A_2074 : memref<1024xf32, #tpu.memory_space<hbm>>)
      %dma_wait3A_2077 = arith.constant 2048 : i32
      %dma_wait3A_2078 = tpu.memref_slice %arg14[%dma_wait3A_2077] : memref<4096xf32, #tpu.memory_space<vmem>> -> memref<1024xf32, #tpu.memory_space<vmem>>
      %dma_wait3A_2079 = tpu.memref_slice %arg4[%add3A_2062] : memref<13631488xf32, #tpu.memory_space<hbm>> -> memref<1024xf32, #tpu.memory_space<hbm>>
      %dma_wait3A_2080 = tpu.memref_slice %arg4[%add3A_2062] : memref<13631488xf32, #tpu.memory_space<hbm>> -> memref<1024xf32, #tpu.memory_space<hbm>>
      %dma_wait3A_2081 = arith.constant 2048 : i32
      %dma_wait3A_2082 = tpu.memref_slice %arg14[%dma_wait3A_2081] : memref<4096xf32, #tpu.memory_space<vmem>> -> memref<1024xf32, #tpu.memory_space<vmem>>
      tpu.wait_dma2 semaphore(%arg30 : memref<!tpu.dma_semaphore, #tpu.memory_space<semaphore_mem>>) src(%dma_wait3A_2082 : memref<1024xf32, #tpu.memory_space<vmem>>) dst(%dma_wait3A_2080 : memref<1024xf32, #tpu.memory_space<hbm>>)
      %dma_wait3A_2083 = arith.constant 3072 : i32
      %dma_wait3A_2084 = tpu.memref_slice %arg14[%dma_wait3A_2083] : memref<4096xf32, #tpu.memory_space<vmem>> -> memref<1024xf32, #tpu.memory_space<vmem>>
      %dma_wait3A_2085 = tpu.memref_slice %arg4[%add3A_2064] : memref<13631488xf32, #tpu.memory_space<hbm>> -> memref<1024xf32, #tpu.memory_space<hbm>>
      %dma_wait3A_2086 = tpu.memref_slice %arg4[%add3A_2064] : memref<13631488xf32, #tpu.memory_space<hbm>> -> memref<1024xf32, #tpu.memory_space<hbm>>
      %dma_wait3A_2087 = arith.constant 3072 : i32
      %dma_wait3A_2088 = tpu.memref_slice %arg14[%dma_wait3A_2087] : memref<4096xf32, #tpu.memory_space<vmem>> -> memref<1024xf32, #tpu.memory_space<vmem>>
      tpu.wait_dma2 semaphore(%arg30 : memref<!tpu.dma_semaphore, #tpu.memory_space<semaphore_mem>>) src(%dma_wait3A_2088 : memref<1024xf32, #tpu.memory_space<vmem>>) dst(%dma_wait3A_2086 : memref<1024xf32, #tpu.memory_space<hbm>>)
      %scan3A_2089 = arith.constant 0 : i32
      %scan3A_2090 = arith.constant 128 : i32
      %scan3A_2091 = arith.addi %scan3A_2089, %scan3A_2090 : i32
      %scan3A_2092 = arith.constant 1 : i32
      scf.for %scan3A_3598 = %scan3A_2089 to %scan3A_2091 step %scan3A_2092  : i32 {
        %mul3A_3599 = arith.constant 1 : i32
        %mul3A_3600 = arith.muli %scan3A_3598, %mul3A_3599 : i32
        %add3A_3601 = arith.constant 0 : i32
        %add3A_3602 = arith.addi %add3A_3601, %mul3A_3600 : i32
        %broadcast_in_dim3A = vector.broadcast %add3A_3602 : i32 to vector<16xi32>
        %get3A = arith.index_cast %add3A_3602 : i32 to index
        %get3A_3603 = arith.constant 0 : index
        %get3A_3604 = tpu.vector_load %arg6[%get3A, %get3A_3603] {strides = array<i32>} : memref<128x32xf32, #tpu.memory_space<vmem>>, vector<16xf32>,
        %add3A_3605 = arith.addi %mul3A_526, %broadcast_in_dim3A : vector<16xi32>
        tpu.vector_store_idx %arg14[%add3A_3605], %get3A_3604 : memref<4096xf32, #tpu.memory_space<vmem>>[vector<16xi32>], vector<16xf32>,
        %get3A_3606 = arith.index_cast %add3A_3602 : i32 to index
        %get3A_3607 = arith.constant 16 : index
        %get3A_3608 = tpu.vector_load %arg6[%get3A_3606, %get3A_3607] {strides = array<i32>} : memref<128x32xf32, #tpu.memory_space<vmem>>, vector<16xf32>,
        %add3A_3609 = arith.addi %mul3A_532, %broadcast_in_dim3A : vector<16xi32>
        tpu.vector_store_idx %arg14[%add3A_3609], %get3A_3608 : memref<4096xf32, #tpu.memory_space<vmem>>[vector<16xi32>], vector<16xf32>,
      }
      %scan3A_2093 = arith.constant 128 : i32
      %add3A_2094 = arith.constant 8 : i32
      %add3A_2095 = arith.addi %add3A_1999, %add3A_2094 : i32
      %jit3A_2096 = arith.constant 4 : i32
      %div3A_2097 = arith.divsi %add3A_2095, %jit3A_2096 : i32
      %sign3A_2098 = arith.constant 0 : i32
      %sign3A_2099 = arith.cmpi sgt, %add3A_2095, %sign3A_2098 : i32
      %sign3A_2100 = arith.extui %sign3A_2099 : i1 to i32
      %sign3A_2101 = arith.constant 0 : i32
      %sign3A_2102 = arith.cmpi slt, %add3A_2095, %sign3A_2101 : i32
      %sign3A_2103 = arith.extui %sign3A_2102 : i1 to i32
      %sign3A_2104 = arith.subi %sign3A_2100, %sign3A_2103 : i32
      %sign3A_2105 = arith.constant 0 : i32
      %sign3A_2106 = arith.cmpi sgt, %jit3A_2096, %sign3A_2105 : i32
      %sign3A_2107 = arith.extui %sign3A_2106 : i1 to i32
      %sign3A_2108 = arith.constant 0 : i32
      %sign3A_2109 = arith.cmpi slt, %jit3A_2096, %sign3A_2108 : i32
      %sign3A_2110 = arith.extui %sign3A_2109 : i1 to i32
      %sign3A_2111 = arith.subi %sign3A_2107, %sign3A_2110 : i32
      %ne3A_2112 = arith.cmpi ne, %sign3A_2104, %sign3A_2111 : i32
      %rem3A_2113 = arith.remsi %add3A_2095, %jit3A_2096 : i32
      %ne3A_2114 = arith.constant 0 : i32
      %ne3A_2115 = arith.cmpi ne, %rem3A_2113, %ne3A_2114 : i32
      %and3A_2116 = arith.andi %ne3A_2112, %ne3A_2115 : i1
      %sub3A_2117 = arith.constant 1 : i32
      %sub3A_2118 = arith.subi %div3A_2097, %sub3A_2117 : i32
      %select_n3A_2119 = arith.select %and3A_2116, %sub3A_2118, %div3A_2097 : i32
      %mul3A_2120 = arith.constant 512 : i32
      %mul3A_2121 = arith.muli %select_n3A_2119, %mul3A_2120 : i32
      %add3A_2122 = arith.constant 0 : i32
      %add3A_2123 = arith.addi %mul3A_2121, %add3A_2122 : i32
      %dma_start3A_2124 = tpu.memref_slice %arg5[%add3A_2123] : memref<13312xi32, #tpu.memory_space<vmem>> -> memref<128xi32, #tpu.memory_space<vmem>>
      %dma_start3A_2125 = arith.constant 0 : i32
      %dma_start3A_2126 = arith.constant 0 : i32
      %dma_start3A_2127 = tpu.memref_slice %arg3[%dma_start3A_2125, %dma_start3A_2126] : memref<1000000x32xf32, #tpu.memory_space<hbm>> -> memref<1000000x32xf32, #tpu.memory_space<hbm>>
      tpu.enqueue_indirect_dma source(%dma_start3A_2127 : memref<1000000x32xf32, #tpu.memory_space<hbm>>) target(%arg6 : memref<128x32xf32, #tpu.memory_space<vmem>>) offsets(%dma_start3A_2124 : memref<128xi32, #tpu.memory_space<vmem>>) semaphore(%arg22 : memref<!tpu.dma_semaphore, #tpu.memory_space<semaphore_mem>>)
      %jit3A_2128 = arith.constant 4 : i32
      %div3A_2129 = arith.divsi %add3A_1999, %jit3A_2128 : i32
      %sign3A_2130 = arith.constant 0 : i32
      %sign3A_2131 = arith.cmpi sgt, %add3A_1999, %sign3A_2130 : i32
      %sign3A_2132 = arith.extui %sign3A_2131 : i1 to i32
      %sign3A_2133 = arith.constant 0 : i32
      %sign3A_2134 = arith.cmpi slt, %add3A_1999, %sign3A_2133 : i32
      %sign3A_2135 = arith.extui %sign3A_2134 : i1 to i32
      %sign3A_2136 = arith.subi %sign3A_2132, %sign3A_2135 : i32
      %sign3A_2137 = arith.constant 0 : i32
      %sign3A_2138 = arith.cmpi sgt, %jit3A_2128, %sign3A_2137 : i32
      %sign3A_2139 = arith.extui %sign3A_2138 : i1 to i32
      %sign3A_2140 = arith.constant 0 : i32
      %sign3A_2141 = arith.cmpi slt, %jit3A_2128, %sign3A_2140 : i32
      %sign3A_2142 = arith.extui %sign3A_2141 : i1 to i32
      %sign3A_2143 = arith.subi %sign3A_2139, %sign3A_2142 : i32
      %ne3A_2144 = arith.cmpi ne, %sign3A_2136, %sign3A_2143 : i32
      %rem3A_2145 = arith.remsi %add3A_1999, %jit3A_2128 : i32
      %ne3A_2146 = arith.constant 0 : i32
      %ne3A_2147 = arith.cmpi ne, %rem3A_2145, %ne3A_2146 : i32
      %and3A_2148 = arith.andi %ne3A_2144, %ne3A_2147 : i1
      %sub3A_2149 = arith.constant 1 : i32
      %sub3A_2150 = arith.subi %div3A_2129, %sub3A_2149 : i32
      %select_n3A_2151 = arith.select %and3A_2148, %sub3A_2150, %div3A_2129 : i32
      %mul3A_2152 = arith.constant 524288 : i32
      %mul3A_2153 = arith.muli %select_n3A_2151, %mul3A_2152 : i32
      %add3A_2154 = arith.constant 0 : i32
      %add3A_2155 = arith.addi %mul3A_2, %add3A_2154 : i32
      %mul3A_2156 = arith.constant 1024 : i32
      %mul3A_2157 = arith.muli %add3A_2155, %mul3A_2156 : i32
      %add3A_2158 = arith.addi %mul3A_2153, %mul3A_2157 : i32
      %add3A_2159 = arith.constant 0 : i32
      %add3A_2160 = arith.addi %add3A_2158, %add3A_2159 : i32
      %add3A_2161 = arith.constant 131072 : i32
      %add3A_2162 = arith.addi %add3A_2158, %add3A_2161 : i32
      %add3A_2163 = arith.constant 262144 : i32
      %add3A_2164 = arith.addi %add3A_2158, %add3A_2163 : i32
      %add3A_2165 = arith.constant 393216 : i32
      %add3A_2166 = arith.addi %add3A_2158, %add3A_2165 : i32
      %dma_start3A_2167 = arith.constant 0 : i32
      %dma_start3A_2168 = tpu.memref_slice %arg14[%dma_start3A_2167] : memref<4096xf32, #tpu.memory_space<vmem>> -> memref<1024xf32, #tpu.memory_space<vmem>>
      %dma_start3A_2169 = tpu.memref_slice %arg4[%add3A_2160] : memref<13631488xf32, #tpu.memory_space<hbm>> -> memref<1024xf32, #tpu.memory_space<hbm>>
      %dma_start3A_2170 = tpu.memref_slice %arg4[%add3A_2160] : memref<13631488xf32, #tpu.memory_space<hbm>> -> memref<1024xf32, #tpu.memory_space<hbm>>
      %dma_start3A_2171 = arith.constant 0 : i32
      %dma_start3A_2172 = tpu.memref_slice %arg14[%dma_start3A_2171] : memref<4096xf32, #tpu.memory_space<vmem>> -> memref<1024xf32, #tpu.memory_space<vmem>>
      tpu.enqueue_dma source(%dma_start3A_2172 : memref<1024xf32, #tpu.memory_space<vmem>>) target(%dma_start3A_2170 : memref<1024xf32, #tpu.memory_space<hbm>>) target_semaphore(%arg30 : memref<!tpu.dma_semaphore, #tpu.memory_space<semaphore_mem>>)
      %dma_start3A_2173 = arith.constant 1024 : i32
      %dma_start3A_2174 = tpu.memref_slice %arg14[%dma_start3A_2173] : memref<4096xf32, #tpu.memory_space<vmem>> -> memref<1024xf32, #tpu.memory_space<vmem>>
      %dma_start3A_2175 = tpu.memref_slice %arg4[%add3A_2162] : memref<13631488xf32, #tpu.memory_space<hbm>> -> memref<1024xf32, #tpu.memory_space<hbm>>
      %dma_start3A_2176 = tpu.memref_slice %arg4[%add3A_2162] : memref<13631488xf32, #tpu.memory_space<hbm>> -> memref<1024xf32, #tpu.memory_space<hbm>>
      %dma_start3A_2177 = arith.constant 1024 : i32
      %dma_start3A_2178 = tpu.memref_slice %arg14[%dma_start3A_2177] : memref<4096xf32, #tpu.memory_space<vmem>> -> memref<1024xf32, #tpu.memory_space<vmem>>
      tpu.enqueue_dma source(%dma_start3A_2178 : memref<1024xf32, #tpu.memory_space<vmem>>) target(%dma_start3A_2176 : memref<1024xf32, #tpu.memory_space<hbm>>) target_semaphore(%arg30 : memref<!tpu.dma_semaphore, #tpu.memory_space<semaphore_mem>>)
      %dma_start3A_2179 = arith.constant 2048 : i32
      %dma_start3A_2180 = tpu.memref_slice %arg14[%dma_start3A_2179] : memref<4096xf32, #tpu.memory_space<vmem>> -> memref<1024xf32, #tpu.memory_space<vmem>>
      %dma_start3A_2181 = tpu.memref_slice %arg4[%add3A_2164] : memref<13631488xf32, #tpu.memory_space<hbm>> -> memref<1024xf32, #tpu.memory_space<hbm>>
      %dma_start3A_2182 = tpu.memref_slice %arg4[%add3A_2164] : memref<13631488xf32, #tpu.memory_space<hbm>> -> memref<1024xf32, #tpu.memory_space<hbm>>
      %dma_start3A_2183 = arith.constant 2048 : i32
      %dma_start3A_2184 = tpu.memref_slice %arg14[%dma_start3A_2183] : memref<4096xf32, #tpu.memory_space<vmem>> -> memref<1024xf32, #tpu.memory_space<vmem>>
      tpu.enqueue_dma source(%dma_start3A_2184 : memref<1024xf32, #tpu.memory_space<vmem>>) target(%dma_start3A_2182 : memref<1024xf32, #tpu.memory_space<hbm>>) target_semaphore(%arg30 : memref<!tpu.dma_semaphore, #tpu.memory_space<semaphore_mem>>)
      %dma_start3A_2185 = arith.constant 3072 : i32
      %dma_start3A_2186 = tpu.memref_slice %arg14[%dma_start3A_2185] : memref<4096xf32, #tpu.memory_space<vmem>> -> memref<1024xf32, #tpu.memory_space<vmem>>
      %dma_start3A_2187 = tpu.memref_slice %arg4[%add3A_2166] : memref<13631488xf32, #tpu.memory_space<hbm>> -> memref<1024xf32, #tpu.memory_space<hbm>>
      %dma_start3A_2188 = tpu.memref_slice %arg4[%add3A_2166] : memref<13631488xf32, #tpu.memory_space<hbm>> -> memref<1024xf32, #tpu.memory_space<hbm>>
      %dma_start3A_2189 = arith.constant 3072 : i32
      %dma_start3A_2190 = tpu.memref_slice %arg14[%dma_start3A_2189] : memref<4096xf32, #tpu.memory_space<vmem>> -> memref<1024xf32, #tpu.memory_space<vmem>>
      tpu.enqueue_dma source(%dma_start3A_2190 : memref<1024xf32, #tpu.memory_space<vmem>>) target(%dma_start3A_2188 : memref<1024xf32, #tpu.memory_space<hbm>>) target_semaphore(%arg30 : memref<!tpu.dma_semaphore, #tpu.memory_space<semaphore_mem>>)
      %add3A_2191 = arith.constant 1 : i32
      %add3A_2192 = arith.addi %add3A_1997, %add3A_2191 : i32
      %jit3A_2193 = arith.constant 4 : i32
      %div3A_2194 = arith.divsi %add3A_2192, %jit3A_2193 : i32
      %sign3A_2195 = arith.constant 0 : i32
      %sign3A_2196 = arith.cmpi sgt, %add3A_2192, %sign3A_2195 : i32
      %sign3A_2197 = arith.extui %sign3A_2196 : i1 to i32
      %sign3A_2198 = arith.constant 0 : i32
      %sign3A_2199 = arith.cmpi slt, %add3A_2192, %sign3A_2198 : i32
      %sign3A_2200 = arith.extui %sign3A_2199 : i1 to i32
      %sign3A_2201 = arith.subi %sign3A_2197, %sign3A_2200 : i32
      %sign3A_2202 = arith.constant 0 : i32
      %sign3A_2203 = arith.cmpi sgt, %jit3A_2193, %sign3A_2202 : i32
      %sign3A_2204 = arith.extui %sign3A_2203 : i1 to i32
      %sign3A_2205 = arith.constant 0 : i32
      %sign3A_2206 = arith.cmpi slt, %jit3A_2193, %sign3A_2205 : i32
      %sign3A_2207 = arith.extui %sign3A_2206 : i1 to i32
      %sign3A_2208 = arith.subi %sign3A_2204, %sign3A_2207 : i32
      %ne3A_2209 = arith.cmpi ne, %sign3A_2201, %sign3A_2208 : i32
      %rem3A_2210 = arith.remsi %add3A_2192, %jit3A_2193 : i32
      %ne3A_2211 = arith.constant 0 : i32
      %ne3A_2212 = arith.cmpi ne, %rem3A_2210, %ne3A_2211 : i32
      %and3A_2213 = arith.andi %ne3A_2209, %ne3A_2212 : i1
      %sub3A_2214 = arith.constant 1 : i32
      %sub3A_2215 = arith.subi %div3A_2194, %sub3A_2214 : i32
      %select_n3A_2216 = arith.select %and3A_2213, %sub3A_2215, %div3A_2194 : i32
      %mul3A_2217 = arith.constant 512 : i32
      %mul3A_2218 = arith.muli %select_n3A_2216, %mul3A_2217 : i32
      %add3A_2219 = arith.constant 128 : i32
      %add3A_2220 = arith.addi %mul3A_2218, %add3A_2219 : i32
      %dma_wait3A_2221 = tpu.memref_slice %arg5[%add3A_2220] : memref<13312xi32, #tpu.memory_space<vmem>> -> memref<128xi32, #tpu.memory_space<vmem>>
      %dma_wait3A_2222 = arith.constant 0 : i32
      %dma_wait3A_2223 = arith.constant 0 : i32
      %dma_wait3A_2224 = tpu.memref_slice %arg3[%dma_wait3A_2222, %dma_wait3A_2223] : memref<1000000x32xf32, #tpu.memory_space<hbm>> -> memref<1000000x32xf32, #tpu.memory_space<hbm>>
      tpu.wait_indirect_dma semaphore(%arg23 : memref<!tpu.dma_semaphore, #tpu.memory_space<semaphore_mem>>) src(%dma_wait3A_2224 : memref<1000000x32xf32, #tpu.memory_space<hbm>>) dst(%arg7 : memref<128x32xf32, #tpu.memory_space<vmem>>)
      %sub3A_2225 = arith.constant 8 : i32
      %sub3A_2226 = arith.subi %add3A_2192, %sub3A_2225 : i32
      %jit3A_2227 = arith.constant 4 : i32
      %div3A_2228 = arith.divsi %sub3A_2226, %jit3A_2227 : i32
      %sign3A_2229 = arith.constant 0 : i32
      %sign3A_2230 = arith.cmpi sgt, %sub3A_2226, %sign3A_2229 : i32
      %sign3A_2231 = arith.extui %sign3A_2230 : i1 to i32
      %sign3A_2232 = arith.constant 0 : i32
      %sign3A_2233 = arith.cmpi slt, %sub3A_2226, %sign3A_2232 : i32
      %sign3A_2234 = arith.extui %sign3A_2233 : i1 to i32
      %sign3A_2235 = arith.subi %sign3A_2231, %sign3A_2234 : i32
      %sign3A_2236 = arith.constant 0 : i32
      %sign3A_2237 = arith.cmpi sgt, %jit3A_2227, %sign3A_2236 : i32
      %sign3A_2238 = arith.extui %sign3A_2237 : i1 to i32
      %sign3A_2239 = arith.constant 0 : i32
      %sign3A_2240 = arith.cmpi slt, %jit3A_2227, %sign3A_2239 : i32
      %sign3A_2241 = arith.extui %sign3A_2240 : i1 to i32
      %sign3A_2242 = arith.subi %sign3A_2238, %sign3A_2241 : i32
      %ne3A_2243 = arith.cmpi ne, %sign3A_2235, %sign3A_2242 : i32
      %rem3A_2244 = arith.remsi %sub3A_2226, %jit3A_2227 : i32
      %ne3A_2245 = arith.constant 0 : i32
      %ne3A_2246 = arith.cmpi ne, %rem3A_2244, %ne3A_2245 : i32
      %and3A_2247 = arith.andi %ne3A_2243, %ne3A_2246 : i1
      %sub3A_2248 = arith.constant 1 : i32
      %sub3A_2249 = arith.subi %div3A_2228, %sub3A_2248 : i32
      %select_n3A_2250 = arith.select %and3A_2247, %sub3A_2249, %div3A_2228 : i32
      %mul3A_2251 = arith.constant 524288 : i32
      %mul3A_2252 = arith.muli %select_n3A_2250, %mul3A_2251 : i32
      %add3A_2253 = arith.constant 1 : i32
      %add3A_2254 = arith.addi %mul3A_2, %add3A_2253 : i32
      %mul3A_2255 = arith.constant 1024 : i32
      %mul3A_2256 = arith.muli %add3A_2254, %mul3A_2255 : i32
      %add3A_2257 = arith.addi %mul3A_2252, %mul3A_2256 : i32
      %add3A_2258 = arith.constant 0 : i32
      %add3A_2259 = arith.addi %add3A_2257, %add3A_2258 : i32
      %add3A_2260 = arith.constant 131072 : i32
      %add3A_2261 = arith.addi %add3A_2257, %add3A_2260 : i32
      %add3A_2262 = arith.constant 262144 : i32
      %add3A_2263 = arith.addi %add3A_2257, %add3A_2262 : i32
      %add3A_2264 = arith.constant 393216 : i32
      %add3A_2265 = arith.addi %add3A_2257, %add3A_2264 : i32
      %dma_wait3A_2266 = arith.constant 0 : i32
      %dma_wait3A_2267 = tpu.memref_slice %arg15[%dma_wait3A_2266] : memref<4096xf32, #tpu.memory_space<vmem>> -> memref<1024xf32, #tpu.memory_space<vmem>>
      %dma_wait3A_2268 = tpu.memref_slice %arg4[%add3A_2259] : memref<13631488xf32, #tpu.memory_space<hbm>> -> memref<1024xf32, #tpu.memory_space<hbm>>
      %dma_wait3A_2269 = tpu.memref_slice %arg4[%add3A_2259] : memref<13631488xf32, #tpu.memory_space<hbm>> -> memref<1024xf32, #tpu.memory_space<hbm>>
      %dma_wait3A_2270 = arith.constant 0 : i32
      %dma_wait3A_2271 = tpu.memref_slice %arg15[%dma_wait3A_2270] : memref<4096xf32, #tpu.memory_space<vmem>> -> memref<1024xf32, #tpu.memory_space<vmem>>
      tpu.wait_dma2 semaphore(%arg31 : memref<!tpu.dma_semaphore, #tpu.memory_space<semaphore_mem>>) src(%dma_wait3A_2271 : memref<1024xf32, #tpu.memory_space<vmem>>) dst(%dma_wait3A_2269 : memref<1024xf32, #tpu.memory_space<hbm>>)
      %dma_wait3A_2272 = arith.constant 1024 : i32
      %dma_wait3A_2273 = tpu.memref_slice %arg15[%dma_wait3A_2272] : memref<4096xf32, #tpu.memory_space<vmem>> -> memref<1024xf32, #tpu.memory_space<vmem>>
      %dma_wait3A_2274 = tpu.memref_slice %arg4[%add3A_2261] : memref<13631488xf32, #tpu.memory_space<hbm>> -> memref<1024xf32, #tpu.memory_space<hbm>>
      %dma_wait3A_2275 = tpu.memref_slice %arg4[%add3A_2261] : memref<13631488xf32, #tpu.memory_space<hbm>> -> memref<1024xf32, #tpu.memory_space<hbm>>
      %dma_wait3A_2276 = arith.constant 1024 : i32
      %dma_wait3A_2277 = tpu.memref_slice %arg15[%dma_wait3A_2276] : memref<4096xf32, #tpu.memory_space<vmem>> -> memref<1024xf32, #tpu.memory_space<vmem>>
      tpu.wait_dma2 semaphore(%arg31 : memref<!tpu.dma_semaphore, #tpu.memory_space<semaphore_mem>>) src(%dma_wait3A_2277 : memref<1024xf32, #tpu.memory_space<vmem>>) dst(%dma_wait3A_2275 : memref<1024xf32, #tpu.memory_space<hbm>>)
      %dma_wait3A_2278 = arith.constant 2048 : i32
      %dma_wait3A_2279 = tpu.memref_slice %arg15[%dma_wait3A_2278] : memref<4096xf32, #tpu.memory_space<vmem>> -> memref<1024xf32, #tpu.memory_space<vmem>>
      %dma_wait3A_2280 = tpu.memref_slice %arg4[%add3A_2263] : memref<13631488xf32, #tpu.memory_space<hbm>> -> memref<1024xf32, #tpu.memory_space<hbm>>
      %dma_wait3A_2281 = tpu.memref_slice %arg4[%add3A_2263] : memref<13631488xf32, #tpu.memory_space<hbm>> -> memref<1024xf32, #tpu.memory_space<hbm>>
      %dma_wait3A_2282 = arith.constant 2048 : i32
      %dma_wait3A_2283 = tpu.memref_slice %arg15[%dma_wait3A_2282] : memref<4096xf32, #tpu.memory_space<vmem>> -> memref<1024xf32, #tpu.memory_space<vmem>>
      tpu.wait_dma2 semaphore(%arg31 : memref<!tpu.dma_semaphore, #tpu.memory_space<semaphore_mem>>) src(%dma_wait3A_2283 : memref<1024xf32, #tpu.memory_space<vmem>>) dst(%dma_wait3A_2281 : memref<1024xf32, #tpu.memory_space<hbm>>)
      %dma_wait3A_2284 = arith.constant 3072 : i32
      %dma_wait3A_2285 = tpu.memref_slice %arg15[%dma_wait3A_2284] : memref<4096xf32, #tpu.memory_space<vmem>> -> memref<1024xf32, #tpu.memory_space<vmem>>
      %dma_wait3A_2286 = tpu.memref_slice %arg4[%add3A_2265] : memref<13631488xf32, #tpu.memory_space<hbm>> -> memref<1024xf32, #tpu.memory_space<hbm>>
      %dma_wait3A_2287 = tpu.memref_slice %arg4[%add3A_2265] : memref<13631488xf32, #tpu.memory_space<hbm>> -> memref<1024xf32, #tpu.memory_space<hbm>>
      %dma_wait3A_2288 = arith.constant 3072 : i32
      %dma_wait3A_2289 = tpu.memref_slice %arg15[%dma_wait3A_2288] : memref<4096xf32, #tpu.memory_space<vmem>> -> memref<1024xf32, #tpu.memory_space<vmem>>
      tpu.wait_dma2 semaphore(%arg31 : memref<!tpu.dma_semaphore, #tpu.memory_space<semaphore_mem>>) src(%dma_wait3A_2289 : memref<1024xf32, #tpu.memory_space<vmem>>) dst(%dma_wait3A_2287 : memref<1024xf32, #tpu.memory_space<hbm>>)
      %scan3A_2290 = arith.constant 0 : i32
      %scan3A_2291 = arith.constant 128 : i32
      %scan3A_2292 = arith.addi %scan3A_2290, %scan3A_2291 : i32
      %scan3A_2293 = arith.constant 1 : i32
      scf.for %scan3A_3598 = %scan3A_2290 to %scan3A_2292 step %scan3A_2293  : i32 {
        %mul3A_3599 = arith.constant 1 : i32
        %mul3A_3600 = arith.muli %scan3A_3598, %mul3A_3599 : i32
        %add3A_3601 = arith.constant 0 : i32
        %add3A_3602 = arith.addi %add3A_3601, %mul3A_3600 : i32
        %broadcast_in_dim3A = vector.broadcast %add3A_3602 : i32 to vector<16xi32>
        %get3A = arith.index_cast %add3A_3602 : i32 to index
        %get3A_3603 = arith.constant 0 : index
        %get3A_3604 = tpu.vector_load %arg7[%get3A, %get3A_3603] {strides = array<i32>} : memref<128x32xf32, #tpu.memory_space<vmem>>, vector<16xf32>,
        %add3A_3605 = arith.addi %mul3A_526, %broadcast_in_dim3A : vector<16xi32>
        tpu.vector_store_idx %arg15[%add3A_3605], %get3A_3604 : memref<4096xf32, #tpu.memory_space<vmem>>[vector<16xi32>], vector<16xf32>,
        %get3A_3606 = arith.index_cast %add3A_3602 : i32 to index
        %get3A_3607 = arith.constant 16 : index
        %get3A_3608 = tpu.vector_load %arg7[%get3A_3606, %get3A_3607] {strides = array<i32>} : memref<128x32xf32, #tpu.memory_space<vmem>>, vector<16xf32>,
        %add3A_3609 = arith.addi %mul3A_532, %broadcast_in_dim3A : vector<16xi32>
        tpu.vector_store_idx %arg15[%add3A_3609], %get3A_3608 : memref<4096xf32, #tpu.memory_space<vmem>>[vector<16xi32>], vector<16xf32>,
      }
      %scan3A_2294 = arith.constant 128 : i32
      %add3A_2295 = arith.constant 8 : i32
      %add3A_2296 = arith.addi %add3A_2192, %add3A_2295 : i32
      %jit3A_2297 = arith.constant 4 : i32
      %div3A_2298 = arith.divsi %add3A_2296, %jit3A_2297 : i32
      %sign3A_2299 = arith.constant 0 : i32
      %sign3A_2300 = arith.cmpi sgt, %add3A_2296, %sign3A_2299 : i32
      %sign3A_2301 = arith.extui %sign3A_2300 : i1 to i32
      %sign3A_2302 = arith.constant 0 : i32
      %sign3A_2303 = arith.cmpi slt, %add3A_2296, %sign3A_2302 : i32
      %sign3A_2304 = arith.extui %sign3A_2303 : i1 to i32
      %sign3A_2305 = arith.subi %sign3A_2301, %sign3A_2304 : i32
      %sign3A_2306 = arith.constant 0 : i32
      %sign3A_2307 = arith.cmpi sgt, %jit3A_2297, %sign3A_2306 : i32
      %sign3A_2308 = arith.extui %sign3A_2307 : i1 to i32
      %sign3A_2309 = arith.constant 0 : i32
      %sign3A_2310 = arith.cmpi slt, %jit3A_2297, %sign3A_2309 : i32
      %sign3A_2311 = arith.extui %sign3A_2310 : i1 to i32
      %sign3A_2312 = arith.subi %sign3A_2308, %sign3A_2311 : i32
      %ne3A_2313 = arith.cmpi ne, %sign3A_2305, %sign3A_2312 : i32
      %rem3A_2314 = arith.remsi %add3A_2296, %jit3A_2297 : i32
      %ne3A_2315 = arith.constant 0 : i32
      %ne3A_2316 = arith.cmpi ne, %rem3A_2314, %ne3A_2315 : i32
      %and3A_2317 = arith.andi %ne3A_2313, %ne3A_2316 : i1
      %sub3A_2318 = arith.constant 1 : i32
      %sub3A_2319 = arith.subi %div3A_2298, %sub3A_2318 : i32
      %select_n3A_2320 = arith.select %and3A_2317, %sub3A_2319, %div3A_2298 : i32
      %mul3A_2321 = arith.constant 512 : i32
      %mul3A_2322 = arith.muli %select_n3A_2320, %mul3A_2321 : i32
      %add3A_2323 = arith.constant 128 : i32
      %add3A_2324 = arith.addi %mul3A_2322, %add3A_2323 : i32
      %dma_start3A_2325 = tpu.memref_slice %arg5[%add3A_2324] : memref<13312xi32, #tpu.memory_space<vmem>> -> memref<128xi32, #tpu.memory_space<vmem>>
      %dma_start3A_2326 = arith.constant 0 : i32
      %dma_start3A_2327 = arith.constant 0 : i32
      %dma_start3A_2328 = tpu.memref_slice %arg3[%dma_start3A_2326, %dma_start3A_2327] : memref<1000000x32xf32, #tpu.memory_space<hbm>> -> memref<1000000x32xf32, #tpu.memory_space<hbm>>
      tpu.enqueue_indirect_dma source(%dma_start3A_2328 : memref<1000000x32xf32, #tpu.memory_space<hbm>>) target(%arg7 : memref<128x32xf32, #tpu.memory_space<vmem>>) offsets(%dma_start3A_2325 : memref<128xi32, #tpu.memory_space<vmem>>) semaphore(%arg23 : memref<!tpu.dma_semaphore, #tpu.memory_space<semaphore_mem>>)
      %jit3A_2329 = arith.constant 4 : i32
      %div3A_2330 = arith.divsi %add3A_2192, %jit3A_2329 : i32
      %sign3A_2331 = arith.constant 0 : i32
      %sign3A_2332 = arith.cmpi sgt, %add3A_2192, %sign3A_2331 : i32
      %sign3A_2333 = arith.extui %sign3A_2332 : i1 to i32
      %sign3A_2334 = arith.constant 0 : i32
      %sign3A_2335 = arith.cmpi slt, %add3A_2192, %sign3A_2334 : i32
      %sign3A_2336 = arith.extui %sign3A_2335 : i1 to i32
      %sign3A_2337 = arith.subi %sign3A_2333, %sign3A_2336 : i32
      %sign3A_2338 = arith.constant 0 : i32
      %sign3A_2339 = arith.cmpi sgt, %jit3A_2329, %sign3A_2338 : i32
      %sign3A_2340 = arith.extui %sign3A_2339 : i1 to i32
      %sign3A_2341 = arith.constant 0 : i32
      %sign3A_2342 = arith.cmpi slt, %jit3A_2329, %sign3A_2341 : i32
      %sign3A_2343 = arith.extui %sign3A_2342 : i1 to i32
      %sign3A_2344 = arith.subi %sign3A_2340, %sign3A_2343 : i32
      %ne3A_2345 = arith.cmpi ne, %sign3A_2337, %sign3A_2344 : i32
      %rem3A_2346 = arith.remsi %add3A_2192, %jit3A_2329 : i32
      %ne3A_2347 = arith.constant 0 : i32
      %ne3A_2348 = arith.cmpi ne, %rem3A_2346, %ne3A_2347 : i32
      %and3A_2349 = arith.andi %ne3A_2345, %ne3A_2348 : i1
      %sub3A_2350 = arith.constant 1 : i32
      %sub3A_2351 = arith.subi %div3A_2330, %sub3A_2350 : i32
      %select_n3A_2352 = arith.select %and3A_2349, %sub3A_2351, %div3A_2330 : i32
      %mul3A_2353 = arith.constant 524288 : i32
      %mul3A_2354 = arith.muli %select_n3A_2352, %mul3A_2353 : i32
      %add3A_2355 = arith.constant 1 : i32
      %add3A_2356 = arith.addi %mul3A_2, %add3A_2355 : i32
      %mul3A_2357 = arith.constant 1024 : i32
      %mul3A_2358 = arith.muli %add3A_2356, %mul3A_2357 : i32
      %add3A_2359 = arith.addi %mul3A_2354, %mul3A_2358 : i32
      %add3A_2360 = arith.constant 0 : i32
      %add3A_2361 = arith.addi %add3A_2359, %add3A_2360 : i32
      %add3A_2362 = arith.constant 131072 : i32
      %add3A_2363 = arith.addi %add3A_2359, %add3A_2362 : i32
      %add3A_2364 = arith.constant 262144 : i32
      %add3A_2365 = arith.addi %add3A_2359, %add3A_2364 : i32
      %add3A_2366 = arith.constant 393216 : i32
      %add3A_2367 = arith.addi %add3A_2359, %add3A_2366 : i32
      %dma_start3A_2368 = arith.constant 0 : i32
      %dma_start3A_2369 = tpu.memref_slice %arg15[%dma_start3A_2368] : memref<4096xf32, #tpu.memory_space<vmem>> -> memref<1024xf32, #tpu.memory_space<vmem>>
      %dma_start3A_2370 = tpu.memref_slice %arg4[%add3A_2361] : memref<13631488xf32, #tpu.memory_space<hbm>> -> memref<1024xf32, #tpu.memory_space<hbm>>
      %dma_start3A_2371 = tpu.memref_slice %arg4[%add3A_2361] : memref<13631488xf32, #tpu.memory_space<hbm>> -> memref<1024xf32, #tpu.memory_space<hbm>>
      %dma_start3A_2372 = arith.constant 0 : i32
      %dma_start3A_2373 = tpu.memref_slice %arg15[%dma_start3A_2372] : memref<4096xf32, #tpu.memory_space<vmem>> -> memref<1024xf32, #tpu.memory_space<vmem>>
      tpu.enqueue_dma source(%dma_start3A_2373 : memref<1024xf32, #tpu.memory_space<vmem>>) target(%dma_start3A_2371 : memref<1024xf32, #tpu.memory_space<hbm>>) target_semaphore(%arg31 : memref<!tpu.dma_semaphore, #tpu.memory_space<semaphore_mem>>)
      %dma_start3A_2374 = arith.constant 1024 : i32
      %dma_start3A_2375 = tpu.memref_slice %arg15[%dma_start3A_2374] : memref<4096xf32, #tpu.memory_space<vmem>> -> memref<1024xf32, #tpu.memory_space<vmem>>
      %dma_start3A_2376 = tpu.memref_slice %arg4[%add3A_2363] : memref<13631488xf32, #tpu.memory_space<hbm>> -> memref<1024xf32, #tpu.memory_space<hbm>>
      %dma_start3A_2377 = tpu.memref_slice %arg4[%add3A_2363] : memref<13631488xf32, #tpu.memory_space<hbm>> -> memref<1024xf32, #tpu.memory_space<hbm>>
      %dma_start3A_2378 = arith.constant 1024 : i32
      %dma_start3A_2379 = tpu.memref_slice %arg15[%dma_start3A_2378] : memref<4096xf32, #tpu.memory_space<vmem>> -> memref<1024xf32, #tpu.memory_space<vmem>>
      tpu.enqueue_dma source(%dma_start3A_2379 : memref<1024xf32, #tpu.memory_space<vmem>>) target(%dma_start3A_2377 : memref<1024xf32, #tpu.memory_space<hbm>>) target_semaphore(%arg31 : memref<!tpu.dma_semaphore, #tpu.memory_space<semaphore_mem>>)
      %dma_start3A_2380 = arith.constant 2048 : i32
      %dma_start3A_2381 = tpu.memref_slice %arg15[%dma_start3A_2380] : memref<4096xf32, #tpu.memory_space<vmem>> -> memref<1024xf32, #tpu.memory_space<vmem>>
      %dma_start3A_2382 = tpu.memref_slice %arg4[%add3A_2365] : memref<13631488xf32, #tpu.memory_space<hbm>> -> memref<1024xf32, #tpu.memory_space<hbm>>
      %dma_start3A_2383 = tpu.memref_slice %arg4[%add3A_2365] : memref<13631488xf32, #tpu.memory_space<hbm>> -> memref<1024xf32, #tpu.memory_space<hbm>>
      %dma_start3A_2384 = arith.constant 2048 : i32
      %dma_start3A_2385 = tpu.memref_slice %arg15[%dma_start3A_2384] : memref<4096xf32, #tpu.memory_space<vmem>> -> memref<1024xf32, #tpu.memory_space<vmem>>
      tpu.enqueue_dma source(%dma_start3A_2385 : memref<1024xf32, #tpu.memory_space<vmem>>) target(%dma_start3A_2383 : memref<1024xf32, #tpu.memory_space<hbm>>) target_semaphore(%arg31 : memref<!tpu.dma_semaphore, #tpu.memory_space<semaphore_mem>>)
      %dma_start3A_2386 = arith.constant 3072 : i32
      %dma_start3A_2387 = tpu.memref_slice %arg15[%dma_start3A_2386] : memref<4096xf32, #tpu.memory_space<vmem>> -> memref<1024xf32, #tpu.memory_space<vmem>>
      %dma_start3A_2388 = tpu.memref_slice %arg4[%add3A_2367] : memref<13631488xf32, #tpu.memory_space<hbm>> -> memref<1024xf32, #tpu.memory_space<hbm>>
      %dma_start3A_2389 = tpu.memref_slice %arg4[%add3A_2367] : memref<13631488xf32, #tpu.memory_space<hbm>> -> memref<1024xf32, #tpu.memory_space<hbm>>
      %dma_start3A_2390 = arith.constant 3072 : i32
      %dma_start3A_2391 = tpu.memref_slice %arg15[%dma_start3A_2390] : memref<4096xf32, #tpu.memory_space<vmem>> -> memref<1024xf32, #tpu.memory_space<vmem>>
      tpu.enqueue_dma source(%dma_start3A_2391 : memref<1024xf32, #tpu.memory_space<vmem>>) target(%dma_start3A_2389 : memref<1024xf32, #tpu.memory_space<hbm>>) target_semaphore(%arg31 : memref<!tpu.dma_semaphore, #tpu.memory_space<semaphore_mem>>)
      %add3A_2392 = arith.constant 2 : i32
      %add3A_2393 = arith.addi %add3A_1997, %add3A_2392 : i32
      %jit3A_2394 = arith.constant 4 : i32
      %div3A_2395 = arith.divsi %add3A_2393, %jit3A_2394 : i32
      %sign3A_2396 = arith.constant 0 : i32
      %sign3A_2397 = arith.cmpi sgt, %add3A_2393, %sign3A_2396 : i32
      %sign3A_2398 = arith.extui %sign3A_2397 : i1 to i32
      %sign3A_2399 = arith.constant 0 : i32
      %sign3A_2400 = arith.cmpi slt, %add3A_2393, %sign3A_2399 : i32
      %sign3A_2401 = arith.extui %sign3A_2400 : i1 to i32
      %sign3A_2402 = arith.subi %sign3A_2398, %sign3A_2401 : i32
      %sign3A_2403 = arith.constant 0 : i32
      %sign3A_2404 = arith.cmpi sgt, %jit3A_2394, %sign3A_2403 : i32
      %sign3A_2405 = arith.extui %sign3A_2404 : i1 to i32
      %sign3A_2406 = arith.constant 0 : i32
      %sign3A_2407 = arith.cmpi slt, %jit3A_2394, %sign3A_2406 : i32
      %sign3A_2408 = arith.extui %sign3A_2407 : i1 to i32
      %sign3A_2409 = arith.subi %sign3A_2405, %sign3A_2408 : i32
      %ne3A_2410 = arith.cmpi ne, %sign3A_2402, %sign3A_2409 : i32
      %rem3A_2411 = arith.remsi %add3A_2393, %jit3A_2394 : i32
      %ne3A_2412 = arith.constant 0 : i32
      %ne3A_2413 = arith.cmpi ne, %rem3A_2411, %ne3A_2412 : i32
      %and3A_2414 = arith.andi %ne3A_2410, %ne3A_2413 : i1
      %sub3A_2415 = arith.constant 1 : i32
      %sub3A_2416 = arith.subi %div3A_2395, %sub3A_2415 : i32
      %select_n3A_2417 = arith.select %and3A_2414, %sub3A_2416, %div3A_2395 : i32
      %mul3A_2418 = arith.constant 512 : i32
      %mul3A_2419 = arith.muli %select_n3A_2417, %mul3A_2418 : i32
      %add3A_2420 = arith.constant 256 : i32
      %add3A_2421 = arith.addi %mul3A_2419, %add3A_2420 : i32
      %dma_wait3A_2422 = tpu.memref_slice %arg5[%add3A_2421] : memref<13312xi32, #tpu.memory_space<vmem>> -> memref<128xi32, #tpu.memory_space<vmem>>
      %dma_wait3A_2423 = arith.constant 0 : i32
      %dma_wait3A_2424 = arith.constant 0 : i32
      %dma_wait3A_2425 = tpu.memref_slice %arg3[%dma_wait3A_2423, %dma_wait3A_2424] : memref<1000000x32xf32, #tpu.memory_space<hbm>> -> memref<1000000x32xf32, #tpu.memory_space<hbm>>
      tpu.wait_indirect_dma semaphore(%arg24 : memref<!tpu.dma_semaphore, #tpu.memory_space<semaphore_mem>>) src(%dma_wait3A_2425 : memref<1000000x32xf32, #tpu.memory_space<hbm>>) dst(%arg8 : memref<128x32xf32, #tpu.memory_space<vmem>>)
      %sub3A_2426 = arith.constant 8 : i32
      %sub3A_2427 = arith.subi %add3A_2393, %sub3A_2426 : i32
      %jit3A_2428 = arith.constant 4 : i32
      %div3A_2429 = arith.divsi %sub3A_2427, %jit3A_2428 : i32
      %sign3A_2430 = arith.constant 0 : i32
      %sign3A_2431 = arith.cmpi sgt, %sub3A_2427, %sign3A_2430 : i32
      %sign3A_2432 = arith.extui %sign3A_2431 : i1 to i32
      %sign3A_2433 = arith.constant 0 : i32
      %sign3A_2434 = arith.cmpi slt, %sub3A_2427, %sign3A_2433 : i32
      %sign3A_2435 = arith.extui %sign3A_2434 : i1 to i32
      %sign3A_2436 = arith.subi %sign3A_2432, %sign3A_2435 : i32
      %sign3A_2437 = arith.constant 0 : i32
      %sign3A_2438 = arith.cmpi sgt, %jit3A_2428, %sign3A_2437 : i32
      %sign3A_2439 = arith.extui %sign3A_2438 : i1 to i32
      %sign3A_2440 = arith.constant 0 : i32
      %sign3A_2441 = arith.cmpi slt, %jit3A_2428, %sign3A_2440 : i32
      %sign3A_2442 = arith.extui %sign3A_2441 : i1 to i32
      %sign3A_2443 = arith.subi %sign3A_2439, %sign3A_2442 : i32
      %ne3A_2444 = arith.cmpi ne, %sign3A_2436, %sign3A_2443 : i32
      %rem3A_2445 = arith.remsi %sub3A_2427, %jit3A_2428 : i32
      %ne3A_2446 = arith.constant 0 : i32
      %ne3A_2447 = arith.cmpi ne, %rem3A_2445, %ne3A_2446 : i32
      %and3A_2448 = arith.andi %ne3A_2444, %ne3A_2447 : i1
      %sub3A_2449 = arith.constant 1 : i32
      %sub3A_2450 = arith.subi %div3A_2429, %sub3A_2449 : i32
      %select_n3A_2451 = arith.select %and3A_2448, %sub3A_2450, %div3A_2429 : i32
      %mul3A_2452 = arith.constant 524288 : i32
      %mul3A_2453 = arith.muli %select_n3A_2451, %mul3A_2452 : i32
      %add3A_2454 = arith.constant 2 : i32
      %add3A_2455 = arith.addi %mul3A_2, %add3A_2454 : i32
      %mul3A_2456 = arith.constant 1024 : i32
      %mul3A_2457 = arith.muli %add3A_2455, %mul3A_2456 : i32
      %add3A_2458 = arith.addi %mul3A_2453, %mul3A_2457 : i32
      %add3A_2459 = arith.constant 0 : i32
      %add3A_2460 = arith.addi %add3A_2458, %add3A_2459 : i32
      %add3A_2461 = arith.constant 131072 : i32
      %add3A_2462 = arith.addi %add3A_2458, %add3A_2461 : i32
      %add3A_2463 = arith.constant 262144 : i32
      %add3A_2464 = arith.addi %add3A_2458, %add3A_2463 : i32
      %add3A_2465 = arith.constant 393216 : i32
      %add3A_2466 = arith.addi %add3A_2458, %add3A_2465 : i32
      %dma_wait3A_2467 = arith.constant 0 : i32
      %dma_wait3A_2468 = tpu.memref_slice %arg16[%dma_wait3A_2467] : memref<4096xf32, #tpu.memory_space<vmem>> -> memref<1024xf32, #tpu.memory_space<vmem>>
      %dma_wait3A_2469 = tpu.memref_slice %arg4[%add3A_2460] : memref<13631488xf32, #tpu.memory_space<hbm>> -> memref<1024xf32, #tpu.memory_space<hbm>>
      %dma_wait3A_2470 = tpu.memref_slice %arg4[%add3A_2460] : memref<13631488xf32, #tpu.memory_space<hbm>> -> memref<1024xf32, #tpu.memory_space<hbm>>
      %dma_wait3A_2471 = arith.constant 0 : i32
      %dma_wait3A_2472 = tpu.memref_slice %arg16[%dma_wait3A_2471] : memref<4096xf32, #tpu.memory_space<vmem>> -> memref<1024xf32, #tpu.memory_space<vmem>>
      tpu.wait_dma2 semaphore(%arg32 : memref<!tpu.dma_semaphore, #tpu.memory_space<semaphore_mem>>) src(%dma_wait3A_2472 : memref<1024xf32, #tpu.memory_space<vmem>>) dst(%dma_wait3A_2470 : memref<1024xf32, #tpu.memory_space<hbm>>)
      %dma_wait3A_2473 = arith.constant 1024 : i32
      %dma_wait3A_2474 = tpu.memref_slice %arg16[%dma_wait3A_2473] : memref<4096xf32, #tpu.memory_space<vmem>> -> memref<1024xf32, #tpu.memory_space<vmem>>
      %dma_wait3A_2475 = tpu.memref_slice %arg4[%add3A_2462] : memref<13631488xf32, #tpu.memory_space<hbm>> -> memref<1024xf32, #tpu.memory_space<hbm>>
      %dma_wait3A_2476 = tpu.memref_slice %arg4[%add3A_2462] : memref<13631488xf32, #tpu.memory_space<hbm>> -> memref<1024xf32, #tpu.memory_space<hbm>>
      %dma_wait3A_2477 = arith.constant 1024 : i32
      %dma_wait3A_2478 = tpu.memref_slice %arg16[%dma_wait3A_2477] : memref<4096xf32, #tpu.memory_space<vmem>> -> memref<1024xf32, #tpu.memory_space<vmem>>
      tpu.wait_dma2 semaphore(%arg32 : memref<!tpu.dma_semaphore, #tpu.memory_space<semaphore_mem>>) src(%dma_wait3A_2478 : memref<1024xf32, #tpu.memory_space<vmem>>) dst(%dma_wait3A_2476 : memref<1024xf32, #tpu.memory_space<hbm>>)
      %dma_wait3A_2479 = arith.constant 2048 : i32
      %dma_wait3A_2480 = tpu.memref_slice %arg16[%dma_wait3A_2479] : memref<4096xf32, #tpu.memory_space<vmem>> -> memref<1024xf32, #tpu.memory_space<vmem>>
      %dma_wait3A_2481 = tpu.memref_slice %arg4[%add3A_2464] : memref<13631488xf32, #tpu.memory_space<hbm>> -> memref<1024xf32, #tpu.memory_space<hbm>>
      %dma_wait3A_2482 = tpu.memref_slice %arg4[%add3A_2464] : memref<13631488xf32, #tpu.memory_space<hbm>> -> memref<1024xf32, #tpu.memory_space<hbm>>
      %dma_wait3A_2483 = arith.constant 2048 : i32
      %dma_wait3A_2484 = tpu.memref_slice %arg16[%dma_wait3A_2483] : memref<4096xf32, #tpu.memory_space<vmem>> -> memref<1024xf32, #tpu.memory_space<vmem>>
      tpu.wait_dma2 semaphore(%arg32 : memref<!tpu.dma_semaphore, #tpu.memory_space<semaphore_mem>>) src(%dma_wait3A_2484 : memref<1024xf32, #tpu.memory_space<vmem>>) dst(%dma_wait3A_2482 : memref<1024xf32, #tpu.memory_space<hbm>>)
      %dma_wait3A_2485 = arith.constant 3072 : i32
      %dma_wait3A_2486 = tpu.memref_slice %arg16[%dma_wait3A_2485] : memref<4096xf32, #tpu.memory_space<vmem>> -> memref<1024xf32, #tpu.memory_space<vmem>>
      %dma_wait3A_2487 = tpu.memref_slice %arg4[%add3A_2466] : memref<13631488xf32, #tpu.memory_space<hbm>> -> memref<1024xf32, #tpu.memory_space<hbm>>
      %dma_wait3A_2488 = tpu.memref_slice %arg4[%add3A_2466] : memref<13631488xf32, #tpu.memory_space<hbm>> -> memref<1024xf32, #tpu.memory_space<hbm>>
      %dma_wait3A_2489 = arith.constant 3072 : i32
      %dma_wait3A_2490 = tpu.memref_slice %arg16[%dma_wait3A_2489] : memref<4096xf32, #tpu.memory_space<vmem>> -> memref<1024xf32, #tpu.memory_space<vmem>>
      tpu.wait_dma2 semaphore(%arg32 : memref<!tpu.dma_semaphore, #tpu.memory_space<semaphore_mem>>) src(%dma_wait3A_2490 : memref<1024xf32, #tpu.memory_space<vmem>>) dst(%dma_wait3A_2488 : memref<1024xf32, #tpu.memory_space<hbm>>)
      %scan3A_2491 = arith.constant 0 : i32
      %scan3A_2492 = arith.constant 128 : i32
      %scan3A_2493 = arith.addi %scan3A_2491, %scan3A_2492 : i32
      %scan3A_2494 = arith.constant 1 : i32
      scf.for %scan3A_3598 = %scan3A_2491 to %scan3A_2493 step %scan3A_2494  : i32 {
        %mul3A_3599 = arith.constant 1 : i32
        %mul3A_3600 = arith.muli %scan3A_3598, %mul3A_3599 : i32
        %add3A_3601 = arith.constant 0 : i32
        %add3A_3602 = arith.addi %add3A_3601, %mul3A_3600 : i32
        %broadcast_in_dim3A = vector.broadcast %add3A_3602 : i32 to vector<16xi32>
        %get3A = arith.index_cast %add3A_3602 : i32 to index
        %get3A_3603 = arith.constant 0 : index
        %get3A_3604 = tpu.vector_load %arg8[%get3A, %get3A_3603] {strides = array<i32>} : memref<128x32xf32, #tpu.memory_space<vmem>>, vector<16xf32>,
        %add3A_3605 = arith.addi %mul3A_526, %broadcast_in_dim3A : vector<16xi32>
        tpu.vector_store_idx %arg16[%add3A_3605], %get3A_3604 : memref<4096xf32, #tpu.memory_space<vmem>>[vector<16xi32>], vector<16xf32>,
        %get3A_3606 = arith.index_cast %add3A_3602 : i32 to index
        %get3A_3607 = arith.constant 16 : index
        %get3A_3608 = tpu.vector_load %arg8[%get3A_3606, %get3A_3607] {strides = array<i32>} : memref<128x32xf32, #tpu.memory_space<vmem>>, vector<16xf32>,
        %add3A_3609 = arith.addi %mul3A_532, %broadcast_in_dim3A : vector<16xi32>
        tpu.vector_store_idx %arg16[%add3A_3609], %get3A_3608 : memref<4096xf32, #tpu.memory_space<vmem>>[vector<16xi32>], vector<16xf32>,
      }
      %scan3A_2495 = arith.constant 128 : i32
      %add3A_2496 = arith.constant 8 : i32
      %add3A_2497 = arith.addi %add3A_2393, %add3A_2496 : i32
      %jit3A_2498 = arith.constant 4 : i32
      %div3A_2499 = arith.divsi %add3A_2497, %jit3A_2498 : i32
      %sign3A_2500 = arith.constant 0 : i32
      %sign3A_2501 = arith.cmpi sgt, %add3A_2497, %sign3A_2500 : i32
      %sign3A_2502 = arith.extui %sign3A_2501 : i1 to i32
      %sign3A_2503 = arith.constant 0 : i32
      %sign3A_2504 = arith.cmpi slt, %add3A_2497, %sign3A_2503 : i32
      %sign3A_2505 = arith.extui %sign3A_2504 : i1 to i32
      %sign3A_2506 = arith.subi %sign3A_2502, %sign3A_2505 : i32
      %sign3A_2507 = arith.constant 0 : i32
      %sign3A_2508 = arith.cmpi sgt, %jit3A_2498, %sign3A_2507 : i32
      %sign3A_2509 = arith.extui %sign3A_2508 : i1 to i32
      %sign3A_2510 = arith.constant 0 : i32
      %sign3A_2511 = arith.cmpi slt, %jit3A_2498, %sign3A_2510 : i32
      %sign3A_2512 = arith.extui %sign3A_2511 : i1 to i32
      %sign3A_2513 = arith.subi %sign3A_2509, %sign3A_2512 : i32
      %ne3A_2514 = arith.cmpi ne, %sign3A_2506, %sign3A_2513 : i32
      %rem3A_2515 = arith.remsi %add3A_2497, %jit3A_2498 : i32
      %ne3A_2516 = arith.constant 0 : i32
      %ne3A_2517 = arith.cmpi ne, %rem3A_2515, %ne3A_2516 : i32
      %and3A_2518 = arith.andi %ne3A_2514, %ne3A_2517 : i1
      %sub3A_2519 = arith.constant 1 : i32
      %sub3A_2520 = arith.subi %div3A_2499, %sub3A_2519 : i32
      %select_n3A_2521 = arith.select %and3A_2518, %sub3A_2520, %div3A_2499 : i32
      %mul3A_2522 = arith.constant 512 : i32
      %mul3A_2523 = arith.muli %select_n3A_2521, %mul3A_2522 : i32
      %add3A_2524 = arith.constant 256 : i32
      %add3A_2525 = arith.addi %mul3A_2523, %add3A_2524 : i32
      %dma_start3A_2526 = tpu.memref_slice %arg5[%add3A_2525] : memref<13312xi32, #tpu.memory_space<vmem>> -> memref<128xi32, #tpu.memory_space<vmem>>
      %dma_start3A_2527 = arith.constant 0 : i32
      %dma_start3A_2528 = arith.constant 0 : i32
      %dma_start3A_2529 = tpu.memref_slice %arg3[%dma_start3A_2527, %dma_start3A_2528] : memref<1000000x32xf32, #tpu.memory_space<hbm>> -> memref<1000000x32xf32, #tpu.memory_space<hbm>>
      tpu.enqueue_indirect_dma source(%dma_start3A_2529 : memref<1000000x32xf32, #tpu.memory_space<hbm>>) target(%arg8 : memref<128x32xf32, #tpu.memory_space<vmem>>) offsets(%dma_start3A_2526 : memref<128xi32, #tpu.memory_space<vmem>>) semaphore(%arg24 : memref<!tpu.dma_semaphore, #tpu.memory_space<semaphore_mem>>)
      %jit3A_2530 = arith.constant 4 : i32
      %div3A_2531 = arith.divsi %add3A_2393, %jit3A_2530 : i32
      %sign3A_2532 = arith.constant 0 : i32
      %sign3A_2533 = arith.cmpi sgt, %add3A_2393, %sign3A_2532 : i32
      %sign3A_2534 = arith.extui %sign3A_2533 : i1 to i32
      %sign3A_2535 = arith.constant 0 : i32
      %sign3A_2536 = arith.cmpi slt, %add3A_2393, %sign3A_2535 : i32
      %sign3A_2537 = arith.extui %sign3A_2536 : i1 to i32
      %sign3A_2538 = arith.subi %sign3A_2534, %sign3A_2537 : i32
      %sign3A_2539 = arith.constant 0 : i32
      %sign3A_2540 = arith.cmpi sgt, %jit3A_2530, %sign3A_2539 : i32
      %sign3A_2541 = arith.extui %sign3A_2540 : i1 to i32
      %sign3A_2542 = arith.constant 0 : i32
      %sign3A_2543 = arith.cmpi slt, %jit3A_2530, %sign3A_2542 : i32
      %sign3A_2544 = arith.extui %sign3A_2543 : i1 to i32
      %sign3A_2545 = arith.subi %sign3A_2541, %sign3A_2544 : i32
      %ne3A_2546 = arith.cmpi ne, %sign3A_2538, %sign3A_2545 : i32
      %rem3A_2547 = arith.remsi %add3A_2393, %jit3A_2530 : i32
      %ne3A_2548 = arith.constant 0 : i32
      %ne3A_2549 = arith.cmpi ne, %rem3A_2547, %ne3A_2548 : i32
      %and3A_2550 = arith.andi %ne3A_2546, %ne3A_2549 : i1
      %sub3A_2551 = arith.constant 1 : i32
      %sub3A_2552 = arith.subi %div3A_2531, %sub3A_2551 : i32
      %select_n3A_2553 = arith.select %and3A_2550, %sub3A_2552, %div3A_2531 : i32
      %mul3A_2554 = arith.constant 524288 : i32
      %mul3A_2555 = arith.muli %select_n3A_2553, %mul3A_2554 : i32
      %add3A_2556 = arith.constant 2 : i32
      %add3A_2557 = arith.addi %mul3A_2, %add3A_2556 : i32
      %mul3A_2558 = arith.constant 1024 : i32
      %mul3A_2559 = arith.muli %add3A_2557, %mul3A_2558 : i32
      %add3A_2560 = arith.addi %mul3A_2555, %mul3A_2559 : i32
      %add3A_2561 = arith.constant 0 : i32
      %add3A_2562 = arith.addi %add3A_2560, %add3A_2561 : i32
      %add3A_2563 = arith.constant 131072 : i32
      %add3A_2564 = arith.addi %add3A_2560, %add3A_2563 : i32
      %add3A_2565 = arith.constant 262144 : i32
      %add3A_2566 = arith.addi %add3A_2560, %add3A_2565 : i32
      %add3A_2567 = arith.constant 393216 : i32
      %add3A_2568 = arith.addi %add3A_2560, %add3A_2567 : i32
      %dma_start3A_2569 = arith.constant 0 : i32
      %dma_start3A_2570 = tpu.memref_slice %arg16[%dma_start3A_2569] : memref<4096xf32, #tpu.memory_space<vmem>> -> memref<1024xf32, #tpu.memory_space<vmem>>
      %dma_start3A_2571 = tpu.memref_slice %arg4[%add3A_2562] : memref<13631488xf32, #tpu.memory_space<hbm>> -> memref<1024xf32, #tpu.memory_space<hbm>>
      %dma_start3A_2572 = tpu.memref_slice %arg4[%add3A_2562] : memref<13631488xf32, #tpu.memory_space<hbm>> -> memref<1024xf32, #tpu.memory_space<hbm>>
      %dma_start3A_2573 = arith.constant 0 : i32
      %dma_start3A_2574 = tpu.memref_slice %arg16[%dma_start3A_2573] : memref<4096xf32, #tpu.memory_space<vmem>> -> memref<1024xf32, #tpu.memory_space<vmem>>
      tpu.enqueue_dma source(%dma_start3A_2574 : memref<1024xf32, #tpu.memory_space<vmem>>) target(%dma_start3A_2572 : memref<1024xf32, #tpu.memory_space<hbm>>) target_semaphore(%arg32 : memref<!tpu.dma_semaphore, #tpu.memory_space<semaphore_mem>>)
      %dma_start3A_2575 = arith.constant 1024 : i32
      %dma_start3A_2576 = tpu.memref_slice %arg16[%dma_start3A_2575] : memref<4096xf32, #tpu.memory_space<vmem>> -> memref<1024xf32, #tpu.memory_space<vmem>>
      %dma_start3A_2577 = tpu.memref_slice %arg4[%add3A_2564] : memref<13631488xf32, #tpu.memory_space<hbm>> -> memref<1024xf32, #tpu.memory_space<hbm>>
      %dma_start3A_2578 = tpu.memref_slice %arg4[%add3A_2564] : memref<13631488xf32, #tpu.memory_space<hbm>> -> memref<1024xf32, #tpu.memory_space<hbm>>
      %dma_start3A_2579 = arith.constant 1024 : i32
      %dma_start3A_2580 = tpu.memref_slice %arg16[%dma_start3A_2579] : memref<4096xf32, #tpu.memory_space<vmem>> -> memref<1024xf32, #tpu.memory_space<vmem>>
      tpu.enqueue_dma source(%dma_start3A_2580 : memref<1024xf32, #tpu.memory_space<vmem>>) target(%dma_start3A_2578 : memref<1024xf32, #tpu.memory_space<hbm>>) target_semaphore(%arg32 : memref<!tpu.dma_semaphore, #tpu.memory_space<semaphore_mem>>)
      %dma_start3A_2581 = arith.constant 2048 : i32
      %dma_start3A_2582 = tpu.memref_slice %arg16[%dma_start3A_2581] : memref<4096xf32, #tpu.memory_space<vmem>> -> memref<1024xf32, #tpu.memory_space<vmem>>
      %dma_start3A_2583 = tpu.memref_slice %arg4[%add3A_2566] : memref<13631488xf32, #tpu.memory_space<hbm>> -> memref<1024xf32, #tpu.memory_space<hbm>>
      %dma_start3A_2584 = tpu.memref_slice %arg4[%add3A_2566] : memref<13631488xf32, #tpu.memory_space<hbm>> -> memref<1024xf32, #tpu.memory_space<hbm>>
      %dma_start3A_2585 = arith.constant 2048 : i32
      %dma_start3A_2586 = tpu.memref_slice %arg16[%dma_start3A_2585] : memref<4096xf32, #tpu.memory_space<vmem>> -> memref<1024xf32, #tpu.memory_space<vmem>>
      tpu.enqueue_dma source(%dma_start3A_2586 : memref<1024xf32, #tpu.memory_space<vmem>>) target(%dma_start3A_2584 : memref<1024xf32, #tpu.memory_space<hbm>>) target_semaphore(%arg32 : memref<!tpu.dma_semaphore, #tpu.memory_space<semaphore_mem>>)
      %dma_start3A_2587 = arith.constant 3072 : i32
      %dma_start3A_2588 = tpu.memref_slice %arg16[%dma_start3A_2587] : memref<4096xf32, #tpu.memory_space<vmem>> -> memref<1024xf32, #tpu.memory_space<vmem>>
      %dma_start3A_2589 = tpu.memref_slice %arg4[%add3A_2568] : memref<13631488xf32, #tpu.memory_space<hbm>> -> memref<1024xf32, #tpu.memory_space<hbm>>
      %dma_start3A_2590 = tpu.memref_slice %arg4[%add3A_2568] : memref<13631488xf32, #tpu.memory_space<hbm>> -> memref<1024xf32, #tpu.memory_space<hbm>>
      %dma_start3A_2591 = arith.constant 3072 : i32
      %dma_start3A_2592 = tpu.memref_slice %arg16[%dma_start3A_2591] : memref<4096xf32, #tpu.memory_space<vmem>> -> memref<1024xf32, #tpu.memory_space<vmem>>
      tpu.enqueue_dma source(%dma_start3A_2592 : memref<1024xf32, #tpu.memory_space<vmem>>) target(%dma_start3A_2590 : memref<1024xf32, #tpu.memory_space<hbm>>) target_semaphore(%arg32 : memref<!tpu.dma_semaphore, #tpu.memory_space<semaphore_mem>>)
      %add3A_2593 = arith.constant 3 : i32
      %add3A_2594 = arith.addi %add3A_1997, %add3A_2593 : i32
      %jit3A_2595 = arith.constant 4 : i32
      %div3A_2596 = arith.divsi %add3A_2594, %jit3A_2595 : i32
      %sign3A_2597 = arith.constant 0 : i32
      %sign3A_2598 = arith.cmpi sgt, %add3A_2594, %sign3A_2597 : i32
      %sign3A_2599 = arith.extui %sign3A_2598 : i1 to i32
      %sign3A_2600 = arith.constant 0 : i32
      %sign3A_2601 = arith.cmpi slt, %add3A_2594, %sign3A_2600 : i32
      %sign3A_2602 = arith.extui %sign3A_2601 : i1 to i32
      %sign3A_2603 = arith.subi %sign3A_2599, %sign3A_2602 : i32
      %sign3A_2604 = arith.constant 0 : i32
      %sign3A_2605 = arith.cmpi sgt, %jit3A_2595, %sign3A_2604 : i32
      %sign3A_2606 = arith.extui %sign3A_2605 : i1 to i32
      %sign3A_2607 = arith.constant 0 : i32
      %sign3A_2608 = arith.cmpi slt, %jit3A_2595, %sign3A_2607 : i32
      %sign3A_2609 = arith.extui %sign3A_2608 : i1 to i32
      %sign3A_2610 = arith.subi %sign3A_2606, %sign3A_2609 : i32
      %ne3A_2611 = arith.cmpi ne, %sign3A_2603, %sign3A_2610 : i32
      %rem3A_2612 = arith.remsi %add3A_2594, %jit3A_2595 : i32
      %ne3A_2613 = arith.constant 0 : i32
      %ne3A_2614 = arith.cmpi ne, %rem3A_2612, %ne3A_2613 : i32
      %and3A_2615 = arith.andi %ne3A_2611, %ne3A_2614 : i1
      %sub3A_2616 = arith.constant 1 : i32
      %sub3A_2617 = arith.subi %div3A_2596, %sub3A_2616 : i32
      %select_n3A_2618 = arith.select %and3A_2615, %sub3A_2617, %div3A_2596 : i32
      %mul3A_2619 = arith.constant 512 : i32
      %mul3A_2620 = arith.muli %select_n3A_2618, %mul3A_2619 : i32
      %add3A_2621 = arith.constant 384 : i32
      %add3A_2622 = arith.addi %mul3A_2620, %add3A_2621 : i32
      %dma_wait3A_2623 = tpu.memref_slice %arg5[%add3A_2622] : memref<13312xi32, #tpu.memory_space<vmem>> -> memref<128xi32, #tpu.memory_space<vmem>>
      %dma_wait3A_2624 = arith.constant 0 : i32
      %dma_wait3A_2625 = arith.constant 0 : i32
      %dma_wait3A_2626 = tpu.memref_slice %arg3[%dma_wait3A_2624, %dma_wait3A_2625] : memref<1000000x32xf32, #tpu.memory_space<hbm>> -> memref<1000000x32xf32, #tpu.memory_space<hbm>>
      tpu.wait_indirect_dma semaphore(%arg25 : memref<!tpu.dma_semaphore, #tpu.memory_space<semaphore_mem>>) src(%dma_wait3A_2626 : memref<1000000x32xf32, #tpu.memory_space<hbm>>) dst(%arg9 : memref<128x32xf32, #tpu.memory_space<vmem>>)
      %sub3A_2627 = arith.constant 8 : i32
      %sub3A_2628 = arith.subi %add3A_2594, %sub3A_2627 : i32
      %jit3A_2629 = arith.constant 4 : i32
      %div3A_2630 = arith.divsi %sub3A_2628, %jit3A_2629 : i32
      %sign3A_2631 = arith.constant 0 : i32
      %sign3A_2632 = arith.cmpi sgt, %sub3A_2628, %sign3A_2631 : i32
      %sign3A_2633 = arith.extui %sign3A_2632 : i1 to i32
      %sign3A_2634 = arith.constant 0 : i32
      %sign3A_2635 = arith.cmpi slt, %sub3A_2628, %sign3A_2634 : i32
      %sign3A_2636 = arith.extui %sign3A_2635 : i1 to i32
      %sign3A_2637 = arith.subi %sign3A_2633, %sign3A_2636 : i32
      %sign3A_2638 = arith.constant 0 : i32
      %sign3A_2639 = arith.cmpi sgt, %jit3A_2629, %sign3A_2638 : i32
      %sign3A_2640 = arith.extui %sign3A_2639 : i1 to i32
      %sign3A_2641 = arith.constant 0 : i32
      %sign3A_2642 = arith.cmpi slt, %jit3A_2629, %sign3A_2641 : i32
      %sign3A_2643 = arith.extui %sign3A_2642 : i1 to i32
      %sign3A_2644 = arith.subi %sign3A_2640, %sign3A_2643 : i32
      %ne3A_2645 = arith.cmpi ne, %sign3A_2637, %sign3A_2644 : i32
      %rem3A_2646 = arith.remsi %sub3A_2628, %jit3A_2629 : i32
      %ne3A_2647 = arith.constant 0 : i32
      %ne3A_2648 = arith.cmpi ne, %rem3A_2646, %ne3A_2647 : i32
      %and3A_2649 = arith.andi %ne3A_2645, %ne3A_2648 : i1
      %sub3A_2650 = arith.constant 1 : i32
      %sub3A_2651 = arith.subi %div3A_2630, %sub3A_2650 : i32
      %select_n3A_2652 = arith.select %and3A_2649, %sub3A_2651, %div3A_2630 : i32
      %mul3A_2653 = arith.constant 524288 : i32
      %mul3A_2654 = arith.muli %select_n3A_2652, %mul3A_2653 : i32
      %add3A_2655 = arith.constant 3 : i32
      %add3A_2656 = arith.addi %mul3A_2, %add3A_2655 : i32
      %mul3A_2657 = arith.constant 1024 : i32
      %mul3A_2658 = arith.muli %add3A_2656, %mul3A_2657 : i32
      %add3A_2659 = arith.addi %mul3A_2654, %mul3A_2658 : i32
      %add3A_2660 = arith.constant 0 : i32
      %add3A_2661 = arith.addi %add3A_2659, %add3A_2660 : i32
      %add3A_2662 = arith.constant 131072 : i32
      %add3A_2663 = arith.addi %add3A_2659, %add3A_2662 : i32
      %add3A_2664 = arith.constant 262144 : i32
      %add3A_2665 = arith.addi %add3A_2659, %add3A_2664 : i32
      %add3A_2666 = arith.constant 393216 : i32
      %add3A_2667 = arith.addi %add3A_2659, %add3A_2666 : i32
      %dma_wait3A_2668 = arith.constant 0 : i32
      %dma_wait3A_2669 = tpu.memref_slice %arg17[%dma_wait3A_2668] : memref<4096xf32, #tpu.memory_space<vmem>> -> memref<1024xf32, #tpu.memory_space<vmem>>
      %dma_wait3A_2670 = tpu.memref_slice %arg4[%add3A_2661] : memref<13631488xf32, #tpu.memory_space<hbm>> -> memref<1024xf32, #tpu.memory_space<hbm>>
      %dma_wait3A_2671 = tpu.memref_slice %arg4[%add3A_2661] : memref<13631488xf32, #tpu.memory_space<hbm>> -> memref<1024xf32, #tpu.memory_space<hbm>>
      %dma_wait3A_2672 = arith.constant 0 : i32
      %dma_wait3A_2673 = tpu.memref_slice %arg17[%dma_wait3A_2672] : memref<4096xf32, #tpu.memory_space<vmem>> -> memref<1024xf32, #tpu.memory_space<vmem>>
      tpu.wait_dma2 semaphore(%arg33 : memref<!tpu.dma_semaphore, #tpu.memory_space<semaphore_mem>>) src(%dma_wait3A_2673 : memref<1024xf32, #tpu.memory_space<vmem>>) dst(%dma_wait3A_2671 : memref<1024xf32, #tpu.memory_space<hbm>>)
      %dma_wait3A_2674 = arith.constant 1024 : i32
      %dma_wait3A_2675 = tpu.memref_slice %arg17[%dma_wait3A_2674] : memref<4096xf32, #tpu.memory_space<vmem>> -> memref<1024xf32, #tpu.memory_space<vmem>>
      %dma_wait3A_2676 = tpu.memref_slice %arg4[%add3A_2663] : memref<13631488xf32, #tpu.memory_space<hbm>> -> memref<1024xf32, #tpu.memory_space<hbm>>
      %dma_wait3A_2677 = tpu.memref_slice %arg4[%add3A_2663] : memref<13631488xf32, #tpu.memory_space<hbm>> -> memref<1024xf32, #tpu.memory_space<hbm>>
      %dma_wait3A_2678 = arith.constant 1024 : i32
      %dma_wait3A_2679 = tpu.memref_slice %arg17[%dma_wait3A_2678] : memref<4096xf32, #tpu.memory_space<vmem>> -> memref<1024xf32, #tpu.memory_space<vmem>>
      tpu.wait_dma2 semaphore(%arg33 : memref<!tpu.dma_semaphore, #tpu.memory_space<semaphore_mem>>) src(%dma_wait3A_2679 : memref<1024xf32, #tpu.memory_space<vmem>>) dst(%dma_wait3A_2677 : memref<1024xf32, #tpu.memory_space<hbm>>)
      %dma_wait3A_2680 = arith.constant 2048 : i32
      %dma_wait3A_2681 = tpu.memref_slice %arg17[%dma_wait3A_2680] : memref<4096xf32, #tpu.memory_space<vmem>> -> memref<1024xf32, #tpu.memory_space<vmem>>
      %dma_wait3A_2682 = tpu.memref_slice %arg4[%add3A_2665] : memref<13631488xf32, #tpu.memory_space<hbm>> -> memref<1024xf32, #tpu.memory_space<hbm>>
      %dma_wait3A_2683 = tpu.memref_slice %arg4[%add3A_2665] : memref<13631488xf32, #tpu.memory_space<hbm>> -> memref<1024xf32, #tpu.memory_space<hbm>>
      %dma_wait3A_2684 = arith.constant 2048 : i32
      %dma_wait3A_2685 = tpu.memref_slice %arg17[%dma_wait3A_2684] : memref<4096xf32, #tpu.memory_space<vmem>> -> memref<1024xf32, #tpu.memory_space<vmem>>
      tpu.wait_dma2 semaphore(%arg33 : memref<!tpu.dma_semaphore, #tpu.memory_space<semaphore_mem>>) src(%dma_wait3A_2685 : memref<1024xf32, #tpu.memory_space<vmem>>) dst(%dma_wait3A_2683 : memref<1024xf32, #tpu.memory_space<hbm>>)
      %dma_wait3A_2686 = arith.constant 3072 : i32
      %dma_wait3A_2687 = tpu.memref_slice %arg17[%dma_wait3A_2686] : memref<4096xf32, #tpu.memory_space<vmem>> -> memref<1024xf32, #tpu.memory_space<vmem>>
      %dma_wait3A_2688 = tpu.memref_slice %arg4[%add3A_2667] : memref<13631488xf32, #tpu.memory_space<hbm>> -> memref<1024xf32, #tpu.memory_space<hbm>>
      %dma_wait3A_2689 = tpu.memref_slice %arg4[%add3A_2667] : memref<13631488xf32, #tpu.memory_space<hbm>> -> memref<1024xf32, #tpu.memory_space<hbm>>
      %dma_wait3A_2690 = arith.constant 3072 : i32
      %dma_wait3A_2691 = tpu.memref_slice %arg17[%dma_wait3A_2690] : memref<4096xf32, #tpu.memory_space<vmem>> -> memref<1024xf32, #tpu.memory_space<vmem>>
      tpu.wait_dma2 semaphore(%arg33 : memref<!tpu.dma_semaphore, #tpu.memory_space<semaphore_mem>>) src(%dma_wait3A_2691 : memref<1024xf32, #tpu.memory_space<vmem>>) dst(%dma_wait3A_2689 : memref<1024xf32, #tpu.memory_space<hbm>>)
      %scan3A_2692 = arith.constant 0 : i32
      %scan3A_2693 = arith.constant 128 : i32
      %scan3A_2694 = arith.addi %scan3A_2692, %scan3A_2693 : i32
      %scan3A_2695 = arith.constant 1 : i32
      scf.for %scan3A_3598 = %scan3A_2692 to %scan3A_2694 step %scan3A_2695  : i32 {
        %mul3A_3599 = arith.constant 1 : i32
        %mul3A_3600 = arith.muli %scan3A_3598, %mul3A_3599 : i32
        %add3A_3601 = arith.constant 0 : i32
        %add3A_3602 = arith.addi %add3A_3601, %mul3A_3600 : i32
        %broadcast_in_dim3A = vector.broadcast %add3A_3602 : i32 to vector<16xi32>
        %get3A = arith.index_cast %add3A_3602 : i32 to index
        %get3A_3603 = arith.constant 0 : index
        %get3A_3604 = tpu.vector_load %arg9[%get3A, %get3A_3603] {strides = array<i32>} : memref<128x32xf32, #tpu.memory_space<vmem>>, vector<16xf32>,
        %add3A_3605 = arith.addi %mul3A_526, %broadcast_in_dim3A : vector<16xi32>
        tpu.vector_store_idx %arg17[%add3A_3605], %get3A_3604 : memref<4096xf32, #tpu.memory_space<vmem>>[vector<16xi32>], vector<16xf32>,
        %get3A_3606 = arith.index_cast %add3A_3602 : i32 to index
        %get3A_3607 = arith.constant 16 : index
        %get3A_3608 = tpu.vector_load %arg9[%get3A_3606, %get3A_3607] {strides = array<i32>} : memref<128x32xf32, #tpu.memory_space<vmem>>, vector<16xf32>,
        %add3A_3609 = arith.addi %mul3A_532, %broadcast_in_dim3A : vector<16xi32>
        tpu.vector_store_idx %arg17[%add3A_3609], %get3A_3608 : memref<4096xf32, #tpu.memory_space<vmem>>[vector<16xi32>], vector<16xf32>,
      }
      %scan3A_2696 = arith.constant 128 : i32
      %add3A_2697 = arith.constant 8 : i32
      %add3A_2698 = arith.addi %add3A_2594, %add3A_2697 : i32
      %jit3A_2699 = arith.constant 4 : i32
      %div3A_2700 = arith.divsi %add3A_2698, %jit3A_2699 : i32
      %sign3A_2701 = arith.constant 0 : i32
      %sign3A_2702 = arith.cmpi sgt, %add3A_2698, %sign3A_2701 : i32
      %sign3A_2703 = arith.extui %sign3A_2702 : i1 to i32
      %sign3A_2704 = arith.constant 0 : i32
      %sign3A_2705 = arith.cmpi slt, %add3A_2698, %sign3A_2704 : i32
      %sign3A_2706 = arith.extui %sign3A_2705 : i1 to i32
      %sign3A_2707 = arith.subi %sign3A_2703, %sign3A_2706 : i32
      %sign3A_2708 = arith.constant 0 : i32
      %sign3A_2709 = arith.cmpi sgt, %jit3A_2699, %sign3A_2708 : i32
      %sign3A_2710 = arith.extui %sign3A_2709 : i1 to i32
      %sign3A_2711 = arith.constant 0 : i32
      %sign3A_2712 = arith.cmpi slt, %jit3A_2699, %sign3A_2711 : i32
      %sign3A_2713 = arith.extui %sign3A_2712 : i1 to i32
      %sign3A_2714 = arith.subi %sign3A_2710, %sign3A_2713 : i32
      %ne3A_2715 = arith.cmpi ne, %sign3A_2707, %sign3A_2714 : i32
      %rem3A_2716 = arith.remsi %add3A_2698, %jit3A_2699 : i32
      %ne3A_2717 = arith.constant 0 : i32
      %ne3A_2718 = arith.cmpi ne, %rem3A_2716, %ne3A_2717 : i32
      %and3A_2719 = arith.andi %ne3A_2715, %ne3A_2718 : i1
      %sub3A_2720 = arith.constant 1 : i32
      %sub3A_2721 = arith.subi %div3A_2700, %sub3A_2720 : i32
      %select_n3A_2722 = arith.select %and3A_2719, %sub3A_2721, %div3A_2700 : i32
      %mul3A_2723 = arith.constant 512 : i32
      %mul3A_2724 = arith.muli %select_n3A_2722, %mul3A_2723 : i32
      %add3A_2725 = arith.constant 384 : i32
      %add3A_2726 = arith.addi %mul3A_2724, %add3A_2725 : i32
      %dma_start3A_2727 = tpu.memref_slice %arg5[%add3A_2726] : memref<13312xi32, #tpu.memory_space<vmem>> -> memref<128xi32, #tpu.memory_space<vmem>>
      %dma_start3A_2728 = arith.constant 0 : i32
      %dma_start3A_2729 = arith.constant 0 : i32
      %dma_start3A_2730 = tpu.memref_slice %arg3[%dma_start3A_2728, %dma_start3A_2729] : memref<1000000x32xf32, #tpu.memory_space<hbm>> -> memref<1000000x32xf32, #tpu.memory_space<hbm>>
      tpu.enqueue_indirect_dma source(%dma_start3A_2730 : memref<1000000x32xf32, #tpu.memory_space<hbm>>) target(%arg9 : memref<128x32xf32, #tpu.memory_space<vmem>>) offsets(%dma_start3A_2727 : memref<128xi32, #tpu.memory_space<vmem>>) semaphore(%arg25 : memref<!tpu.dma_semaphore, #tpu.memory_space<semaphore_mem>>)
      %jit3A_2731 = arith.constant 4 : i32
      %div3A_2732 = arith.divsi %add3A_2594, %jit3A_2731 : i32
      %sign3A_2733 = arith.constant 0 : i32
      %sign3A_2734 = arith.cmpi sgt, %add3A_2594, %sign3A_2733 : i32
      %sign3A_2735 = arith.extui %sign3A_2734 : i1 to i32
      %sign3A_2736 = arith.constant 0 : i32
      %sign3A_2737 = arith.cmpi slt, %add3A_2594, %sign3A_2736 : i32
      %sign3A_2738 = arith.extui %sign3A_2737 : i1 to i32
      %sign3A_2739 = arith.subi %sign3A_2735, %sign3A_2738 : i32
      %sign3A_2740 = arith.constant 0 : i32
      %sign3A_2741 = arith.cmpi sgt, %jit3A_2731, %sign3A_2740 : i32
      %sign3A_2742 = arith.extui %sign3A_2741 : i1 to i32
      %sign3A_2743 = arith.constant 0 : i32
      %sign3A_2744 = arith.cmpi slt, %jit3A_2731, %sign3A_2743 : i32
      %sign3A_2745 = arith.extui %sign3A_2744 : i1 to i32
      %sign3A_2746 = arith.subi %sign3A_2742, %sign3A_2745 : i32
      %ne3A_2747 = arith.cmpi ne, %sign3A_2739, %sign3A_2746 : i32
      %rem3A_2748 = arith.remsi %add3A_2594, %jit3A_2731 : i32
      %ne3A_2749 = arith.constant 0 : i32
      %ne3A_2750 = arith.cmpi ne, %rem3A_2748, %ne3A_2749 : i32
      %and3A_2751 = arith.andi %ne3A_2747, %ne3A_2750 : i1
      %sub3A_2752 = arith.constant 1 : i32
      %sub3A_2753 = arith.subi %div3A_2732, %sub3A_2752 : i32
      %select_n3A_2754 = arith.select %and3A_2751, %sub3A_2753, %div3A_2732 : i32
      %mul3A_2755 = arith.constant 524288 : i32
      %mul3A_2756 = arith.muli %select_n3A_2754, %mul3A_2755 : i32
      %add3A_2757 = arith.constant 3 : i32
      %add3A_2758 = arith.addi %mul3A_2, %add3A_2757 : i32
      %mul3A_2759 = arith.constant 1024 : i32
      %mul3A_2760 = arith.muli %add3A_2758, %mul3A_2759 : i32
      %add3A_2761 = arith.addi %mul3A_2756, %mul3A_2760 : i32
      %add3A_2762 = arith.constant 0 : i32
      %add3A_2763 = arith.addi %add3A_2761, %add3A_2762 : i32
      %add3A_2764 = arith.constant 131072 : i32
      %add3A_2765 = arith.addi %add3A_2761, %add3A_2764 : i32
      %add3A_2766 = arith.constant 262144 : i32
      %add3A_2767 = arith.addi %add3A_2761, %add3A_2766 : i32
      %add3A_2768 = arith.constant 393216 : i32
      %add3A_2769 = arith.addi %add3A_2761, %add3A_2768 : i32
      %dma_start3A_2770 = arith.constant 0 : i32
      %dma_start3A_2771 = tpu.memref_slice %arg17[%dma_start3A_2770] : memref<4096xf32, #tpu.memory_space<vmem>> -> memref<1024xf32, #tpu.memory_space<vmem>>
      %dma_start3A_2772 = tpu.memref_slice %arg4[%add3A_2763] : memref<13631488xf32, #tpu.memory_space<hbm>> -> memref<1024xf32, #tpu.memory_space<hbm>>
      %dma_start3A_2773 = tpu.memref_slice %arg4[%add3A_2763] : memref<13631488xf32, #tpu.memory_space<hbm>> -> memref<1024xf32, #tpu.memory_space<hbm>>
      %dma_start3A_2774 = arith.constant 0 : i32
      %dma_start3A_2775 = tpu.memref_slice %arg17[%dma_start3A_2774] : memref<4096xf32, #tpu.memory_space<vmem>> -> memref<1024xf32, #tpu.memory_space<vmem>>
      tpu.enqueue_dma source(%dma_start3A_2775 : memref<1024xf32, #tpu.memory_space<vmem>>) target(%dma_start3A_2773 : memref<1024xf32, #tpu.memory_space<hbm>>) target_semaphore(%arg33 : memref<!tpu.dma_semaphore, #tpu.memory_space<semaphore_mem>>)
      %dma_start3A_2776 = arith.constant 1024 : i32
      %dma_start3A_2777 = tpu.memref_slice %arg17[%dma_start3A_2776] : memref<4096xf32, #tpu.memory_space<vmem>> -> memref<1024xf32, #tpu.memory_space<vmem>>
      %dma_start3A_2778 = tpu.memref_slice %arg4[%add3A_2765] : memref<13631488xf32, #tpu.memory_space<hbm>> -> memref<1024xf32, #tpu.memory_space<hbm>>
      %dma_start3A_2779 = tpu.memref_slice %arg4[%add3A_2765] : memref<13631488xf32, #tpu.memory_space<hbm>> -> memref<1024xf32, #tpu.memory_space<hbm>>
      %dma_start3A_2780 = arith.constant 1024 : i32
      %dma_start3A_2781 = tpu.memref_slice %arg17[%dma_start3A_2780] : memref<4096xf32, #tpu.memory_space<vmem>> -> memref<1024xf32, #tpu.memory_space<vmem>>
      tpu.enqueue_dma source(%dma_start3A_2781 : memref<1024xf32, #tpu.memory_space<vmem>>) target(%dma_start3A_2779 : memref<1024xf32, #tpu.memory_space<hbm>>) target_semaphore(%arg33 : memref<!tpu.dma_semaphore, #tpu.memory_space<semaphore_mem>>)
      %dma_start3A_2782 = arith.constant 2048 : i32
      %dma_start3A_2783 = tpu.memref_slice %arg17[%dma_start3A_2782] : memref<4096xf32, #tpu.memory_space<vmem>> -> memref<1024xf32, #tpu.memory_space<vmem>>
      %dma_start3A_2784 = tpu.memref_slice %arg4[%add3A_2767] : memref<13631488xf32, #tpu.memory_space<hbm>> -> memref<1024xf32, #tpu.memory_space<hbm>>
      %dma_start3A_2785 = tpu.memref_slice %arg4[%add3A_2767] : memref<13631488xf32, #tpu.memory_space<hbm>> -> memref<1024xf32, #tpu.memory_space<hbm>>
      %dma_start3A_2786 = arith.constant 2048 : i32
      %dma_start3A_2787 = tpu.memref_slice %arg17[%dma_start3A_2786] : memref<4096xf32, #tpu.memory_space<vmem>> -> memref<1024xf32, #tpu.memory_space<vmem>>
      tpu.enqueue_dma source(%dma_start3A_2787 : memref<1024xf32, #tpu.memory_space<vmem>>) target(%dma_start3A_2785 : memref<1024xf32, #tpu.memory_space<hbm>>) target_semaphore(%arg33 : memref<!tpu.dma_semaphore, #tpu.memory_space<semaphore_mem>>)
      %dma_start3A_2788 = arith.constant 3072 : i32
      %dma_start3A_2789 = tpu.memref_slice %arg17[%dma_start3A_2788] : memref<4096xf32, #tpu.memory_space<vmem>> -> memref<1024xf32, #tpu.memory_space<vmem>>
      %dma_start3A_2790 = tpu.memref_slice %arg4[%add3A_2769] : memref<13631488xf32, #tpu.memory_space<hbm>> -> memref<1024xf32, #tpu.memory_space<hbm>>
      %dma_start3A_2791 = tpu.memref_slice %arg4[%add3A_2769] : memref<13631488xf32, #tpu.memory_space<hbm>> -> memref<1024xf32, #tpu.memory_space<hbm>>
      %dma_start3A_2792 = arith.constant 3072 : i32
      %dma_start3A_2793 = tpu.memref_slice %arg17[%dma_start3A_2792] : memref<4096xf32, #tpu.memory_space<vmem>> -> memref<1024xf32, #tpu.memory_space<vmem>>
      tpu.enqueue_dma source(%dma_start3A_2793 : memref<1024xf32, #tpu.memory_space<vmem>>) target(%dma_start3A_2791 : memref<1024xf32, #tpu.memory_space<hbm>>) target_semaphore(%arg33 : memref<!tpu.dma_semaphore, #tpu.memory_space<semaphore_mem>>)
      %add3A_2794 = arith.constant 4 : i32
      %add3A_2795 = arith.addi %add3A_1997, %add3A_2794 : i32
      %jit3A_2796 = arith.constant 4 : i32
      %div3A_2797 = arith.divsi %add3A_2795, %jit3A_2796 : i32
      %sign3A_2798 = arith.constant 0 : i32
      %sign3A_2799 = arith.cmpi sgt, %add3A_2795, %sign3A_2798 : i32
      %sign3A_2800 = arith.extui %sign3A_2799 : i1 to i32
      %sign3A_2801 = arith.constant 0 : i32
      %sign3A_2802 = arith.cmpi slt, %add3A_2795, %sign3A_2801 : i32
      %sign3A_2803 = arith.extui %sign3A_2802 : i1 to i32
      %sign3A_2804 = arith.subi %sign3A_2800, %sign3A_2803 : i32
      %sign3A_2805 = arith.constant 0 : i32
      %sign3A_2806 = arith.cmpi sgt, %jit3A_2796, %sign3A_2805 : i32
      %sign3A_2807 = arith.extui %sign3A_2806 : i1 to i32
      %sign3A_2808 = arith.constant 0 : i32
      %sign3A_2809 = arith.cmpi slt, %jit3A_2796, %sign3A_2808 : i32
      %sign3A_2810 = arith.extui %sign3A_2809 : i1 to i32
      %sign3A_2811 = arith.subi %sign3A_2807, %sign3A_2810 : i32
      %ne3A_2812 = arith.cmpi ne, %sign3A_2804, %sign3A_2811 : i32
      %rem3A_2813 = arith.remsi %add3A_2795, %jit3A_2796 : i32
      %ne3A_2814 = arith.constant 0 : i32
      %ne3A_2815 = arith.cmpi ne, %rem3A_2813, %ne3A_2814 : i32
      %and3A_2816 = arith.andi %ne3A_2812, %ne3A_2815 : i1
      %sub3A_2817 = arith.constant 1 : i32
      %sub3A_2818 = arith.subi %div3A_2797, %sub3A_2817 : i32
      %select_n3A_2819 = arith.select %and3A_2816, %sub3A_2818, %div3A_2797 : i32
      %mul3A_2820 = arith.constant 512 : i32
      %mul3A_2821 = arith.muli %select_n3A_2819, %mul3A_2820 : i32
      %add3A_2822 = arith.constant 0 : i32
      %add3A_2823 = arith.addi %mul3A_2821, %add3A_2822 : i32
      %dma_wait3A_2824 = tpu.memref_slice %arg5[%add3A_2823] : memref<13312xi32, #tpu.memory_space<vmem>> -> memref<128xi32, #tpu.memory_space<vmem>>
      %dma_wait3A_2825 = arith.constant 0 : i32
      %dma_wait3A_2826 = arith.constant 0 : i32
      %dma_wait3A_2827 = tpu.memref_slice %arg3[%dma_wait3A_2825, %dma_wait3A_2826] : memref<1000000x32xf32, #tpu.memory_space<hbm>> -> memref<1000000x32xf32, #tpu.memory_space<hbm>>
      tpu.wait_indirect_dma semaphore(%arg26 : memref<!tpu.dma_semaphore, #tpu.memory_space<semaphore_mem>>) src(%dma_wait3A_2827 : memref<1000000x32xf32, #tpu.memory_space<hbm>>) dst(%arg10 : memref<128x32xf32, #tpu.memory_space<vmem>>)
      %sub3A_2828 = arith.constant 8 : i32
      %sub3A_2829 = arith.subi %add3A_2795, %sub3A_2828 : i32
      %jit3A_2830 = arith.constant 4 : i32
      %div3A_2831 = arith.divsi %sub3A_2829, %jit3A_2830 : i32
      %sign3A_2832 = arith.constant 0 : i32
      %sign3A_2833 = arith.cmpi sgt, %sub3A_2829, %sign3A_2832 : i32
      %sign3A_2834 = arith.extui %sign3A_2833 : i1 to i32
      %sign3A_2835 = arith.constant 0 : i32
      %sign3A_2836 = arith.cmpi slt, %sub3A_2829, %sign3A_2835 : i32
      %sign3A_2837 = arith.extui %sign3A_2836 : i1 to i32
      %sign3A_2838 = arith.subi %sign3A_2834, %sign3A_2837 : i32
      %sign3A_2839 = arith.constant 0 : i32
      %sign3A_2840 = arith.cmpi sgt, %jit3A_2830, %sign3A_2839 : i32
      %sign3A_2841 = arith.extui %sign3A_2840 : i1 to i32
      %sign3A_2842 = arith.constant 0 : i32
      %sign3A_2843 = arith.cmpi slt, %jit3A_2830, %sign3A_2842 : i32
      %sign3A_2844 = arith.extui %sign3A_2843 : i1 to i32
      %sign3A_2845 = arith.subi %sign3A_2841, %sign3A_2844 : i32
      %ne3A_2846 = arith.cmpi ne, %sign3A_2838, %sign3A_2845 : i32
      %rem3A_2847 = arith.remsi %sub3A_2829, %jit3A_2830 : i32
      %ne3A_2848 = arith.constant 0 : i32
      %ne3A_2849 = arith.cmpi ne, %rem3A_2847, %ne3A_2848 : i32
      %and3A_2850 = arith.andi %ne3A_2846, %ne3A_2849 : i1
      %sub3A_2851 = arith.constant 1 : i32
      %sub3A_2852 = arith.subi %div3A_2831, %sub3A_2851 : i32
      %select_n3A_2853 = arith.select %and3A_2850, %sub3A_2852, %div3A_2831 : i32
      %mul3A_2854 = arith.constant 524288 : i32
      %mul3A_2855 = arith.muli %select_n3A_2853, %mul3A_2854 : i32
      %add3A_2856 = arith.constant 0 : i32
      %add3A_2857 = arith.addi %mul3A_2, %add3A_2856 : i32
      %mul3A_2858 = arith.constant 1024 : i32
      %mul3A_2859 = arith.muli %add3A_2857, %mul3A_2858 : i32
      %add3A_2860 = arith.addi %mul3A_2855, %mul3A_2859 : i32
      %add3A_2861 = arith.constant 0 : i32
      %add3A_2862 = arith.addi %add3A_2860, %add3A_2861 : i32
      %add3A_2863 = arith.constant 131072 : i32
      %add3A_2864 = arith.addi %add3A_2860, %add3A_2863 : i32
      %add3A_2865 = arith.constant 262144 : i32
      %add3A_2866 = arith.addi %add3A_2860, %add3A_2865 : i32
      %add3A_2867 = arith.constant 393216 : i32
      %add3A_2868 = arith.addi %add3A_2860, %add3A_2867 : i32
      %dma_wait3A_2869 = arith.constant 0 : i32
      %dma_wait3A_2870 = tpu.memref_slice %arg18[%dma_wait3A_2869] : memref<4096xf32, #tpu.memory_space<vmem>> -> memref<1024xf32, #tpu.memory_space<vmem>>
      %dma_wait3A_2871 = tpu.memref_slice %arg4[%add3A_2862] : memref<13631488xf32, #tpu.memory_space<hbm>> -> memref<1024xf32, #tpu.memory_space<hbm>>
      %dma_wait3A_2872 = tpu.memref_slice %arg4[%add3A_2862] : memref<13631488xf32, #tpu.memory_space<hbm>> -> memref<1024xf32, #tpu.memory_space<hbm>>
      %dma_wait3A_2873 = arith.constant 0 : i32
      %dma_wait3A_2874 = tpu.memref_slice %arg18[%dma_wait3A_2873] : memref<4096xf32, #tpu.memory_space<vmem>> -> memref<1024xf32, #tpu.memory_space<vmem>>
      tpu.wait_dma2 semaphore(%arg34 : memref<!tpu.dma_semaphore, #tpu.memory_space<semaphore_mem>>) src(%dma_wait3A_2874 : memref<1024xf32, #tpu.memory_space<vmem>>) dst(%dma_wait3A_2872 : memref<1024xf32, #tpu.memory_space<hbm>>)
      %dma_wait3A_2875 = arith.constant 1024 : i32
      %dma_wait3A_2876 = tpu.memref_slice %arg18[%dma_wait3A_2875] : memref<4096xf32, #tpu.memory_space<vmem>> -> memref<1024xf32, #tpu.memory_space<vmem>>
      %dma_wait3A_2877 = tpu.memref_slice %arg4[%add3A_2864] : memref<13631488xf32, #tpu.memory_space<hbm>> -> memref<1024xf32, #tpu.memory_space<hbm>>
      %dma_wait3A_2878 = tpu.memref_slice %arg4[%add3A_2864] : memref<13631488xf32, #tpu.memory_space<hbm>> -> memref<1024xf32, #tpu.memory_space<hbm>>
      %dma_wait3A_2879 = arith.constant 1024 : i32
      %dma_wait3A_2880 = tpu.memref_slice %arg18[%dma_wait3A_2879] : memref<4096xf32, #tpu.memory_space<vmem>> -> memref<1024xf32, #tpu.memory_space<vmem>>
      tpu.wait_dma2 semaphore(%arg34 : memref<!tpu.dma_semaphore, #tpu.memory_space<semaphore_mem>>) src(%dma_wait3A_2880 : memref<1024xf32, #tpu.memory_space<vmem>>) dst(%dma_wait3A_2878 : memref<1024xf32, #tpu.memory_space<hbm>>)
      %dma_wait3A_2881 = arith.constant 2048 : i32
      %dma_wait3A_2882 = tpu.memref_slice %arg18[%dma_wait3A_2881] : memref<4096xf32, #tpu.memory_space<vmem>> -> memref<1024xf32, #tpu.memory_space<vmem>>
      %dma_wait3A_2883 = tpu.memref_slice %arg4[%add3A_2866] : memref<13631488xf32, #tpu.memory_space<hbm>> -> memref<1024xf32, #tpu.memory_space<hbm>>
      %dma_wait3A_2884 = tpu.memref_slice %arg4[%add3A_2866] : memref<13631488xf32, #tpu.memory_space<hbm>> -> memref<1024xf32, #tpu.memory_space<hbm>>
      %dma_wait3A_2885 = arith.constant 2048 : i32
      %dma_wait3A_2886 = tpu.memref_slice %arg18[%dma_wait3A_2885] : memref<4096xf32, #tpu.memory_space<vmem>> -> memref<1024xf32, #tpu.memory_space<vmem>>
      tpu.wait_dma2 semaphore(%arg34 : memref<!tpu.dma_semaphore, #tpu.memory_space<semaphore_mem>>) src(%dma_wait3A_2886 : memref<1024xf32, #tpu.memory_space<vmem>>) dst(%dma_wait3A_2884 : memref<1024xf32, #tpu.memory_space<hbm>>)
      %dma_wait3A_2887 = arith.constant 3072 : i32
      %dma_wait3A_2888 = tpu.memref_slice %arg18[%dma_wait3A_2887] : memref<4096xf32, #tpu.memory_space<vmem>> -> memref<1024xf32, #tpu.memory_space<vmem>>
      %dma_wait3A_2889 = tpu.memref_slice %arg4[%add3A_2868] : memref<13631488xf32, #tpu.memory_space<hbm>> -> memref<1024xf32, #tpu.memory_space<hbm>>
      %dma_wait3A_2890 = tpu.memref_slice %arg4[%add3A_2868] : memref<13631488xf32, #tpu.memory_space<hbm>> -> memref<1024xf32, #tpu.memory_space<hbm>>
      %dma_wait3A_2891 = arith.constant 3072 : i32
      %dma_wait3A_2892 = tpu.memref_slice %arg18[%dma_wait3A_2891] : memref<4096xf32, #tpu.memory_space<vmem>> -> memref<1024xf32, #tpu.memory_space<vmem>>
      tpu.wait_dma2 semaphore(%arg34 : memref<!tpu.dma_semaphore, #tpu.memory_space<semaphore_mem>>) src(%dma_wait3A_2892 : memref<1024xf32, #tpu.memory_space<vmem>>) dst(%dma_wait3A_2890 : memref<1024xf32, #tpu.memory_space<hbm>>)
      %scan3A_2893 = arith.constant 0 : i32
      %scan3A_2894 = arith.constant 128 : i32
      %scan3A_2895 = arith.addi %scan3A_2893, %scan3A_2894 : i32
      %scan3A_2896 = arith.constant 1 : i32
      scf.for %scan3A_3598 = %scan3A_2893 to %scan3A_2895 step %scan3A_2896  : i32 {
        %mul3A_3599 = arith.constant 1 : i32
        %mul3A_3600 = arith.muli %scan3A_3598, %mul3A_3599 : i32
        %add3A_3601 = arith.constant 0 : i32
        %add3A_3602 = arith.addi %add3A_3601, %mul3A_3600 : i32
        %broadcast_in_dim3A = vector.broadcast %add3A_3602 : i32 to vector<16xi32>
        %get3A = arith.index_cast %add3A_3602 : i32 to index
        %get3A_3603 = arith.constant 0 : index
        %get3A_3604 = tpu.vector_load %arg10[%get3A, %get3A_3603] {strides = array<i32>} : memref<128x32xf32, #tpu.memory_space<vmem>>, vector<16xf32>,
        %add3A_3605 = arith.addi %mul3A_526, %broadcast_in_dim3A : vector<16xi32>
        tpu.vector_store_idx %arg18[%add3A_3605], %get3A_3604 : memref<4096xf32, #tpu.memory_space<vmem>>[vector<16xi32>], vector<16xf32>,
        %get3A_3606 = arith.index_cast %add3A_3602 : i32 to index
        %get3A_3607 = arith.constant 16 : index
        %get3A_3608 = tpu.vector_load %arg10[%get3A_3606, %get3A_3607] {strides = array<i32>} : memref<128x32xf32, #tpu.memory_space<vmem>>, vector<16xf32>,
        %add3A_3609 = arith.addi %mul3A_532, %broadcast_in_dim3A : vector<16xi32>
        tpu.vector_store_idx %arg18[%add3A_3609], %get3A_3608 : memref<4096xf32, #tpu.memory_space<vmem>>[vector<16xi32>], vector<16xf32>,
      }
      %scan3A_2897 = arith.constant 128 : i32
      %add3A_2898 = arith.constant 8 : i32
      %add3A_2899 = arith.addi %add3A_2795, %add3A_2898 : i32
      %jit3A_2900 = arith.constant 4 : i32
      %div3A_2901 = arith.divsi %add3A_2899, %jit3A_2900 : i32
      %sign3A_2902 = arith.constant 0 : i32
      %sign3A_2903 = arith.cmpi sgt, %add3A_2899, %sign3A_2902 : i32
      %sign3A_2904 = arith.extui %sign3A_2903 : i1 to i32
      %sign3A_2905 = arith.constant 0 : i32
      %sign3A_2906 = arith.cmpi slt, %add3A_2899, %sign3A_2905 : i32
      %sign3A_2907 = arith.extui %sign3A_2906 : i1 to i32
      %sign3A_2908 = arith.subi %sign3A_2904, %sign3A_2907 : i32
      %sign3A_2909 = arith.constant 0 : i32
      %sign3A_2910 = arith.cmpi sgt, %jit3A_2900, %sign3A_2909 : i32
      %sign3A_2911 = arith.extui %sign3A_2910 : i1 to i32
      %sign3A_2912 = arith.constant 0 : i32
      %sign3A_2913 = arith.cmpi slt, %jit3A_2900, %sign3A_2912 : i32
      %sign3A_2914 = arith.extui %sign3A_2913 : i1 to i32
      %sign3A_2915 = arith.subi %sign3A_2911, %sign3A_2914 : i32
      %ne3A_2916 = arith.cmpi ne, %sign3A_2908, %sign3A_2915 : i32
      %rem3A_2917 = arith.remsi %add3A_2899, %jit3A_2900 : i32
      %ne3A_2918 = arith.constant 0 : i32
      %ne3A_2919 = arith.cmpi ne, %rem3A_2917, %ne3A_2918 : i32
      %and3A_2920 = arith.andi %ne3A_2916, %ne3A_2919 : i1
      %sub3A_2921 = arith.constant 1 : i32
      %sub3A_2922 = arith.subi %div3A_2901, %sub3A_2921 : i32
      %select_n3A_2923 = arith.select %and3A_2920, %sub3A_2922, %div3A_2901 : i32
      %mul3A_2924 = arith.constant 512 : i32
      %mul3A_2925 = arith.muli %select_n3A_2923, %mul3A_2924 : i32
      %add3A_2926 = arith.constant 0 : i32
      %add3A_2927 = arith.addi %mul3A_2925, %add3A_2926 : i32
      %dma_start3A_2928 = tpu.memref_slice %arg5[%add3A_2927] : memref<13312xi32, #tpu.memory_space<vmem>> -> memref<128xi32, #tpu.memory_space<vmem>>
      %dma_start3A_2929 = arith.constant 0 : i32
      %dma_start3A_2930 = arith.constant 0 : i32
      %dma_start3A_2931 = tpu.memref_slice %arg3[%dma_start3A_2929, %dma_start3A_2930] : memref<1000000x32xf32, #tpu.memory_space<hbm>> -> memref<1000000x32xf32, #tpu.memory_space<hbm>>
      tpu.enqueue_indirect_dma source(%dma_start3A_2931 : memref<1000000x32xf32, #tpu.memory_space<hbm>>) target(%arg10 : memref<128x32xf32, #tpu.memory_space<vmem>>) offsets(%dma_start3A_2928 : memref<128xi32, #tpu.memory_space<vmem>>) semaphore(%arg26 : memref<!tpu.dma_semaphore, #tpu.memory_space<semaphore_mem>>)
      %jit3A_2932 = arith.constant 4 : i32
      %div3A_2933 = arith.divsi %add3A_2795, %jit3A_2932 : i32
      %sign3A_2934 = arith.constant 0 : i32
      %sign3A_2935 = arith.cmpi sgt, %add3A_2795, %sign3A_2934 : i32
      %sign3A_2936 = arith.extui %sign3A_2935 : i1 to i32
      %sign3A_2937 = arith.constant 0 : i32
      %sign3A_2938 = arith.cmpi slt, %add3A_2795, %sign3A_2937 : i32
      %sign3A_2939 = arith.extui %sign3A_2938 : i1 to i32
      %sign3A_2940 = arith.subi %sign3A_2936, %sign3A_2939 : i32
      %sign3A_2941 = arith.constant 0 : i32
      %sign3A_2942 = arith.cmpi sgt, %jit3A_2932, %sign3A_2941 : i32
      %sign3A_2943 = arith.extui %sign3A_2942 : i1 to i32
      %sign3A_2944 = arith.constant 0 : i32
      %sign3A_2945 = arith.cmpi slt, %jit3A_2932, %sign3A_2944 : i32
      %sign3A_2946 = arith.extui %sign3A_2945 : i1 to i32
      %sign3A_2947 = arith.subi %sign3A_2943, %sign3A_2946 : i32
      %ne3A_2948 = arith.cmpi ne, %sign3A_2940, %sign3A_2947 : i32
      %rem3A_2949 = arith.remsi %add3A_2795, %jit3A_2932 : i32
      %ne3A_2950 = arith.constant 0 : i32
      %ne3A_2951 = arith.cmpi ne, %rem3A_2949, %ne3A_2950 : i32
      %and3A_2952 = arith.andi %ne3A_2948, %ne3A_2951 : i1
      %sub3A_2953 = arith.constant 1 : i32
      %sub3A_2954 = arith.subi %div3A_2933, %sub3A_2953 : i32
      %select_n3A_2955 = arith.select %and3A_2952, %sub3A_2954, %div3A_2933 : i32
      %mul3A_2956 = arith.constant 524288 : i32
      %mul3A_2957 = arith.muli %select_n3A_2955, %mul3A_2956 : i32
      %add3A_2958 = arith.constant 0 : i32
      %add3A_2959 = arith.addi %mul3A_2, %add3A_2958 : i32
      %mul3A_2960 = arith.constant 1024 : i32
      %mul3A_2961 = arith.muli %add3A_2959, %mul3A_2960 : i32
      %add3A_2962 = arith.addi %mul3A_2957, %mul3A_2961 : i32
      %add3A_2963 = arith.constant 0 : i32
      %add3A_2964 = arith.addi %add3A_2962, %add3A_2963 : i32
      %add3A_2965 = arith.constant 131072 : i32
      %add3A_2966 = arith.addi %add3A_2962, %add3A_2965 : i32
      %add3A_2967 = arith.constant 262144 : i32
      %add3A_2968 = arith.addi %add3A_2962, %add3A_2967 : i32
      %add3A_2969 = arith.constant 393216 : i32
      %add3A_2970 = arith.addi %add3A_2962, %add3A_2969 : i32
      %dma_start3A_2971 = arith.constant 0 : i32
      %dma_start3A_2972 = tpu.memref_slice %arg18[%dma_start3A_2971] : memref<4096xf32, #tpu.memory_space<vmem>> -> memref<1024xf32, #tpu.memory_space<vmem>>
      %dma_start3A_2973 = tpu.memref_slice %arg4[%add3A_2964] : memref<13631488xf32, #tpu.memory_space<hbm>> -> memref<1024xf32, #tpu.memory_space<hbm>>
      %dma_start3A_2974 = tpu.memref_slice %arg4[%add3A_2964] : memref<13631488xf32, #tpu.memory_space<hbm>> -> memref<1024xf32, #tpu.memory_space<hbm>>
      %dma_start3A_2975 = arith.constant 0 : i32
      %dma_start3A_2976 = tpu.memref_slice %arg18[%dma_start3A_2975] : memref<4096xf32, #tpu.memory_space<vmem>> -> memref<1024xf32, #tpu.memory_space<vmem>>
      tpu.enqueue_dma source(%dma_start3A_2976 : memref<1024xf32, #tpu.memory_space<vmem>>) target(%dma_start3A_2974 : memref<1024xf32, #tpu.memory_space<hbm>>) target_semaphore(%arg34 : memref<!tpu.dma_semaphore, #tpu.memory_space<semaphore_mem>>)
      %dma_start3A_2977 = arith.constant 1024 : i32
      %dma_start3A_2978 = tpu.memref_slice %arg18[%dma_start3A_2977] : memref<4096xf32, #tpu.memory_space<vmem>> -> memref<1024xf32, #tpu.memory_space<vmem>>
      %dma_start3A_2979 = tpu.memref_slice %arg4[%add3A_2966] : memref<13631488xf32, #tpu.memory_space<hbm>> -> memref<1024xf32, #tpu.memory_space<hbm>>
      %dma_start3A_2980 = tpu.memref_slice %arg4[%add3A_2966] : memref<13631488xf32, #tpu.memory_space<hbm>> -> memref<1024xf32, #tpu.memory_space<hbm>>
      %dma_start3A_2981 = arith.constant 1024 : i32
      %dma_start3A_2982 = tpu.memref_slice %arg18[%dma_start3A_2981] : memref<4096xf32, #tpu.memory_space<vmem>> -> memref<1024xf32, #tpu.memory_space<vmem>>
      tpu.enqueue_dma source(%dma_start3A_2982 : memref<1024xf32, #tpu.memory_space<vmem>>) target(%dma_start3A_2980 : memref<1024xf32, #tpu.memory_space<hbm>>) target_semaphore(%arg34 : memref<!tpu.dma_semaphore, #tpu.memory_space<semaphore_mem>>)
      %dma_start3A_2983 = arith.constant 2048 : i32
      %dma_start3A_2984 = tpu.memref_slice %arg18[%dma_start3A_2983] : memref<4096xf32, #tpu.memory_space<vmem>> -> memref<1024xf32, #tpu.memory_space<vmem>>
      %dma_start3A_2985 = tpu.memref_slice %arg4[%add3A_2968] : memref<13631488xf32, #tpu.memory_space<hbm>> -> memref<1024xf32, #tpu.memory_space<hbm>>
      %dma_start3A_2986 = tpu.memref_slice %arg4[%add3A_2968] : memref<13631488xf32, #tpu.memory_space<hbm>> -> memref<1024xf32, #tpu.memory_space<hbm>>
      %dma_start3A_2987 = arith.constant 2048 : i32
      %dma_start3A_2988 = tpu.memref_slice %arg18[%dma_start3A_2987] : memref<4096xf32, #tpu.memory_space<vmem>> -> memref<1024xf32, #tpu.memory_space<vmem>>
      tpu.enqueue_dma source(%dma_start3A_2988 : memref<1024xf32, #tpu.memory_space<vmem>>) target(%dma_start3A_2986 : memref<1024xf32, #tpu.memory_space<hbm>>) target_semaphore(%arg34 : memref<!tpu.dma_semaphore, #tpu.memory_space<semaphore_mem>>)
      %dma_start3A_2989 = arith.constant 3072 : i32
      %dma_start3A_2990 = tpu.memref_slice %arg18[%dma_start3A_2989] : memref<4096xf32, #tpu.memory_space<vmem>> -> memref<1024xf32, #tpu.memory_space<vmem>>
      %dma_start3A_2991 = tpu.memref_slice %arg4[%add3A_2970] : memref<13631488xf32, #tpu.memory_space<hbm>> -> memref<1024xf32, #tpu.memory_space<hbm>>
      %dma_start3A_2992 = tpu.memref_slice %arg4[%add3A_2970] : memref<13631488xf32, #tpu.memory_space<hbm>> -> memref<1024xf32, #tpu.memory_space<hbm>>
      %dma_start3A_2993 = arith.constant 3072 : i32
      %dma_start3A_2994 = tpu.memref_slice %arg18[%dma_start3A_2993] : memref<4096xf32, #tpu.memory_space<vmem>> -> memref<1024xf32, #tpu.memory_space<vmem>>
      tpu.enqueue_dma source(%dma_start3A_2994 : memref<1024xf32, #tpu.memory_space<vmem>>) target(%dma_start3A_2992 : memref<1024xf32, #tpu.memory_space<hbm>>) target_semaphore(%arg34 : memref<!tpu.dma_semaphore, #tpu.memory_space<semaphore_mem>>)
      %add3A_2995 = arith.constant 5 : i32
      %add3A_2996 = arith.addi %add3A_1997, %add3A_2995 : i32
      %jit3A_2997 = arith.constant 4 : i32
      %div3A_2998 = arith.divsi %add3A_2996, %jit3A_2997 : i32
      %sign3A_2999 = arith.constant 0 : i32
      %sign3A_3000 = arith.cmpi sgt, %add3A_2996, %sign3A_2999 : i32
      %sign3A_3001 = arith.extui %sign3A_3000 : i1 to i32
      %sign3A_3002 = arith.constant 0 : i32
      %sign3A_3003 = arith.cmpi slt, %add3A_2996, %sign3A_3002 : i32
      %sign3A_3004 = arith.extui %sign3A_3003 : i1 to i32
      %sign3A_3005 = arith.subi %sign3A_3001, %sign3A_3004 : i32
      %sign3A_3006 = arith.constant 0 : i32
      %sign3A_3007 = arith.cmpi sgt, %jit3A_2997, %sign3A_3006 : i32
      %sign3A_3008 = arith.extui %sign3A_3007 : i1 to i32
      %sign3A_3009 = arith.constant 0 : i32
      %sign3A_3010 = arith.cmpi slt, %jit3A_2997, %sign3A_3009 : i32
      %sign3A_3011 = arith.extui %sign3A_3010 : i1 to i32
      %sign3A_3012 = arith.subi %sign3A_3008, %sign3A_3011 : i32
      %ne3A_3013 = arith.cmpi ne, %sign3A_3005, %sign3A_3012 : i32
      %rem3A_3014 = arith.remsi %add3A_2996, %jit3A_2997 : i32
      %ne3A_3015 = arith.constant 0 : i32
      %ne3A_3016 = arith.cmpi ne, %rem3A_3014, %ne3A_3015 : i32
      %and3A_3017 = arith.andi %ne3A_3013, %ne3A_3016 : i1
      %sub3A_3018 = arith.constant 1 : i32
      %sub3A_3019 = arith.subi %div3A_2998, %sub3A_3018 : i32
      %select_n3A_3020 = arith.select %and3A_3017, %sub3A_3019, %div3A_2998 : i32
      %mul3A_3021 = arith.constant 512 : i32
      %mul3A_3022 = arith.muli %select_n3A_3020, %mul3A_3021 : i32
      %add3A_3023 = arith.constant 128 : i32
      %add3A_3024 = arith.addi %mul3A_3022, %add3A_3023 : i32
      %dma_wait3A_3025 = tpu.memref_slice %arg5[%add3A_3024] : memref<13312xi32, #tpu.memory_space<vmem>> -> memref<128xi32, #tpu.memory_space<vmem>>
      %dma_wait3A_3026 = arith.constant 0 : i32
      %dma_wait3A_3027 = arith.constant 0 : i32
      %dma_wait3A_3028 = tpu.memref_slice %arg3[%dma_wait3A_3026, %dma_wait3A_3027] : memref<1000000x32xf32, #tpu.memory_space<hbm>> -> memref<1000000x32xf32, #tpu.memory_space<hbm>>
      tpu.wait_indirect_dma semaphore(%arg27 : memref<!tpu.dma_semaphore, #tpu.memory_space<semaphore_mem>>) src(%dma_wait3A_3028 : memref<1000000x32xf32, #tpu.memory_space<hbm>>) dst(%arg11 : memref<128x32xf32, #tpu.memory_space<vmem>>)
      %sub3A_3029 = arith.constant 8 : i32
      %sub3A_3030 = arith.subi %add3A_2996, %sub3A_3029 : i32
      %jit3A_3031 = arith.constant 4 : i32
      %div3A_3032 = arith.divsi %sub3A_3030, %jit3A_3031 : i32
      %sign3A_3033 = arith.constant 0 : i32
      %sign3A_3034 = arith.cmpi sgt, %sub3A_3030, %sign3A_3033 : i32
      %sign3A_3035 = arith.extui %sign3A_3034 : i1 to i32
      %sign3A_3036 = arith.constant 0 : i32
      %sign3A_3037 = arith.cmpi slt, %sub3A_3030, %sign3A_3036 : i32
      %sign3A_3038 = arith.extui %sign3A_3037 : i1 to i32
      %sign3A_3039 = arith.subi %sign3A_3035, %sign3A_3038 : i32
      %sign3A_3040 = arith.constant 0 : i32
      %sign3A_3041 = arith.cmpi sgt, %jit3A_3031, %sign3A_3040 : i32
      %sign3A_3042 = arith.extui %sign3A_3041 : i1 to i32
      %sign3A_3043 = arith.constant 0 : i32
      %sign3A_3044 = arith.cmpi slt, %jit3A_3031, %sign3A_3043 : i32
      %sign3A_3045 = arith.extui %sign3A_3044 : i1 to i32
      %sign3A_3046 = arith.subi %sign3A_3042, %sign3A_3045 : i32
      %ne3A_3047 = arith.cmpi ne, %sign3A_3039, %sign3A_3046 : i32
      %rem3A_3048 = arith.remsi %sub3A_3030, %jit3A_3031 : i32
      %ne3A_3049 = arith.constant 0 : i32
      %ne3A_3050 = arith.cmpi ne, %rem3A_3048, %ne3A_3049 : i32
      %and3A_3051 = arith.andi %ne3A_3047, %ne3A_3050 : i1
      %sub3A_3052 = arith.constant 1 : i32
      %sub3A_3053 = arith.subi %div3A_3032, %sub3A_3052 : i32
      %select_n3A_3054 = arith.select %and3A_3051, %sub3A_3053, %div3A_3032 : i32
      %mul3A_3055 = arith.constant 524288 : i32
      %mul3A_3056 = arith.muli %select_n3A_3054, %mul3A_3055 : i32
      %add3A_3057 = arith.constant 1 : i32
      %add3A_3058 = arith.addi %mul3A_2, %add3A_3057 : i32
      %mul3A_3059 = arith.constant 1024 : i32
      %mul3A_3060 = arith.muli %add3A_3058, %mul3A_3059 : i32
      %add3A_3061 = arith.addi %mul3A_3056, %mul3A_3060 : i32
      %add3A_3062 = arith.constant 0 : i32
      %add3A_3063 = arith.addi %add3A_3061, %add3A_3062 : i32
      %add3A_3064 = arith.constant 131072 : i32
      %add3A_3065 = arith.addi %add3A_3061, %add3A_3064 : i32
      %add3A_3066 = arith.constant 262144 : i32
      %add3A_3067 = arith.addi %add3A_3061, %add3A_3066 : i32
      %add3A_3068 = arith.constant 393216 : i32
      %add3A_3069 = arith.addi %add3A_3061, %add3A_3068 : i32
      %dma_wait3A_3070 = arith.constant 0 : i32
      %dma_wait3A_3071 = tpu.memref_slice %arg19[%dma_wait3A_3070] : memref<4096xf32, #tpu.memory_space<vmem>> -> memref<1024xf32, #tpu.memory_space<vmem>>
      %dma_wait3A_3072 = tpu.memref_slice %arg4[%add3A_3063] : memref<13631488xf32, #tpu.memory_space<hbm>> -> memref<1024xf32, #tpu.memory_space<hbm>>
      %dma_wait3A_3073 = tpu.memref_slice %arg4[%add3A_3063] : memref<13631488xf32, #tpu.memory_space<hbm>> -> memref<1024xf32, #tpu.memory_space<hbm>>
      %dma_wait3A_3074 = arith.constant 0 : i32
      %dma_wait3A_3075 = tpu.memref_slice %arg19[%dma_wait3A_3074] : memref<4096xf32, #tpu.memory_space<vmem>> -> memref<1024xf32, #tpu.memory_space<vmem>>
      tpu.wait_dma2 semaphore(%arg35 : memref<!tpu.dma_semaphore, #tpu.memory_space<semaphore_mem>>) src(%dma_wait3A_3075 : memref<1024xf32, #tpu.memory_space<vmem>>) dst(%dma_wait3A_3073 : memref<1024xf32, #tpu.memory_space<hbm>>)
      %dma_wait3A_3076 = arith.constant 1024 : i32
      %dma_wait3A_3077 = tpu.memref_slice %arg19[%dma_wait3A_3076] : memref<4096xf32, #tpu.memory_space<vmem>> -> memref<1024xf32, #tpu.memory_space<vmem>>
      %dma_wait3A_3078 = tpu.memref_slice %arg4[%add3A_3065] : memref<13631488xf32, #tpu.memory_space<hbm>> -> memref<1024xf32, #tpu.memory_space<hbm>>
      %dma_wait3A_3079 = tpu.memref_slice %arg4[%add3A_3065] : memref<13631488xf32, #tpu.memory_space<hbm>> -> memref<1024xf32, #tpu.memory_space<hbm>>
      %dma_wait3A_3080 = arith.constant 1024 : i32
      %dma_wait3A_3081 = tpu.memref_slice %arg19[%dma_wait3A_3080] : memref<4096xf32, #tpu.memory_space<vmem>> -> memref<1024xf32, #tpu.memory_space<vmem>>
      tpu.wait_dma2 semaphore(%arg35 : memref<!tpu.dma_semaphore, #tpu.memory_space<semaphore_mem>>) src(%dma_wait3A_3081 : memref<1024xf32, #tpu.memory_space<vmem>>) dst(%dma_wait3A_3079 : memref<1024xf32, #tpu.memory_space<hbm>>)
      %dma_wait3A_3082 = arith.constant 2048 : i32
      %dma_wait3A_3083 = tpu.memref_slice %arg19[%dma_wait3A_3082] : memref<4096xf32, #tpu.memory_space<vmem>> -> memref<1024xf32, #tpu.memory_space<vmem>>
      %dma_wait3A_3084 = tpu.memref_slice %arg4[%add3A_3067] : memref<13631488xf32, #tpu.memory_space<hbm>> -> memref<1024xf32, #tpu.memory_space<hbm>>
      %dma_wait3A_3085 = tpu.memref_slice %arg4[%add3A_3067] : memref<13631488xf32, #tpu.memory_space<hbm>> -> memref<1024xf32, #tpu.memory_space<hbm>>
      %dma_wait3A_3086 = arith.constant 2048 : i32
      %dma_wait3A_3087 = tpu.memref_slice %arg19[%dma_wait3A_3086] : memref<4096xf32, #tpu.memory_space<vmem>> -> memref<1024xf32, #tpu.memory_space<vmem>>
      tpu.wait_dma2 semaphore(%arg35 : memref<!tpu.dma_semaphore, #tpu.memory_space<semaphore_mem>>) src(%dma_wait3A_3087 : memref<1024xf32, #tpu.memory_space<vmem>>) dst(%dma_wait3A_3085 : memref<1024xf32, #tpu.memory_space<hbm>>)
      %dma_wait3A_3088 = arith.constant 3072 : i32
      %dma_wait3A_3089 = tpu.memref_slice %arg19[%dma_wait3A_3088] : memref<4096xf32, #tpu.memory_space<vmem>> -> memref<1024xf32, #tpu.memory_space<vmem>>
      %dma_wait3A_3090 = tpu.memref_slice %arg4[%add3A_3069] : memref<13631488xf32, #tpu.memory_space<hbm>> -> memref<1024xf32, #tpu.memory_space<hbm>>
      %dma_wait3A_3091 = tpu.memref_slice %arg4[%add3A_3069] : memref<13631488xf32, #tpu.memory_space<hbm>> -> memref<1024xf32, #tpu.memory_space<hbm>>
      %dma_wait3A_3092 = arith.constant 3072 : i32
      %dma_wait3A_3093 = tpu.memref_slice %arg19[%dma_wait3A_3092] : memref<4096xf32, #tpu.memory_space<vmem>> -> memref<1024xf32, #tpu.memory_space<vmem>>
      tpu.wait_dma2 semaphore(%arg35 : memref<!tpu.dma_semaphore, #tpu.memory_space<semaphore_mem>>) src(%dma_wait3A_3093 : memref<1024xf32, #tpu.memory_space<vmem>>) dst(%dma_wait3A_3091 : memref<1024xf32, #tpu.memory_space<hbm>>)
      %scan3A_3094 = arith.constant 0 : i32
      %scan3A_3095 = arith.constant 128 : i32
      %scan3A_3096 = arith.addi %scan3A_3094, %scan3A_3095 : i32
      %scan3A_3097 = arith.constant 1 : i32
      scf.for %scan3A_3598 = %scan3A_3094 to %scan3A_3096 step %scan3A_3097  : i32 {
        %mul3A_3599 = arith.constant 1 : i32
        %mul3A_3600 = arith.muli %scan3A_3598, %mul3A_3599 : i32
        %add3A_3601 = arith.constant 0 : i32
        %add3A_3602 = arith.addi %add3A_3601, %mul3A_3600 : i32
        %broadcast_in_dim3A = vector.broadcast %add3A_3602 : i32 to vector<16xi32>
        %get3A = arith.index_cast %add3A_3602 : i32 to index
        %get3A_3603 = arith.constant 0 : index
        %get3A_3604 = tpu.vector_load %arg11[%get3A, %get3A_3603] {strides = array<i32>} : memref<128x32xf32, #tpu.memory_space<vmem>>, vector<16xf32>,
        %add3A_3605 = arith.addi %mul3A_526, %broadcast_in_dim3A : vector<16xi32>
        tpu.vector_store_idx %arg19[%add3A_3605], %get3A_3604 : memref<4096xf32, #tpu.memory_space<vmem>>[vector<16xi32>], vector<16xf32>,
        %get3A_3606 = arith.index_cast %add3A_3602 : i32 to index
        %get3A_3607 = arith.constant 16 : index
        %get3A_3608 = tpu.vector_load %arg11[%get3A_3606, %get3A_3607] {strides = array<i32>} : memref<128x32xf32, #tpu.memory_space<vmem>>, vector<16xf32>,
        %add3A_3609 = arith.addi %mul3A_532, %broadcast_in_dim3A : vector<16xi32>
        tpu.vector_store_idx %arg19[%add3A_3609], %get3A_3608 : memref<4096xf32, #tpu.memory_space<vmem>>[vector<16xi32>], vector<16xf32>,
      }
      %scan3A_3098 = arith.constant 128 : i32
      %add3A_3099 = arith.constant 8 : i32
      %add3A_3100 = arith.addi %add3A_2996, %add3A_3099 : i32
      %jit3A_3101 = arith.constant 4 : i32
      %div3A_3102 = arith.divsi %add3A_3100, %jit3A_3101 : i32
      %sign3A_3103 = arith.constant 0 : i32
      %sign3A_3104 = arith.cmpi sgt, %add3A_3100, %sign3A_3103 : i32
      %sign3A_3105 = arith.extui %sign3A_3104 : i1 to i32
      %sign3A_3106 = arith.constant 0 : i32
      %sign3A_3107 = arith.cmpi slt, %add3A_3100, %sign3A_3106 : i32
      %sign3A_3108 = arith.extui %sign3A_3107 : i1 to i32
      %sign3A_3109 = arith.subi %sign3A_3105, %sign3A_3108 : i32
      %sign3A_3110 = arith.constant 0 : i32
      %sign3A_3111 = arith.cmpi sgt, %jit3A_3101, %sign3A_3110 : i32
      %sign3A_3112 = arith.extui %sign3A_3111 : i1 to i32
      %sign3A_3113 = arith.constant 0 : i32
      %sign3A_3114 = arith.cmpi slt, %jit3A_3101, %sign3A_3113 : i32
      %sign3A_3115 = arith.extui %sign3A_3114 : i1 to i32
      %sign3A_3116 = arith.subi %sign3A_3112, %sign3A_3115 : i32
      %ne3A_3117 = arith.cmpi ne, %sign3A_3109, %sign3A_3116 : i32
      %rem3A_3118 = arith.remsi %add3A_3100, %jit3A_3101 : i32
      %ne3A_3119 = arith.constant 0 : i32
      %ne3A_3120 = arith.cmpi ne, %rem3A_3118, %ne3A_3119 : i32
      %and3A_3121 = arith.andi %ne3A_3117, %ne3A_3120 : i1
      %sub3A_3122 = arith.constant 1 : i32
      %sub3A_3123 = arith.subi %div3A_3102, %sub3A_3122 : i32
      %select_n3A_3124 = arith.select %and3A_3121, %sub3A_3123, %div3A_3102 : i32
      %mul3A_3125 = arith.constant 512 : i32
      %mul3A_3126 = arith.muli %select_n3A_3124, %mul3A_3125 : i32
      %add3A_3127 = arith.constant 128 : i32
      %add3A_3128 = arith.addi %mul3A_3126, %add3A_3127 : i32
      %dma_start3A_3129 = tpu.memref_slice %arg5[%add3A_3128] : memref<13312xi32, #tpu.memory_space<vmem>> -> memref<128xi32, #tpu.memory_space<vmem>>
      %dma_start3A_3130 = arith.constant 0 : i32
      %dma_start3A_3131 = arith.constant 0 : i32
      %dma_start3A_3132 = tpu.memref_slice %arg3[%dma_start3A_3130, %dma_start3A_3131] : memref<1000000x32xf32, #tpu.memory_space<hbm>> -> memref<1000000x32xf32, #tpu.memory_space<hbm>>
      tpu.enqueue_indirect_dma source(%dma_start3A_3132 : memref<1000000x32xf32, #tpu.memory_space<hbm>>) target(%arg11 : memref<128x32xf32, #tpu.memory_space<vmem>>) offsets(%dma_start3A_3129 : memref<128xi32, #tpu.memory_space<vmem>>) semaphore(%arg27 : memref<!tpu.dma_semaphore, #tpu.memory_space<semaphore_mem>>)
      %jit3A_3133 = arith.constant 4 : i32
      %div3A_3134 = arith.divsi %add3A_2996, %jit3A_3133 : i32
      %sign3A_3135 = arith.constant 0 : i32
      %sign3A_3136 = arith.cmpi sgt, %add3A_2996, %sign3A_3135 : i32
      %sign3A_3137 = arith.extui %sign3A_3136 : i1 to i32
      %sign3A_3138 = arith.constant 0 : i32
      %sign3A_3139 = arith.cmpi slt, %add3A_2996, %sign3A_3138 : i32
      %sign3A_3140 = arith.extui %sign3A_3139 : i1 to i32
      %sign3A_3141 = arith.subi %sign3A_3137, %sign3A_3140 : i32
      %sign3A_3142 = arith.constant 0 : i32
      %sign3A_3143 = arith.cmpi sgt, %jit3A_3133, %sign3A_3142 : i32
      %sign3A_3144 = arith.extui %sign3A_3143 : i1 to i32
      %sign3A_3145 = arith.constant 0 : i32
      %sign3A_3146 = arith.cmpi slt, %jit3A_3133, %sign3A_3145 : i32
      %sign3A_3147 = arith.extui %sign3A_3146 : i1 to i32
      %sign3A_3148 = arith.subi %sign3A_3144, %sign3A_3147 : i32
      %ne3A_3149 = arith.cmpi ne, %sign3A_3141, %sign3A_3148 : i32
      %rem3A_3150 = arith.remsi %add3A_2996, %jit3A_3133 : i32
      %ne3A_3151 = arith.constant 0 : i32
      %ne3A_3152 = arith.cmpi ne, %rem3A_3150, %ne3A_3151 : i32
      %and3A_3153 = arith.andi %ne3A_3149, %ne3A_3152 : i1
      %sub3A_3154 = arith.constant 1 : i32
      %sub3A_3155 = arith.subi %div3A_3134, %sub3A_3154 : i32
      %select_n3A_3156 = arith.select %and3A_3153, %sub3A_3155, %div3A_3134 : i32
      %mul3A_3157 = arith.constant 524288 : i32
      %mul3A_3158 = arith.muli %select_n3A_3156, %mul3A_3157 : i32
      %add3A_3159 = arith.constant 1 : i32
      %add3A_3160 = arith.addi %mul3A_2, %add3A_3159 : i32
      %mul3A_3161 = arith.constant 1024 : i32
      %mul3A_3162 = arith.muli %add3A_3160, %mul3A_3161 : i32
      %add3A_3163 = arith.addi %mul3A_3158, %mul3A_3162 : i32
      %add3A_3164 = arith.constant 0 : i32
      %add3A_3165 = arith.addi %add3A_3163, %add3A_3164 : i32
      %add3A_3166 = arith.constant 131072 : i32
      %add3A_3167 = arith.addi %add3A_3163, %add3A_3166 : i32
      %add3A_3168 = arith.constant 262144 : i32
      %add3A_3169 = arith.addi %add3A_3163, %add3A_3168 : i32
      %add3A_3170 = arith.constant 393216 : i32
      %add3A_3171 = arith.addi %add3A_3163, %add3A_3170 : i32
      %dma_start3A_3172 = arith.constant 0 : i32
      %dma_start3A_3173 = tpu.memref_slice %arg19[%dma_start3A_3172] : memref<4096xf32, #tpu.memory_space<vmem>> -> memref<1024xf32, #tpu.memory_space<vmem>>
      %dma_start3A_3174 = tpu.memref_slice %arg4[%add3A_3165] : memref<13631488xf32, #tpu.memory_space<hbm>> -> memref<1024xf32, #tpu.memory_space<hbm>>
      %dma_start3A_3175 = tpu.memref_slice %arg4[%add3A_3165] : memref<13631488xf32, #tpu.memory_space<hbm>> -> memref<1024xf32, #tpu.memory_space<hbm>>
      %dma_start3A_3176 = arith.constant 0 : i32
      %dma_start3A_3177 = tpu.memref_slice %arg19[%dma_start3A_3176] : memref<4096xf32, #tpu.memory_space<vmem>> -> memref<1024xf32, #tpu.memory_space<vmem>>
      tpu.enqueue_dma source(%dma_start3A_3177 : memref<1024xf32, #tpu.memory_space<vmem>>) target(%dma_start3A_3175 : memref<1024xf32, #tpu.memory_space<hbm>>) target_semaphore(%arg35 : memref<!tpu.dma_semaphore, #tpu.memory_space<semaphore_mem>>)
      %dma_start3A_3178 = arith.constant 1024 : i32
      %dma_start3A_3179 = tpu.memref_slice %arg19[%dma_start3A_3178] : memref<4096xf32, #tpu.memory_space<vmem>> -> memref<1024xf32, #tpu.memory_space<vmem>>
      %dma_start3A_3180 = tpu.memref_slice %arg4[%add3A_3167] : memref<13631488xf32, #tpu.memory_space<hbm>> -> memref<1024xf32, #tpu.memory_space<hbm>>
      %dma_start3A_3181 = tpu.memref_slice %arg4[%add3A_3167] : memref<13631488xf32, #tpu.memory_space<hbm>> -> memref<1024xf32, #tpu.memory_space<hbm>>
      %dma_start3A_3182 = arith.constant 1024 : i32
      %dma_start3A_3183 = tpu.memref_slice %arg19[%dma_start3A_3182] : memref<4096xf32, #tpu.memory_space<vmem>> -> memref<1024xf32, #tpu.memory_space<vmem>>
      tpu.enqueue_dma source(%dma_start3A_3183 : memref<1024xf32, #tpu.memory_space<vmem>>) target(%dma_start3A_3181 : memref<1024xf32, #tpu.memory_space<hbm>>) target_semaphore(%arg35 : memref<!tpu.dma_semaphore, #tpu.memory_space<semaphore_mem>>)
      %dma_start3A_3184 = arith.constant 2048 : i32
      %dma_start3A_3185 = tpu.memref_slice %arg19[%dma_start3A_3184] : memref<4096xf32, #tpu.memory_space<vmem>> -> memref<1024xf32, #tpu.memory_space<vmem>>
      %dma_start3A_3186 = tpu.memref_slice %arg4[%add3A_3169] : memref<13631488xf32, #tpu.memory_space<hbm>> -> memref<1024xf32, #tpu.memory_space<hbm>>
      %dma_start3A_3187 = tpu.memref_slice %arg4[%add3A_3169] : memref<13631488xf32, #tpu.memory_space<hbm>> -> memref<1024xf32, #tpu.memory_space<hbm>>
      %dma_start3A_3188 = arith.constant 2048 : i32
      %dma_start3A_3189 = tpu.memref_slice %arg19[%dma_start3A_3188] : memref<4096xf32, #tpu.memory_space<vmem>> -> memref<1024xf32, #tpu.memory_space<vmem>>
      tpu.enqueue_dma source(%dma_start3A_3189 : memref<1024xf32, #tpu.memory_space<vmem>>) target(%dma_start3A_3187 : memref<1024xf32, #tpu.memory_space<hbm>>) target_semaphore(%arg35 : memref<!tpu.dma_semaphore, #tpu.memory_space<semaphore_mem>>)
      %dma_start3A_3190 = arith.constant 3072 : i32
      %dma_start3A_3191 = tpu.memref_slice %arg19[%dma_start3A_3190] : memref<4096xf32, #tpu.memory_space<vmem>> -> memref<1024xf32, #tpu.memory_space<vmem>>
      %dma_start3A_3192 = tpu.memref_slice %arg4[%add3A_3171] : memref<13631488xf32, #tpu.memory_space<hbm>> -> memref<1024xf32, #tpu.memory_space<hbm>>
      %dma_start3A_3193 = tpu.memref_slice %arg4[%add3A_3171] : memref<13631488xf32, #tpu.memory_space<hbm>> -> memref<1024xf32, #tpu.memory_space<hbm>>
      %dma_start3A_3194 = arith.constant 3072 : i32
      %dma_start3A_3195 = tpu.memref_slice %arg19[%dma_start3A_3194] : memref<4096xf32, #tpu.memory_space<vmem>> -> memref<1024xf32, #tpu.memory_space<vmem>>
      tpu.enqueue_dma source(%dma_start3A_3195 : memref<1024xf32, #tpu.memory_space<vmem>>) target(%dma_start3A_3193 : memref<1024xf32, #tpu.memory_space<hbm>>) target_semaphore(%arg35 : memref<!tpu.dma_semaphore, #tpu.memory_space<semaphore_mem>>)
      %add3A_3196 = arith.constant 6 : i32
      %add3A_3197 = arith.addi %add3A_1997, %add3A_3196 : i32
      %jit3A_3198 = arith.constant 4 : i32
      %div3A_3199 = arith.divsi %add3A_3197, %jit3A_3198 : i32
      %sign3A_3200 = arith.constant 0 : i32
      %sign3A_3201 = arith.cmpi sgt, %add3A_3197, %sign3A_3200 : i32
      %sign3A_3202 = arith.extui %sign3A_3201 : i1 to i32
      %sign3A_3203 = arith.constant 0 : i32
      %sign3A_3204 = arith.cmpi slt, %add3A_3197, %sign3A_3203 : i32
      %sign3A_3205 = arith.extui %sign3A_3204 : i1 to i32
      %sign3A_3206 = arith.subi %sign3A_3202, %sign3A_3205 : i32
      %sign3A_3207 = arith.constant 0 : i32
      %sign3A_3208 = arith.cmpi sgt, %jit3A_3198, %sign3A_3207 : i32
      %sign3A_3209 = arith.extui %sign3A_3208 : i1 to i32
      %sign3A_3210 = arith.constant 0 : i32
      %sign3A_3211 = arith.cmpi slt, %jit3A_3198, %sign3A_3210 : i32
      %sign3A_3212 = arith.extui %sign3A_3211 : i1 to i32
      %sign3A_3213 = arith.subi %sign3A_3209, %sign3A_3212 : i32
      %ne3A_3214 = arith.cmpi ne, %sign3A_3206, %sign3A_3213 : i32
      %rem3A_3215 = arith.remsi %add3A_3197, %jit3A_3198 : i32
      %ne3A_3216 = arith.constant 0 : i32
      %ne3A_3217 = arith.cmpi ne, %rem3A_3215, %ne3A_3216 : i32
      %and3A_3218 = arith.andi %ne3A_3214, %ne3A_3217 : i1
      %sub3A_3219 = arith.constant 1 : i32
      %sub3A_3220 = arith.subi %div3A_3199, %sub3A_3219 : i32
      %select_n3A_3221 = arith.select %and3A_3218, %sub3A_3220, %div3A_3199 : i32
      %mul3A_3222 = arith.constant 512 : i32
      %mul3A_3223 = arith.muli %select_n3A_3221, %mul3A_3222 : i32
      %add3A_3224 = arith.constant 256 : i32
      %add3A_3225 = arith.addi %mul3A_3223, %add3A_3224 : i32
      %dma_wait3A_3226 = tpu.memref_slice %arg5[%add3A_3225] : memref<13312xi32, #tpu.memory_space<vmem>> -> memref<128xi32, #tpu.memory_space<vmem>>
      %dma_wait3A_3227 = arith.constant 0 : i32
      %dma_wait3A_3228 = arith.constant 0 : i32
      %dma_wait3A_3229 = tpu.memref_slice %arg3[%dma_wait3A_3227, %dma_wait3A_3228] : memref<1000000x32xf32, #tpu.memory_space<hbm>> -> memref<1000000x32xf32, #tpu.memory_space<hbm>>
      tpu.wait_indirect_dma semaphore(%arg28 : memref<!tpu.dma_semaphore, #tpu.memory_space<semaphore_mem>>) src(%dma_wait3A_3229 : memref<1000000x32xf32, #tpu.memory_space<hbm>>) dst(%arg12 : memref<128x32xf32, #tpu.memory_space<vmem>>)
      %sub3A_3230 = arith.constant 8 : i32
      %sub3A_3231 = arith.subi %add3A_3197, %sub3A_3230 : i32
      %jit3A_3232 = arith.constant 4 : i32
      %div3A_3233 = arith.divsi %sub3A_3231, %jit3A_3232 : i32
      %sign3A_3234 = arith.constant 0 : i32
      %sign3A_3235 = arith.cmpi sgt, %sub3A_3231, %sign3A_3234 : i32
      %sign3A_3236 = arith.extui %sign3A_3235 : i1 to i32
      %sign3A_3237 = arith.constant 0 : i32
      %sign3A_3238 = arith.cmpi slt, %sub3A_3231, %sign3A_3237 : i32
      %sign3A_3239 = arith.extui %sign3A_3238 : i1 to i32
      %sign3A_3240 = arith.subi %sign3A_3236, %sign3A_3239 : i32
      %sign3A_3241 = arith.constant 0 : i32
      %sign3A_3242 = arith.cmpi sgt, %jit3A_3232, %sign3A_3241 : i32
      %sign3A_3243 = arith.extui %sign3A_3242 : i1 to i32
      %sign3A_3244 = arith.constant 0 : i32
      %sign3A_3245 = arith.cmpi slt, %jit3A_3232, %sign3A_3244 : i32
      %sign3A_3246 = arith.extui %sign3A_3245 : i1 to i32
      %sign3A_3247 = arith.subi %sign3A_3243, %sign3A_3246 : i32
      %ne3A_3248 = arith.cmpi ne, %sign3A_3240, %sign3A_3247 : i32
      %rem3A_3249 = arith.remsi %sub3A_3231, %jit3A_3232 : i32
      %ne3A_3250 = arith.constant 0 : i32
      %ne3A_3251 = arith.cmpi ne, %rem3A_3249, %ne3A_3250 : i32
      %and3A_3252 = arith.andi %ne3A_3248, %ne3A_3251 : i1
      %sub3A_3253 = arith.constant 1 : i32
      %sub3A_3254 = arith.subi %div3A_3233, %sub3A_3253 : i32
      %select_n3A_3255 = arith.select %and3A_3252, %sub3A_3254, %div3A_3233 : i32
      %mul3A_3256 = arith.constant 524288 : i32
      %mul3A_3257 = arith.muli %select_n3A_3255, %mul3A_3256 : i32
      %add3A_3258 = arith.constant 2 : i32
      %add3A_3259 = arith.addi %mul3A_2, %add3A_3258 : i32
      %mul3A_3260 = arith.constant 1024 : i32
      %mul3A_3261 = arith.muli %add3A_3259, %mul3A_3260 : i32
      %add3A_3262 = arith.addi %mul3A_3257, %mul3A_3261 : i32
      %add3A_3263 = arith.constant 0 : i32
      %add3A_3264 = arith.addi %add3A_3262, %add3A_3263 : i32
      %add3A_3265 = arith.constant 131072 : i32
      %add3A_3266 = arith.addi %add3A_3262, %add3A_3265 : i32
      %add3A_3267 = arith.constant 262144 : i32
      %add3A_3268 = arith.addi %add3A_3262, %add3A_3267 : i32
      %add3A_3269 = arith.constant 393216 : i32
      %add3A_3270 = arith.addi %add3A_3262, %add3A_3269 : i32
      %dma_wait3A_3271 = arith.constant 0 : i32
      %dma_wait3A_3272 = tpu.memref_slice %arg20[%dma_wait3A_3271] : memref<4096xf32, #tpu.memory_space<vmem>> -> memref<1024xf32, #tpu.memory_space<vmem>>
      %dma_wait3A_3273 = tpu.memref_slice %arg4[%add3A_3264] : memref<13631488xf32, #tpu.memory_space<hbm>> -> memref<1024xf32, #tpu.memory_space<hbm>>
      %dma_wait3A_3274 = tpu.memref_slice %arg4[%add3A_3264] : memref<13631488xf32, #tpu.memory_space<hbm>> -> memref<1024xf32, #tpu.memory_space<hbm>>
      %dma_wait3A_3275 = arith.constant 0 : i32
      %dma_wait3A_3276 = tpu.memref_slice %arg20[%dma_wait3A_3275] : memref<4096xf32, #tpu.memory_space<vmem>> -> memref<1024xf32, #tpu.memory_space<vmem>>
      tpu.wait_dma2 semaphore(%arg36 : memref<!tpu.dma_semaphore, #tpu.memory_space<semaphore_mem>>) src(%dma_wait3A_3276 : memref<1024xf32, #tpu.memory_space<vmem>>) dst(%dma_wait3A_3274 : memref<1024xf32, #tpu.memory_space<hbm>>)
      %dma_wait3A_3277 = arith.constant 1024 : i32
      %dma_wait3A_3278 = tpu.memref_slice %arg20[%dma_wait3A_3277] : memref<4096xf32, #tpu.memory_space<vmem>> -> memref<1024xf32, #tpu.memory_space<vmem>>
      %dma_wait3A_3279 = tpu.memref_slice %arg4[%add3A_3266] : memref<13631488xf32, #tpu.memory_space<hbm>> -> memref<1024xf32, #tpu.memory_space<hbm>>
      %dma_wait3A_3280 = tpu.memref_slice %arg4[%add3A_3266] : memref<13631488xf32, #tpu.memory_space<hbm>> -> memref<1024xf32, #tpu.memory_space<hbm>>
      %dma_wait3A_3281 = arith.constant 1024 : i32
      %dma_wait3A_3282 = tpu.memref_slice %arg20[%dma_wait3A_3281] : memref<4096xf32, #tpu.memory_space<vmem>> -> memref<1024xf32, #tpu.memory_space<vmem>>
      tpu.wait_dma2 semaphore(%arg36 : memref<!tpu.dma_semaphore, #tpu.memory_space<semaphore_mem>>) src(%dma_wait3A_3282 : memref<1024xf32, #tpu.memory_space<vmem>>) dst(%dma_wait3A_3280 : memref<1024xf32, #tpu.memory_space<hbm>>)
      %dma_wait3A_3283 = arith.constant 2048 : i32
      %dma_wait3A_3284 = tpu.memref_slice %arg20[%dma_wait3A_3283] : memref<4096xf32, #tpu.memory_space<vmem>> -> memref<1024xf32, #tpu.memory_space<vmem>>
      %dma_wait3A_3285 = tpu.memref_slice %arg4[%add3A_3268] : memref<13631488xf32, #tpu.memory_space<hbm>> -> memref<1024xf32, #tpu.memory_space<hbm>>
      %dma_wait3A_3286 = tpu.memref_slice %arg4[%add3A_3268] : memref<13631488xf32, #tpu.memory_space<hbm>> -> memref<1024xf32, #tpu.memory_space<hbm>>
      %dma_wait3A_3287 = arith.constant 2048 : i32
      %dma_wait3A_3288 = tpu.memref_slice %arg20[%dma_wait3A_3287] : memref<4096xf32, #tpu.memory_space<vmem>> -> memref<1024xf32, #tpu.memory_space<vmem>>
      tpu.wait_dma2 semaphore(%arg36 : memref<!tpu.dma_semaphore, #tpu.memory_space<semaphore_mem>>) src(%dma_wait3A_3288 : memref<1024xf32, #tpu.memory_space<vmem>>) dst(%dma_wait3A_3286 : memref<1024xf32, #tpu.memory_space<hbm>>)
      %dma_wait3A_3289 = arith.constant 3072 : i32
      %dma_wait3A_3290 = tpu.memref_slice %arg20[%dma_wait3A_3289] : memref<4096xf32, #tpu.memory_space<vmem>> -> memref<1024xf32, #tpu.memory_space<vmem>>
      %dma_wait3A_3291 = tpu.memref_slice %arg4[%add3A_3270] : memref<13631488xf32, #tpu.memory_space<hbm>> -> memref<1024xf32, #tpu.memory_space<hbm>>
      %dma_wait3A_3292 = tpu.memref_slice %arg4[%add3A_3270] : memref<13631488xf32, #tpu.memory_space<hbm>> -> memref<1024xf32, #tpu.memory_space<hbm>>
      %dma_wait3A_3293 = arith.constant 3072 : i32
      %dma_wait3A_3294 = tpu.memref_slice %arg20[%dma_wait3A_3293] : memref<4096xf32, #tpu.memory_space<vmem>> -> memref<1024xf32, #tpu.memory_space<vmem>>
      tpu.wait_dma2 semaphore(%arg36 : memref<!tpu.dma_semaphore, #tpu.memory_space<semaphore_mem>>) src(%dma_wait3A_3294 : memref<1024xf32, #tpu.memory_space<vmem>>) dst(%dma_wait3A_3292 : memref<1024xf32, #tpu.memory_space<hbm>>)
      %scan3A_3295 = arith.constant 0 : i32
      %scan3A_3296 = arith.constant 128 : i32
      %scan3A_3297 = arith.addi %scan3A_3295, %scan3A_3296 : i32
      %scan3A_3298 = arith.constant 1 : i32
      scf.for %scan3A_3598 = %scan3A_3295 to %scan3A_3297 step %scan3A_3298  : i32 {
        %mul3A_3599 = arith.constant 1 : i32
        %mul3A_3600 = arith.muli %scan3A_3598, %mul3A_3599 : i32
        %add3A_3601 = arith.constant 0 : i32
        %add3A_3602 = arith.addi %add3A_3601, %mul3A_3600 : i32
        %broadcast_in_dim3A = vector.broadcast %add3A_3602 : i32 to vector<16xi32>
        %get3A = arith.index_cast %add3A_3602 : i32 to index
        %get3A_3603 = arith.constant 0 : index
        %get3A_3604 = tpu.vector_load %arg12[%get3A, %get3A_3603] {strides = array<i32>} : memref<128x32xf32, #tpu.memory_space<vmem>>, vector<16xf32>,
        %add3A_3605 = arith.addi %mul3A_526, %broadcast_in_dim3A : vector<16xi32>
        tpu.vector_store_idx %arg20[%add3A_3605], %get3A_3604 : memref<4096xf32, #tpu.memory_space<vmem>>[vector<16xi32>], vector<16xf32>,
        %get3A_3606 = arith.index_cast %add3A_3602 : i32 to index
        %get3A_3607 = arith.constant 16 : index
        %get3A_3608 = tpu.vector_load %arg12[%get3A_3606, %get3A_3607] {strides = array<i32>} : memref<128x32xf32, #tpu.memory_space<vmem>>, vector<16xf32>,
        %add3A_3609 = arith.addi %mul3A_532, %broadcast_in_dim3A : vector<16xi32>
        tpu.vector_store_idx %arg20[%add3A_3609], %get3A_3608 : memref<4096xf32, #tpu.memory_space<vmem>>[vector<16xi32>], vector<16xf32>,
      }
      %scan3A_3299 = arith.constant 128 : i32
      %add3A_3300 = arith.constant 8 : i32
      %add3A_3301 = arith.addi %add3A_3197, %add3A_3300 : i32
      %jit3A_3302 = arith.constant 4 : i32
      %div3A_3303 = arith.divsi %add3A_3301, %jit3A_3302 : i32
      %sign3A_3304 = arith.constant 0 : i32
      %sign3A_3305 = arith.cmpi sgt, %add3A_3301, %sign3A_3304 : i32
      %sign3A_3306 = arith.extui %sign3A_3305 : i1 to i32
      %sign3A_3307 = arith.constant 0 : i32
      %sign3A_3308 = arith.cmpi slt, %add3A_3301, %sign3A_3307 : i32
      %sign3A_3309 = arith.extui %sign3A_3308 : i1 to i32
      %sign3A_3310 = arith.subi %sign3A_3306, %sign3A_3309 : i32
      %sign3A_3311 = arith.constant 0 : i32
      %sign3A_3312 = arith.cmpi sgt, %jit3A_3302, %sign3A_3311 : i32
      %sign3A_3313 = arith.extui %sign3A_3312 : i1 to i32
      %sign3A_3314 = arith.constant 0 : i32
      %sign3A_3315 = arith.cmpi slt, %jit3A_3302, %sign3A_3314 : i32
      %sign3A_3316 = arith.extui %sign3A_3315 : i1 to i32
      %sign3A_3317 = arith.subi %sign3A_3313, %sign3A_3316 : i32
      %ne3A_3318 = arith.cmpi ne, %sign3A_3310, %sign3A_3317 : i32
      %rem3A_3319 = arith.remsi %add3A_3301, %jit3A_3302 : i32
      %ne3A_3320 = arith.constant 0 : i32
      %ne3A_3321 = arith.cmpi ne, %rem3A_3319, %ne3A_3320 : i32
      %and3A_3322 = arith.andi %ne3A_3318, %ne3A_3321 : i1
      %sub3A_3323 = arith.constant 1 : i32
      %sub3A_3324 = arith.subi %div3A_3303, %sub3A_3323 : i32
      %select_n3A_3325 = arith.select %and3A_3322, %sub3A_3324, %div3A_3303 : i32
      %mul3A_3326 = arith.constant 512 : i32
      %mul3A_3327 = arith.muli %select_n3A_3325, %mul3A_3326 : i32
      %add3A_3328 = arith.constant 256 : i32
      %add3A_3329 = arith.addi %mul3A_3327, %add3A_3328 : i32
      %dma_start3A_3330 = tpu.memref_slice %arg5[%add3A_3329] : memref<13312xi32, #tpu.memory_space<vmem>> -> memref<128xi32, #tpu.memory_space<vmem>>
      %dma_start3A_3331 = arith.constant 0 : i32
      %dma_start3A_3332 = arith.constant 0 : i32
      %dma_start3A_3333 = tpu.memref_slice %arg3[%dma_start3A_3331, %dma_start3A_3332] : memref<1000000x32xf32, #tpu.memory_space<hbm>> -> memref<1000000x32xf32, #tpu.memory_space<hbm>>
      tpu.enqueue_indirect_dma source(%dma_start3A_3333 : memref<1000000x32xf32, #tpu.memory_space<hbm>>) target(%arg12 : memref<128x32xf32, #tpu.memory_space<vmem>>) offsets(%dma_start3A_3330 : memref<128xi32, #tpu.memory_space<vmem>>) semaphore(%arg28 : memref<!tpu.dma_semaphore, #tpu.memory_space<semaphore_mem>>)
      %jit3A_3334 = arith.constant 4 : i32
      %div3A_3335 = arith.divsi %add3A_3197, %jit3A_3334 : i32
      %sign3A_3336 = arith.constant 0 : i32
      %sign3A_3337 = arith.cmpi sgt, %add3A_3197, %sign3A_3336 : i32
      %sign3A_3338 = arith.extui %sign3A_3337 : i1 to i32
      %sign3A_3339 = arith.constant 0 : i32
      %sign3A_3340 = arith.cmpi slt, %add3A_3197, %sign3A_3339 : i32
      %sign3A_3341 = arith.extui %sign3A_3340 : i1 to i32
      %sign3A_3342 = arith.subi %sign3A_3338, %sign3A_3341 : i32
      %sign3A_3343 = arith.constant 0 : i32
      %sign3A_3344 = arith.cmpi sgt, %jit3A_3334, %sign3A_3343 : i32
      %sign3A_3345 = arith.extui %sign3A_3344 : i1 to i32
      %sign3A_3346 = arith.constant 0 : i32
      %sign3A_3347 = arith.cmpi slt, %jit3A_3334, %sign3A_3346 : i32
      %sign3A_3348 = arith.extui %sign3A_3347 : i1 to i32
      %sign3A_3349 = arith.subi %sign3A_3345, %sign3A_3348 : i32
      %ne3A_3350 = arith.cmpi ne, %sign3A_3342, %sign3A_3349 : i32
      %rem3A_3351 = arith.remsi %add3A_3197, %jit3A_3334 : i32
      %ne3A_3352 = arith.constant 0 : i32
      %ne3A_3353 = arith.cmpi ne, %rem3A_3351, %ne3A_3352 : i32
      %and3A_3354 = arith.andi %ne3A_3350, %ne3A_3353 : i1
      %sub3A_3355 = arith.constant 1 : i32
      %sub3A_3356 = arith.subi %div3A_3335, %sub3A_3355 : i32
      %select_n3A_3357 = arith.select %and3A_3354, %sub3A_3356, %div3A_3335 : i32
      %mul3A_3358 = arith.constant 524288 : i32
      %mul3A_3359 = arith.muli %select_n3A_3357, %mul3A_3358 : i32
      %add3A_3360 = arith.constant 2 : i32
      %add3A_3361 = arith.addi %mul3A_2, %add3A_3360 : i32
      %mul3A_3362 = arith.constant 1024 : i32
      %mul3A_3363 = arith.muli %add3A_3361, %mul3A_3362 : i32
      %add3A_3364 = arith.addi %mul3A_3359, %mul3A_3363 : i32
      %add3A_3365 = arith.constant 0 : i32
      %add3A_3366 = arith.addi %add3A_3364, %add3A_3365 : i32
      %add3A_3367 = arith.constant 131072 : i32
      %add3A_3368 = arith.addi %add3A_3364, %add3A_3367 : i32
      %add3A_3369 = arith.constant 262144 : i32
      %add3A_3370 = arith.addi %add3A_3364, %add3A_3369 : i32
      %add3A_3371 = arith.constant 393216 : i32
      %add3A_3372 = arith.addi %add3A_3364, %add3A_3371 : i32
      %dma_start3A_3373 = arith.constant 0 : i32
      %dma_start3A_3374 = tpu.memref_slice %arg20[%dma_start3A_3373] : memref<4096xf32, #tpu.memory_space<vmem>> -> memref<1024xf32, #tpu.memory_space<vmem>>
      %dma_start3A_3375 = tpu.memref_slice %arg4[%add3A_3366] : memref<13631488xf32, #tpu.memory_space<hbm>> -> memref<1024xf32, #tpu.memory_space<hbm>>
      %dma_start3A_3376 = tpu.memref_slice %arg4[%add3A_3366] : memref<13631488xf32, #tpu.memory_space<hbm>> -> memref<1024xf32, #tpu.memory_space<hbm>>
      %dma_start3A_3377 = arith.constant 0 : i32
      %dma_start3A_3378 = tpu.memref_slice %arg20[%dma_start3A_3377] : memref<4096xf32, #tpu.memory_space<vmem>> -> memref<1024xf32, #tpu.memory_space<vmem>>
      tpu.enqueue_dma source(%dma_start3A_3378 : memref<1024xf32, #tpu.memory_space<vmem>>) target(%dma_start3A_3376 : memref<1024xf32, #tpu.memory_space<hbm>>) target_semaphore(%arg36 : memref<!tpu.dma_semaphore, #tpu.memory_space<semaphore_mem>>)
      %dma_start3A_3379 = arith.constant 1024 : i32
      %dma_start3A_3380 = tpu.memref_slice %arg20[%dma_start3A_3379] : memref<4096xf32, #tpu.memory_space<vmem>> -> memref<1024xf32, #tpu.memory_space<vmem>>
      %dma_start3A_3381 = tpu.memref_slice %arg4[%add3A_3368] : memref<13631488xf32, #tpu.memory_space<hbm>> -> memref<1024xf32, #tpu.memory_space<hbm>>
      %dma_start3A_3382 = tpu.memref_slice %arg4[%add3A_3368] : memref<13631488xf32, #tpu.memory_space<hbm>> -> memref<1024xf32, #tpu.memory_space<hbm>>
      %dma_start3A_3383 = arith.constant 1024 : i32
      %dma_start3A_3384 = tpu.memref_slice %arg20[%dma_start3A_3383] : memref<4096xf32, #tpu.memory_space<vmem>> -> memref<1024xf32, #tpu.memory_space<vmem>>
      tpu.enqueue_dma source(%dma_start3A_3384 : memref<1024xf32, #tpu.memory_space<vmem>>) target(%dma_start3A_3382 : memref<1024xf32, #tpu.memory_space<hbm>>) target_semaphore(%arg36 : memref<!tpu.dma_semaphore, #tpu.memory_space<semaphore_mem>>)
      %dma_start3A_3385 = arith.constant 2048 : i32
      %dma_start3A_3386 = tpu.memref_slice %arg20[%dma_start3A_3385] : memref<4096xf32, #tpu.memory_space<vmem>> -> memref<1024xf32, #tpu.memory_space<vmem>>
      %dma_start3A_3387 = tpu.memref_slice %arg4[%add3A_3370] : memref<13631488xf32, #tpu.memory_space<hbm>> -> memref<1024xf32, #tpu.memory_space<hbm>>
      %dma_start3A_3388 = tpu.memref_slice %arg4[%add3A_3370] : memref<13631488xf32, #tpu.memory_space<hbm>> -> memref<1024xf32, #tpu.memory_space<hbm>>
      %dma_start3A_3389 = arith.constant 2048 : i32
      %dma_start3A_3390 = tpu.memref_slice %arg20[%dma_start3A_3389] : memref<4096xf32, #tpu.memory_space<vmem>> -> memref<1024xf32, #tpu.memory_space<vmem>>
      tpu.enqueue_dma source(%dma_start3A_3390 : memref<1024xf32, #tpu.memory_space<vmem>>) target(%dma_start3A_3388 : memref<1024xf32, #tpu.memory_space<hbm>>) target_semaphore(%arg36 : memref<!tpu.dma_semaphore, #tpu.memory_space<semaphore_mem>>)
      %dma_start3A_3391 = arith.constant 3072 : i32
      %dma_start3A_3392 = tpu.memref_slice %arg20[%dma_start3A_3391] : memref<4096xf32, #tpu.memory_space<vmem>> -> memref<1024xf32, #tpu.memory_space<vmem>>
      %dma_start3A_3393 = tpu.memref_slice %arg4[%add3A_3372] : memref<13631488xf32, #tpu.memory_space<hbm>> -> memref<1024xf32, #tpu.memory_space<hbm>>
      %dma_start3A_3394 = tpu.memref_slice %arg4[%add3A_3372] : memref<13631488xf32, #tpu.memory_space<hbm>> -> memref<1024xf32, #tpu.memory_space<hbm>>
      %dma_start3A_3395 = arith.constant 3072 : i32
      %dma_start3A_3396 = tpu.memref_slice %arg20[%dma_start3A_3395] : memref<4096xf32, #tpu.memory_space<vmem>> -> memref<1024xf32, #tpu.memory_space<vmem>>
      tpu.enqueue_dma source(%dma_start3A_3396 : memref<1024xf32, #tpu.memory_space<vmem>>) target(%dma_start3A_3394 : memref<1024xf32, #tpu.memory_space<hbm>>) target_semaphore(%arg36 : memref<!tpu.dma_semaphore, #tpu.memory_space<semaphore_mem>>)
      %add3A_3397 = arith.constant 7 : i32
      %add3A_3398 = arith.addi %add3A_1997, %add3A_3397 : i32
      %jit3A_3399 = arith.constant 4 : i32
      %div3A_3400 = arith.divsi %add3A_3398, %jit3A_3399 : i32
      %sign3A_3401 = arith.constant 0 : i32
      %sign3A_3402 = arith.cmpi sgt, %add3A_3398, %sign3A_3401 : i32
      %sign3A_3403 = arith.extui %sign3A_3402 : i1 to i32
      %sign3A_3404 = arith.constant 0 : i32
      %sign3A_3405 = arith.cmpi slt, %add3A_3398, %sign3A_3404 : i32
      %sign3A_3406 = arith.extui %sign3A_3405 : i1 to i32
      %sign3A_3407 = arith.subi %sign3A_3403, %sign3A_3406 : i32
      %sign3A_3408 = arith.constant 0 : i32
      %sign3A_3409 = arith.cmpi sgt, %jit3A_3399, %sign3A_3408 : i32
      %sign3A_3410 = arith.extui %sign3A_3409 : i1 to i32
      %sign3A_3411 = arith.constant 0 : i32
      %sign3A_3412 = arith.cmpi slt, %jit3A_3399, %sign3A_3411 : i32
      %sign3A_3413 = arith.extui %sign3A_3412 : i1 to i32
      %sign3A_3414 = arith.subi %sign3A_3410, %sign3A_3413 : i32
      %ne3A_3415 = arith.cmpi ne, %sign3A_3407, %sign3A_3414 : i32
      %rem3A_3416 = arith.remsi %add3A_3398, %jit3A_3399 : i32
      %ne3A_3417 = arith.constant 0 : i32
      %ne3A_3418 = arith.cmpi ne, %rem3A_3416, %ne3A_3417 : i32
      %and3A_3419 = arith.andi %ne3A_3415, %ne3A_3418 : i1
      %sub3A_3420 = arith.constant 1 : i32
      %sub3A_3421 = arith.subi %div3A_3400, %sub3A_3420 : i32
      %select_n3A_3422 = arith.select %and3A_3419, %sub3A_3421, %div3A_3400 : i32
      %mul3A_3423 = arith.constant 512 : i32
      %mul3A_3424 = arith.muli %select_n3A_3422, %mul3A_3423 : i32
      %add3A_3425 = arith.constant 384 : i32
      %add3A_3426 = arith.addi %mul3A_3424, %add3A_3425 : i32
      %dma_wait3A_3427 = tpu.memref_slice %arg5[%add3A_3426] : memref<13312xi32, #tpu.memory_space<vmem>> -> memref<128xi32, #tpu.memory_space<vmem>>
      %dma_wait3A_3428 = arith.constant 0 : i32
      %dma_wait3A_3429 = arith.constant 0 : i32
      %dma_wait3A_3430 = tpu.memref_slice %arg3[%dma_wait3A_3428, %dma_wait3A_3429] : memref<1000000x32xf32, #tpu.memory_space<hbm>> -> memref<1000000x32xf32, #tpu.memory_space<hbm>>
      tpu.wait_indirect_dma semaphore(%arg29 : memref<!tpu.dma_semaphore, #tpu.memory_space<semaphore_mem>>) src(%dma_wait3A_3430 : memref<1000000x32xf32, #tpu.memory_space<hbm>>) dst(%arg13 : memref<128x32xf32, #tpu.memory_space<vmem>>)
      %sub3A_3431 = arith.constant 8 : i32
      %sub3A_3432 = arith.subi %add3A_3398, %sub3A_3431 : i32
      %jit3A_3433 = arith.constant 4 : i32
      %div3A_3434 = arith.divsi %sub3A_3432, %jit3A_3433 : i32
      %sign3A_3435 = arith.constant 0 : i32
      %sign3A_3436 = arith.cmpi sgt, %sub3A_3432, %sign3A_3435 : i32
      %sign3A_3437 = arith.extui %sign3A_3436 : i1 to i32
      %sign3A_3438 = arith.constant 0 : i32
      %sign3A_3439 = arith.cmpi slt, %sub3A_3432, %sign3A_3438 : i32
      %sign3A_3440 = arith.extui %sign3A_3439 : i1 to i32
      %sign3A_3441 = arith.subi %sign3A_3437, %sign3A_3440 : i32
      %sign3A_3442 = arith.constant 0 : i32
      %sign3A_3443 = arith.cmpi sgt, %jit3A_3433, %sign3A_3442 : i32
      %sign3A_3444 = arith.extui %sign3A_3443 : i1 to i32
      %sign3A_3445 = arith.constant 0 : i32
      %sign3A_3446 = arith.cmpi slt, %jit3A_3433, %sign3A_3445 : i32
      %sign3A_3447 = arith.extui %sign3A_3446 : i1 to i32
      %sign3A_3448 = arith.subi %sign3A_3444, %sign3A_3447 : i32
      %ne3A_3449 = arith.cmpi ne, %sign3A_3441, %sign3A_3448 : i32
      %rem3A_3450 = arith.remsi %sub3A_3432, %jit3A_3433 : i32
      %ne3A_3451 = arith.constant 0 : i32
      %ne3A_3452 = arith.cmpi ne, %rem3A_3450, %ne3A_3451 : i32
      %and3A_3453 = arith.andi %ne3A_3449, %ne3A_3452 : i1
      %sub3A_3454 = arith.constant 1 : i32
      %sub3A_3455 = arith.subi %div3A_3434, %sub3A_3454 : i32
      %select_n3A_3456 = arith.select %and3A_3453, %sub3A_3455, %div3A_3434 : i32
      %mul3A_3457 = arith.constant 524288 : i32
      %mul3A_3458 = arith.muli %select_n3A_3456, %mul3A_3457 : i32
      %add3A_3459 = arith.constant 3 : i32
      %add3A_3460 = arith.addi %mul3A_2, %add3A_3459 : i32
      %mul3A_3461 = arith.constant 1024 : i32
      %mul3A_3462 = arith.muli %add3A_3460, %mul3A_3461 : i32
      %add3A_3463 = arith.addi %mul3A_3458, %mul3A_3462 : i32
      %add3A_3464 = arith.constant 0 : i32
      %add3A_3465 = arith.addi %add3A_3463, %add3A_3464 : i32
      %add3A_3466 = arith.constant 131072 : i32
      %add3A_3467 = arith.addi %add3A_3463, %add3A_3466 : i32
      %add3A_3468 = arith.constant 262144 : i32
      %add3A_3469 = arith.addi %add3A_3463, %add3A_3468 : i32
      %add3A_3470 = arith.constant 393216 : i32
      %add3A_3471 = arith.addi %add3A_3463, %add3A_3470 : i32
      %dma_wait3A_3472 = arith.constant 0 : i32
      %dma_wait3A_3473 = tpu.memref_slice %arg21[%dma_wait3A_3472] : memref<4096xf32, #tpu.memory_space<vmem>> -> memref<1024xf32, #tpu.memory_space<vmem>>
      %dma_wait3A_3474 = tpu.memref_slice %arg4[%add3A_3465] : memref<13631488xf32, #tpu.memory_space<hbm>> -> memref<1024xf32, #tpu.memory_space<hbm>>
      %dma_wait3A_3475 = tpu.memref_slice %arg4[%add3A_3465] : memref<13631488xf32, #tpu.memory_space<hbm>> -> memref<1024xf32, #tpu.memory_space<hbm>>
      %dma_wait3A_3476 = arith.constant 0 : i32
      %dma_wait3A_3477 = tpu.memref_slice %arg21[%dma_wait3A_3476] : memref<4096xf32, #tpu.memory_space<vmem>> -> memref<1024xf32, #tpu.memory_space<vmem>>
      tpu.wait_dma2 semaphore(%arg37 : memref<!tpu.dma_semaphore, #tpu.memory_space<semaphore_mem>>) src(%dma_wait3A_3477 : memref<1024xf32, #tpu.memory_space<vmem>>) dst(%dma_wait3A_3475 : memref<1024xf32, #tpu.memory_space<hbm>>)
      %dma_wait3A_3478 = arith.constant 1024 : i32
      %dma_wait3A_3479 = tpu.memref_slice %arg21[%dma_wait3A_3478] : memref<4096xf32, #tpu.memory_space<vmem>> -> memref<1024xf32, #tpu.memory_space<vmem>>
      %dma_wait3A_3480 = tpu.memref_slice %arg4[%add3A_3467] : memref<13631488xf32, #tpu.memory_space<hbm>> -> memref<1024xf32, #tpu.memory_space<hbm>>
      %dma_wait3A_3481 = tpu.memref_slice %arg4[%add3A_3467] : memref<13631488xf32, #tpu.memory_space<hbm>> -> memref<1024xf32, #tpu.memory_space<hbm>>
      %dma_wait3A_3482 = arith.constant 1024 : i32
      %dma_wait3A_3483 = tpu.memref_slice %arg21[%dma_wait3A_3482] : memref<4096xf32, #tpu.memory_space<vmem>> -> memref<1024xf32, #tpu.memory_space<vmem>>
      tpu.wait_dma2 semaphore(%arg37 : memref<!tpu.dma_semaphore, #tpu.memory_space<semaphore_mem>>) src(%dma_wait3A_3483 : memref<1024xf32, #tpu.memory_space<vmem>>) dst(%dma_wait3A_3481 : memref<1024xf32, #tpu.memory_space<hbm>>)
      %dma_wait3A_3484 = arith.constant 2048 : i32
      %dma_wait3A_3485 = tpu.memref_slice %arg21[%dma_wait3A_3484] : memref<4096xf32, #tpu.memory_space<vmem>> -> memref<1024xf32, #tpu.memory_space<vmem>>
      %dma_wait3A_3486 = tpu.memref_slice %arg4[%add3A_3469] : memref<13631488xf32, #tpu.memory_space<hbm>> -> memref<1024xf32, #tpu.memory_space<hbm>>
      %dma_wait3A_3487 = tpu.memref_slice %arg4[%add3A_3469] : memref<13631488xf32, #tpu.memory_space<hbm>> -> memref<1024xf32, #tpu.memory_space<hbm>>
      %dma_wait3A_3488 = arith.constant 2048 : i32
      %dma_wait3A_3489 = tpu.memref_slice %arg21[%dma_wait3A_3488] : memref<4096xf32, #tpu.memory_space<vmem>> -> memref<1024xf32, #tpu.memory_space<vmem>>
      tpu.wait_dma2 semaphore(%arg37 : memref<!tpu.dma_semaphore, #tpu.memory_space<semaphore_mem>>) src(%dma_wait3A_3489 : memref<1024xf32, #tpu.memory_space<vmem>>) dst(%dma_wait3A_3487 : memref<1024xf32, #tpu.memory_space<hbm>>)
      %dma_wait3A_3490 = arith.constant 3072 : i32
      %dma_wait3A_3491 = tpu.memref_slice %arg21[%dma_wait3A_3490] : memref<4096xf32, #tpu.memory_space<vmem>> -> memref<1024xf32, #tpu.memory_space<vmem>>
      %dma_wait3A_3492 = tpu.memref_slice %arg4[%add3A_3471] : memref<13631488xf32, #tpu.memory_space<hbm>> -> memref<1024xf32, #tpu.memory_space<hbm>>
      %dma_wait3A_3493 = tpu.memref_slice %arg4[%add3A_3471] : memref<13631488xf32, #tpu.memory_space<hbm>> -> memref<1024xf32, #tpu.memory_space<hbm>>
      %dma_wait3A_3494 = arith.constant 3072 : i32
      %dma_wait3A_3495 = tpu.memref_slice %arg21[%dma_wait3A_3494] : memref<4096xf32, #tpu.memory_space<vmem>> -> memref<1024xf32, #tpu.memory_space<vmem>>
      tpu.wait_dma2 semaphore(%arg37 : memref<!tpu.dma_semaphore, #tpu.memory_space<semaphore_mem>>) src(%dma_wait3A_3495 : memref<1024xf32, #tpu.memory_space<vmem>>) dst(%dma_wait3A_3493 : memref<1024xf32, #tpu.memory_space<hbm>>)
      %scan3A_3496 = arith.constant 0 : i32
      %scan3A_3497 = arith.constant 128 : i32
      %scan3A_3498 = arith.addi %scan3A_3496, %scan3A_3497 : i32
      %scan3A_3499 = arith.constant 1 : i32
      scf.for %scan3A_3598 = %scan3A_3496 to %scan3A_3498 step %scan3A_3499  : i32 {
        %mul3A_3599 = arith.constant 1 : i32
        %mul3A_3600 = arith.muli %scan3A_3598, %mul3A_3599 : i32
        %add3A_3601 = arith.constant 0 : i32
        %add3A_3602 = arith.addi %add3A_3601, %mul3A_3600 : i32
        %broadcast_in_dim3A = vector.broadcast %add3A_3602 : i32 to vector<16xi32>
        %get3A = arith.index_cast %add3A_3602 : i32 to index
        %get3A_3603 = arith.constant 0 : index
        %get3A_3604 = tpu.vector_load %arg13[%get3A, %get3A_3603] {strides = array<i32>} : memref<128x32xf32, #tpu.memory_space<vmem>>, vector<16xf32>,
        %add3A_3605 = arith.addi %mul3A_526, %broadcast_in_dim3A : vector<16xi32>
        tpu.vector_store_idx %arg21[%add3A_3605], %get3A_3604 : memref<4096xf32, #tpu.memory_space<vmem>>[vector<16xi32>], vector<16xf32>,
        %get3A_3606 = arith.index_cast %add3A_3602 : i32 to index
        %get3A_3607 = arith.constant 16 : index
        %get3A_3608 = tpu.vector_load %arg13[%get3A_3606, %get3A_3607] {strides = array<i32>} : memref<128x32xf32, #tpu.memory_space<vmem>>, vector<16xf32>,
        %add3A_3609 = arith.addi %mul3A_532, %broadcast_in_dim3A : vector<16xi32>
        tpu.vector_store_idx %arg21[%add3A_3609], %get3A_3608 : memref<4096xf32, #tpu.memory_space<vmem>>[vector<16xi32>], vector<16xf32>,
      }
      %scan3A_3500 = arith.constant 128 : i32
      %add3A_3501 = arith.constant 8 : i32
      %add3A_3502 = arith.addi %add3A_3398, %add3A_3501 : i32
      %jit3A_3503 = arith.constant 4 : i32
      %div3A_3504 = arith.divsi %add3A_3502, %jit3A_3503 : i32
      %sign3A_3505 = arith.constant 0 : i32
      %sign3A_3506 = arith.cmpi sgt, %add3A_3502, %sign3A_3505 : i32
      %sign3A_3507 = arith.extui %sign3A_3506 : i1 to i32
      %sign3A_3508 = arith.constant 0 : i32
      %sign3A_3509 = arith.cmpi slt, %add3A_3502, %sign3A_3508 : i32
      %sign3A_3510 = arith.extui %sign3A_3509 : i1 to i32
      %sign3A_3511 = arith.subi %sign3A_3507, %sign3A_3510 : i32
      %sign3A_3512 = arith.constant 0 : i32
      %sign3A_3513 = arith.cmpi sgt, %jit3A_3503, %sign3A_3512 : i32
      %sign3A_3514 = arith.extui %sign3A_3513 : i1 to i32
      %sign3A_3515 = arith.constant 0 : i32
      %sign3A_3516 = arith.cmpi slt, %jit3A_3503, %sign3A_3515 : i32
      %sign3A_3517 = arith.extui %sign3A_3516 : i1 to i32
      %sign3A_3518 = arith.subi %sign3A_3514, %sign3A_3517 : i32
      %ne3A_3519 = arith.cmpi ne, %sign3A_3511, %sign3A_3518 : i32
      %rem3A_3520 = arith.remsi %add3A_3502, %jit3A_3503 : i32
      %ne3A_3521 = arith.constant 0 : i32
      %ne3A_3522 = arith.cmpi ne, %rem3A_3520, %ne3A_3521 : i32
      %and3A_3523 = arith.andi %ne3A_3519, %ne3A_3522 : i1
      %sub3A_3524 = arith.constant 1 : i32
      %sub3A_3525 = arith.subi %div3A_3504, %sub3A_3524 : i32
      %select_n3A_3526 = arith.select %and3A_3523, %sub3A_3525, %div3A_3504 : i32
      %mul3A_3527 = arith.constant 512 : i32
      %mul3A_3528 = arith.muli %select_n3A_3526, %mul3A_3527 : i32
      %add3A_3529 = arith.constant 384 : i32
      %add3A_3530 = arith.addi %mul3A_3528, %add3A_3529 : i32
      %dma_start3A_3531 = tpu.memref_slice %arg5[%add3A_3530] : memref<13312xi32, #tpu.memory_space<vmem>> -> memref<128xi32, #tpu.memory_space<vmem>>
      %dma_start3A_3532 = arith.constant 0 : i32
      %dma_start3A_3533 = arith.constant 0 : i32
      %dma_start3A_3534 = tpu.memref_slice %arg3[%dma_start3A_3532, %dma_start3A_3533] : memref<1000000x32xf32, #tpu.memory_space<hbm>> -> memref<1000000x32xf32, #tpu.memory_space<hbm>>
      tpu.enqueue_indirect_dma source(%dma_start3A_3534 : memref<1000000x32xf32, #tpu.memory_space<hbm>>) target(%arg13 : memref<128x32xf32, #tpu.memory_space<vmem>>) offsets(%dma_start3A_3531 : memref<128xi32, #tpu.memory_space<vmem>>) semaphore(%arg29 : memref<!tpu.dma_semaphore, #tpu.memory_space<semaphore_mem>>)
      %jit3A_3535 = arith.constant 4 : i32
      %div3A_3536 = arith.divsi %add3A_3398, %jit3A_3535 : i32
      %sign3A_3537 = arith.constant 0 : i32
      %sign3A_3538 = arith.cmpi sgt, %add3A_3398, %sign3A_3537 : i32
      %sign3A_3539 = arith.extui %sign3A_3538 : i1 to i32
      %sign3A_3540 = arith.constant 0 : i32
      %sign3A_3541 = arith.cmpi slt, %add3A_3398, %sign3A_3540 : i32
      %sign3A_3542 = arith.extui %sign3A_3541 : i1 to i32
      %sign3A_3543 = arith.subi %sign3A_3539, %sign3A_3542 : i32
      %sign3A_3544 = arith.constant 0 : i32
      %sign3A_3545 = arith.cmpi sgt, %jit3A_3535, %sign3A_3544 : i32
      %sign3A_3546 = arith.extui %sign3A_3545 : i1 to i32
      %sign3A_3547 = arith.constant 0 : i32
      %sign3A_3548 = arith.cmpi slt, %jit3A_3535, %sign3A_3547 : i32
      %sign3A_3549 = arith.extui %sign3A_3548 : i1 to i32
      %sign3A_3550 = arith.subi %sign3A_3546, %sign3A_3549 : i32
      %ne3A_3551 = arith.cmpi ne, %sign3A_3543, %sign3A_3550 : i32
      %rem3A_3552 = arith.remsi %add3A_3398, %jit3A_3535 : i32
      %ne3A_3553 = arith.constant 0 : i32
      %ne3A_3554 = arith.cmpi ne, %rem3A_3552, %ne3A_3553 : i32
      %and3A_3555 = arith.andi %ne3A_3551, %ne3A_3554 : i1
      %sub3A_3556 = arith.constant 1 : i32
      %sub3A_3557 = arith.subi %div3A_3536, %sub3A_3556 : i32
      %select_n3A_3558 = arith.select %and3A_3555, %sub3A_3557, %div3A_3536 : i32
      %mul3A_3559 = arith.constant 524288 : i32
      %mul3A_3560 = arith.muli %select_n3A_3558, %mul3A_3559 : i32
      %add3A_3561 = arith.constant 3 : i32
      %add3A_3562 = arith.addi %mul3A_2, %add3A_3561 : i32
      %mul3A_3563 = arith.constant 1024 : i32
      %mul3A_3564 = arith.muli %add3A_3562, %mul3A_3563 : i32
      %add3A_3565 = arith.addi %mul3A_3560, %mul3A_3564 : i32
      %add3A_3566 = arith.constant 0 : i32
      %add3A_3567 = arith.addi %add3A_3565, %add3A_3566 : i32
      %add3A_3568 = arith.constant 131072 : i32
      %add3A_3569 = arith.addi %add3A_3565, %add3A_3568 : i32
      %add3A_3570 = arith.constant 262144 : i32
      %add3A_3571 = arith.addi %add3A_3565, %add3A_3570 : i32
      %add3A_3572 = arith.constant 393216 : i32
      %add3A_3573 = arith.addi %add3A_3565, %add3A_3572 : i32
      %dma_start3A_3574 = arith.constant 0 : i32
      %dma_start3A_3575 = tpu.memref_slice %arg21[%dma_start3A_3574] : memref<4096xf32, #tpu.memory_space<vmem>> -> memref<1024xf32, #tpu.memory_space<vmem>>
      %dma_start3A_3576 = tpu.memref_slice %arg4[%add3A_3567] : memref<13631488xf32, #tpu.memory_space<hbm>> -> memref<1024xf32, #tpu.memory_space<hbm>>
      %dma_start3A_3577 = tpu.memref_slice %arg4[%add3A_3567] : memref<13631488xf32, #tpu.memory_space<hbm>> -> memref<1024xf32, #tpu.memory_space<hbm>>
      %dma_start3A_3578 = arith.constant 0 : i32
      %dma_start3A_3579 = tpu.memref_slice %arg21[%dma_start3A_3578] : memref<4096xf32, #tpu.memory_space<vmem>> -> memref<1024xf32, #tpu.memory_space<vmem>>
      tpu.enqueue_dma source(%dma_start3A_3579 : memref<1024xf32, #tpu.memory_space<vmem>>) target(%dma_start3A_3577 : memref<1024xf32, #tpu.memory_space<hbm>>) target_semaphore(%arg37 : memref<!tpu.dma_semaphore, #tpu.memory_space<semaphore_mem>>)
      %dma_start3A_3580 = arith.constant 1024 : i32
      %dma_start3A_3581 = tpu.memref_slice %arg21[%dma_start3A_3580] : memref<4096xf32, #tpu.memory_space<vmem>> -> memref<1024xf32, #tpu.memory_space<vmem>>
      %dma_start3A_3582 = tpu.memref_slice %arg4[%add3A_3569] : memref<13631488xf32, #tpu.memory_space<hbm>> -> memref<1024xf32, #tpu.memory_space<hbm>>
      %dma_start3A_3583 = tpu.memref_slice %arg4[%add3A_3569] : memref<13631488xf32, #tpu.memory_space<hbm>> -> memref<1024xf32, #tpu.memory_space<hbm>>
      %dma_start3A_3584 = arith.constant 1024 : i32
      %dma_start3A_3585 = tpu.memref_slice %arg21[%dma_start3A_3584] : memref<4096xf32, #tpu.memory_space<vmem>> -> memref<1024xf32, #tpu.memory_space<vmem>>
      tpu.enqueue_dma source(%dma_start3A_3585 : memref<1024xf32, #tpu.memory_space<vmem>>) target(%dma_start3A_3583 : memref<1024xf32, #tpu.memory_space<hbm>>) target_semaphore(%arg37 : memref<!tpu.dma_semaphore, #tpu.memory_space<semaphore_mem>>)
      %dma_start3A_3586 = arith.constant 2048 : i32
      %dma_start3A_3587 = tpu.memref_slice %arg21[%dma_start3A_3586] : memref<4096xf32, #tpu.memory_space<vmem>> -> memref<1024xf32, #tpu.memory_space<vmem>>
      %dma_start3A_3588 = tpu.memref_slice %arg4[%add3A_3571] : memref<13631488xf32, #tpu.memory_space<hbm>> -> memref<1024xf32, #tpu.memory_space<hbm>>
      %dma_start3A_3589 = tpu.memref_slice %arg4[%add3A_3571] : memref<13631488xf32, #tpu.memory_space<hbm>> -> memref<1024xf32, #tpu.memory_space<hbm>>
      %dma_start3A_3590 = arith.constant 2048 : i32
      %dma_start3A_3591 = tpu.memref_slice %arg21[%dma_start3A_3590] : memref<4096xf32, #tpu.memory_space<vmem>> -> memref<1024xf32, #tpu.memory_space<vmem>>
      tpu.enqueue_dma source(%dma_start3A_3591 : memref<1024xf32, #tpu.memory_space<vmem>>) target(%dma_start3A_3589 : memref<1024xf32, #tpu.memory_space<hbm>>) target_semaphore(%arg37 : memref<!tpu.dma_semaphore, #tpu.memory_space<semaphore_mem>>)
      %dma_start3A_3592 = arith.constant 3072 : i32
      %dma_start3A_3593 = tpu.memref_slice %arg21[%dma_start3A_3592] : memref<4096xf32, #tpu.memory_space<vmem>> -> memref<1024xf32, #tpu.memory_space<vmem>>
      %dma_start3A_3594 = tpu.memref_slice %arg4[%add3A_3573] : memref<13631488xf32, #tpu.memory_space<hbm>> -> memref<1024xf32, #tpu.memory_space<hbm>>
      %dma_start3A_3595 = tpu.memref_slice %arg4[%add3A_3573] : memref<13631488xf32, #tpu.memory_space<hbm>> -> memref<1024xf32, #tpu.memory_space<hbm>>
      %dma_start3A_3596 = arith.constant 3072 : i32
      %dma_start3A_3597 = tpu.memref_slice %arg21[%dma_start3A_3596] : memref<4096xf32, #tpu.memory_space<vmem>> -> memref<1024xf32, #tpu.memory_space<vmem>>
      tpu.enqueue_dma source(%dma_start3A_3597 : memref<1024xf32, #tpu.memory_space<vmem>>) target(%dma_start3A_3595 : memref<1024xf32, #tpu.memory_space<hbm>>) target_semaphore(%arg37 : memref<!tpu.dma_semaphore, #tpu.memory_space<semaphore_mem>>)
    }
    %scan3A_1000 = arith.constant 11 : i32
    %dma_wait3A_1001 = arith.constant 12288 : i32
    %dma_wait3A_1002 = tpu.memref_slice %arg5[%dma_wait3A_1001] : memref<13312xi32, #tpu.memory_space<vmem>> -> memref<128xi32, #tpu.memory_space<vmem>>
    %dma_wait3A_1003 = arith.constant 0 : i32
    %dma_wait3A_1004 = arith.constant 0 : i32
    %dma_wait3A_1005 = tpu.memref_slice %arg3[%dma_wait3A_1003, %dma_wait3A_1004] : memref<1000000x32xf32, #tpu.memory_space<hbm>> -> memref<1000000x32xf32, #tpu.memory_space<hbm>>
    tpu.wait_indirect_dma semaphore(%arg22 : memref<!tpu.dma_semaphore, #tpu.memory_space<semaphore_mem>>) src(%dma_wait3A_1005 : memref<1000000x32xf32, #tpu.memory_space<hbm>>) dst(%arg6 : memref<128x32xf32, #tpu.memory_space<vmem>>)
    %add3A_1006 = arith.constant 0 : i32
    %add3A_1007 = arith.addi %mul3A_2, %add3A_1006 : i32
    %mul3A_1008 = arith.constant 1024 : i32
    %mul3A_1009 = arith.muli %add3A_1007, %mul3A_1008 : i32
    %add3A_1010 = arith.constant 11534336 : i32
    %add3A_1011 = arith.addi %add3A_1010, %mul3A_1009 : i32
    %add3A_1012 = arith.constant 0 : i32
    %add3A_1013 = arith.addi %add3A_1011, %add3A_1012 : i32
    %add3A_1014 = arith.constant 131072 : i32
    %add3A_1015 = arith.addi %add3A_1011, %add3A_1014 : i32
    %add3A_1016 = arith.constant 262144 : i32
    %add3A_1017 = arith.addi %add3A_1011, %add3A_1016 : i32
    %add3A_1018 = arith.constant 393216 : i32
    %add3A_1019 = arith.addi %add3A_1011, %add3A_1018 : i32
    %dma_wait3A_1020 = arith.constant 0 : i32
    %dma_wait3A_1021 = tpu.memref_slice %arg14[%dma_wait3A_1020] : memref<4096xf32, #tpu.memory_space<vmem>> -> memref<1024xf32, #tpu.memory_space<vmem>>
    %dma_wait3A_1022 = tpu.memref_slice %arg4[%add3A_1013] : memref<13631488xf32, #tpu.memory_space<hbm>> -> memref<1024xf32, #tpu.memory_space<hbm>>
    %dma_wait3A_1023 = tpu.memref_slice %arg4[%add3A_1013] : memref<13631488xf32, #tpu.memory_space<hbm>> -> memref<1024xf32, #tpu.memory_space<hbm>>
    %dma_wait3A_1024 = arith.constant 0 : i32
    %dma_wait3A_1025 = tpu.memref_slice %arg14[%dma_wait3A_1024] : memref<4096xf32, #tpu.memory_space<vmem>> -> memref<1024xf32, #tpu.memory_space<vmem>>
    tpu.wait_dma2 semaphore(%arg30 : memref<!tpu.dma_semaphore, #tpu.memory_space<semaphore_mem>>) src(%dma_wait3A_1025 : memref<1024xf32, #tpu.memory_space<vmem>>) dst(%dma_wait3A_1023 : memref<1024xf32, #tpu.memory_space<hbm>>)
    %dma_wait3A_1026 = arith.constant 1024 : i32
    %dma_wait3A_1027 = tpu.memref_slice %arg14[%dma_wait3A_1026] : memref<4096xf32, #tpu.memory_space<vmem>> -> memref<1024xf32, #tpu.memory_space<vmem>>
    %dma_wait3A_1028 = tpu.memref_slice %arg4[%add3A_1015] : memref<13631488xf32, #tpu.memory_space<hbm>> -> memref<1024xf32, #tpu.memory_space<hbm>>
    %dma_wait3A_1029 = tpu.memref_slice %arg4[%add3A_1015] : memref<13631488xf32, #tpu.memory_space<hbm>> -> memref<1024xf32, #tpu.memory_space<hbm>>
    %dma_wait3A_1030 = arith.constant 1024 : i32
    %dma_wait3A_1031 = tpu.memref_slice %arg14[%dma_wait3A_1030] : memref<4096xf32, #tpu.memory_space<vmem>> -> memref<1024xf32, #tpu.memory_space<vmem>>
    tpu.wait_dma2 semaphore(%arg30 : memref<!tpu.dma_semaphore, #tpu.memory_space<semaphore_mem>>) src(%dma_wait3A_1031 : memref<1024xf32, #tpu.memory_space<vmem>>) dst(%dma_wait3A_1029 : memref<1024xf32, #tpu.memory_space<hbm>>)
    %dma_wait3A_1032 = arith.constant 2048 : i32
    %dma_wait3A_1033 = tpu.memref_slice %arg14[%dma_wait3A_1032] : memref<4096xf32, #tpu.memory_space<vmem>> -> memref<1024xf32, #tpu.memory_space<vmem>>
    %dma_wait3A_1034 = tpu.memref_slice %arg4[%add3A_1017] : memref<13631488xf32, #tpu.memory_space<hbm>> -> memref<1024xf32, #tpu.memory_space<hbm>>
    %dma_wait3A_1035 = tpu.memref_slice %arg4[%add3A_1017] : memref<13631488xf32, #tpu.memory_space<hbm>> -> memref<1024xf32, #tpu.memory_space<hbm>>
    %dma_wait3A_1036 = arith.constant 2048 : i32
    %dma_wait3A_1037 = tpu.memref_slice %arg14[%dma_wait3A_1036] : memref<4096xf32, #tpu.memory_space<vmem>> -> memref<1024xf32, #tpu.memory_space<vmem>>
    tpu.wait_dma2 semaphore(%arg30 : memref<!tpu.dma_semaphore, #tpu.memory_space<semaphore_mem>>) src(%dma_wait3A_1037 : memref<1024xf32, #tpu.memory_space<vmem>>) dst(%dma_wait3A_1035 : memref<1024xf32, #tpu.memory_space<hbm>>)
    %dma_wait3A_1038 = arith.constant 3072 : i32
    %dma_wait3A_1039 = tpu.memref_slice %arg14[%dma_wait3A_1038] : memref<4096xf32, #tpu.memory_space<vmem>> -> memref<1024xf32, #tpu.memory_space<vmem>>
    %dma_wait3A_1040 = tpu.memref_slice %arg4[%add3A_1019] : memref<13631488xf32, #tpu.memory_space<hbm>> -> memref<1024xf32, #tpu.memory_space<hbm>>
    %dma_wait3A_1041 = tpu.memref_slice %arg4[%add3A_1019] : memref<13631488xf32, #tpu.memory_space<hbm>> -> memref<1024xf32, #tpu.memory_space<hbm>>
    %dma_wait3A_1042 = arith.constant 3072 : i32
    %dma_wait3A_1043 = tpu.memref_slice %arg14[%dma_wait3A_1042] : memref<4096xf32, #tpu.memory_space<vmem>> -> memref<1024xf32, #tpu.memory_space<vmem>>
    tpu.wait_dma2 semaphore(%arg30 : memref<!tpu.dma_semaphore, #tpu.memory_space<semaphore_mem>>) src(%dma_wait3A_1043 : memref<1024xf32, #tpu.memory_space<vmem>>) dst(%dma_wait3A_1041 : memref<1024xf32, #tpu.memory_space<hbm>>)
    %scan3A_1044 = arith.constant 0 : i32
    %scan3A_1045 = arith.constant 128 : i32
    %scan3A_1046 = arith.addi %scan3A_1044, %scan3A_1045 : i32
    %scan3A_1047 = arith.constant 1 : i32
    scf.for %scan3A_1993 = %scan3A_1044 to %scan3A_1046 step %scan3A_1047  : i32 {
      %mul3A_1994 = arith.constant 1 : i32
      %mul3A_1995 = arith.muli %scan3A_1993, %mul3A_1994 : i32
      %add3A_1996 = arith.constant 0 : i32
      %add3A_1997 = arith.addi %add3A_1996, %mul3A_1995 : i32
      %broadcast_in_dim3A = vector.broadcast %add3A_1997 : i32 to vector<16xi32>
      %get3A = arith.index_cast %add3A_1997 : i32 to index
      %get3A_1998 = arith.constant 0 : index
      %get3A_1999 = tpu.vector_load %arg6[%get3A, %get3A_1998] {strides = array<i32>} : memref<128x32xf32, #tpu.memory_space<vmem>>, vector<16xf32>,
      %add3A_2000 = arith.addi %mul3A_526, %broadcast_in_dim3A : vector<16xi32>
      tpu.vector_store_idx %arg14[%add3A_2000], %get3A_1999 : memref<4096xf32, #tpu.memory_space<vmem>>[vector<16xi32>], vector<16xf32>,
      %get3A_2001 = arith.index_cast %add3A_1997 : i32 to index
      %get3A_2002 = arith.constant 16 : index
      %get3A_2003 = tpu.vector_load %arg6[%get3A_2001, %get3A_2002] {strides = array<i32>} : memref<128x32xf32, #tpu.memory_space<vmem>>, vector<16xf32>,
      %add3A_2004 = arith.addi %mul3A_532, %broadcast_in_dim3A : vector<16xi32>
      tpu.vector_store_idx %arg14[%add3A_2004], %get3A_2003 : memref<4096xf32, #tpu.memory_space<vmem>>[vector<16xi32>], vector<16xf32>,
    }
    %scan3A_1048 = arith.constant 128 : i32
    %add3A_1049 = arith.constant 0 : i32
    %add3A_1050 = arith.addi %mul3A_2, %add3A_1049 : i32
    %mul3A_1051 = arith.constant 1024 : i32
    %mul3A_1052 = arith.muli %add3A_1050, %mul3A_1051 : i32
    %add3A_1053 = arith.constant 12582912 : i32
    %add3A_1054 = arith.addi %add3A_1053, %mul3A_1052 : i32
    %add3A_1055 = arith.constant 0 : i32
    %add3A_1056 = arith.addi %add3A_1054, %add3A_1055 : i32
    %add3A_1057 = arith.constant 131072 : i32
    %add3A_1058 = arith.addi %add3A_1054, %add3A_1057 : i32
    %add3A_1059 = arith.constant 262144 : i32
    %add3A_1060 = arith.addi %add3A_1054, %add3A_1059 : i32
    %add3A_1061 = arith.constant 393216 : i32
    %add3A_1062 = arith.addi %add3A_1054, %add3A_1061 : i32
    %dma_start3A_1063 = arith.constant 0 : i32
    %dma_start3A_1064 = tpu.memref_slice %arg14[%dma_start3A_1063] : memref<4096xf32, #tpu.memory_space<vmem>> -> memref<1024xf32, #tpu.memory_space<vmem>>
    %dma_start3A_1065 = tpu.memref_slice %arg4[%add3A_1056] : memref<13631488xf32, #tpu.memory_space<hbm>> -> memref<1024xf32, #tpu.memory_space<hbm>>
    %dma_start3A_1066 = tpu.memref_slice %arg4[%add3A_1056] : memref<13631488xf32, #tpu.memory_space<hbm>> -> memref<1024xf32, #tpu.memory_space<hbm>>
    %dma_start3A_1067 = arith.constant 0 : i32
    %dma_start3A_1068 = tpu.memref_slice %arg14[%dma_start3A_1067] : memref<4096xf32, #tpu.memory_space<vmem>> -> memref<1024xf32, #tpu.memory_space<vmem>>
    tpu.enqueue_dma source(%dma_start3A_1068 : memref<1024xf32, #tpu.memory_space<vmem>>) target(%dma_start3A_1066 : memref<1024xf32, #tpu.memory_space<hbm>>) target_semaphore(%arg30 : memref<!tpu.dma_semaphore, #tpu.memory_space<semaphore_mem>>)
    %dma_start3A_1069 = arith.constant 1024 : i32
    %dma_start3A_1070 = tpu.memref_slice %arg14[%dma_start3A_1069] : memref<4096xf32, #tpu.memory_space<vmem>> -> memref<1024xf32, #tpu.memory_space<vmem>>
    %dma_start3A_1071 = tpu.memref_slice %arg4[%add3A_1058] : memref<13631488xf32, #tpu.memory_space<hbm>> -> memref<1024xf32, #tpu.memory_space<hbm>>
    %dma_start3A_1072 = tpu.memref_slice %arg4[%add3A_1058] : memref<13631488xf32, #tpu.memory_space<hbm>> -> memref<1024xf32, #tpu.memory_space<hbm>>
    %dma_start3A_1073 = arith.constant 1024 : i32
    %dma_start3A_1074 = tpu.memref_slice %arg14[%dma_start3A_1073] : memref<4096xf32, #tpu.memory_space<vmem>> -> memref<1024xf32, #tpu.memory_space<vmem>>
    tpu.enqueue_dma source(%dma_start3A_1074 : memref<1024xf32, #tpu.memory_space<vmem>>) target(%dma_start3A_1072 : memref<1024xf32, #tpu.memory_space<hbm>>) target_semaphore(%arg30 : memref<!tpu.dma_semaphore, #tpu.memory_space<semaphore_mem>>)
    %dma_start3A_1075 = arith.constant 2048 : i32
    %dma_start3A_1076 = tpu.memref_slice %arg14[%dma_start3A_1075] : memref<4096xf32, #tpu.memory_space<vmem>> -> memref<1024xf32, #tpu.memory_space<vmem>>
    %dma_start3A_1077 = tpu.memref_slice %arg4[%add3A_1060] : memref<13631488xf32, #tpu.memory_space<hbm>> -> memref<1024xf32, #tpu.memory_space<hbm>>
    %dma_start3A_1078 = tpu.memref_slice %arg4[%add3A_1060] : memref<13631488xf32, #tpu.memory_space<hbm>> -> memref<1024xf32, #tpu.memory_space<hbm>>
    %dma_start3A_1079 = arith.constant 2048 : i32
    %dma_start3A_1080 = tpu.memref_slice %arg14[%dma_start3A_1079] : memref<4096xf32, #tpu.memory_space<vmem>> -> memref<1024xf32, #tpu.memory_space<vmem>>
    tpu.enqueue_dma source(%dma_start3A_1080 : memref<1024xf32, #tpu.memory_space<vmem>>) target(%dma_start3A_1078 : memref<1024xf32, #tpu.memory_space<hbm>>) target_semaphore(%arg30 : memref<!tpu.dma_semaphore, #tpu.memory_space<semaphore_mem>>)
    %dma_start3A_1081 = arith.constant 3072 : i32
    %dma_start3A_1082 = tpu.memref_slice %arg14[%dma_start3A_1081] : memref<4096xf32, #tpu.memory_space<vmem>> -> memref<1024xf32, #tpu.memory_space<vmem>>
    %dma_start3A_1083 = tpu.memref_slice %arg4[%add3A_1062] : memref<13631488xf32, #tpu.memory_space<hbm>> -> memref<1024xf32, #tpu.memory_space<hbm>>
    %dma_start3A_1084 = tpu.memref_slice %arg4[%add3A_1062] : memref<13631488xf32, #tpu.memory_space<hbm>> -> memref<1024xf32, #tpu.memory_space<hbm>>
    %dma_start3A_1085 = arith.constant 3072 : i32
    %dma_start3A_1086 = tpu.memref_slice %arg14[%dma_start3A_1085] : memref<4096xf32, #tpu.memory_space<vmem>> -> memref<1024xf32, #tpu.memory_space<vmem>>
    tpu.enqueue_dma source(%dma_start3A_1086 : memref<1024xf32, #tpu.memory_space<vmem>>) target(%dma_start3A_1084 : memref<1024xf32, #tpu.memory_space<hbm>>) target_semaphore(%arg30 : memref<!tpu.dma_semaphore, #tpu.memory_space<semaphore_mem>>)
    %dma_wait3A_1087 = arith.constant 12416 : i32
    %dma_wait3A_1088 = tpu.memref_slice %arg5[%dma_wait3A_1087] : memref<13312xi32, #tpu.memory_space<vmem>> -> memref<128xi32, #tpu.memory_space<vmem>>
    %dma_wait3A_1089 = arith.constant 0 : i32
    %dma_wait3A_1090 = arith.constant 0 : i32
    %dma_wait3A_1091 = tpu.memref_slice %arg3[%dma_wait3A_1089, %dma_wait3A_1090] : memref<1000000x32xf32, #tpu.memory_space<hbm>> -> memref<1000000x32xf32, #tpu.memory_space<hbm>>
    tpu.wait_indirect_dma semaphore(%arg23 : memref<!tpu.dma_semaphore, #tpu.memory_space<semaphore_mem>>) src(%dma_wait3A_1091 : memref<1000000x32xf32, #tpu.memory_space<hbm>>) dst(%arg7 : memref<128x32xf32, #tpu.memory_space<vmem>>)
    %add3A_1092 = arith.constant 1 : i32
    %add3A_1093 = arith.addi %mul3A_2, %add3A_1092 : i32
    %mul3A_1094 = arith.constant 1024 : i32
    %mul3A_1095 = arith.muli %add3A_1093, %mul3A_1094 : i32
    %add3A_1096 = arith.constant 11534336 : i32
    %add3A_1097 = arith.addi %add3A_1096, %mul3A_1095 : i32
    %add3A_1098 = arith.constant 0 : i32
    %add3A_1099 = arith.addi %add3A_1097, %add3A_1098 : i32
    %add3A_1100 = arith.constant 131072 : i32
    %add3A_1101 = arith.addi %add3A_1097, %add3A_1100 : i32
    %add3A_1102 = arith.constant 262144 : i32
    %add3A_1103 = arith.addi %add3A_1097, %add3A_1102 : i32
    %add3A_1104 = arith.constant 393216 : i32
    %add3A_1105 = arith.addi %add3A_1097, %add3A_1104 : i32
    %dma_wait3A_1106 = arith.constant 0 : i32
    %dma_wait3A_1107 = tpu.memref_slice %arg15[%dma_wait3A_1106] : memref<4096xf32, #tpu.memory_space<vmem>> -> memref<1024xf32, #tpu.memory_space<vmem>>
    %dma_wait3A_1108 = tpu.memref_slice %arg4[%add3A_1099] : memref<13631488xf32, #tpu.memory_space<hbm>> -> memref<1024xf32, #tpu.memory_space<hbm>>
    %dma_wait3A_1109 = tpu.memref_slice %arg4[%add3A_1099] : memref<13631488xf32, #tpu.memory_space<hbm>> -> memref<1024xf32, #tpu.memory_space<hbm>>
    %dma_wait3A_1110 = arith.constant 0 : i32
    %dma_wait3A_1111 = tpu.memref_slice %arg15[%dma_wait3A_1110] : memref<4096xf32, #tpu.memory_space<vmem>> -> memref<1024xf32, #tpu.memory_space<vmem>>
    tpu.wait_dma2 semaphore(%arg31 : memref<!tpu.dma_semaphore, #tpu.memory_space<semaphore_mem>>) src(%dma_wait3A_1111 : memref<1024xf32, #tpu.memory_space<vmem>>) dst(%dma_wait3A_1109 : memref<1024xf32, #tpu.memory_space<hbm>>)
    %dma_wait3A_1112 = arith.constant 1024 : i32
    %dma_wait3A_1113 = tpu.memref_slice %arg15[%dma_wait3A_1112] : memref<4096xf32, #tpu.memory_space<vmem>> -> memref<1024xf32, #tpu.memory_space<vmem>>
    %dma_wait3A_1114 = tpu.memref_slice %arg4[%add3A_1101] : memref<13631488xf32, #tpu.memory_space<hbm>> -> memref<1024xf32, #tpu.memory_space<hbm>>
    %dma_wait3A_1115 = tpu.memref_slice %arg4[%add3A_1101] : memref<13631488xf32, #tpu.memory_space<hbm>> -> memref<1024xf32, #tpu.memory_space<hbm>>
    %dma_wait3A_1116 = arith.constant 1024 : i32
    %dma_wait3A_1117 = tpu.memref_slice %arg15[%dma_wait3A_1116] : memref<4096xf32, #tpu.memory_space<vmem>> -> memref<1024xf32, #tpu.memory_space<vmem>>
    tpu.wait_dma2 semaphore(%arg31 : memref<!tpu.dma_semaphore, #tpu.memory_space<semaphore_mem>>) src(%dma_wait3A_1117 : memref<1024xf32, #tpu.memory_space<vmem>>) dst(%dma_wait3A_1115 : memref<1024xf32, #tpu.memory_space<hbm>>)
    %dma_wait3A_1118 = arith.constant 2048 : i32
    %dma_wait3A_1119 = tpu.memref_slice %arg15[%dma_wait3A_1118] : memref<4096xf32, #tpu.memory_space<vmem>> -> memref<1024xf32, #tpu.memory_space<vmem>>
    %dma_wait3A_1120 = tpu.memref_slice %arg4[%add3A_1103] : memref<13631488xf32, #tpu.memory_space<hbm>> -> memref<1024xf32, #tpu.memory_space<hbm>>
    %dma_wait3A_1121 = tpu.memref_slice %arg4[%add3A_1103] : memref<13631488xf32, #tpu.memory_space<hbm>> -> memref<1024xf32, #tpu.memory_space<hbm>>
    %dma_wait3A_1122 = arith.constant 2048 : i32
    %dma_wait3A_1123 = tpu.memref_slice %arg15[%dma_wait3A_1122] : memref<4096xf32, #tpu.memory_space<vmem>> -> memref<1024xf32, #tpu.memory_space<vmem>>
    tpu.wait_dma2 semaphore(%arg31 : memref<!tpu.dma_semaphore, #tpu.memory_space<semaphore_mem>>) src(%dma_wait3A_1123 : memref<1024xf32, #tpu.memory_space<vmem>>) dst(%dma_wait3A_1121 : memref<1024xf32, #tpu.memory_space<hbm>>)
    %dma_wait3A_1124 = arith.constant 3072 : i32
    %dma_wait3A_1125 = tpu.memref_slice %arg15[%dma_wait3A_1124] : memref<4096xf32, #tpu.memory_space<vmem>> -> memref<1024xf32, #tpu.memory_space<vmem>>
    %dma_wait3A_1126 = tpu.memref_slice %arg4[%add3A_1105] : memref<13631488xf32, #tpu.memory_space<hbm>> -> memref<1024xf32, #tpu.memory_space<hbm>>
    %dma_wait3A_1127 = tpu.memref_slice %arg4[%add3A_1105] : memref<13631488xf32, #tpu.memory_space<hbm>> -> memref<1024xf32, #tpu.memory_space<hbm>>
    %dma_wait3A_1128 = arith.constant 3072 : i32
    %dma_wait3A_1129 = tpu.memref_slice %arg15[%dma_wait3A_1128] : memref<4096xf32, #tpu.memory_space<vmem>> -> memref<1024xf32, #tpu.memory_space<vmem>>
    tpu.wait_dma2 semaphore(%arg31 : memref<!tpu.dma_semaphore, #tpu.memory_space<semaphore_mem>>) src(%dma_wait3A_1129 : memref<1024xf32, #tpu.memory_space<vmem>>) dst(%dma_wait3A_1127 : memref<1024xf32, #tpu.memory_space<hbm>>)
    %scan3A_1130 = arith.constant 0 : i32
    %scan3A_1131 = arith.constant 128 : i32
    %scan3A_1132 = arith.addi %scan3A_1130, %scan3A_1131 : i32
    %scan3A_1133 = arith.constant 1 : i32
    scf.for %scan3A_1993 = %scan3A_1130 to %scan3A_1132 step %scan3A_1133  : i32 {
      %mul3A_1994 = arith.constant 1 : i32
      %mul3A_1995 = arith.muli %scan3A_1993, %mul3A_1994 : i32
      %add3A_1996 = arith.constant 0 : i32
      %add3A_1997 = arith.addi %add3A_1996, %mul3A_1995 : i32
      %broadcast_in_dim3A = vector.broadcast %add3A_1997 : i32 to vector<16xi32>
      %get3A = arith.index_cast %add3A_1997 : i32 to index
      %get3A_1998 = arith.constant 0 : index
      %get3A_1999 = tpu.vector_load %arg7[%get3A, %get3A_1998] {strides = array<i32>} : memref<128x32xf32, #tpu.memory_space<vmem>>, vector<16xf32>,
      %add3A_2000 = arith.addi %mul3A_526, %broadcast_in_dim3A : vector<16xi32>
      tpu.vector_store_idx %arg15[%add3A_2000], %get3A_1999 : memref<4096xf32, #tpu.memory_space<vmem>>[vector<16xi32>], vector<16xf32>,
      %get3A_2001 = arith.index_cast %add3A_1997 : i32 to index
      %get3A_2002 = arith.constant 16 : index
      %get3A_2003 = tpu.vector_load %arg7[%get3A_2001, %get3A_2002] {strides = array<i32>} : memref<128x32xf32, #tpu.memory_space<vmem>>, vector<16xf32>,
      %add3A_2004 = arith.addi %mul3A_532, %broadcast_in_dim3A : vector<16xi32>
      tpu.vector_store_idx %arg15[%add3A_2004], %get3A_2003 : memref<4096xf32, #tpu.memory_space<vmem>>[vector<16xi32>], vector<16xf32>,
    }
    %scan3A_1134 = arith.constant 128 : i32
    %add3A_1135 = arith.constant 1 : i32
    %add3A_1136 = arith.addi %mul3A_2, %add3A_1135 : i32
    %mul3A_1137 = arith.constant 1024 : i32
    %mul3A_1138 = arith.muli %add3A_1136, %mul3A_1137 : i32
    %add3A_1139 = arith.constant 12582912 : i32
    %add3A_1140 = arith.addi %add3A_1139, %mul3A_1138 : i32
    %add3A_1141 = arith.constant 0 : i32
    %add3A_1142 = arith.addi %add3A_1140, %add3A_1141 : i32
    %add3A_1143 = arith.constant 131072 : i32
    %add3A_1144 = arith.addi %add3A_1140, %add3A_1143 : i32
    %add3A_1145 = arith.constant 262144 : i32
    %add3A_1146 = arith.addi %add3A_1140, %add3A_1145 : i32
    %add3A_1147 = arith.constant 393216 : i32
    %add3A_1148 = arith.addi %add3A_1140, %add3A_1147 : i32
    %dma_start3A_1149 = arith.constant 0 : i32
    %dma_start3A_1150 = tpu.memref_slice %arg15[%dma_start3A_1149] : memref<4096xf32, #tpu.memory_space<vmem>> -> memref<1024xf32, #tpu.memory_space<vmem>>
    %dma_start3A_1151 = tpu.memref_slice %arg4[%add3A_1142] : memref<13631488xf32, #tpu.memory_space<hbm>> -> memref<1024xf32, #tpu.memory_space<hbm>>
    %dma_start3A_1152 = tpu.memref_slice %arg4[%add3A_1142] : memref<13631488xf32, #tpu.memory_space<hbm>> -> memref<1024xf32, #tpu.memory_space<hbm>>
    %dma_start3A_1153 = arith.constant 0 : i32
    %dma_start3A_1154 = tpu.memref_slice %arg15[%dma_start3A_1153] : memref<4096xf32, #tpu.memory_space<vmem>> -> memref<1024xf32, #tpu.memory_space<vmem>>
    tpu.enqueue_dma source(%dma_start3A_1154 : memref<1024xf32, #tpu.memory_space<vmem>>) target(%dma_start3A_1152 : memref<1024xf32, #tpu.memory_space<hbm>>) target_semaphore(%arg31 : memref<!tpu.dma_semaphore, #tpu.memory_space<semaphore_mem>>)
    %dma_start3A_1155 = arith.constant 1024 : i32
    %dma_start3A_1156 = tpu.memref_slice %arg15[%dma_start3A_1155] : memref<4096xf32, #tpu.memory_space<vmem>> -> memref<1024xf32, #tpu.memory_space<vmem>>
    %dma_start3A_1157 = tpu.memref_slice %arg4[%add3A_1144] : memref<13631488xf32, #tpu.memory_space<hbm>> -> memref<1024xf32, #tpu.memory_space<hbm>>
    %dma_start3A_1158 = tpu.memref_slice %arg4[%add3A_1144] : memref<13631488xf32, #tpu.memory_space<hbm>> -> memref<1024xf32, #tpu.memory_space<hbm>>
    %dma_start3A_1159 = arith.constant 1024 : i32
    %dma_start3A_1160 = tpu.memref_slice %arg15[%dma_start3A_1159] : memref<4096xf32, #tpu.memory_space<vmem>> -> memref<1024xf32, #tpu.memory_space<vmem>>
    tpu.enqueue_dma source(%dma_start3A_1160 : memref<1024xf32, #tpu.memory_space<vmem>>) target(%dma_start3A_1158 : memref<1024xf32, #tpu.memory_space<hbm>>) target_semaphore(%arg31 : memref<!tpu.dma_semaphore, #tpu.memory_space<semaphore_mem>>)
    %dma_start3A_1161 = arith.constant 2048 : i32
    %dma_start3A_1162 = tpu.memref_slice %arg15[%dma_start3A_1161] : memref<4096xf32, #tpu.memory_space<vmem>> -> memref<1024xf32, #tpu.memory_space<vmem>>
    %dma_start3A_1163 = tpu.memref_slice %arg4[%add3A_1146] : memref<13631488xf32, #tpu.memory_space<hbm>> -> memref<1024xf32, #tpu.memory_space<hbm>>
    %dma_start3A_1164 = tpu.memref_slice %arg4[%add3A_1146] : memref<13631488xf32, #tpu.memory_space<hbm>> -> memref<1024xf32, #tpu.memory_space<hbm>>
    %dma_start3A_1165 = arith.constant 2048 : i32
    %dma_start3A_1166 = tpu.memref_slice %arg15[%dma_start3A_1165] : memref<4096xf32, #tpu.memory_space<vmem>> -> memref<1024xf32, #tpu.memory_space<vmem>>
    tpu.enqueue_dma source(%dma_start3A_1166 : memref<1024xf32, #tpu.memory_space<vmem>>) target(%dma_start3A_1164 : memref<1024xf32, #tpu.memory_space<hbm>>) target_semaphore(%arg31 : memref<!tpu.dma_semaphore, #tpu.memory_space<semaphore_mem>>)
    %dma_start3A_1167 = arith.constant 3072 : i32
    %dma_start3A_1168 = tpu.memref_slice %arg15[%dma_start3A_1167] : memref<4096xf32, #tpu.memory_space<vmem>> -> memref<1024xf32, #tpu.memory_space<vmem>>
    %dma_start3A_1169 = tpu.memref_slice %arg4[%add3A_1148] : memref<13631488xf32, #tpu.memory_space<hbm>> -> memref<1024xf32, #tpu.memory_space<hbm>>
    %dma_start3A_1170 = tpu.memref_slice %arg4[%add3A_1148] : memref<13631488xf32, #tpu.memory_space<hbm>> -> memref<1024xf32, #tpu.memory_space<hbm>>
    %dma_start3A_1171 = arith.constant 3072 : i32
    %dma_start3A_1172 = tpu.memref_slice %arg15[%dma_start3A_1171] : memref<4096xf32, #tpu.memory_space<vmem>> -> memref<1024xf32, #tpu.memory_space<vmem>>
    tpu.enqueue_dma source(%dma_start3A_1172 : memref<1024xf32, #tpu.memory_space<vmem>>) target(%dma_start3A_1170 : memref<1024xf32, #tpu.memory_space<hbm>>) target_semaphore(%arg31 : memref<!tpu.dma_semaphore, #tpu.memory_space<semaphore_mem>>)
    %dma_wait3A_1173 = arith.constant 12544 : i32
    %dma_wait3A_1174 = tpu.memref_slice %arg5[%dma_wait3A_1173] : memref<13312xi32, #tpu.memory_space<vmem>> -> memref<128xi32, #tpu.memory_space<vmem>>
    %dma_wait3A_1175 = arith.constant 0 : i32
    %dma_wait3A_1176 = arith.constant 0 : i32
    %dma_wait3A_1177 = tpu.memref_slice %arg3[%dma_wait3A_1175, %dma_wait3A_1176] : memref<1000000x32xf32, #tpu.memory_space<hbm>> -> memref<1000000x32xf32, #tpu.memory_space<hbm>>
    tpu.wait_indirect_dma semaphore(%arg24 : memref<!tpu.dma_semaphore, #tpu.memory_space<semaphore_mem>>) src(%dma_wait3A_1177 : memref<1000000x32xf32, #tpu.memory_space<hbm>>) dst(%arg8 : memref<128x32xf32, #tpu.memory_space<vmem>>)
    %add3A_1178 = arith.constant 2 : i32
    %add3A_1179 = arith.addi %mul3A_2, %add3A_1178 : i32
    %mul3A_1180 = arith.constant 1024 : i32
    %mul3A_1181 = arith.muli %add3A_1179, %mul3A_1180 : i32
    %add3A_1182 = arith.constant 11534336 : i32
    %add3A_1183 = arith.addi %add3A_1182, %mul3A_1181 : i32
    %add3A_1184 = arith.constant 0 : i32
    %add3A_1185 = arith.addi %add3A_1183, %add3A_1184 : i32
    %add3A_1186 = arith.constant 131072 : i32
    %add3A_1187 = arith.addi %add3A_1183, %add3A_1186 : i32
    %add3A_1188 = arith.constant 262144 : i32
    %add3A_1189 = arith.addi %add3A_1183, %add3A_1188 : i32
    %add3A_1190 = arith.constant 393216 : i32
    %add3A_1191 = arith.addi %add3A_1183, %add3A_1190 : i32
    %dma_wait3A_1192 = arith.constant 0 : i32
    %dma_wait3A_1193 = tpu.memref_slice %arg16[%dma_wait3A_1192] : memref<4096xf32, #tpu.memory_space<vmem>> -> memref<1024xf32, #tpu.memory_space<vmem>>
    %dma_wait3A_1194 = tpu.memref_slice %arg4[%add3A_1185] : memref<13631488xf32, #tpu.memory_space<hbm>> -> memref<1024xf32, #tpu.memory_space<hbm>>
    %dma_wait3A_1195 = tpu.memref_slice %arg4[%add3A_1185] : memref<13631488xf32, #tpu.memory_space<hbm>> -> memref<1024xf32, #tpu.memory_space<hbm>>
    %dma_wait3A_1196 = arith.constant 0 : i32
    %dma_wait3A_1197 = tpu.memref_slice %arg16[%dma_wait3A_1196] : memref<4096xf32, #tpu.memory_space<vmem>> -> memref<1024xf32, #tpu.memory_space<vmem>>
    tpu.wait_dma2 semaphore(%arg32 : memref<!tpu.dma_semaphore, #tpu.memory_space<semaphore_mem>>) src(%dma_wait3A_1197 : memref<1024xf32, #tpu.memory_space<vmem>>) dst(%dma_wait3A_1195 : memref<1024xf32, #tpu.memory_space<hbm>>)
    %dma_wait3A_1198 = arith.constant 1024 : i32
    %dma_wait3A_1199 = tpu.memref_slice %arg16[%dma_wait3A_1198] : memref<4096xf32, #tpu.memory_space<vmem>> -> memref<1024xf32, #tpu.memory_space<vmem>>
    %dma_wait3A_1200 = tpu.memref_slice %arg4[%add3A_1187] : memref<13631488xf32, #tpu.memory_space<hbm>> -> memref<1024xf32, #tpu.memory_space<hbm>>
    %dma_wait3A_1201 = tpu.memref_slice %arg4[%add3A_1187] : memref<13631488xf32, #tpu.memory_space<hbm>> -> memref<1024xf32, #tpu.memory_space<hbm>>
    %dma_wait3A_1202 = arith.constant 1024 : i32
    %dma_wait3A_1203 = tpu.memref_slice %arg16[%dma_wait3A_1202] : memref<4096xf32, #tpu.memory_space<vmem>> -> memref<1024xf32, #tpu.memory_space<vmem>>
    tpu.wait_dma2 semaphore(%arg32 : memref<!tpu.dma_semaphore, #tpu.memory_space<semaphore_mem>>) src(%dma_wait3A_1203 : memref<1024xf32, #tpu.memory_space<vmem>>) dst(%dma_wait3A_1201 : memref<1024xf32, #tpu.memory_space<hbm>>)
    %dma_wait3A_1204 = arith.constant 2048 : i32
    %dma_wait3A_1205 = tpu.memref_slice %arg16[%dma_wait3A_1204] : memref<4096xf32, #tpu.memory_space<vmem>> -> memref<1024xf32, #tpu.memory_space<vmem>>
    %dma_wait3A_1206 = tpu.memref_slice %arg4[%add3A_1189] : memref<13631488xf32, #tpu.memory_space<hbm>> -> memref<1024xf32, #tpu.memory_space<hbm>>
    %dma_wait3A_1207 = tpu.memref_slice %arg4[%add3A_1189] : memref<13631488xf32, #tpu.memory_space<hbm>> -> memref<1024xf32, #tpu.memory_space<hbm>>
    %dma_wait3A_1208 = arith.constant 2048 : i32
    %dma_wait3A_1209 = tpu.memref_slice %arg16[%dma_wait3A_1208] : memref<4096xf32, #tpu.memory_space<vmem>> -> memref<1024xf32, #tpu.memory_space<vmem>>
    tpu.wait_dma2 semaphore(%arg32 : memref<!tpu.dma_semaphore, #tpu.memory_space<semaphore_mem>>) src(%dma_wait3A_1209 : memref<1024xf32, #tpu.memory_space<vmem>>) dst(%dma_wait3A_1207 : memref<1024xf32, #tpu.memory_space<hbm>>)
    %dma_wait3A_1210 = arith.constant 3072 : i32
    %dma_wait3A_1211 = tpu.memref_slice %arg16[%dma_wait3A_1210] : memref<4096xf32, #tpu.memory_space<vmem>> -> memref<1024xf32, #tpu.memory_space<vmem>>
    %dma_wait3A_1212 = tpu.memref_slice %arg4[%add3A_1191] : memref<13631488xf32, #tpu.memory_space<hbm>> -> memref<1024xf32, #tpu.memory_space<hbm>>
    %dma_wait3A_1213 = tpu.memref_slice %arg4[%add3A_1191] : memref<13631488xf32, #tpu.memory_space<hbm>> -> memref<1024xf32, #tpu.memory_space<hbm>>
    %dma_wait3A_1214 = arith.constant 3072 : i32
    %dma_wait3A_1215 = tpu.memref_slice %arg16[%dma_wait3A_1214] : memref<4096xf32, #tpu.memory_space<vmem>> -> memref<1024xf32, #tpu.memory_space<vmem>>
    tpu.wait_dma2 semaphore(%arg32 : memref<!tpu.dma_semaphore, #tpu.memory_space<semaphore_mem>>) src(%dma_wait3A_1215 : memref<1024xf32, #tpu.memory_space<vmem>>) dst(%dma_wait3A_1213 : memref<1024xf32, #tpu.memory_space<hbm>>)
    %scan3A_1216 = arith.constant 0 : i32
    %scan3A_1217 = arith.constant 128 : i32
    %scan3A_1218 = arith.addi %scan3A_1216, %scan3A_1217 : i32
    %scan3A_1219 = arith.constant 1 : i32
    scf.for %scan3A_1993 = %scan3A_1216 to %scan3A_1218 step %scan3A_1219  : i32 {
      %mul3A_1994 = arith.constant 1 : i32
      %mul3A_1995 = arith.muli %scan3A_1993, %mul3A_1994 : i32
      %add3A_1996 = arith.constant 0 : i32
      %add3A_1997 = arith.addi %add3A_1996, %mul3A_1995 : i32
      %broadcast_in_dim3A = vector.broadcast %add3A_1997 : i32 to vector<16xi32>
      %get3A = arith.index_cast %add3A_1997 : i32 to index
      %get3A_1998 = arith.constant 0 : index
      %get3A_1999 = tpu.vector_load %arg8[%get3A, %get3A_1998] {strides = array<i32>} : memref<128x32xf32, #tpu.memory_space<vmem>>, vector<16xf32>,
      %add3A_2000 = arith.addi %mul3A_526, %broadcast_in_dim3A : vector<16xi32>
      tpu.vector_store_idx %arg16[%add3A_2000], %get3A_1999 : memref<4096xf32, #tpu.memory_space<vmem>>[vector<16xi32>], vector<16xf32>,
      %get3A_2001 = arith.index_cast %add3A_1997 : i32 to index
      %get3A_2002 = arith.constant 16 : index
      %get3A_2003 = tpu.vector_load %arg8[%get3A_2001, %get3A_2002] {strides = array<i32>} : memref<128x32xf32, #tpu.memory_space<vmem>>, vector<16xf32>,
      %add3A_2004 = arith.addi %mul3A_532, %broadcast_in_dim3A : vector<16xi32>
      tpu.vector_store_idx %arg16[%add3A_2004], %get3A_2003 : memref<4096xf32, #tpu.memory_space<vmem>>[vector<16xi32>], vector<16xf32>,
    }
    %scan3A_1220 = arith.constant 128 : i32
    %add3A_1221 = arith.constant 2 : i32
    %add3A_1222 = arith.addi %mul3A_2, %add3A_1221 : i32
    %mul3A_1223 = arith.constant 1024 : i32
    %mul3A_1224 = arith.muli %add3A_1222, %mul3A_1223 : i32
    %add3A_1225 = arith.constant 12582912 : i32
    %add3A_1226 = arith.addi %add3A_1225, %mul3A_1224 : i32
    %add3A_1227 = arith.constant 0 : i32
    %add3A_1228 = arith.addi %add3A_1226, %add3A_1227 : i32
    %add3A_1229 = arith.constant 131072 : i32
    %add3A_1230 = arith.addi %add3A_1226, %add3A_1229 : i32
    %add3A_1231 = arith.constant 262144 : i32
    %add3A_1232 = arith.addi %add3A_1226, %add3A_1231 : i32
    %add3A_1233 = arith.constant 393216 : i32
    %add3A_1234 = arith.addi %add3A_1226, %add3A_1233 : i32
    %dma_start3A_1235 = arith.constant 0 : i32
    %dma_start3A_1236 = tpu.memref_slice %arg16[%dma_start3A_1235] : memref<4096xf32, #tpu.memory_space<vmem>> -> memref<1024xf32, #tpu.memory_space<vmem>>
    %dma_start3A_1237 = tpu.memref_slice %arg4[%add3A_1228] : memref<13631488xf32, #tpu.memory_space<hbm>> -> memref<1024xf32, #tpu.memory_space<hbm>>
    %dma_start3A_1238 = tpu.memref_slice %arg4[%add3A_1228] : memref<13631488xf32, #tpu.memory_space<hbm>> -> memref<1024xf32, #tpu.memory_space<hbm>>
    %dma_start3A_1239 = arith.constant 0 : i32
    %dma_start3A_1240 = tpu.memref_slice %arg16[%dma_start3A_1239] : memref<4096xf32, #tpu.memory_space<vmem>> -> memref<1024xf32, #tpu.memory_space<vmem>>
    tpu.enqueue_dma source(%dma_start3A_1240 : memref<1024xf32, #tpu.memory_space<vmem>>) target(%dma_start3A_1238 : memref<1024xf32, #tpu.memory_space<hbm>>) target_semaphore(%arg32 : memref<!tpu.dma_semaphore, #tpu.memory_space<semaphore_mem>>)
    %dma_start3A_1241 = arith.constant 1024 : i32
    %dma_start3A_1242 = tpu.memref_slice %arg16[%dma_start3A_1241] : memref<4096xf32, #tpu.memory_space<vmem>> -> memref<1024xf32, #tpu.memory_space<vmem>>
    %dma_start3A_1243 = tpu.memref_slice %arg4[%add3A_1230] : memref<13631488xf32, #tpu.memory_space<hbm>> -> memref<1024xf32, #tpu.memory_space<hbm>>
    %dma_start3A_1244 = tpu.memref_slice %arg4[%add3A_1230] : memref<13631488xf32, #tpu.memory_space<hbm>> -> memref<1024xf32, #tpu.memory_space<hbm>>
    %dma_start3A_1245 = arith.constant 1024 : i32
    %dma_start3A_1246 = tpu.memref_slice %arg16[%dma_start3A_1245] : memref<4096xf32, #tpu.memory_space<vmem>> -> memref<1024xf32, #tpu.memory_space<vmem>>
    tpu.enqueue_dma source(%dma_start3A_1246 : memref<1024xf32, #tpu.memory_space<vmem>>) target(%dma_start3A_1244 : memref<1024xf32, #tpu.memory_space<hbm>>) target_semaphore(%arg32 : memref<!tpu.dma_semaphore, #tpu.memory_space<semaphore_mem>>)
    %dma_start3A_1247 = arith.constant 2048 : i32
    %dma_start3A_1248 = tpu.memref_slice %arg16[%dma_start3A_1247] : memref<4096xf32, #tpu.memory_space<vmem>> -> memref<1024xf32, #tpu.memory_space<vmem>>
    %dma_start3A_1249 = tpu.memref_slice %arg4[%add3A_1232] : memref<13631488xf32, #tpu.memory_space<hbm>> -> memref<1024xf32, #tpu.memory_space<hbm>>
    %dma_start3A_1250 = tpu.memref_slice %arg4[%add3A_1232] : memref<13631488xf32, #tpu.memory_space<hbm>> -> memref<1024xf32, #tpu.memory_space<hbm>>
    %dma_start3A_1251 = arith.constant 2048 : i32
    %dma_start3A_1252 = tpu.memref_slice %arg16[%dma_start3A_1251] : memref<4096xf32, #tpu.memory_space<vmem>> -> memref<1024xf32, #tpu.memory_space<vmem>>
    tpu.enqueue_dma source(%dma_start3A_1252 : memref<1024xf32, #tpu.memory_space<vmem>>) target(%dma_start3A_1250 : memref<1024xf32, #tpu.memory_space<hbm>>) target_semaphore(%arg32 : memref<!tpu.dma_semaphore, #tpu.memory_space<semaphore_mem>>)
    %dma_start3A_1253 = arith.constant 3072 : i32
    %dma_start3A_1254 = tpu.memref_slice %arg16[%dma_start3A_1253] : memref<4096xf32, #tpu.memory_space<vmem>> -> memref<1024xf32, #tpu.memory_space<vmem>>
    %dma_start3A_1255 = tpu.memref_slice %arg4[%add3A_1234] : memref<13631488xf32, #tpu.memory_space<hbm>> -> memref<1024xf32, #tpu.memory_space<hbm>>
    %dma_start3A_1256 = tpu.memref_slice %arg4[%add3A_1234] : memref<13631488xf32, #tpu.memory_space<hbm>> -> memref<1024xf32, #tpu.memory_space<hbm>>
    %dma_start3A_1257 = arith.constant 3072 : i32
    %dma_start3A_1258 = tpu.memref_slice %arg16[%dma_start3A_1257] : memref<4096xf32, #tpu.memory_space<vmem>> -> memref<1024xf32, #tpu.memory_space<vmem>>
    tpu.enqueue_dma source(%dma_start3A_1258 : memref<1024xf32, #tpu.memory_space<vmem>>) target(%dma_start3A_1256 : memref<1024xf32, #tpu.memory_space<hbm>>) target_semaphore(%arg32 : memref<!tpu.dma_semaphore, #tpu.memory_space<semaphore_mem>>)
    %dma_wait3A_1259 = arith.constant 12672 : i32
    %dma_wait3A_1260 = tpu.memref_slice %arg5[%dma_wait3A_1259] : memref<13312xi32, #tpu.memory_space<vmem>> -> memref<128xi32, #tpu.memory_space<vmem>>
    %dma_wait3A_1261 = arith.constant 0 : i32
    %dma_wait3A_1262 = arith.constant 0 : i32
    %dma_wait3A_1263 = tpu.memref_slice %arg3[%dma_wait3A_1261, %dma_wait3A_1262] : memref<1000000x32xf32, #tpu.memory_space<hbm>> -> memref<1000000x32xf32, #tpu.memory_space<hbm>>
    tpu.wait_indirect_dma semaphore(%arg25 : memref<!tpu.dma_semaphore, #tpu.memory_space<semaphore_mem>>) src(%dma_wait3A_1263 : memref<1000000x32xf32, #tpu.memory_space<hbm>>) dst(%arg9 : memref<128x32xf32, #tpu.memory_space<vmem>>)
    %add3A_1264 = arith.constant 3 : i32
    %add3A_1265 = arith.addi %mul3A_2, %add3A_1264 : i32
    %mul3A_1266 = arith.constant 1024 : i32
    %mul3A_1267 = arith.muli %add3A_1265, %mul3A_1266 : i32
    %add3A_1268 = arith.constant 11534336 : i32
    %add3A_1269 = arith.addi %add3A_1268, %mul3A_1267 : i32
    %add3A_1270 = arith.constant 0 : i32
    %add3A_1271 = arith.addi %add3A_1269, %add3A_1270 : i32
    %add3A_1272 = arith.constant 131072 : i32
    %add3A_1273 = arith.addi %add3A_1269, %add3A_1272 : i32
    %add3A_1274 = arith.constant 262144 : i32
    %add3A_1275 = arith.addi %add3A_1269, %add3A_1274 : i32
    %add3A_1276 = arith.constant 393216 : i32
    %add3A_1277 = arith.addi %add3A_1269, %add3A_1276 : i32
    %dma_wait3A_1278 = arith.constant 0 : i32
    %dma_wait3A_1279 = tpu.memref_slice %arg17[%dma_wait3A_1278] : memref<4096xf32, #tpu.memory_space<vmem>> -> memref<1024xf32, #tpu.memory_space<vmem>>
    %dma_wait3A_1280 = tpu.memref_slice %arg4[%add3A_1271] : memref<13631488xf32, #tpu.memory_space<hbm>> -> memref<1024xf32, #tpu.memory_space<hbm>>
    %dma_wait3A_1281 = tpu.memref_slice %arg4[%add3A_1271] : memref<13631488xf32, #tpu.memory_space<hbm>> -> memref<1024xf32, #tpu.memory_space<hbm>>
    %dma_wait3A_1282 = arith.constant 0 : i32
    %dma_wait3A_1283 = tpu.memref_slice %arg17[%dma_wait3A_1282] : memref<4096xf32, #tpu.memory_space<vmem>> -> memref<1024xf32, #tpu.memory_space<vmem>>
    tpu.wait_dma2 semaphore(%arg33 : memref<!tpu.dma_semaphore, #tpu.memory_space<semaphore_mem>>) src(%dma_wait3A_1283 : memref<1024xf32, #tpu.memory_space<vmem>>) dst(%dma_wait3A_1281 : memref<1024xf32, #tpu.memory_space<hbm>>)
    %dma_wait3A_1284 = arith.constant 1024 : i32
    %dma_wait3A_1285 = tpu.memref_slice %arg17[%dma_wait3A_1284] : memref<4096xf32, #tpu.memory_space<vmem>> -> memref<1024xf32, #tpu.memory_space<vmem>>
    %dma_wait3A_1286 = tpu.memref_slice %arg4[%add3A_1273] : memref<13631488xf32, #tpu.memory_space<hbm>> -> memref<1024xf32, #tpu.memory_space<hbm>>
    %dma_wait3A_1287 = tpu.memref_slice %arg4[%add3A_1273] : memref<13631488xf32, #tpu.memory_space<hbm>> -> memref<1024xf32, #tpu.memory_space<hbm>>
    %dma_wait3A_1288 = arith.constant 1024 : i32
    %dma_wait3A_1289 = tpu.memref_slice %arg17[%dma_wait3A_1288] : memref<4096xf32, #tpu.memory_space<vmem>> -> memref<1024xf32, #tpu.memory_space<vmem>>
    tpu.wait_dma2 semaphore(%arg33 : memref<!tpu.dma_semaphore, #tpu.memory_space<semaphore_mem>>) src(%dma_wait3A_1289 : memref<1024xf32, #tpu.memory_space<vmem>>) dst(%dma_wait3A_1287 : memref<1024xf32, #tpu.memory_space<hbm>>)
    %dma_wait3A_1290 = arith.constant 2048 : i32
    %dma_wait3A_1291 = tpu.memref_slice %arg17[%dma_wait3A_1290] : memref<4096xf32, #tpu.memory_space<vmem>> -> memref<1024xf32, #tpu.memory_space<vmem>>
    %dma_wait3A_1292 = tpu.memref_slice %arg4[%add3A_1275] : memref<13631488xf32, #tpu.memory_space<hbm>> -> memref<1024xf32, #tpu.memory_space<hbm>>
    %dma_wait3A_1293 = tpu.memref_slice %arg4[%add3A_1275] : memref<13631488xf32, #tpu.memory_space<hbm>> -> memref<1024xf32, #tpu.memory_space<hbm>>
    %dma_wait3A_1294 = arith.constant 2048 : i32
    %dma_wait3A_1295 = tpu.memref_slice %arg17[%dma_wait3A_1294] : memref<4096xf32, #tpu.memory_space<vmem>> -> memref<1024xf32, #tpu.memory_space<vmem>>
    tpu.wait_dma2 semaphore(%arg33 : memref<!tpu.dma_semaphore, #tpu.memory_space<semaphore_mem>>) src(%dma_wait3A_1295 : memref<1024xf32, #tpu.memory_space<vmem>>) dst(%dma_wait3A_1293 : memref<1024xf32, #tpu.memory_space<hbm>>)
    %dma_wait3A_1296 = arith.constant 3072 : i32
    %dma_wait3A_1297 = tpu.memref_slice %arg17[%dma_wait3A_1296] : memref<4096xf32, #tpu.memory_space<vmem>> -> memref<1024xf32, #tpu.memory_space<vmem>>
    %dma_wait3A_1298 = tpu.memref_slice %arg4[%add3A_1277] : memref<13631488xf32, #tpu.memory_space<hbm>> -> memref<1024xf32, #tpu.memory_space<hbm>>
    %dma_wait3A_1299 = tpu.memref_slice %arg4[%add3A_1277] : memref<13631488xf32, #tpu.memory_space<hbm>> -> memref<1024xf32, #tpu.memory_space<hbm>>
    %dma_wait3A_1300 = arith.constant 3072 : i32
    %dma_wait3A_1301 = tpu.memref_slice %arg17[%dma_wait3A_1300] : memref<4096xf32, #tpu.memory_space<vmem>> -> memref<1024xf32, #tpu.memory_space<vmem>>
    tpu.wait_dma2 semaphore(%arg33 : memref<!tpu.dma_semaphore, #tpu.memory_space<semaphore_mem>>) src(%dma_wait3A_1301 : memref<1024xf32, #tpu.memory_space<vmem>>) dst(%dma_wait3A_1299 : memref<1024xf32, #tpu.memory_space<hbm>>)
    %scan3A_1302 = arith.constant 0 : i32
    %scan3A_1303 = arith.constant 128 : i32
    %scan3A_1304 = arith.addi %scan3A_1302, %scan3A_1303 : i32
    %scan3A_1305 = arith.constant 1 : i32
    scf.for %scan3A_1993 = %scan3A_1302 to %scan3A_1304 step %scan3A_1305  : i32 {
      %mul3A_1994 = arith.constant 1 : i32
      %mul3A_1995 = arith.muli %scan3A_1993, %mul3A_1994 : i32
      %add3A_1996 = arith.constant 0 : i32
      %add3A_1997 = arith.addi %add3A_1996, %mul3A_1995 : i32
      %broadcast_in_dim3A = vector.broadcast %add3A_1997 : i32 to vector<16xi32>
      %get3A = arith.index_cast %add3A_1997 : i32 to index
      %get3A_1998 = arith.constant 0 : index
      %get3A_1999 = tpu.vector_load %arg9[%get3A, %get3A_1998] {strides = array<i32>} : memref<128x32xf32, #tpu.memory_space<vmem>>, vector<16xf32>,
      %add3A_2000 = arith.addi %mul3A_526, %broadcast_in_dim3A : vector<16xi32>
      tpu.vector_store_idx %arg17[%add3A_2000], %get3A_1999 : memref<4096xf32, #tpu.memory_space<vmem>>[vector<16xi32>], vector<16xf32>,
      %get3A_2001 = arith.index_cast %add3A_1997 : i32 to index
      %get3A_2002 = arith.constant 16 : index
      %get3A_2003 = tpu.vector_load %arg9[%get3A_2001, %get3A_2002] {strides = array<i32>} : memref<128x32xf32, #tpu.memory_space<vmem>>, vector<16xf32>,
      %add3A_2004 = arith.addi %mul3A_532, %broadcast_in_dim3A : vector<16xi32>
      tpu.vector_store_idx %arg17[%add3A_2004], %get3A_2003 : memref<4096xf32, #tpu.memory_space<vmem>>[vector<16xi32>], vector<16xf32>,
    }
    %scan3A_1306 = arith.constant 128 : i32
    %add3A_1307 = arith.constant 3 : i32
    %add3A_1308 = arith.addi %mul3A_2, %add3A_1307 : i32
    %mul3A_1309 = arith.constant 1024 : i32
    %mul3A_1310 = arith.muli %add3A_1308, %mul3A_1309 : i32
    %add3A_1311 = arith.constant 12582912 : i32
    %add3A_1312 = arith.addi %add3A_1311, %mul3A_1310 : i32
    %add3A_1313 = arith.constant 0 : i32
    %add3A_1314 = arith.addi %add3A_1312, %add3A_1313 : i32
    %add3A_1315 = arith.constant 131072 : i32
    %add3A_1316 = arith.addi %add3A_1312, %add3A_1315 : i32
    %add3A_1317 = arith.constant 262144 : i32
    %add3A_1318 = arith.addi %add3A_1312, %add3A_1317 : i32
    %add3A_1319 = arith.constant 393216 : i32
    %add3A_1320 = arith.addi %add3A_1312, %add3A_1319 : i32
    %dma_start3A_1321 = arith.constant 0 : i32
    %dma_start3A_1322 = tpu.memref_slice %arg17[%dma_start3A_1321] : memref<4096xf32, #tpu.memory_space<vmem>> -> memref<1024xf32, #tpu.memory_space<vmem>>
    %dma_start3A_1323 = tpu.memref_slice %arg4[%add3A_1314] : memref<13631488xf32, #tpu.memory_space<hbm>> -> memref<1024xf32, #tpu.memory_space<hbm>>
    %dma_start3A_1324 = tpu.memref_slice %arg4[%add3A_1314] : memref<13631488xf32, #tpu.memory_space<hbm>> -> memref<1024xf32, #tpu.memory_space<hbm>>
    %dma_start3A_1325 = arith.constant 0 : i32
    %dma_start3A_1326 = tpu.memref_slice %arg17[%dma_start3A_1325] : memref<4096xf32, #tpu.memory_space<vmem>> -> memref<1024xf32, #tpu.memory_space<vmem>>
    tpu.enqueue_dma source(%dma_start3A_1326 : memref<1024xf32, #tpu.memory_space<vmem>>) target(%dma_start3A_1324 : memref<1024xf32, #tpu.memory_space<hbm>>) target_semaphore(%arg33 : memref<!tpu.dma_semaphore, #tpu.memory_space<semaphore_mem>>)
    %dma_start3A_1327 = arith.constant 1024 : i32
    %dma_start3A_1328 = tpu.memref_slice %arg17[%dma_start3A_1327] : memref<4096xf32, #tpu.memory_space<vmem>> -> memref<1024xf32, #tpu.memory_space<vmem>>
    %dma_start3A_1329 = tpu.memref_slice %arg4[%add3A_1316] : memref<13631488xf32, #tpu.memory_space<hbm>> -> memref<1024xf32, #tpu.memory_space<hbm>>
    %dma_start3A_1330 = tpu.memref_slice %arg4[%add3A_1316] : memref<13631488xf32, #tpu.memory_space<hbm>> -> memref<1024xf32, #tpu.memory_space<hbm>>
    %dma_start3A_1331 = arith.constant 1024 : i32
    %dma_start3A_1332 = tpu.memref_slice %arg17[%dma_start3A_1331] : memref<4096xf32, #tpu.memory_space<vmem>> -> memref<1024xf32, #tpu.memory_space<vmem>>
    tpu.enqueue_dma source(%dma_start3A_1332 : memref<1024xf32, #tpu.memory_space<vmem>>) target(%dma_start3A_1330 : memref<1024xf32, #tpu.memory_space<hbm>>) target_semaphore(%arg33 : memref<!tpu.dma_semaphore, #tpu.memory_space<semaphore_mem>>)
    %dma_start3A_1333 = arith.constant 2048 : i32
    %dma_start3A_1334 = tpu.memref_slice %arg17[%dma_start3A_1333] : memref<4096xf32, #tpu.memory_space<vmem>> -> memref<1024xf32, #tpu.memory_space<vmem>>
    %dma_start3A_1335 = tpu.memref_slice %arg4[%add3A_1318] : memref<13631488xf32, #tpu.memory_space<hbm>> -> memref<1024xf32, #tpu.memory_space<hbm>>
    %dma_start3A_1336 = tpu.memref_slice %arg4[%add3A_1318] : memref<13631488xf32, #tpu.memory_space<hbm>> -> memref<1024xf32, #tpu.memory_space<hbm>>
    %dma_start3A_1337 = arith.constant 2048 : i32
    %dma_start3A_1338 = tpu.memref_slice %arg17[%dma_start3A_1337] : memref<4096xf32, #tpu.memory_space<vmem>> -> memref<1024xf32, #tpu.memory_space<vmem>>
    tpu.enqueue_dma source(%dma_start3A_1338 : memref<1024xf32, #tpu.memory_space<vmem>>) target(%dma_start3A_1336 : memref<1024xf32, #tpu.memory_space<hbm>>) target_semaphore(%arg33 : memref<!tpu.dma_semaphore, #tpu.memory_space<semaphore_mem>>)
    %dma_start3A_1339 = arith.constant 3072 : i32
    %dma_start3A_1340 = tpu.memref_slice %arg17[%dma_start3A_1339] : memref<4096xf32, #tpu.memory_space<vmem>> -> memref<1024xf32, #tpu.memory_space<vmem>>
    %dma_start3A_1341 = tpu.memref_slice %arg4[%add3A_1320] : memref<13631488xf32, #tpu.memory_space<hbm>> -> memref<1024xf32, #tpu.memory_space<hbm>>
    %dma_start3A_1342 = tpu.memref_slice %arg4[%add3A_1320] : memref<13631488xf32, #tpu.memory_space<hbm>> -> memref<1024xf32, #tpu.memory_space<hbm>>
    %dma_start3A_1343 = arith.constant 3072 : i32
    %dma_start3A_1344 = tpu.memref_slice %arg17[%dma_start3A_1343] : memref<4096xf32, #tpu.memory_space<vmem>> -> memref<1024xf32, #tpu.memory_space<vmem>>
    tpu.enqueue_dma source(%dma_start3A_1344 : memref<1024xf32, #tpu.memory_space<vmem>>) target(%dma_start3A_1342 : memref<1024xf32, #tpu.memory_space<hbm>>) target_semaphore(%arg33 : memref<!tpu.dma_semaphore, #tpu.memory_space<semaphore_mem>>)
    %dma_wait3A_1345 = arith.constant 12800 : i32
    %dma_wait3A_1346 = tpu.memref_slice %arg5[%dma_wait3A_1345] : memref<13312xi32, #tpu.memory_space<vmem>> -> memref<128xi32, #tpu.memory_space<vmem>>
    %dma_wait3A_1347 = arith.constant 0 : i32
    %dma_wait3A_1348 = arith.constant 0 : i32
    %dma_wait3A_1349 = tpu.memref_slice %arg3[%dma_wait3A_1347, %dma_wait3A_1348] : memref<1000000x32xf32, #tpu.memory_space<hbm>> -> memref<1000000x32xf32, #tpu.memory_space<hbm>>
    tpu.wait_indirect_dma semaphore(%arg26 : memref<!tpu.dma_semaphore, #tpu.memory_space<semaphore_mem>>) src(%dma_wait3A_1349 : memref<1000000x32xf32, #tpu.memory_space<hbm>>) dst(%arg10 : memref<128x32xf32, #tpu.memory_space<vmem>>)
    %add3A_1350 = arith.constant 0 : i32
    %add3A_1351 = arith.addi %mul3A_2, %add3A_1350 : i32
    %mul3A_1352 = arith.constant 1024 : i32
    %mul3A_1353 = arith.muli %add3A_1351, %mul3A_1352 : i32
    %add3A_1354 = arith.constant 12058624 : i32
    %add3A_1355 = arith.addi %add3A_1354, %mul3A_1353 : i32
    %add3A_1356 = arith.constant 0 : i32
    %add3A_1357 = arith.addi %add3A_1355, %add3A_1356 : i32
    %add3A_1358 = arith.constant 131072 : i32
    %add3A_1359 = arith.addi %add3A_1355, %add3A_1358 : i32
    %add3A_1360 = arith.constant 262144 : i32
    %add3A_1361 = arith.addi %add3A_1355, %add3A_1360 : i32
    %add3A_1362 = arith.constant 393216 : i32
    %add3A_1363 = arith.addi %add3A_1355, %add3A_1362 : i32
    %dma_wait3A_1364 = arith.constant 0 : i32
    %dma_wait3A_1365 = tpu.memref_slice %arg18[%dma_wait3A_1364] : memref<4096xf32, #tpu.memory_space<vmem>> -> memref<1024xf32, #tpu.memory_space<vmem>>
    %dma_wait3A_1366 = tpu.memref_slice %arg4[%add3A_1357] : memref<13631488xf32, #tpu.memory_space<hbm>> -> memref<1024xf32, #tpu.memory_space<hbm>>
    %dma_wait3A_1367 = tpu.memref_slice %arg4[%add3A_1357] : memref<13631488xf32, #tpu.memory_space<hbm>> -> memref<1024xf32, #tpu.memory_space<hbm>>
    %dma_wait3A_1368 = arith.constant 0 : i32
    %dma_wait3A_1369 = tpu.memref_slice %arg18[%dma_wait3A_1368] : memref<4096xf32, #tpu.memory_space<vmem>> -> memref<1024xf32, #tpu.memory_space<vmem>>
    tpu.wait_dma2 semaphore(%arg34 : memref<!tpu.dma_semaphore, #tpu.memory_space<semaphore_mem>>) src(%dma_wait3A_1369 : memref<1024xf32, #tpu.memory_space<vmem>>) dst(%dma_wait3A_1367 : memref<1024xf32, #tpu.memory_space<hbm>>)
    %dma_wait3A_1370 = arith.constant 1024 : i32
    %dma_wait3A_1371 = tpu.memref_slice %arg18[%dma_wait3A_1370] : memref<4096xf32, #tpu.memory_space<vmem>> -> memref<1024xf32, #tpu.memory_space<vmem>>
    %dma_wait3A_1372 = tpu.memref_slice %arg4[%add3A_1359] : memref<13631488xf32, #tpu.memory_space<hbm>> -> memref<1024xf32, #tpu.memory_space<hbm>>
    %dma_wait3A_1373 = tpu.memref_slice %arg4[%add3A_1359] : memref<13631488xf32, #tpu.memory_space<hbm>> -> memref<1024xf32, #tpu.memory_space<hbm>>
    %dma_wait3A_1374 = arith.constant 1024 : i32
    %dma_wait3A_1375 = tpu.memref_slice %arg18[%dma_wait3A_1374] : memref<4096xf32, #tpu.memory_space<vmem>> -> memref<1024xf32, #tpu.memory_space<vmem>>
    tpu.wait_dma2 semaphore(%arg34 : memref<!tpu.dma_semaphore, #tpu.memory_space<semaphore_mem>>) src(%dma_wait3A_1375 : memref<1024xf32, #tpu.memory_space<vmem>>) dst(%dma_wait3A_1373 : memref<1024xf32, #tpu.memory_space<hbm>>)
    %dma_wait3A_1376 = arith.constant 2048 : i32
    %dma_wait3A_1377 = tpu.memref_slice %arg18[%dma_wait3A_1376] : memref<4096xf32, #tpu.memory_space<vmem>> -> memref<1024xf32, #tpu.memory_space<vmem>>
    %dma_wait3A_1378 = tpu.memref_slice %arg4[%add3A_1361] : memref<13631488xf32, #tpu.memory_space<hbm>> -> memref<1024xf32, #tpu.memory_space<hbm>>
    %dma_wait3A_1379 = tpu.memref_slice %arg4[%add3A_1361] : memref<13631488xf32, #tpu.memory_space<hbm>> -> memref<1024xf32, #tpu.memory_space<hbm>>
    %dma_wait3A_1380 = arith.constant 2048 : i32
    %dma_wait3A_1381 = tpu.memref_slice %arg18[%dma_wait3A_1380] : memref<4096xf32, #tpu.memory_space<vmem>> -> memref<1024xf32, #tpu.memory_space<vmem>>
    tpu.wait_dma2 semaphore(%arg34 : memref<!tpu.dma_semaphore, #tpu.memory_space<semaphore_mem>>) src(%dma_wait3A_1381 : memref<1024xf32, #tpu.memory_space<vmem>>) dst(%dma_wait3A_1379 : memref<1024xf32, #tpu.memory_space<hbm>>)
    %dma_wait3A_1382 = arith.constant 3072 : i32
    %dma_wait3A_1383 = tpu.memref_slice %arg18[%dma_wait3A_1382] : memref<4096xf32, #tpu.memory_space<vmem>> -> memref<1024xf32, #tpu.memory_space<vmem>>
    %dma_wait3A_1384 = tpu.memref_slice %arg4[%add3A_1363] : memref<13631488xf32, #tpu.memory_space<hbm>> -> memref<1024xf32, #tpu.memory_space<hbm>>
    %dma_wait3A_1385 = tpu.memref_slice %arg4[%add3A_1363] : memref<13631488xf32, #tpu.memory_space<hbm>> -> memref<1024xf32, #tpu.memory_space<hbm>>
    %dma_wait3A_1386 = arith.constant 3072 : i32
    %dma_wait3A_1387 = tpu.memref_slice %arg18[%dma_wait3A_1386] : memref<4096xf32, #tpu.memory_space<vmem>> -> memref<1024xf32, #tpu.memory_space<vmem>>
    tpu.wait_dma2 semaphore(%arg34 : memref<!tpu.dma_semaphore, #tpu.memory_space<semaphore_mem>>) src(%dma_wait3A_1387 : memref<1024xf32, #tpu.memory_space<vmem>>) dst(%dma_wait3A_1385 : memref<1024xf32, #tpu.memory_space<hbm>>)
    %scan3A_1388 = arith.constant 0 : i32
    %scan3A_1389 = arith.constant 128 : i32
    %scan3A_1390 = arith.addi %scan3A_1388, %scan3A_1389 : i32
    %scan3A_1391 = arith.constant 1 : i32
    scf.for %scan3A_1993 = %scan3A_1388 to %scan3A_1390 step %scan3A_1391  : i32 {
      %mul3A_1994 = arith.constant 1 : i32
      %mul3A_1995 = arith.muli %scan3A_1993, %mul3A_1994 : i32
      %add3A_1996 = arith.constant 0 : i32
      %add3A_1997 = arith.addi %add3A_1996, %mul3A_1995 : i32
      %broadcast_in_dim3A = vector.broadcast %add3A_1997 : i32 to vector<16xi32>
      %get3A = arith.index_cast %add3A_1997 : i32 to index
      %get3A_1998 = arith.constant 0 : index
      %get3A_1999 = tpu.vector_load %arg10[%get3A, %get3A_1998] {strides = array<i32>} : memref<128x32xf32, #tpu.memory_space<vmem>>, vector<16xf32>,
      %add3A_2000 = arith.addi %mul3A_526, %broadcast_in_dim3A : vector<16xi32>
      tpu.vector_store_idx %arg18[%add3A_2000], %get3A_1999 : memref<4096xf32, #tpu.memory_space<vmem>>[vector<16xi32>], vector<16xf32>,
      %get3A_2001 = arith.index_cast %add3A_1997 : i32 to index
      %get3A_2002 = arith.constant 16 : index
      %get3A_2003 = tpu.vector_load %arg10[%get3A_2001, %get3A_2002] {strides = array<i32>} : memref<128x32xf32, #tpu.memory_space<vmem>>, vector<16xf32>,
      %add3A_2004 = arith.addi %mul3A_532, %broadcast_in_dim3A : vector<16xi32>
      tpu.vector_store_idx %arg18[%add3A_2004], %get3A_2003 : memref<4096xf32, #tpu.memory_space<vmem>>[vector<16xi32>], vector<16xf32>,
    }
    %scan3A_1392 = arith.constant 128 : i32
    %add3A_1393 = arith.constant 0 : i32
    %add3A_1394 = arith.addi %mul3A_2, %add3A_1393 : i32
    %mul3A_1395 = arith.constant 1024 : i32
    %mul3A_1396 = arith.muli %add3A_1394, %mul3A_1395 : i32
    %add3A_1397 = arith.constant 13107200 : i32
    %add3A_1398 = arith.addi %add3A_1397, %mul3A_1396 : i32
    %add3A_1399 = arith.constant 0 : i32
    %add3A_1400 = arith.addi %add3A_1398, %add3A_1399 : i32
    %add3A_1401 = arith.constant 131072 : i32
    %add3A_1402 = arith.addi %add3A_1398, %add3A_1401 : i32
    %add3A_1403 = arith.constant 262144 : i32
    %add3A_1404 = arith.addi %add3A_1398, %add3A_1403 : i32
    %add3A_1405 = arith.constant 393216 : i32
    %add3A_1406 = arith.addi %add3A_1398, %add3A_1405 : i32
    %dma_start3A_1407 = arith.constant 0 : i32
    %dma_start3A_1408 = tpu.memref_slice %arg18[%dma_start3A_1407] : memref<4096xf32, #tpu.memory_space<vmem>> -> memref<1024xf32, #tpu.memory_space<vmem>>
    %dma_start3A_1409 = tpu.memref_slice %arg4[%add3A_1400] : memref<13631488xf32, #tpu.memory_space<hbm>> -> memref<1024xf32, #tpu.memory_space<hbm>>
    %dma_start3A_1410 = tpu.memref_slice %arg4[%add3A_1400] : memref<13631488xf32, #tpu.memory_space<hbm>> -> memref<1024xf32, #tpu.memory_space<hbm>>
    %dma_start3A_1411 = arith.constant 0 : i32
    %dma_start3A_1412 = tpu.memref_slice %arg18[%dma_start3A_1411] : memref<4096xf32, #tpu.memory_space<vmem>> -> memref<1024xf32, #tpu.memory_space<vmem>>
    tpu.enqueue_dma source(%dma_start3A_1412 : memref<1024xf32, #tpu.memory_space<vmem>>) target(%dma_start3A_1410 : memref<1024xf32, #tpu.memory_space<hbm>>) target_semaphore(%arg34 : memref<!tpu.dma_semaphore, #tpu.memory_space<semaphore_mem>>)
    %dma_start3A_1413 = arith.constant 1024 : i32
    %dma_start3A_1414 = tpu.memref_slice %arg18[%dma_start3A_1413] : memref<4096xf32, #tpu.memory_space<vmem>> -> memref<1024xf32, #tpu.memory_space<vmem>>
    %dma_start3A_1415 = tpu.memref_slice %arg4[%add3A_1402] : memref<13631488xf32, #tpu.memory_space<hbm>> -> memref<1024xf32, #tpu.memory_space<hbm>>
    %dma_start3A_1416 = tpu.memref_slice %arg4[%add3A_1402] : memref<13631488xf32, #tpu.memory_space<hbm>> -> memref<1024xf32, #tpu.memory_space<hbm>>
    %dma_start3A_1417 = arith.constant 1024 : i32
    %dma_start3A_1418 = tpu.memref_slice %arg18[%dma_start3A_1417] : memref<4096xf32, #tpu.memory_space<vmem>> -> memref<1024xf32, #tpu.memory_space<vmem>>
    tpu.enqueue_dma source(%dma_start3A_1418 : memref<1024xf32, #tpu.memory_space<vmem>>) target(%dma_start3A_1416 : memref<1024xf32, #tpu.memory_space<hbm>>) target_semaphore(%arg34 : memref<!tpu.dma_semaphore, #tpu.memory_space<semaphore_mem>>)
    %dma_start3A_1419 = arith.constant 2048 : i32
    %dma_start3A_1420 = tpu.memref_slice %arg18[%dma_start3A_1419] : memref<4096xf32, #tpu.memory_space<vmem>> -> memref<1024xf32, #tpu.memory_space<vmem>>
    %dma_start3A_1421 = tpu.memref_slice %arg4[%add3A_1404] : memref<13631488xf32, #tpu.memory_space<hbm>> -> memref<1024xf32, #tpu.memory_space<hbm>>
    %dma_start3A_1422 = tpu.memref_slice %arg4[%add3A_1404] : memref<13631488xf32, #tpu.memory_space<hbm>> -> memref<1024xf32, #tpu.memory_space<hbm>>
    %dma_start3A_1423 = arith.constant 2048 : i32
    %dma_start3A_1424 = tpu.memref_slice %arg18[%dma_start3A_1423] : memref<4096xf32, #tpu.memory_space<vmem>> -> memref<1024xf32, #tpu.memory_space<vmem>>
    tpu.enqueue_dma source(%dma_start3A_1424 : memref<1024xf32, #tpu.memory_space<vmem>>) target(%dma_start3A_1422 : memref<1024xf32, #tpu.memory_space<hbm>>) target_semaphore(%arg34 : memref<!tpu.dma_semaphore, #tpu.memory_space<semaphore_mem>>)
    %dma_start3A_1425 = arith.constant 3072 : i32
    %dma_start3A_1426 = tpu.memref_slice %arg18[%dma_start3A_1425] : memref<4096xf32, #tpu.memory_space<vmem>> -> memref<1024xf32, #tpu.memory_space<vmem>>
    %dma_start3A_1427 = tpu.memref_slice %arg4[%add3A_1406] : memref<13631488xf32, #tpu.memory_space<hbm>> -> memref<1024xf32, #tpu.memory_space<hbm>>
    %dma_start3A_1428 = tpu.memref_slice %arg4[%add3A_1406] : memref<13631488xf32, #tpu.memory_space<hbm>> -> memref<1024xf32, #tpu.memory_space<hbm>>
    %dma_start3A_1429 = arith.constant 3072 : i32
    %dma_start3A_1430 = tpu.memref_slice %arg18[%dma_start3A_1429] : memref<4096xf32, #tpu.memory_space<vmem>> -> memref<1024xf32, #tpu.memory_space<vmem>>
    tpu.enqueue_dma source(%dma_start3A_1430 : memref<1024xf32, #tpu.memory_space<vmem>>) target(%dma_start3A_1428 : memref<1024xf32, #tpu.memory_space<hbm>>) target_semaphore(%arg34 : memref<!tpu.dma_semaphore, #tpu.memory_space<semaphore_mem>>)
    %dma_wait3A_1431 = arith.constant 12928 : i32
    %dma_wait3A_1432 = tpu.memref_slice %arg5[%dma_wait3A_1431] : memref<13312xi32, #tpu.memory_space<vmem>> -> memref<128xi32, #tpu.memory_space<vmem>>
    %dma_wait3A_1433 = arith.constant 0 : i32
    %dma_wait3A_1434 = arith.constant 0 : i32
    %dma_wait3A_1435 = tpu.memref_slice %arg3[%dma_wait3A_1433, %dma_wait3A_1434] : memref<1000000x32xf32, #tpu.memory_space<hbm>> -> memref<1000000x32xf32, #tpu.memory_space<hbm>>
    tpu.wait_indirect_dma semaphore(%arg27 : memref<!tpu.dma_semaphore, #tpu.memory_space<semaphore_mem>>) src(%dma_wait3A_1435 : memref<1000000x32xf32, #tpu.memory_space<hbm>>) dst(%arg11 : memref<128x32xf32, #tpu.memory_space<vmem>>)
    %add3A_1436 = arith.constant 1 : i32
    %add3A_1437 = arith.addi %mul3A_2, %add3A_1436 : i32
    %mul3A_1438 = arith.constant 1024 : i32
    %mul3A_1439 = arith.muli %add3A_1437, %mul3A_1438 : i32
    %add3A_1440 = arith.constant 12058624 : i32
    %add3A_1441 = arith.addi %add3A_1440, %mul3A_1439 : i32
    %add3A_1442 = arith.constant 0 : i32
    %add3A_1443 = arith.addi %add3A_1441, %add3A_1442 : i32
    %add3A_1444 = arith.constant 131072 : i32
    %add3A_1445 = arith.addi %add3A_1441, %add3A_1444 : i32
    %add3A_1446 = arith.constant 262144 : i32
    %add3A_1447 = arith.addi %add3A_1441, %add3A_1446 : i32
    %add3A_1448 = arith.constant 393216 : i32
    %add3A_1449 = arith.addi %add3A_1441, %add3A_1448 : i32
    %dma_wait3A_1450 = arith.constant 0 : i32
    %dma_wait3A_1451 = tpu.memref_slice %arg19[%dma_wait3A_1450] : memref<4096xf32, #tpu.memory_space<vmem>> -> memref<1024xf32, #tpu.memory_space<vmem>>
    %dma_wait3A_1452 = tpu.memref_slice %arg4[%add3A_1443] : memref<13631488xf32, #tpu.memory_space<hbm>> -> memref<1024xf32, #tpu.memory_space<hbm>>
    %dma_wait3A_1453 = tpu.memref_slice %arg4[%add3A_1443] : memref<13631488xf32, #tpu.memory_space<hbm>> -> memref<1024xf32, #tpu.memory_space<hbm>>
    %dma_wait3A_1454 = arith.constant 0 : i32
    %dma_wait3A_1455 = tpu.memref_slice %arg19[%dma_wait3A_1454] : memref<4096xf32, #tpu.memory_space<vmem>> -> memref<1024xf32, #tpu.memory_space<vmem>>
    tpu.wait_dma2 semaphore(%arg35 : memref<!tpu.dma_semaphore, #tpu.memory_space<semaphore_mem>>) src(%dma_wait3A_1455 : memref<1024xf32, #tpu.memory_space<vmem>>) dst(%dma_wait3A_1453 : memref<1024xf32, #tpu.memory_space<hbm>>)
    %dma_wait3A_1456 = arith.constant 1024 : i32
    %dma_wait3A_1457 = tpu.memref_slice %arg19[%dma_wait3A_1456] : memref<4096xf32, #tpu.memory_space<vmem>> -> memref<1024xf32, #tpu.memory_space<vmem>>
    %dma_wait3A_1458 = tpu.memref_slice %arg4[%add3A_1445] : memref<13631488xf32, #tpu.memory_space<hbm>> -> memref<1024xf32, #tpu.memory_space<hbm>>
    %dma_wait3A_1459 = tpu.memref_slice %arg4[%add3A_1445] : memref<13631488xf32, #tpu.memory_space<hbm>> -> memref<1024xf32, #tpu.memory_space<hbm>>
    %dma_wait3A_1460 = arith.constant 1024 : i32
    %dma_wait3A_1461 = tpu.memref_slice %arg19[%dma_wait3A_1460] : memref<4096xf32, #tpu.memory_space<vmem>> -> memref<1024xf32, #tpu.memory_space<vmem>>
    tpu.wait_dma2 semaphore(%arg35 : memref<!tpu.dma_semaphore, #tpu.memory_space<semaphore_mem>>) src(%dma_wait3A_1461 : memref<1024xf32, #tpu.memory_space<vmem>>) dst(%dma_wait3A_1459 : memref<1024xf32, #tpu.memory_space<hbm>>)
    %dma_wait3A_1462 = arith.constant 2048 : i32
    %dma_wait3A_1463 = tpu.memref_slice %arg19[%dma_wait3A_1462] : memref<4096xf32, #tpu.memory_space<vmem>> -> memref<1024xf32, #tpu.memory_space<vmem>>
    %dma_wait3A_1464 = tpu.memref_slice %arg4[%add3A_1447] : memref<13631488xf32, #tpu.memory_space<hbm>> -> memref<1024xf32, #tpu.memory_space<hbm>>
    %dma_wait3A_1465 = tpu.memref_slice %arg4[%add3A_1447] : memref<13631488xf32, #tpu.memory_space<hbm>> -> memref<1024xf32, #tpu.memory_space<hbm>>
    %dma_wait3A_1466 = arith.constant 2048 : i32
    %dma_wait3A_1467 = tpu.memref_slice %arg19[%dma_wait3A_1466] : memref<4096xf32, #tpu.memory_space<vmem>> -> memref<1024xf32, #tpu.memory_space<vmem>>
    tpu.wait_dma2 semaphore(%arg35 : memref<!tpu.dma_semaphore, #tpu.memory_space<semaphore_mem>>) src(%dma_wait3A_1467 : memref<1024xf32, #tpu.memory_space<vmem>>) dst(%dma_wait3A_1465 : memref<1024xf32, #tpu.memory_space<hbm>>)
    %dma_wait3A_1468 = arith.constant 3072 : i32
    %dma_wait3A_1469 = tpu.memref_slice %arg19[%dma_wait3A_1468] : memref<4096xf32, #tpu.memory_space<vmem>> -> memref<1024xf32, #tpu.memory_space<vmem>>
    %dma_wait3A_1470 = tpu.memref_slice %arg4[%add3A_1449] : memref<13631488xf32, #tpu.memory_space<hbm>> -> memref<1024xf32, #tpu.memory_space<hbm>>
    %dma_wait3A_1471 = tpu.memref_slice %arg4[%add3A_1449] : memref<13631488xf32, #tpu.memory_space<hbm>> -> memref<1024xf32, #tpu.memory_space<hbm>>
    %dma_wait3A_1472 = arith.constant 3072 : i32
    %dma_wait3A_1473 = tpu.memref_slice %arg19[%dma_wait3A_1472] : memref<4096xf32, #tpu.memory_space<vmem>> -> memref<1024xf32, #tpu.memory_space<vmem>>
    tpu.wait_dma2 semaphore(%arg35 : memref<!tpu.dma_semaphore, #tpu.memory_space<semaphore_mem>>) src(%dma_wait3A_1473 : memref<1024xf32, #tpu.memory_space<vmem>>) dst(%dma_wait3A_1471 : memref<1024xf32, #tpu.memory_space<hbm>>)
    %scan3A_1474 = arith.constant 0 : i32
    %scan3A_1475 = arith.constant 128 : i32
    %scan3A_1476 = arith.addi %scan3A_1474, %scan3A_1475 : i32
    %scan3A_1477 = arith.constant 1 : i32
    scf.for %scan3A_1993 = %scan3A_1474 to %scan3A_1476 step %scan3A_1477  : i32 {
      %mul3A_1994 = arith.constant 1 : i32
      %mul3A_1995 = arith.muli %scan3A_1993, %mul3A_1994 : i32
      %add3A_1996 = arith.constant 0 : i32
      %add3A_1997 = arith.addi %add3A_1996, %mul3A_1995 : i32
      %broadcast_in_dim3A = vector.broadcast %add3A_1997 : i32 to vector<16xi32>
      %get3A = arith.index_cast %add3A_1997 : i32 to index
      %get3A_1998 = arith.constant 0 : index
      %get3A_1999 = tpu.vector_load %arg11[%get3A, %get3A_1998] {strides = array<i32>} : memref<128x32xf32, #tpu.memory_space<vmem>>, vector<16xf32>,
      %add3A_2000 = arith.addi %mul3A_526, %broadcast_in_dim3A : vector<16xi32>
      tpu.vector_store_idx %arg19[%add3A_2000], %get3A_1999 : memref<4096xf32, #tpu.memory_space<vmem>>[vector<16xi32>], vector<16xf32>,
      %get3A_2001 = arith.index_cast %add3A_1997 : i32 to index
      %get3A_2002 = arith.constant 16 : index
      %get3A_2003 = tpu.vector_load %arg11[%get3A_2001, %get3A_2002] {strides = array<i32>} : memref<128x32xf32, #tpu.memory_space<vmem>>, vector<16xf32>,
      %add3A_2004 = arith.addi %mul3A_532, %broadcast_in_dim3A : vector<16xi32>
      tpu.vector_store_idx %arg19[%add3A_2004], %get3A_2003 : memref<4096xf32, #tpu.memory_space<vmem>>[vector<16xi32>], vector<16xf32>,
    }
    %scan3A_1478 = arith.constant 128 : i32
    %add3A_1479 = arith.constant 1 : i32
    %add3A_1480 = arith.addi %mul3A_2, %add3A_1479 : i32
    %mul3A_1481 = arith.constant 1024 : i32
    %mul3A_1482 = arith.muli %add3A_1480, %mul3A_1481 : i32
    %add3A_1483 = arith.constant 13107200 : i32
    %add3A_1484 = arith.addi %add3A_1483, %mul3A_1482 : i32
    %add3A_1485 = arith.constant 0 : i32
    %add3A_1486 = arith.addi %add3A_1484, %add3A_1485 : i32
    %add3A_1487 = arith.constant 131072 : i32
    %add3A_1488 = arith.addi %add3A_1484, %add3A_1487 : i32
    %add3A_1489 = arith.constant 262144 : i32
    %add3A_1490 = arith.addi %add3A_1484, %add3A_1489 : i32
    %add3A_1491 = arith.constant 393216 : i32
    %add3A_1492 = arith.addi %add3A_1484, %add3A_1491 : i32
    %dma_start3A_1493 = arith.constant 0 : i32
    %dma_start3A_1494 = tpu.memref_slice %arg19[%dma_start3A_1493] : memref<4096xf32, #tpu.memory_space<vmem>> -> memref<1024xf32, #tpu.memory_space<vmem>>
    %dma_start3A_1495 = tpu.memref_slice %arg4[%add3A_1486] : memref<13631488xf32, #tpu.memory_space<hbm>> -> memref<1024xf32, #tpu.memory_space<hbm>>
    %dma_start3A_1496 = tpu.memref_slice %arg4[%add3A_1486] : memref<13631488xf32, #tpu.memory_space<hbm>> -> memref<1024xf32, #tpu.memory_space<hbm>>
    %dma_start3A_1497 = arith.constant 0 : i32
    %dma_start3A_1498 = tpu.memref_slice %arg19[%dma_start3A_1497] : memref<4096xf32, #tpu.memory_space<vmem>> -> memref<1024xf32, #tpu.memory_space<vmem>>
    tpu.enqueue_dma source(%dma_start3A_1498 : memref<1024xf32, #tpu.memory_space<vmem>>) target(%dma_start3A_1496 : memref<1024xf32, #tpu.memory_space<hbm>>) target_semaphore(%arg35 : memref<!tpu.dma_semaphore, #tpu.memory_space<semaphore_mem>>)
    %dma_start3A_1499 = arith.constant 1024 : i32
    %dma_start3A_1500 = tpu.memref_slice %arg19[%dma_start3A_1499] : memref<4096xf32, #tpu.memory_space<vmem>> -> memref<1024xf32, #tpu.memory_space<vmem>>
    %dma_start3A_1501 = tpu.memref_slice %arg4[%add3A_1488] : memref<13631488xf32, #tpu.memory_space<hbm>> -> memref<1024xf32, #tpu.memory_space<hbm>>
    %dma_start3A_1502 = tpu.memref_slice %arg4[%add3A_1488] : memref<13631488xf32, #tpu.memory_space<hbm>> -> memref<1024xf32, #tpu.memory_space<hbm>>
    %dma_start3A_1503 = arith.constant 1024 : i32
    %dma_start3A_1504 = tpu.memref_slice %arg19[%dma_start3A_1503] : memref<4096xf32, #tpu.memory_space<vmem>> -> memref<1024xf32, #tpu.memory_space<vmem>>
    tpu.enqueue_dma source(%dma_start3A_1504 : memref<1024xf32, #tpu.memory_space<vmem>>) target(%dma_start3A_1502 : memref<1024xf32, #tpu.memory_space<hbm>>) target_semaphore(%arg35 : memref<!tpu.dma_semaphore, #tpu.memory_space<semaphore_mem>>)
    %dma_start3A_1505 = arith.constant 2048 : i32
    %dma_start3A_1506 = tpu.memref_slice %arg19[%dma_start3A_1505] : memref<4096xf32, #tpu.memory_space<vmem>> -> memref<1024xf32, #tpu.memory_space<vmem>>
    %dma_start3A_1507 = tpu.memref_slice %arg4[%add3A_1490] : memref<13631488xf32, #tpu.memory_space<hbm>> -> memref<1024xf32, #tpu.memory_space<hbm>>
    %dma_start3A_1508 = tpu.memref_slice %arg4[%add3A_1490] : memref<13631488xf32, #tpu.memory_space<hbm>> -> memref<1024xf32, #tpu.memory_space<hbm>>
    %dma_start3A_1509 = arith.constant 2048 : i32
    %dma_start3A_1510 = tpu.memref_slice %arg19[%dma_start3A_1509] : memref<4096xf32, #tpu.memory_space<vmem>> -> memref<1024xf32, #tpu.memory_space<vmem>>
    tpu.enqueue_dma source(%dma_start3A_1510 : memref<1024xf32, #tpu.memory_space<vmem>>) target(%dma_start3A_1508 : memref<1024xf32, #tpu.memory_space<hbm>>) target_semaphore(%arg35 : memref<!tpu.dma_semaphore, #tpu.memory_space<semaphore_mem>>)
    %dma_start3A_1511 = arith.constant 3072 : i32
    %dma_start3A_1512 = tpu.memref_slice %arg19[%dma_start3A_1511] : memref<4096xf32, #tpu.memory_space<vmem>> -> memref<1024xf32, #tpu.memory_space<vmem>>
    %dma_start3A_1513 = tpu.memref_slice %arg4[%add3A_1492] : memref<13631488xf32, #tpu.memory_space<hbm>> -> memref<1024xf32, #tpu.memory_space<hbm>>
    %dma_start3A_1514 = tpu.memref_slice %arg4[%add3A_1492] : memref<13631488xf32, #tpu.memory_space<hbm>> -> memref<1024xf32, #tpu.memory_space<hbm>>
    %dma_start3A_1515 = arith.constant 3072 : i32
    %dma_start3A_1516 = tpu.memref_slice %arg19[%dma_start3A_1515] : memref<4096xf32, #tpu.memory_space<vmem>> -> memref<1024xf32, #tpu.memory_space<vmem>>
    tpu.enqueue_dma source(%dma_start3A_1516 : memref<1024xf32, #tpu.memory_space<vmem>>) target(%dma_start3A_1514 : memref<1024xf32, #tpu.memory_space<hbm>>) target_semaphore(%arg35 : memref<!tpu.dma_semaphore, #tpu.memory_space<semaphore_mem>>)
    %dma_wait3A_1517 = arith.constant 13056 : i32
    %dma_wait3A_1518 = tpu.memref_slice %arg5[%dma_wait3A_1517] : memref<13312xi32, #tpu.memory_space<vmem>> -> memref<128xi32, #tpu.memory_space<vmem>>
    %dma_wait3A_1519 = arith.constant 0 : i32
    %dma_wait3A_1520 = arith.constant 0 : i32
    %dma_wait3A_1521 = tpu.memref_slice %arg3[%dma_wait3A_1519, %dma_wait3A_1520] : memref<1000000x32xf32, #tpu.memory_space<hbm>> -> memref<1000000x32xf32, #tpu.memory_space<hbm>>
    tpu.wait_indirect_dma semaphore(%arg28 : memref<!tpu.dma_semaphore, #tpu.memory_space<semaphore_mem>>) src(%dma_wait3A_1521 : memref<1000000x32xf32, #tpu.memory_space<hbm>>) dst(%arg12 : memref<128x32xf32, #tpu.memory_space<vmem>>)
    %add3A_1522 = arith.constant 2 : i32
    %add3A_1523 = arith.addi %mul3A_2, %add3A_1522 : i32
    %mul3A_1524 = arith.constant 1024 : i32
    %mul3A_1525 = arith.muli %add3A_1523, %mul3A_1524 : i32
    %add3A_1526 = arith.constant 12058624 : i32
    %add3A_1527 = arith.addi %add3A_1526, %mul3A_1525 : i32
    %add3A_1528 = arith.constant 0 : i32
    %add3A_1529 = arith.addi %add3A_1527, %add3A_1528 : i32
    %add3A_1530 = arith.constant 131072 : i32
    %add3A_1531 = arith.addi %add3A_1527, %add3A_1530 : i32
    %add3A_1532 = arith.constant 262144 : i32
    %add3A_1533 = arith.addi %add3A_1527, %add3A_1532 : i32
    %add3A_1534 = arith.constant 393216 : i32
    %add3A_1535 = arith.addi %add3A_1527, %add3A_1534 : i32
    %dma_wait3A_1536 = arith.constant 0 : i32
    %dma_wait3A_1537 = tpu.memref_slice %arg20[%dma_wait3A_1536] : memref<4096xf32, #tpu.memory_space<vmem>> -> memref<1024xf32, #tpu.memory_space<vmem>>
    %dma_wait3A_1538 = tpu.memref_slice %arg4[%add3A_1529] : memref<13631488xf32, #tpu.memory_space<hbm>> -> memref<1024xf32, #tpu.memory_space<hbm>>
    %dma_wait3A_1539 = tpu.memref_slice %arg4[%add3A_1529] : memref<13631488xf32, #tpu.memory_space<hbm>> -> memref<1024xf32, #tpu.memory_space<hbm>>
    %dma_wait3A_1540 = arith.constant 0 : i32
    %dma_wait3A_1541 = tpu.memref_slice %arg20[%dma_wait3A_1540] : memref<4096xf32, #tpu.memory_space<vmem>> -> memref<1024xf32, #tpu.memory_space<vmem>>
    tpu.wait_dma2 semaphore(%arg36 : memref<!tpu.dma_semaphore, #tpu.memory_space<semaphore_mem>>) src(%dma_wait3A_1541 : memref<1024xf32, #tpu.memory_space<vmem>>) dst(%dma_wait3A_1539 : memref<1024xf32, #tpu.memory_space<hbm>>)
    %dma_wait3A_1542 = arith.constant 1024 : i32
    %dma_wait3A_1543 = tpu.memref_slice %arg20[%dma_wait3A_1542] : memref<4096xf32, #tpu.memory_space<vmem>> -> memref<1024xf32, #tpu.memory_space<vmem>>
    %dma_wait3A_1544 = tpu.memref_slice %arg4[%add3A_1531] : memref<13631488xf32, #tpu.memory_space<hbm>> -> memref<1024xf32, #tpu.memory_space<hbm>>
    %dma_wait3A_1545 = tpu.memref_slice %arg4[%add3A_1531] : memref<13631488xf32, #tpu.memory_space<hbm>> -> memref<1024xf32, #tpu.memory_space<hbm>>
    %dma_wait3A_1546 = arith.constant 1024 : i32
    %dma_wait3A_1547 = tpu.memref_slice %arg20[%dma_wait3A_1546] : memref<4096xf32, #tpu.memory_space<vmem>> -> memref<1024xf32, #tpu.memory_space<vmem>>
    tpu.wait_dma2 semaphore(%arg36 : memref<!tpu.dma_semaphore, #tpu.memory_space<semaphore_mem>>) src(%dma_wait3A_1547 : memref<1024xf32, #tpu.memory_space<vmem>>) dst(%dma_wait3A_1545 : memref<1024xf32, #tpu.memory_space<hbm>>)
    %dma_wait3A_1548 = arith.constant 2048 : i32
    %dma_wait3A_1549 = tpu.memref_slice %arg20[%dma_wait3A_1548] : memref<4096xf32, #tpu.memory_space<vmem>> -> memref<1024xf32, #tpu.memory_space<vmem>>
    %dma_wait3A_1550 = tpu.memref_slice %arg4[%add3A_1533] : memref<13631488xf32, #tpu.memory_space<hbm>> -> memref<1024xf32, #tpu.memory_space<hbm>>
    %dma_wait3A_1551 = tpu.memref_slice %arg4[%add3A_1533] : memref<13631488xf32, #tpu.memory_space<hbm>> -> memref<1024xf32, #tpu.memory_space<hbm>>
    %dma_wait3A_1552 = arith.constant 2048 : i32
    %dma_wait3A_1553 = tpu.memref_slice %arg20[%dma_wait3A_1552] : memref<4096xf32, #tpu.memory_space<vmem>> -> memref<1024xf32, #tpu.memory_space<vmem>>
    tpu.wait_dma2 semaphore(%arg36 : memref<!tpu.dma_semaphore, #tpu.memory_space<semaphore_mem>>) src(%dma_wait3A_1553 : memref<1024xf32, #tpu.memory_space<vmem>>) dst(%dma_wait3A_1551 : memref<1024xf32, #tpu.memory_space<hbm>>)
    %dma_wait3A_1554 = arith.constant 3072 : i32
    %dma_wait3A_1555 = tpu.memref_slice %arg20[%dma_wait3A_1554] : memref<4096xf32, #tpu.memory_space<vmem>> -> memref<1024xf32, #tpu.memory_space<vmem>>
    %dma_wait3A_1556 = tpu.memref_slice %arg4[%add3A_1535] : memref<13631488xf32, #tpu.memory_space<hbm>> -> memref<1024xf32, #tpu.memory_space<hbm>>
    %dma_wait3A_1557 = tpu.memref_slice %arg4[%add3A_1535] : memref<13631488xf32, #tpu.memory_space<hbm>> -> memref<1024xf32, #tpu.memory_space<hbm>>
    %dma_wait3A_1558 = arith.constant 3072 : i32
    %dma_wait3A_1559 = tpu.memref_slice %arg20[%dma_wait3A_1558] : memref<4096xf32, #tpu.memory_space<vmem>> -> memref<1024xf32, #tpu.memory_space<vmem>>
    tpu.wait_dma2 semaphore(%arg36 : memref<!tpu.dma_semaphore, #tpu.memory_space<semaphore_mem>>) src(%dma_wait3A_1559 : memref<1024xf32, #tpu.memory_space<vmem>>) dst(%dma_wait3A_1557 : memref<1024xf32, #tpu.memory_space<hbm>>)
    %scan3A_1560 = arith.constant 0 : i32
    %scan3A_1561 = arith.constant 128 : i32
    %scan3A_1562 = arith.addi %scan3A_1560, %scan3A_1561 : i32
    %scan3A_1563 = arith.constant 1 : i32
    scf.for %scan3A_1993 = %scan3A_1560 to %scan3A_1562 step %scan3A_1563  : i32 {
      %mul3A_1994 = arith.constant 1 : i32
      %mul3A_1995 = arith.muli %scan3A_1993, %mul3A_1994 : i32
      %add3A_1996 = arith.constant 0 : i32
      %add3A_1997 = arith.addi %add3A_1996, %mul3A_1995 : i32
      %broadcast_in_dim3A = vector.broadcast %add3A_1997 : i32 to vector<16xi32>
      %get3A = arith.index_cast %add3A_1997 : i32 to index
      %get3A_1998 = arith.constant 0 : index
      %get3A_1999 = tpu.vector_load %arg12[%get3A, %get3A_1998] {strides = array<i32>} : memref<128x32xf32, #tpu.memory_space<vmem>>, vector<16xf32>,
      %add3A_2000 = arith.addi %mul3A_526, %broadcast_in_dim3A : vector<16xi32>
      tpu.vector_store_idx %arg20[%add3A_2000], %get3A_1999 : memref<4096xf32, #tpu.memory_space<vmem>>[vector<16xi32>], vector<16xf32>,
      %get3A_2001 = arith.index_cast %add3A_1997 : i32 to index
      %get3A_2002 = arith.constant 16 : index
      %get3A_2003 = tpu.vector_load %arg12[%get3A_2001, %get3A_2002] {strides = array<i32>} : memref<128x32xf32, #tpu.memory_space<vmem>>, vector<16xf32>,
      %add3A_2004 = arith.addi %mul3A_532, %broadcast_in_dim3A : vector<16xi32>
      tpu.vector_store_idx %arg20[%add3A_2004], %get3A_2003 : memref<4096xf32, #tpu.memory_space<vmem>>[vector<16xi32>], vector<16xf32>,
    }
    %scan3A_1564 = arith.constant 128 : i32
    %add3A_1565 = arith.constant 2 : i32
    %add3A_1566 = arith.addi %mul3A_2, %add3A_1565 : i32
    %mul3A_1567 = arith.constant 1024 : i32
    %mul3A_1568 = arith.muli %add3A_1566, %mul3A_1567 : i32
    %add3A_1569 = arith.constant 13107200 : i32
    %add3A_1570 = arith.addi %add3A_1569, %mul3A_1568 : i32
    %add3A_1571 = arith.constant 0 : i32
    %add3A_1572 = arith.addi %add3A_1570, %add3A_1571 : i32
    %add3A_1573 = arith.constant 131072 : i32
    %add3A_1574 = arith.addi %add3A_1570, %add3A_1573 : i32
    %add3A_1575 = arith.constant 262144 : i32
    %add3A_1576 = arith.addi %add3A_1570, %add3A_1575 : i32
    %add3A_1577 = arith.constant 393216 : i32
    %add3A_1578 = arith.addi %add3A_1570, %add3A_1577 : i32
    %dma_start3A_1579 = arith.constant 0 : i32
    %dma_start3A_1580 = tpu.memref_slice %arg20[%dma_start3A_1579] : memref<4096xf32, #tpu.memory_space<vmem>> -> memref<1024xf32, #tpu.memory_space<vmem>>
    %dma_start3A_1581 = tpu.memref_slice %arg4[%add3A_1572] : memref<13631488xf32, #tpu.memory_space<hbm>> -> memref<1024xf32, #tpu.memory_space<hbm>>
    %dma_start3A_1582 = tpu.memref_slice %arg4[%add3A_1572] : memref<13631488xf32, #tpu.memory_space<hbm>> -> memref<1024xf32, #tpu.memory_space<hbm>>
    %dma_start3A_1583 = arith.constant 0 : i32
    %dma_start3A_1584 = tpu.memref_slice %arg20[%dma_start3A_1583] : memref<4096xf32, #tpu.memory_space<vmem>> -> memref<1024xf32, #tpu.memory_space<vmem>>
    tpu.enqueue_dma source(%dma_start3A_1584 : memref<1024xf32, #tpu.memory_space<vmem>>) target(%dma_start3A_1582 : memref<1024xf32, #tpu.memory_space<hbm>>) target_semaphore(%arg36 : memref<!tpu.dma_semaphore, #tpu.memory_space<semaphore_mem>>)
    %dma_start3A_1585 = arith.constant 1024 : i32
    %dma_start3A_1586 = tpu.memref_slice %arg20[%dma_start3A_1585] : memref<4096xf32, #tpu.memory_space<vmem>> -> memref<1024xf32, #tpu.memory_space<vmem>>
    %dma_start3A_1587 = tpu.memref_slice %arg4[%add3A_1574] : memref<13631488xf32, #tpu.memory_space<hbm>> -> memref<1024xf32, #tpu.memory_space<hbm>>
    %dma_start3A_1588 = tpu.memref_slice %arg4[%add3A_1574] : memref<13631488xf32, #tpu.memory_space<hbm>> -> memref<1024xf32, #tpu.memory_space<hbm>>
    %dma_start3A_1589 = arith.constant 1024 : i32
    %dma_start3A_1590 = tpu.memref_slice %arg20[%dma_start3A_1589] : memref<4096xf32, #tpu.memory_space<vmem>> -> memref<1024xf32, #tpu.memory_space<vmem>>
    tpu.enqueue_dma source(%dma_start3A_1590 : memref<1024xf32, #tpu.memory_space<vmem>>) target(%dma_start3A_1588 : memref<1024xf32, #tpu.memory_space<hbm>>) target_semaphore(%arg36 : memref<!tpu.dma_semaphore, #tpu.memory_space<semaphore_mem>>)
    %dma_start3A_1591 = arith.constant 2048 : i32
    %dma_start3A_1592 = tpu.memref_slice %arg20[%dma_start3A_1591] : memref<4096xf32, #tpu.memory_space<vmem>> -> memref<1024xf32, #tpu.memory_space<vmem>>
    %dma_start3A_1593 = tpu.memref_slice %arg4[%add3A_1576] : memref<13631488xf32, #tpu.memory_space<hbm>> -> memref<1024xf32, #tpu.memory_space<hbm>>
    %dma_start3A_1594 = tpu.memref_slice %arg4[%add3A_1576] : memref<13631488xf32, #tpu.memory_space<hbm>> -> memref<1024xf32, #tpu.memory_space<hbm>>
    %dma_start3A_1595 = arith.constant 2048 : i32
    %dma_start3A_1596 = tpu.memref_slice %arg20[%dma_start3A_1595] : memref<4096xf32, #tpu.memory_space<vmem>> -> memref<1024xf32, #tpu.memory_space<vmem>>
    tpu.enqueue_dma source(%dma_start3A_1596 : memref<1024xf32, #tpu.memory_space<vmem>>) target(%dma_start3A_1594 : memref<1024xf32, #tpu.memory_space<hbm>>) target_semaphore(%arg36 : memref<!tpu.dma_semaphore, #tpu.memory_space<semaphore_mem>>)
    %dma_start3A_1597 = arith.constant 3072 : i32
    %dma_start3A_1598 = tpu.memref_slice %arg20[%dma_start3A_1597] : memref<4096xf32, #tpu.memory_space<vmem>> -> memref<1024xf32, #tpu.memory_space<vmem>>
    %dma_start3A_1599 = tpu.memref_slice %arg4[%add3A_1578] : memref<13631488xf32, #tpu.memory_space<hbm>> -> memref<1024xf32, #tpu.memory_space<hbm>>
    %dma_start3A_1600 = tpu.memref_slice %arg4[%add3A_1578] : memref<13631488xf32, #tpu.memory_space<hbm>> -> memref<1024xf32, #tpu.memory_space<hbm>>
    %dma_start3A_1601 = arith.constant 3072 : i32
    %dma_start3A_1602 = tpu.memref_slice %arg20[%dma_start3A_1601] : memref<4096xf32, #tpu.memory_space<vmem>> -> memref<1024xf32, #tpu.memory_space<vmem>>
    tpu.enqueue_dma source(%dma_start3A_1602 : memref<1024xf32, #tpu.memory_space<vmem>>) target(%dma_start3A_1600 : memref<1024xf32, #tpu.memory_space<hbm>>) target_semaphore(%arg36 : memref<!tpu.dma_semaphore, #tpu.memory_space<semaphore_mem>>)
    %dma_wait3A_1603 = arith.constant 13184 : i32
    %dma_wait3A_1604 = tpu.memref_slice %arg5[%dma_wait3A_1603] : memref<13312xi32, #tpu.memory_space<vmem>> -> memref<128xi32, #tpu.memory_space<vmem>>
    %dma_wait3A_1605 = arith.constant 0 : i32
    %dma_wait3A_1606 = arith.constant 0 : i32
    %dma_wait3A_1607 = tpu.memref_slice %arg3[%dma_wait3A_1605, %dma_wait3A_1606] : memref<1000000x32xf32, #tpu.memory_space<hbm>> -> memref<1000000x32xf32, #tpu.memory_space<hbm>>
    tpu.wait_indirect_dma semaphore(%arg29 : memref<!tpu.dma_semaphore, #tpu.memory_space<semaphore_mem>>) src(%dma_wait3A_1607 : memref<1000000x32xf32, #tpu.memory_space<hbm>>) dst(%arg13 : memref<128x32xf32, #tpu.memory_space<vmem>>)
    %add3A_1608 = arith.constant 3 : i32
    %add3A_1609 = arith.addi %mul3A_2, %add3A_1608 : i32
    %mul3A_1610 = arith.constant 1024 : i32
    %mul3A_1611 = arith.muli %add3A_1609, %mul3A_1610 : i32
    %add3A_1612 = arith.constant 12058624 : i32
    %add3A_1613 = arith.addi %add3A_1612, %mul3A_1611 : i32
    %add3A_1614 = arith.constant 0 : i32
    %add3A_1615 = arith.addi %add3A_1613, %add3A_1614 : i32
    %add3A_1616 = arith.constant 131072 : i32
    %add3A_1617 = arith.addi %add3A_1613, %add3A_1616 : i32
    %add3A_1618 = arith.constant 262144 : i32
    %add3A_1619 = arith.addi %add3A_1613, %add3A_1618 : i32
    %add3A_1620 = arith.constant 393216 : i32
    %add3A_1621 = arith.addi %add3A_1613, %add3A_1620 : i32
    %dma_wait3A_1622 = arith.constant 0 : i32
    %dma_wait3A_1623 = tpu.memref_slice %arg21[%dma_wait3A_1622] : memref<4096xf32, #tpu.memory_space<vmem>> -> memref<1024xf32, #tpu.memory_space<vmem>>
    %dma_wait3A_1624 = tpu.memref_slice %arg4[%add3A_1615] : memref<13631488xf32, #tpu.memory_space<hbm>> -> memref<1024xf32, #tpu.memory_space<hbm>>
    %dma_wait3A_1625 = tpu.memref_slice %arg4[%add3A_1615] : memref<13631488xf32, #tpu.memory_space<hbm>> -> memref<1024xf32, #tpu.memory_space<hbm>>
    %dma_wait3A_1626 = arith.constant 0 : i32
    %dma_wait3A_1627 = tpu.memref_slice %arg21[%dma_wait3A_1626] : memref<4096xf32, #tpu.memory_space<vmem>> -> memref<1024xf32, #tpu.memory_space<vmem>>
    tpu.wait_dma2 semaphore(%arg37 : memref<!tpu.dma_semaphore, #tpu.memory_space<semaphore_mem>>) src(%dma_wait3A_1627 : memref<1024xf32, #tpu.memory_space<vmem>>) dst(%dma_wait3A_1625 : memref<1024xf32, #tpu.memory_space<hbm>>)
    %dma_wait3A_1628 = arith.constant 1024 : i32
    %dma_wait3A_1629 = tpu.memref_slice %arg21[%dma_wait3A_1628] : memref<4096xf32, #tpu.memory_space<vmem>> -> memref<1024xf32, #tpu.memory_space<vmem>>
    %dma_wait3A_1630 = tpu.memref_slice %arg4[%add3A_1617] : memref<13631488xf32, #tpu.memory_space<hbm>> -> memref<1024xf32, #tpu.memory_space<hbm>>
    %dma_wait3A_1631 = tpu.memref_slice %arg4[%add3A_1617] : memref<13631488xf32, #tpu.memory_space<hbm>> -> memref<1024xf32, #tpu.memory_space<hbm>>
    %dma_wait3A_1632 = arith.constant 1024 : i32
    %dma_wait3A_1633 = tpu.memref_slice %arg21[%dma_wait3A_1632] : memref<4096xf32, #tpu.memory_space<vmem>> -> memref<1024xf32, #tpu.memory_space<vmem>>
    tpu.wait_dma2 semaphore(%arg37 : memref<!tpu.dma_semaphore, #tpu.memory_space<semaphore_mem>>) src(%dma_wait3A_1633 : memref<1024xf32, #tpu.memory_space<vmem>>) dst(%dma_wait3A_1631 : memref<1024xf32, #tpu.memory_space<hbm>>)
    %dma_wait3A_1634 = arith.constant 2048 : i32
    %dma_wait3A_1635 = tpu.memref_slice %arg21[%dma_wait3A_1634] : memref<4096xf32, #tpu.memory_space<vmem>> -> memref<1024xf32, #tpu.memory_space<vmem>>
    %dma_wait3A_1636 = tpu.memref_slice %arg4[%add3A_1619] : memref<13631488xf32, #tpu.memory_space<hbm>> -> memref<1024xf32, #tpu.memory_space<hbm>>
    %dma_wait3A_1637 = tpu.memref_slice %arg4[%add3A_1619] : memref<13631488xf32, #tpu.memory_space<hbm>> -> memref<1024xf32, #tpu.memory_space<hbm>>
    %dma_wait3A_1638 = arith.constant 2048 : i32
    %dma_wait3A_1639 = tpu.memref_slice %arg21[%dma_wait3A_1638] : memref<4096xf32, #tpu.memory_space<vmem>> -> memref<1024xf32, #tpu.memory_space<vmem>>
    tpu.wait_dma2 semaphore(%arg37 : memref<!tpu.dma_semaphore, #tpu.memory_space<semaphore_mem>>) src(%dma_wait3A_1639 : memref<1024xf32, #tpu.memory_space<vmem>>) dst(%dma_wait3A_1637 : memref<1024xf32, #tpu.memory_space<hbm>>)
    %dma_wait3A_1640 = arith.constant 3072 : i32
    %dma_wait3A_1641 = tpu.memref_slice %arg21[%dma_wait3A_1640] : memref<4096xf32, #tpu.memory_space<vmem>> -> memref<1024xf32, #tpu.memory_space<vmem>>
    %dma_wait3A_1642 = tpu.memref_slice %arg4[%add3A_1621] : memref<13631488xf32, #tpu.memory_space<hbm>> -> memref<1024xf32, #tpu.memory_space<hbm>>
    %dma_wait3A_1643 = tpu.memref_slice %arg4[%add3A_1621] : memref<13631488xf32, #tpu.memory_space<hbm>> -> memref<1024xf32, #tpu.memory_space<hbm>>
    %dma_wait3A_1644 = arith.constant 3072 : i32
    %dma_wait3A_1645 = tpu.memref_slice %arg21[%dma_wait3A_1644] : memref<4096xf32, #tpu.memory_space<vmem>> -> memref<1024xf32, #tpu.memory_space<vmem>>
    tpu.wait_dma2 semaphore(%arg37 : memref<!tpu.dma_semaphore, #tpu.memory_space<semaphore_mem>>) src(%dma_wait3A_1645 : memref<1024xf32, #tpu.memory_space<vmem>>) dst(%dma_wait3A_1643 : memref<1024xf32, #tpu.memory_space<hbm>>)
    %scan3A_1646 = arith.constant 0 : i32
    %scan3A_1647 = arith.constant 128 : i32
    %scan3A_1648 = arith.addi %scan3A_1646, %scan3A_1647 : i32
    %scan3A_1649 = arith.constant 1 : i32
    scf.for %scan3A_1993 = %scan3A_1646 to %scan3A_1648 step %scan3A_1649  : i32 {
      %mul3A_1994 = arith.constant 1 : i32
      %mul3A_1995 = arith.muli %scan3A_1993, %mul3A_1994 : i32
      %add3A_1996 = arith.constant 0 : i32
      %add3A_1997 = arith.addi %add3A_1996, %mul3A_1995 : i32
      %broadcast_in_dim3A = vector.broadcast %add3A_1997 : i32 to vector<16xi32>
      %get3A = arith.index_cast %add3A_1997 : i32 to index
      %get3A_1998 = arith.constant 0 : index
      %get3A_1999 = tpu.vector_load %arg13[%get3A, %get3A_1998] {strides = array<i32>} : memref<128x32xf32, #tpu.memory_space<vmem>>, vector<16xf32>,
      %add3A_2000 = arith.addi %mul3A_526, %broadcast_in_dim3A : vector<16xi32>
      tpu.vector_store_idx %arg21[%add3A_2000], %get3A_1999 : memref<4096xf32, #tpu.memory_space<vmem>>[vector<16xi32>], vector<16xf32>,
      %get3A_2001 = arith.index_cast %add3A_1997 : i32 to index
      %get3A_2002 = arith.constant 16 : index
      %get3A_2003 = tpu.vector_load %arg13[%get3A_2001, %get3A_2002] {strides = array<i32>} : memref<128x32xf32, #tpu.memory_space<vmem>>, vector<16xf32>,
      %add3A_2004 = arith.addi %mul3A_532, %broadcast_in_dim3A : vector<16xi32>
      tpu.vector_store_idx %arg21[%add3A_2004], %get3A_2003 : memref<4096xf32, #tpu.memory_space<vmem>>[vector<16xi32>], vector<16xf32>,
    }
    %scan3A_1650 = arith.constant 128 : i32
    %add3A_1651 = arith.constant 3 : i32
    %add3A_1652 = arith.addi %mul3A_2, %add3A_1651 : i32
    %mul3A_1653 = arith.constant 1024 : i32
    %mul3A_1654 = arith.muli %add3A_1652, %mul3A_1653 : i32
    %add3A_1655 = arith.constant 13107200 : i32
    %add3A_1656 = arith.addi %add3A_1655, %mul3A_1654 : i32
    %add3A_1657 = arith.constant 0 : i32
    %add3A_1658 = arith.addi %add3A_1656, %add3A_1657 : i32
    %add3A_1659 = arith.constant 131072 : i32
    %add3A_1660 = arith.addi %add3A_1656, %add3A_1659 : i32
    %add3A_1661 = arith.constant 262144 : i32
    %add3A_1662 = arith.addi %add3A_1656, %add3A_1661 : i32
    %add3A_1663 = arith.constant 393216 : i32
    %add3A_1664 = arith.addi %add3A_1656, %add3A_1663 : i32
    %dma_start3A_1665 = arith.constant 0 : i32
    %dma_start3A_1666 = tpu.memref_slice %arg21[%dma_start3A_1665] : memref<4096xf32, #tpu.memory_space<vmem>> -> memref<1024xf32, #tpu.memory_space<vmem>>
    %dma_start3A_1667 = tpu.memref_slice %arg4[%add3A_1658] : memref<13631488xf32, #tpu.memory_space<hbm>> -> memref<1024xf32, #tpu.memory_space<hbm>>
    %dma_start3A_1668 = tpu.memref_slice %arg4[%add3A_1658] : memref<13631488xf32, #tpu.memory_space<hbm>> -> memref<1024xf32, #tpu.memory_space<hbm>>
    %dma_start3A_1669 = arith.constant 0 : i32
    %dma_start3A_1670 = tpu.memref_slice %arg21[%dma_start3A_1669] : memref<4096xf32, #tpu.memory_space<vmem>> -> memref<1024xf32, #tpu.memory_space<vmem>>
    tpu.enqueue_dma source(%dma_start3A_1670 : memref<1024xf32, #tpu.memory_space<vmem>>) target(%dma_start3A_1668 : memref<1024xf32, #tpu.memory_space<hbm>>) target_semaphore(%arg37 : memref<!tpu.dma_semaphore, #tpu.memory_space<semaphore_mem>>)
    %dma_start3A_1671 = arith.constant 1024 : i32
    %dma_start3A_1672 = tpu.memref_slice %arg21[%dma_start3A_1671] : memref<4096xf32, #tpu.memory_space<vmem>> -> memref<1024xf32, #tpu.memory_space<vmem>>
    %dma_start3A_1673 = tpu.memref_slice %arg4[%add3A_1660] : memref<13631488xf32, #tpu.memory_space<hbm>> -> memref<1024xf32, #tpu.memory_space<hbm>>
    %dma_start3A_1674 = tpu.memref_slice %arg4[%add3A_1660] : memref<13631488xf32, #tpu.memory_space<hbm>> -> memref<1024xf32, #tpu.memory_space<hbm>>
    %dma_start3A_1675 = arith.constant 1024 : i32
    %dma_start3A_1676 = tpu.memref_slice %arg21[%dma_start3A_1675] : memref<4096xf32, #tpu.memory_space<vmem>> -> memref<1024xf32, #tpu.memory_space<vmem>>
    tpu.enqueue_dma source(%dma_start3A_1676 : memref<1024xf32, #tpu.memory_space<vmem>>) target(%dma_start3A_1674 : memref<1024xf32, #tpu.memory_space<hbm>>) target_semaphore(%arg37 : memref<!tpu.dma_semaphore, #tpu.memory_space<semaphore_mem>>)
    %dma_start3A_1677 = arith.constant 2048 : i32
    %dma_start3A_1678 = tpu.memref_slice %arg21[%dma_start3A_1677] : memref<4096xf32, #tpu.memory_space<vmem>> -> memref<1024xf32, #tpu.memory_space<vmem>>
    %dma_start3A_1679 = tpu.memref_slice %arg4[%add3A_1662] : memref<13631488xf32, #tpu.memory_space<hbm>> -> memref<1024xf32, #tpu.memory_space<hbm>>
    %dma_start3A_1680 = tpu.memref_slice %arg4[%add3A_1662] : memref<13631488xf32, #tpu.memory_space<hbm>> -> memref<1024xf32, #tpu.memory_space<hbm>>
    %dma_start3A_1681 = arith.constant 2048 : i32
    %dma_start3A_1682 = tpu.memref_slice %arg21[%dma_start3A_1681] : memref<4096xf32, #tpu.memory_space<vmem>> -> memref<1024xf32, #tpu.memory_space<vmem>>
    tpu.enqueue_dma source(%dma_start3A_1682 : memref<1024xf32, #tpu.memory_space<vmem>>) target(%dma_start3A_1680 : memref<1024xf32, #tpu.memory_space<hbm>>) target_semaphore(%arg37 : memref<!tpu.dma_semaphore, #tpu.memory_space<semaphore_mem>>)
    %dma_start3A_1683 = arith.constant 3072 : i32
    %dma_start3A_1684 = tpu.memref_slice %arg21[%dma_start3A_1683] : memref<4096xf32, #tpu.memory_space<vmem>> -> memref<1024xf32, #tpu.memory_space<vmem>>
    %dma_start3A_1685 = tpu.memref_slice %arg4[%add3A_1664] : memref<13631488xf32, #tpu.memory_space<hbm>> -> memref<1024xf32, #tpu.memory_space<hbm>>
    %dma_start3A_1686 = tpu.memref_slice %arg4[%add3A_1664] : memref<13631488xf32, #tpu.memory_space<hbm>> -> memref<1024xf32, #tpu.memory_space<hbm>>
    %dma_start3A_1687 = arith.constant 3072 : i32
    %dma_start3A_1688 = tpu.memref_slice %arg21[%dma_start3A_1687] : memref<4096xf32, #tpu.memory_space<vmem>> -> memref<1024xf32, #tpu.memory_space<vmem>>
    tpu.enqueue_dma source(%dma_start3A_1688 : memref<1024xf32, #tpu.memory_space<vmem>>) target(%dma_start3A_1686 : memref<1024xf32, #tpu.memory_space<hbm>>) target_semaphore(%arg37 : memref<!tpu.dma_semaphore, #tpu.memory_space<semaphore_mem>>)
    %add3A_1689 = arith.constant 0 : i32
    %add3A_1690 = arith.addi %mul3A_2, %add3A_1689 : i32
    %mul3A_1691 = arith.constant 1024 : i32
    %mul3A_1692 = arith.muli %add3A_1690, %mul3A_1691 : i32
    %add3A_1693 = arith.constant 12582912 : i32
    %add3A_1694 = arith.addi %add3A_1693, %mul3A_1692 : i32
    %add3A_1695 = arith.constant 0 : i32
    %add3A_1696 = arith.addi %add3A_1694, %add3A_1695 : i32
    %add3A_1697 = arith.constant 131072 : i32
    %add3A_1698 = arith.addi %add3A_1694, %add3A_1697 : i32
    %add3A_1699 = arith.constant 262144 : i32
    %add3A_1700 = arith.addi %add3A_1694, %add3A_1699 : i32
    %add3A_1701 = arith.constant 393216 : i32
    %add3A_1702 = arith.addi %add3A_1694, %add3A_1701 : i32
    %dma_wait3A_1703 = arith.constant 0 : i32
    %dma_wait3A_1704 = tpu.memref_slice %arg14[%dma_wait3A_1703] : memref<4096xf32, #tpu.memory_space<vmem>> -> memref<1024xf32, #tpu.memory_space<vmem>>
    %dma_wait3A_1705 = tpu.memref_slice %arg4[%add3A_1696] : memref<13631488xf32, #tpu.memory_space<hbm>> -> memref<1024xf32, #tpu.memory_space<hbm>>
    %dma_wait3A_1706 = tpu.memref_slice %arg4[%add3A_1696] : memref<13631488xf32, #tpu.memory_space<hbm>> -> memref<1024xf32, #tpu.memory_space<hbm>>
    %dma_wait3A_1707 = arith.constant 0 : i32
    %dma_wait3A_1708 = tpu.memref_slice %arg14[%dma_wait3A_1707] : memref<4096xf32, #tpu.memory_space<vmem>> -> memref<1024xf32, #tpu.memory_space<vmem>>
    tpu.wait_dma2 semaphore(%arg30 : memref<!tpu.dma_semaphore, #tpu.memory_space<semaphore_mem>>) src(%dma_wait3A_1708 : memref<1024xf32, #tpu.memory_space<vmem>>) dst(%dma_wait3A_1706 : memref<1024xf32, #tpu.memory_space<hbm>>)
    %dma_wait3A_1709 = arith.constant 1024 : i32
    %dma_wait3A_1710 = tpu.memref_slice %arg14[%dma_wait3A_1709] : memref<4096xf32, #tpu.memory_space<vmem>> -> memref<1024xf32, #tpu.memory_space<vmem>>
    %dma_wait3A_1711 = tpu.memref_slice %arg4[%add3A_1698] : memref<13631488xf32, #tpu.memory_space<hbm>> -> memref<1024xf32, #tpu.memory_space<hbm>>
    %dma_wait3A_1712 = tpu.memref_slice %arg4[%add3A_1698] : memref<13631488xf32, #tpu.memory_space<hbm>> -> memref<1024xf32, #tpu.memory_space<hbm>>
    %dma_wait3A_1713 = arith.constant 1024 : i32
    %dma_wait3A_1714 = tpu.memref_slice %arg14[%dma_wait3A_1713] : memref<4096xf32, #tpu.memory_space<vmem>> -> memref<1024xf32, #tpu.memory_space<vmem>>
    tpu.wait_dma2 semaphore(%arg30 : memref<!tpu.dma_semaphore, #tpu.memory_space<semaphore_mem>>) src(%dma_wait3A_1714 : memref<1024xf32, #tpu.memory_space<vmem>>) dst(%dma_wait3A_1712 : memref<1024xf32, #tpu.memory_space<hbm>>)
    %dma_wait3A_1715 = arith.constant 2048 : i32
    %dma_wait3A_1716 = tpu.memref_slice %arg14[%dma_wait3A_1715] : memref<4096xf32, #tpu.memory_space<vmem>> -> memref<1024xf32, #tpu.memory_space<vmem>>
    %dma_wait3A_1717 = tpu.memref_slice %arg4[%add3A_1700] : memref<13631488xf32, #tpu.memory_space<hbm>> -> memref<1024xf32, #tpu.memory_space<hbm>>
    %dma_wait3A_1718 = tpu.memref_slice %arg4[%add3A_1700] : memref<13631488xf32, #tpu.memory_space<hbm>> -> memref<1024xf32, #tpu.memory_space<hbm>>
    %dma_wait3A_1719 = arith.constant 2048 : i32
    %dma_wait3A_1720 = tpu.memref_slice %arg14[%dma_wait3A_1719] : memref<4096xf32, #tpu.memory_space<vmem>> -> memref<1024xf32, #tpu.memory_space<vmem>>
    tpu.wait_dma2 semaphore(%arg30 : memref<!tpu.dma_semaphore, #tpu.memory_space<semaphore_mem>>) src(%dma_wait3A_1720 : memref<1024xf32, #tpu.memory_space<vmem>>) dst(%dma_wait3A_1718 : memref<1024xf32, #tpu.memory_space<hbm>>)
    %dma_wait3A_1721 = arith.constant 3072 : i32
    %dma_wait3A_1722 = tpu.memref_slice %arg14[%dma_wait3A_1721] : memref<4096xf32, #tpu.memory_space<vmem>> -> memref<1024xf32, #tpu.memory_space<vmem>>
    %dma_wait3A_1723 = tpu.memref_slice %arg4[%add3A_1702] : memref<13631488xf32, #tpu.memory_space<hbm>> -> memref<1024xf32, #tpu.memory_space<hbm>>
    %dma_wait3A_1724 = tpu.memref_slice %arg4[%add3A_1702] : memref<13631488xf32, #tpu.memory_space<hbm>> -> memref<1024xf32, #tpu.memory_space<hbm>>
    %dma_wait3A_1725 = arith.constant 3072 : i32
    %dma_wait3A_1726 = tpu.memref_slice %arg14[%dma_wait3A_1725] : memref<4096xf32, #tpu.memory_space<vmem>> -> memref<1024xf32, #tpu.memory_space<vmem>>
    tpu.wait_dma2 semaphore(%arg30 : memref<!tpu.dma_semaphore, #tpu.memory_space<semaphore_mem>>) src(%dma_wait3A_1726 : memref<1024xf32, #tpu.memory_space<vmem>>) dst(%dma_wait3A_1724 : memref<1024xf32, #tpu.memory_space<hbm>>)
    %add3A_1727 = arith.constant 1 : i32
    %add3A_1728 = arith.addi %mul3A_2, %add3A_1727 : i32
    %mul3A_1729 = arith.constant 1024 : i32
    %mul3A_1730 = arith.muli %add3A_1728, %mul3A_1729 : i32
    %add3A_1731 = arith.constant 12582912 : i32
    %add3A_1732 = arith.addi %add3A_1731, %mul3A_1730 : i32
    %add3A_1733 = arith.constant 0 : i32
    %add3A_1734 = arith.addi %add3A_1732, %add3A_1733 : i32
    %add3A_1735 = arith.constant 131072 : i32
    %add3A_1736 = arith.addi %add3A_1732, %add3A_1735 : i32
    %add3A_1737 = arith.constant 262144 : i32
    %add3A_1738 = arith.addi %add3A_1732, %add3A_1737 : i32
    %add3A_1739 = arith.constant 393216 : i32
    %add3A_1740 = arith.addi %add3A_1732, %add3A_1739 : i32
    %dma_wait3A_1741 = arith.constant 0 : i32
    %dma_wait3A_1742 = tpu.memref_slice %arg15[%dma_wait3A_1741] : memref<4096xf32, #tpu.memory_space<vmem>> -> memref<1024xf32, #tpu.memory_space<vmem>>
    %dma_wait3A_1743 = tpu.memref_slice %arg4[%add3A_1734] : memref<13631488xf32, #tpu.memory_space<hbm>> -> memref<1024xf32, #tpu.memory_space<hbm>>
    %dma_wait3A_1744 = tpu.memref_slice %arg4[%add3A_1734] : memref<13631488xf32, #tpu.memory_space<hbm>> -> memref<1024xf32, #tpu.memory_space<hbm>>
    %dma_wait3A_1745 = arith.constant 0 : i32
    %dma_wait3A_1746 = tpu.memref_slice %arg15[%dma_wait3A_1745] : memref<4096xf32, #tpu.memory_space<vmem>> -> memref<1024xf32, #tpu.memory_space<vmem>>
    tpu.wait_dma2 semaphore(%arg31 : memref<!tpu.dma_semaphore, #tpu.memory_space<semaphore_mem>>) src(%dma_wait3A_1746 : memref<1024xf32, #tpu.memory_space<vmem>>) dst(%dma_wait3A_1744 : memref<1024xf32, #tpu.memory_space<hbm>>)
    %dma_wait3A_1747 = arith.constant 1024 : i32
    %dma_wait3A_1748 = tpu.memref_slice %arg15[%dma_wait3A_1747] : memref<4096xf32, #tpu.memory_space<vmem>> -> memref<1024xf32, #tpu.memory_space<vmem>>
    %dma_wait3A_1749 = tpu.memref_slice %arg4[%add3A_1736] : memref<13631488xf32, #tpu.memory_space<hbm>> -> memref<1024xf32, #tpu.memory_space<hbm>>
    %dma_wait3A_1750 = tpu.memref_slice %arg4[%add3A_1736] : memref<13631488xf32, #tpu.memory_space<hbm>> -> memref<1024xf32, #tpu.memory_space<hbm>>
    %dma_wait3A_1751 = arith.constant 1024 : i32
    %dma_wait3A_1752 = tpu.memref_slice %arg15[%dma_wait3A_1751] : memref<4096xf32, #tpu.memory_space<vmem>> -> memref<1024xf32, #tpu.memory_space<vmem>>
    tpu.wait_dma2 semaphore(%arg31 : memref<!tpu.dma_semaphore, #tpu.memory_space<semaphore_mem>>) src(%dma_wait3A_1752 : memref<1024xf32, #tpu.memory_space<vmem>>) dst(%dma_wait3A_1750 : memref<1024xf32, #tpu.memory_space<hbm>>)
    %dma_wait3A_1753 = arith.constant 2048 : i32
    %dma_wait3A_1754 = tpu.memref_slice %arg15[%dma_wait3A_1753] : memref<4096xf32, #tpu.memory_space<vmem>> -> memref<1024xf32, #tpu.memory_space<vmem>>
    %dma_wait3A_1755 = tpu.memref_slice %arg4[%add3A_1738] : memref<13631488xf32, #tpu.memory_space<hbm>> -> memref<1024xf32, #tpu.memory_space<hbm>>
    %dma_wait3A_1756 = tpu.memref_slice %arg4[%add3A_1738] : memref<13631488xf32, #tpu.memory_space<hbm>> -> memref<1024xf32, #tpu.memory_space<hbm>>
    %dma_wait3A_1757 = arith.constant 2048 : i32
    %dma_wait3A_1758 = tpu.memref_slice %arg15[%dma_wait3A_1757] : memref<4096xf32, #tpu.memory_space<vmem>> -> memref<1024xf32, #tpu.memory_space<vmem>>
    tpu.wait_dma2 semaphore(%arg31 : memref<!tpu.dma_semaphore, #tpu.memory_space<semaphore_mem>>) src(%dma_wait3A_1758 : memref<1024xf32, #tpu.memory_space<vmem>>) dst(%dma_wait3A_1756 : memref<1024xf32, #tpu.memory_space<hbm>>)
    %dma_wait3A_1759 = arith.constant 3072 : i32
    %dma_wait3A_1760 = tpu.memref_slice %arg15[%dma_wait3A_1759] : memref<4096xf32, #tpu.memory_space<vmem>> -> memref<1024xf32, #tpu.memory_space<vmem>>
    %dma_wait3A_1761 = tpu.memref_slice %arg4[%add3A_1740] : memref<13631488xf32, #tpu.memory_space<hbm>> -> memref<1024xf32, #tpu.memory_space<hbm>>
    %dma_wait3A_1762 = tpu.memref_slice %arg4[%add3A_1740] : memref<13631488xf32, #tpu.memory_space<hbm>> -> memref<1024xf32, #tpu.memory_space<hbm>>
    %dma_wait3A_1763 = arith.constant 3072 : i32
    %dma_wait3A_1764 = tpu.memref_slice %arg15[%dma_wait3A_1763] : memref<4096xf32, #tpu.memory_space<vmem>> -> memref<1024xf32, #tpu.memory_space<vmem>>
    tpu.wait_dma2 semaphore(%arg31 : memref<!tpu.dma_semaphore, #tpu.memory_space<semaphore_mem>>) src(%dma_wait3A_1764 : memref<1024xf32, #tpu.memory_space<vmem>>) dst(%dma_wait3A_1762 : memref<1024xf32, #tpu.memory_space<hbm>>)
    %add3A_1765 = arith.constant 2 : i32
    %add3A_1766 = arith.addi %mul3A_2, %add3A_1765 : i32
    %mul3A_1767 = arith.constant 1024 : i32
    %mul3A_1768 = arith.muli %add3A_1766, %mul3A_1767 : i32
    %add3A_1769 = arith.constant 12582912 : i32
    %add3A_1770 = arith.addi %add3A_1769, %mul3A_1768 : i32
    %add3A_1771 = arith.constant 0 : i32
    %add3A_1772 = arith.addi %add3A_1770, %add3A_1771 : i32
    %add3A_1773 = arith.constant 131072 : i32
    %add3A_1774 = arith.addi %add3A_1770, %add3A_1773 : i32
    %add3A_1775 = arith.constant 262144 : i32
    %add3A_1776 = arith.addi %add3A_1770, %add3A_1775 : i32
    %add3A_1777 = arith.constant 393216 : i32
    %add3A_1778 = arith.addi %add3A_1770, %add3A_1777 : i32
    %dma_wait3A_1779 = arith.constant 0 : i32
    %dma_wait3A_1780 = tpu.memref_slice %arg16[%dma_wait3A_1779] : memref<4096xf32, #tpu.memory_space<vmem>> -> memref<1024xf32, #tpu.memory_space<vmem>>
    %dma_wait3A_1781 = tpu.memref_slice %arg4[%add3A_1772] : memref<13631488xf32, #tpu.memory_space<hbm>> -> memref<1024xf32, #tpu.memory_space<hbm>>
    %dma_wait3A_1782 = tpu.memref_slice %arg4[%add3A_1772] : memref<13631488xf32, #tpu.memory_space<hbm>> -> memref<1024xf32, #tpu.memory_space<hbm>>
    %dma_wait3A_1783 = arith.constant 0 : i32
    %dma_wait3A_1784 = tpu.memref_slice %arg16[%dma_wait3A_1783] : memref<4096xf32, #tpu.memory_space<vmem>> -> memref<1024xf32, #tpu.memory_space<vmem>>
    tpu.wait_dma2 semaphore(%arg32 : memref<!tpu.dma_semaphore, #tpu.memory_space<semaphore_mem>>) src(%dma_wait3A_1784 : memref<1024xf32, #tpu.memory_space<vmem>>) dst(%dma_wait3A_1782 : memref<1024xf32, #tpu.memory_space<hbm>>)
    %dma_wait3A_1785 = arith.constant 1024 : i32
    %dma_wait3A_1786 = tpu.memref_slice %arg16[%dma_wait3A_1785] : memref<4096xf32, #tpu.memory_space<vmem>> -> memref<1024xf32, #tpu.memory_space<vmem>>
    %dma_wait3A_1787 = tpu.memref_slice %arg4[%add3A_1774] : memref<13631488xf32, #tpu.memory_space<hbm>> -> memref<1024xf32, #tpu.memory_space<hbm>>
    %dma_wait3A_1788 = tpu.memref_slice %arg4[%add3A_1774] : memref<13631488xf32, #tpu.memory_space<hbm>> -> memref<1024xf32, #tpu.memory_space<hbm>>
    %dma_wait3A_1789 = arith.constant 1024 : i32
    %dma_wait3A_1790 = tpu.memref_slice %arg16[%dma_wait3A_1789] : memref<4096xf32, #tpu.memory_space<vmem>> -> memref<1024xf32, #tpu.memory_space<vmem>>
    tpu.wait_dma2 semaphore(%arg32 : memref<!tpu.dma_semaphore, #tpu.memory_space<semaphore_mem>>) src(%dma_wait3A_1790 : memref<1024xf32, #tpu.memory_space<vmem>>) dst(%dma_wait3A_1788 : memref<1024xf32, #tpu.memory_space<hbm>>)
    %dma_wait3A_1791 = arith.constant 2048 : i32
    %dma_wait3A_1792 = tpu.memref_slice %arg16[%dma_wait3A_1791] : memref<4096xf32, #tpu.memory_space<vmem>> -> memref<1024xf32, #tpu.memory_space<vmem>>
    %dma_wait3A_1793 = tpu.memref_slice %arg4[%add3A_1776] : memref<13631488xf32, #tpu.memory_space<hbm>> -> memref<1024xf32, #tpu.memory_space<hbm>>
    %dma_wait3A_1794 = tpu.memref_slice %arg4[%add3A_1776] : memref<13631488xf32, #tpu.memory_space<hbm>> -> memref<1024xf32, #tpu.memory_space<hbm>>
    %dma_wait3A_1795 = arith.constant 2048 : i32
    %dma_wait3A_1796 = tpu.memref_slice %arg16[%dma_wait3A_1795] : memref<4096xf32, #tpu.memory_space<vmem>> -> memref<1024xf32, #tpu.memory_space<vmem>>
    tpu.wait_dma2 semaphore(%arg32 : memref<!tpu.dma_semaphore, #tpu.memory_space<semaphore_mem>>) src(%dma_wait3A_1796 : memref<1024xf32, #tpu.memory_space<vmem>>) dst(%dma_wait3A_1794 : memref<1024xf32, #tpu.memory_space<hbm>>)
    %dma_wait3A_1797 = arith.constant 3072 : i32
    %dma_wait3A_1798 = tpu.memref_slice %arg16[%dma_wait3A_1797] : memref<4096xf32, #tpu.memory_space<vmem>> -> memref<1024xf32, #tpu.memory_space<vmem>>
    %dma_wait3A_1799 = tpu.memref_slice %arg4[%add3A_1778] : memref<13631488xf32, #tpu.memory_space<hbm>> -> memref<1024xf32, #tpu.memory_space<hbm>>
    %dma_wait3A_1800 = tpu.memref_slice %arg4[%add3A_1778] : memref<13631488xf32, #tpu.memory_space<hbm>> -> memref<1024xf32, #tpu.memory_space<hbm>>
    %dma_wait3A_1801 = arith.constant 3072 : i32
    %dma_wait3A_1802 = tpu.memref_slice %arg16[%dma_wait3A_1801] : memref<4096xf32, #tpu.memory_space<vmem>> -> memref<1024xf32, #tpu.memory_space<vmem>>
    tpu.wait_dma2 semaphore(%arg32 : memref<!tpu.dma_semaphore, #tpu.memory_space<semaphore_mem>>) src(%dma_wait3A_1802 : memref<1024xf32, #tpu.memory_space<vmem>>) dst(%dma_wait3A_1800 : memref<1024xf32, #tpu.memory_space<hbm>>)
    %add3A_1803 = arith.constant 3 : i32
    %add3A_1804 = arith.addi %mul3A_2, %add3A_1803 : i32
    %mul3A_1805 = arith.constant 1024 : i32
    %mul3A_1806 = arith.muli %add3A_1804, %mul3A_1805 : i32
    %add3A_1807 = arith.constant 12582912 : i32
    %add3A_1808 = arith.addi %add3A_1807, %mul3A_1806 : i32
    %add3A_1809 = arith.constant 0 : i32
    %add3A_1810 = arith.addi %add3A_1808, %add3A_1809 : i32
    %add3A_1811 = arith.constant 131072 : i32
    %add3A_1812 = arith.addi %add3A_1808, %add3A_1811 : i32
    %add3A_1813 = arith.constant 262144 : i32
    %add3A_1814 = arith.addi %add3A_1808, %add3A_1813 : i32
    %add3A_1815 = arith.constant 393216 : i32
    %add3A_1816 = arith.addi %add3A_1808, %add3A_1815 : i32
    %dma_wait3A_1817 = arith.constant 0 : i32
    %dma_wait3A_1818 = tpu.memref_slice %arg17[%dma_wait3A_1817] : memref<4096xf32, #tpu.memory_space<vmem>> -> memref<1024xf32, #tpu.memory_space<vmem>>
    %dma_wait3A_1819 = tpu.memref_slice %arg4[%add3A_1810] : memref<13631488xf32, #tpu.memory_space<hbm>> -> memref<1024xf32, #tpu.memory_space<hbm>>
    %dma_wait3A_1820 = tpu.memref_slice %arg4[%add3A_1810] : memref<13631488xf32, #tpu.memory_space<hbm>> -> memref<1024xf32, #tpu.memory_space<hbm>>
    %dma_wait3A_1821 = arith.constant 0 : i32
    %dma_wait3A_1822 = tpu.memref_slice %arg17[%dma_wait3A_1821] : memref<4096xf32, #tpu.memory_space<vmem>> -> memref<1024xf32, #tpu.memory_space<vmem>>
    tpu.wait_dma2 semaphore(%arg33 : memref<!tpu.dma_semaphore, #tpu.memory_space<semaphore_mem>>) src(%dma_wait3A_1822 : memref<1024xf32, #tpu.memory_space<vmem>>) dst(%dma_wait3A_1820 : memref<1024xf32, #tpu.memory_space<hbm>>)
    %dma_wait3A_1823 = arith.constant 1024 : i32
    %dma_wait3A_1824 = tpu.memref_slice %arg17[%dma_wait3A_1823] : memref<4096xf32, #tpu.memory_space<vmem>> -> memref<1024xf32, #tpu.memory_space<vmem>>
    %dma_wait3A_1825 = tpu.memref_slice %arg4[%add3A_1812] : memref<13631488xf32, #tpu.memory_space<hbm>> -> memref<1024xf32, #tpu.memory_space<hbm>>
    %dma_wait3A_1826 = tpu.memref_slice %arg4[%add3A_1812] : memref<13631488xf32, #tpu.memory_space<hbm>> -> memref<1024xf32, #tpu.memory_space<hbm>>
    %dma_wait3A_1827 = arith.constant 1024 : i32
    %dma_wait3A_1828 = tpu.memref_slice %arg17[%dma_wait3A_1827] : memref<4096xf32, #tpu.memory_space<vmem>> -> memref<1024xf32, #tpu.memory_space<vmem>>
    tpu.wait_dma2 semaphore(%arg33 : memref<!tpu.dma_semaphore, #tpu.memory_space<semaphore_mem>>) src(%dma_wait3A_1828 : memref<1024xf32, #tpu.memory_space<vmem>>) dst(%dma_wait3A_1826 : memref<1024xf32, #tpu.memory_space<hbm>>)
    %dma_wait3A_1829 = arith.constant 2048 : i32
    %dma_wait3A_1830 = tpu.memref_slice %arg17[%dma_wait3A_1829] : memref<4096xf32, #tpu.memory_space<vmem>> -> memref<1024xf32, #tpu.memory_space<vmem>>
    %dma_wait3A_1831 = tpu.memref_slice %arg4[%add3A_1814] : memref<13631488xf32, #tpu.memory_space<hbm>> -> memref<1024xf32, #tpu.memory_space<hbm>>
    %dma_wait3A_1832 = tpu.memref_slice %arg4[%add3A_1814] : memref<13631488xf32, #tpu.memory_space<hbm>> -> memref<1024xf32, #tpu.memory_space<hbm>>
    %dma_wait3A_1833 = arith.constant 2048 : i32
    %dma_wait3A_1834 = tpu.memref_slice %arg17[%dma_wait3A_1833] : memref<4096xf32, #tpu.memory_space<vmem>> -> memref<1024xf32, #tpu.memory_space<vmem>>
    tpu.wait_dma2 semaphore(%arg33 : memref<!tpu.dma_semaphore, #tpu.memory_space<semaphore_mem>>) src(%dma_wait3A_1834 : memref<1024xf32, #tpu.memory_space<vmem>>) dst(%dma_wait3A_1832 : memref<1024xf32, #tpu.memory_space<hbm>>)
    %dma_wait3A_1835 = arith.constant 3072 : i32
    %dma_wait3A_1836 = tpu.memref_slice %arg17[%dma_wait3A_1835] : memref<4096xf32, #tpu.memory_space<vmem>> -> memref<1024xf32, #tpu.memory_space<vmem>>
    %dma_wait3A_1837 = tpu.memref_slice %arg4[%add3A_1816] : memref<13631488xf32, #tpu.memory_space<hbm>> -> memref<1024xf32, #tpu.memory_space<hbm>>
    %dma_wait3A_1838 = tpu.memref_slice %arg4[%add3A_1816] : memref<13631488xf32, #tpu.memory_space<hbm>> -> memref<1024xf32, #tpu.memory_space<hbm>>
    %dma_wait3A_1839 = arith.constant 3072 : i32
    %dma_wait3A_1840 = tpu.memref_slice %arg17[%dma_wait3A_1839] : memref<4096xf32, #tpu.memory_space<vmem>> -> memref<1024xf32, #tpu.memory_space<vmem>>
    tpu.wait_dma2 semaphore(%arg33 : memref<!tpu.dma_semaphore, #tpu.memory_space<semaphore_mem>>) src(%dma_wait3A_1840 : memref<1024xf32, #tpu.memory_space<vmem>>) dst(%dma_wait3A_1838 : memref<1024xf32, #tpu.memory_space<hbm>>)
    %add3A_1841 = arith.constant 0 : i32
    %add3A_1842 = arith.addi %mul3A_2, %add3A_1841 : i32
    %mul3A_1843 = arith.constant 1024 : i32
    %mul3A_1844 = arith.muli %add3A_1842, %mul3A_1843 : i32
    %add3A_1845 = arith.constant 13107200 : i32
    %add3A_1846 = arith.addi %add3A_1845, %mul3A_1844 : i32
    %add3A_1847 = arith.constant 0 : i32
    %add3A_1848 = arith.addi %add3A_1846, %add3A_1847 : i32
    %add3A_1849 = arith.constant 131072 : i32
    %add3A_1850 = arith.addi %add3A_1846, %add3A_1849 : i32
    %add3A_1851 = arith.constant 262144 : i32
    %add3A_1852 = arith.addi %add3A_1846, %add3A_1851 : i32
    %add3A_1853 = arith.constant 393216 : i32
    %add3A_1854 = arith.addi %add3A_1846, %add3A_1853 : i32
    %dma_wait3A_1855 = arith.constant 0 : i32
    %dma_wait3A_1856 = tpu.memref_slice %arg18[%dma_wait3A_1855] : memref<4096xf32, #tpu.memory_space<vmem>> -> memref<1024xf32, #tpu.memory_space<vmem>>
    %dma_wait3A_1857 = tpu.memref_slice %arg4[%add3A_1848] : memref<13631488xf32, #tpu.memory_space<hbm>> -> memref<1024xf32, #tpu.memory_space<hbm>>
    %dma_wait3A_1858 = tpu.memref_slice %arg4[%add3A_1848] : memref<13631488xf32, #tpu.memory_space<hbm>> -> memref<1024xf32, #tpu.memory_space<hbm>>
    %dma_wait3A_1859 = arith.constant 0 : i32
    %dma_wait3A_1860 = tpu.memref_slice %arg18[%dma_wait3A_1859] : memref<4096xf32, #tpu.memory_space<vmem>> -> memref<1024xf32, #tpu.memory_space<vmem>>
    tpu.wait_dma2 semaphore(%arg34 : memref<!tpu.dma_semaphore, #tpu.memory_space<semaphore_mem>>) src(%dma_wait3A_1860 : memref<1024xf32, #tpu.memory_space<vmem>>) dst(%dma_wait3A_1858 : memref<1024xf32, #tpu.memory_space<hbm>>)
    %dma_wait3A_1861 = arith.constant 1024 : i32
    %dma_wait3A_1862 = tpu.memref_slice %arg18[%dma_wait3A_1861] : memref<4096xf32, #tpu.memory_space<vmem>> -> memref<1024xf32, #tpu.memory_space<vmem>>
    %dma_wait3A_1863 = tpu.memref_slice %arg4[%add3A_1850] : memref<13631488xf32, #tpu.memory_space<hbm>> -> memref<1024xf32, #tpu.memory_space<hbm>>
    %dma_wait3A_1864 = tpu.memref_slice %arg4[%add3A_1850] : memref<13631488xf32, #tpu.memory_space<hbm>> -> memref<1024xf32, #tpu.memory_space<hbm>>
    %dma_wait3A_1865 = arith.constant 1024 : i32
    %dma_wait3A_1866 = tpu.memref_slice %arg18[%dma_wait3A_1865] : memref<4096xf32, #tpu.memory_space<vmem>> -> memref<1024xf32, #tpu.memory_space<vmem>>
    tpu.wait_dma2 semaphore(%arg34 : memref<!tpu.dma_semaphore, #tpu.memory_space<semaphore_mem>>) src(%dma_wait3A_1866 : memref<1024xf32, #tpu.memory_space<vmem>>) dst(%dma_wait3A_1864 : memref<1024xf32, #tpu.memory_space<hbm>>)
    %dma_wait3A_1867 = arith.constant 2048 : i32
    %dma_wait3A_1868 = tpu.memref_slice %arg18[%dma_wait3A_1867] : memref<4096xf32, #tpu.memory_space<vmem>> -> memref<1024xf32, #tpu.memory_space<vmem>>
    %dma_wait3A_1869 = tpu.memref_slice %arg4[%add3A_1852] : memref<13631488xf32, #tpu.memory_space<hbm>> -> memref<1024xf32, #tpu.memory_space<hbm>>
    %dma_wait3A_1870 = tpu.memref_slice %arg4[%add3A_1852] : memref<13631488xf32, #tpu.memory_space<hbm>> -> memref<1024xf32, #tpu.memory_space<hbm>>
    %dma_wait3A_1871 = arith.constant 2048 : i32
    %dma_wait3A_1872 = tpu.memref_slice %arg18[%dma_wait3A_1871] : memref<4096xf32, #tpu.memory_space<vmem>> -> memref<1024xf32, #tpu.memory_space<vmem>>
    tpu.wait_dma2 semaphore(%arg34 : memref<!tpu.dma_semaphore, #tpu.memory_space<semaphore_mem>>) src(%dma_wait3A_1872 : memref<1024xf32, #tpu.memory_space<vmem>>) dst(%dma_wait3A_1870 : memref<1024xf32, #tpu.memory_space<hbm>>)
    %dma_wait3A_1873 = arith.constant 3072 : i32
    %dma_wait3A_1874 = tpu.memref_slice %arg18[%dma_wait3A_1873] : memref<4096xf32, #tpu.memory_space<vmem>> -> memref<1024xf32, #tpu.memory_space<vmem>>
    %dma_wait3A_1875 = tpu.memref_slice %arg4[%add3A_1854] : memref<13631488xf32, #tpu.memory_space<hbm>> -> memref<1024xf32, #tpu.memory_space<hbm>>
    %dma_wait3A_1876 = tpu.memref_slice %arg4[%add3A_1854] : memref<13631488xf32, #tpu.memory_space<hbm>> -> memref<1024xf32, #tpu.memory_space<hbm>>
    %dma_wait3A_1877 = arith.constant 3072 : i32
    %dma_wait3A_1878 = tpu.memref_slice %arg18[%dma_wait3A_1877] : memref<4096xf32, #tpu.memory_space<vmem>> -> memref<1024xf32, #tpu.memory_space<vmem>>
    tpu.wait_dma2 semaphore(%arg34 : memref<!tpu.dma_semaphore, #tpu.memory_space<semaphore_mem>>) src(%dma_wait3A_1878 : memref<1024xf32, #tpu.memory_space<vmem>>) dst(%dma_wait3A_1876 : memref<1024xf32, #tpu.memory_space<hbm>>)
    %add3A_1879 = arith.constant 1 : i32
    %add3A_1880 = arith.addi %mul3A_2, %add3A_1879 : i32
    %mul3A_1881 = arith.constant 1024 : i32
    %mul3A_1882 = arith.muli %add3A_1880, %mul3A_1881 : i32
    %add3A_1883 = arith.constant 13107200 : i32
    %add3A_1884 = arith.addi %add3A_1883, %mul3A_1882 : i32
    %add3A_1885 = arith.constant 0 : i32
    %add3A_1886 = arith.addi %add3A_1884, %add3A_1885 : i32
    %add3A_1887 = arith.constant 131072 : i32
    %add3A_1888 = arith.addi %add3A_1884, %add3A_1887 : i32
    %add3A_1889 = arith.constant 262144 : i32
    %add3A_1890 = arith.addi %add3A_1884, %add3A_1889 : i32
    %add3A_1891 = arith.constant 393216 : i32
    %add3A_1892 = arith.addi %add3A_1884, %add3A_1891 : i32
    %dma_wait3A_1893 = arith.constant 0 : i32
    %dma_wait3A_1894 = tpu.memref_slice %arg19[%dma_wait3A_1893] : memref<4096xf32, #tpu.memory_space<vmem>> -> memref<1024xf32, #tpu.memory_space<vmem>>
    %dma_wait3A_1895 = tpu.memref_slice %arg4[%add3A_1886] : memref<13631488xf32, #tpu.memory_space<hbm>> -> memref<1024xf32, #tpu.memory_space<hbm>>
    %dma_wait3A_1896 = tpu.memref_slice %arg4[%add3A_1886] : memref<13631488xf32, #tpu.memory_space<hbm>> -> memref<1024xf32, #tpu.memory_space<hbm>>
    %dma_wait3A_1897 = arith.constant 0 : i32
    %dma_wait3A_1898 = tpu.memref_slice %arg19[%dma_wait3A_1897] : memref<4096xf32, #tpu.memory_space<vmem>> -> memref<1024xf32, #tpu.memory_space<vmem>>
    tpu.wait_dma2 semaphore(%arg35 : memref<!tpu.dma_semaphore, #tpu.memory_space<semaphore_mem>>) src(%dma_wait3A_1898 : memref<1024xf32, #tpu.memory_space<vmem>>) dst(%dma_wait3A_1896 : memref<1024xf32, #tpu.memory_space<hbm>>)
    %dma_wait3A_1899 = arith.constant 1024 : i32
    %dma_wait3A_1900 = tpu.memref_slice %arg19[%dma_wait3A_1899] : memref<4096xf32, #tpu.memory_space<vmem>> -> memref<1024xf32, #tpu.memory_space<vmem>>
    %dma_wait3A_1901 = tpu.memref_slice %arg4[%add3A_1888] : memref<13631488xf32, #tpu.memory_space<hbm>> -> memref<1024xf32, #tpu.memory_space<hbm>>
    %dma_wait3A_1902 = tpu.memref_slice %arg4[%add3A_1888] : memref<13631488xf32, #tpu.memory_space<hbm>> -> memref<1024xf32, #tpu.memory_space<hbm>>
    %dma_wait3A_1903 = arith.constant 1024 : i32
    %dma_wait3A_1904 = tpu.memref_slice %arg19[%dma_wait3A_1903] : memref<4096xf32, #tpu.memory_space<vmem>> -> memref<1024xf32, #tpu.memory_space<vmem>>
    tpu.wait_dma2 semaphore(%arg35 : memref<!tpu.dma_semaphore, #tpu.memory_space<semaphore_mem>>) src(%dma_wait3A_1904 : memref<1024xf32, #tpu.memory_space<vmem>>) dst(%dma_wait3A_1902 : memref<1024xf32, #tpu.memory_space<hbm>>)
    %dma_wait3A_1905 = arith.constant 2048 : i32
    %dma_wait3A_1906 = tpu.memref_slice %arg19[%dma_wait3A_1905] : memref<4096xf32, #tpu.memory_space<vmem>> -> memref<1024xf32, #tpu.memory_space<vmem>>
    %dma_wait3A_1907 = tpu.memref_slice %arg4[%add3A_1890] : memref<13631488xf32, #tpu.memory_space<hbm>> -> memref<1024xf32, #tpu.memory_space<hbm>>
    %dma_wait3A_1908 = tpu.memref_slice %arg4[%add3A_1890] : memref<13631488xf32, #tpu.memory_space<hbm>> -> memref<1024xf32, #tpu.memory_space<hbm>>
    %dma_wait3A_1909 = arith.constant 2048 : i32
    %dma_wait3A_1910 = tpu.memref_slice %arg19[%dma_wait3A_1909] : memref<4096xf32, #tpu.memory_space<vmem>> -> memref<1024xf32, #tpu.memory_space<vmem>>
    tpu.wait_dma2 semaphore(%arg35 : memref<!tpu.dma_semaphore, #tpu.memory_space<semaphore_mem>>) src(%dma_wait3A_1910 : memref<1024xf32, #tpu.memory_space<vmem>>) dst(%dma_wait3A_1908 : memref<1024xf32, #tpu.memory_space<hbm>>)
    %dma_wait3A_1911 = arith.constant 3072 : i32
    %dma_wait3A_1912 = tpu.memref_slice %arg19[%dma_wait3A_1911] : memref<4096xf32, #tpu.memory_space<vmem>> -> memref<1024xf32, #tpu.memory_space<vmem>>
    %dma_wait3A_1913 = tpu.memref_slice %arg4[%add3A_1892] : memref<13631488xf32, #tpu.memory_space<hbm>> -> memref<1024xf32, #tpu.memory_space<hbm>>
    %dma_wait3A_1914 = tpu.memref_slice %arg4[%add3A_1892] : memref<13631488xf32, #tpu.memory_space<hbm>> -> memref<1024xf32, #tpu.memory_space<hbm>>
    %dma_wait3A_1915 = arith.constant 3072 : i32
    %dma_wait3A_1916 = tpu.memref_slice %arg19[%dma_wait3A_1915] : memref<4096xf32, #tpu.memory_space<vmem>> -> memref<1024xf32, #tpu.memory_space<vmem>>
    tpu.wait_dma2 semaphore(%arg35 : memref<!tpu.dma_semaphore, #tpu.memory_space<semaphore_mem>>) src(%dma_wait3A_1916 : memref<1024xf32, #tpu.memory_space<vmem>>) dst(%dma_wait3A_1914 : memref<1024xf32, #tpu.memory_space<hbm>>)
    %add3A_1917 = arith.constant 2 : i32
    %add3A_1918 = arith.addi %mul3A_2, %add3A_1917 : i32
    %mul3A_1919 = arith.constant 1024 : i32
    %mul3A_1920 = arith.muli %add3A_1918, %mul3A_1919 : i32
    %add3A_1921 = arith.constant 13107200 : i32
    %add3A_1922 = arith.addi %add3A_1921, %mul3A_1920 : i32
    %add3A_1923 = arith.constant 0 : i32
    %add3A_1924 = arith.addi %add3A_1922, %add3A_1923 : i32
    %add3A_1925 = arith.constant 131072 : i32
    %add3A_1926 = arith.addi %add3A_1922, %add3A_1925 : i32
    %add3A_1927 = arith.constant 262144 : i32
    %add3A_1928 = arith.addi %add3A_1922, %add3A_1927 : i32
    %add3A_1929 = arith.constant 393216 : i32
    %add3A_1930 = arith.addi %add3A_1922, %add3A_1929 : i32
    %dma_wait3A_1931 = arith.constant 0 : i32
    %dma_wait3A_1932 = tpu.memref_slice %arg20[%dma_wait3A_1931] : memref<4096xf32, #tpu.memory_space<vmem>> -> memref<1024xf32, #tpu.memory_space<vmem>>
    %dma_wait3A_1933 = tpu.memref_slice %arg4[%add3A_1924] : memref<13631488xf32, #tpu.memory_space<hbm>> -> memref<1024xf32, #tpu.memory_space<hbm>>
    %dma_wait3A_1934 = tpu.memref_slice %arg4[%add3A_1924] : memref<13631488xf32, #tpu.memory_space<hbm>> -> memref<1024xf32, #tpu.memory_space<hbm>>
    %dma_wait3A_1935 = arith.constant 0 : i32
    %dma_wait3A_1936 = tpu.memref_slice %arg20[%dma_wait3A_1935] : memref<4096xf32, #tpu.memory_space<vmem>> -> memref<1024xf32, #tpu.memory_space<vmem>>
    tpu.wait_dma2 semaphore(%arg36 : memref<!tpu.dma_semaphore, #tpu.memory_space<semaphore_mem>>) src(%dma_wait3A_1936 : memref<1024xf32, #tpu.memory_space<vmem>>) dst(%dma_wait3A_1934 : memref<1024xf32, #tpu.memory_space<hbm>>)
    %dma_wait3A_1937 = arith.constant 1024 : i32
    %dma_wait3A_1938 = tpu.memref_slice %arg20[%dma_wait3A_1937] : memref<4096xf32, #tpu.memory_space<vmem>> -> memref<1024xf32, #tpu.memory_space<vmem>>
    %dma_wait3A_1939 = tpu.memref_slice %arg4[%add3A_1926] : memref<13631488xf32, #tpu.memory_space<hbm>> -> memref<1024xf32, #tpu.memory_space<hbm>>
    %dma_wait3A_1940 = tpu.memref_slice %arg4[%add3A_1926] : memref<13631488xf32, #tpu.memory_space<hbm>> -> memref<1024xf32, #tpu.memory_space<hbm>>
    %dma_wait3A_1941 = arith.constant 1024 : i32
    %dma_wait3A_1942 = tpu.memref_slice %arg20[%dma_wait3A_1941] : memref<4096xf32, #tpu.memory_space<vmem>> -> memref<1024xf32, #tpu.memory_space<vmem>>
    tpu.wait_dma2 semaphore(%arg36 : memref<!tpu.dma_semaphore, #tpu.memory_space<semaphore_mem>>) src(%dma_wait3A_1942 : memref<1024xf32, #tpu.memory_space<vmem>>) dst(%dma_wait3A_1940 : memref<1024xf32, #tpu.memory_space<hbm>>)
    %dma_wait3A_1943 = arith.constant 2048 : i32
    %dma_wait3A_1944 = tpu.memref_slice %arg20[%dma_wait3A_1943] : memref<4096xf32, #tpu.memory_space<vmem>> -> memref<1024xf32, #tpu.memory_space<vmem>>
    %dma_wait3A_1945 = tpu.memref_slice %arg4[%add3A_1928] : memref<13631488xf32, #tpu.memory_space<hbm>> -> memref<1024xf32, #tpu.memory_space<hbm>>
    %dma_wait3A_1946 = tpu.memref_slice %arg4[%add3A_1928] : memref<13631488xf32, #tpu.memory_space<hbm>> -> memref<1024xf32, #tpu.memory_space<hbm>>
    %dma_wait3A_1947 = arith.constant 2048 : i32
    %dma_wait3A_1948 = tpu.memref_slice %arg20[%dma_wait3A_1947] : memref<4096xf32, #tpu.memory_space<vmem>> -> memref<1024xf32, #tpu.memory_space<vmem>>
    tpu.wait_dma2 semaphore(%arg36 : memref<!tpu.dma_semaphore, #tpu.memory_space<semaphore_mem>>) src(%dma_wait3A_1948 : memref<1024xf32, #tpu.memory_space<vmem>>) dst(%dma_wait3A_1946 : memref<1024xf32, #tpu.memory_space<hbm>>)
    %dma_wait3A_1949 = arith.constant 3072 : i32
    %dma_wait3A_1950 = tpu.memref_slice %arg20[%dma_wait3A_1949] : memref<4096xf32, #tpu.memory_space<vmem>> -> memref<1024xf32, #tpu.memory_space<vmem>>
    %dma_wait3A_1951 = tpu.memref_slice %arg4[%add3A_1930] : memref<13631488xf32, #tpu.memory_space<hbm>> -> memref<1024xf32, #tpu.memory_space<hbm>>
    %dma_wait3A_1952 = tpu.memref_slice %arg4[%add3A_1930] : memref<13631488xf32, #tpu.memory_space<hbm>> -> memref<1024xf32, #tpu.memory_space<hbm>>
    %dma_wait3A_1953 = arith.constant 3072 : i32
    %dma_wait3A_1954 = tpu.memref_slice %arg20[%dma_wait3A_1953] : memref<4096xf32, #tpu.memory_space<vmem>> -> memref<1024xf32, #tpu.memory_space<vmem>>
    tpu.wait_dma2 semaphore(%arg36 : memref<!tpu.dma_semaphore, #tpu.memory_space<semaphore_mem>>) src(%dma_wait3A_1954 : memref<1024xf32, #tpu.memory_space<vmem>>) dst(%dma_wait3A_1952 : memref<1024xf32, #tpu.memory_space<hbm>>)
    %add3A_1955 = arith.constant 3 : i32
    %add3A_1956 = arith.addi %mul3A_2, %add3A_1955 : i32
    %mul3A_1957 = arith.constant 1024 : i32
    %mul3A_1958 = arith.muli %add3A_1956, %mul3A_1957 : i32
    %add3A_1959 = arith.constant 13107200 : i32
    %add3A_1960 = arith.addi %add3A_1959, %mul3A_1958 : i32
    %add3A_1961 = arith.constant 0 : i32
    %add3A_1962 = arith.addi %add3A_1960, %add3A_1961 : i32
    %add3A_1963 = arith.constant 131072 : i32
    %add3A_1964 = arith.addi %add3A_1960, %add3A_1963 : i32
    %add3A_1965 = arith.constant 262144 : i32
    %add3A_1966 = arith.addi %add3A_1960, %add3A_1965 : i32
    %add3A_1967 = arith.constant 393216 : i32
    %add3A_1968 = arith.addi %add3A_1960, %add3A_1967 : i32
    %dma_wait3A_1969 = arith.constant 0 : i32
    %dma_wait3A_1970 = tpu.memref_slice %arg21[%dma_wait3A_1969] : memref<4096xf32, #tpu.memory_space<vmem>> -> memref<1024xf32, #tpu.memory_space<vmem>>
    %dma_wait3A_1971 = tpu.memref_slice %arg4[%add3A_1962] : memref<13631488xf32, #tpu.memory_space<hbm>> -> memref<1024xf32, #tpu.memory_space<hbm>>
    %dma_wait3A_1972 = tpu.memref_slice %arg4[%add3A_1962] : memref<13631488xf32, #tpu.memory_space<hbm>> -> memref<1024xf32, #tpu.memory_space<hbm>>
    %dma_wait3A_1973 = arith.constant 0 : i32
    %dma_wait3A_1974 = tpu.memref_slice %arg21[%dma_wait3A_1973] : memref<4096xf32, #tpu.memory_space<vmem>> -> memref<1024xf32, #tpu.memory_space<vmem>>
    tpu.wait_dma2 semaphore(%arg37 : memref<!tpu.dma_semaphore, #tpu.memory_space<semaphore_mem>>) src(%dma_wait3A_1974 : memref<1024xf32, #tpu.memory_space<vmem>>) dst(%dma_wait3A_1972 : memref<1024xf32, #tpu.memory_space<hbm>>)
    %dma_wait3A_1975 = arith.constant 1024 : i32
    %dma_wait3A_1976 = tpu.memref_slice %arg21[%dma_wait3A_1975] : memref<4096xf32, #tpu.memory_space<vmem>> -> memref<1024xf32, #tpu.memory_space<vmem>>
    %dma_wait3A_1977 = tpu.memref_slice %arg4[%add3A_1964] : memref<13631488xf32, #tpu.memory_space<hbm>> -> memref<1024xf32, #tpu.memory_space<hbm>>
    %dma_wait3A_1978 = tpu.memref_slice %arg4[%add3A_1964] : memref<13631488xf32, #tpu.memory_space<hbm>> -> memref<1024xf32, #tpu.memory_space<hbm>>
    %dma_wait3A_1979 = arith.constant 1024 : i32
    %dma_wait3A_1980 = tpu.memref_slice %arg21[%dma_wait3A_1979] : memref<4096xf32, #tpu.memory_space<vmem>> -> memref<1024xf32, #tpu.memory_space<vmem>>
    tpu.wait_dma2 semaphore(%arg37 : memref<!tpu.dma_semaphore, #tpu.memory_space<semaphore_mem>>) src(%dma_wait3A_1980 : memref<1024xf32, #tpu.memory_space<vmem>>) dst(%dma_wait3A_1978 : memref<1024xf32, #tpu.memory_space<hbm>>)
    %dma_wait3A_1981 = arith.constant 2048 : i32
    %dma_wait3A_1982 = tpu.memref_slice %arg21[%dma_wait3A_1981] : memref<4096xf32, #tpu.memory_space<vmem>> -> memref<1024xf32, #tpu.memory_space<vmem>>
    %dma_wait3A_1983 = tpu.memref_slice %arg4[%add3A_1966] : memref<13631488xf32, #tpu.memory_space<hbm>> -> memref<1024xf32, #tpu.memory_space<hbm>>
    %dma_wait3A_1984 = tpu.memref_slice %arg4[%add3A_1966] : memref<13631488xf32, #tpu.memory_space<hbm>> -> memref<1024xf32, #tpu.memory_space<hbm>>
    %dma_wait3A_1985 = arith.constant 2048 : i32
    %dma_wait3A_1986 = tpu.memref_slice %arg21[%dma_wait3A_1985] : memref<4096xf32, #tpu.memory_space<vmem>> -> memref<1024xf32, #tpu.memory_space<vmem>>
    tpu.wait_dma2 semaphore(%arg37 : memref<!tpu.dma_semaphore, #tpu.memory_space<semaphore_mem>>) src(%dma_wait3A_1986 : memref<1024xf32, #tpu.memory_space<vmem>>) dst(%dma_wait3A_1984 : memref<1024xf32, #tpu.memory_space<hbm>>)
    %dma_wait3A_1987 = arith.constant 3072 : i32
    %dma_wait3A_1988 = tpu.memref_slice %arg21[%dma_wait3A_1987] : memref<4096xf32, #tpu.memory_space<vmem>> -> memref<1024xf32, #tpu.memory_space<vmem>>
    %dma_wait3A_1989 = tpu.memref_slice %arg4[%add3A_1968] : memref<13631488xf32, #tpu.memory_space<hbm>> -> memref<1024xf32, #tpu.memory_space<hbm>>
    %dma_wait3A_1990 = tpu.memref_slice %arg4[%add3A_1968] : memref<13631488xf32, #tpu.memory_space<hbm>> -> memref<1024xf32, #tpu.memory_space<hbm>>
    %dma_wait3A_1991 = arith.constant 3072 : i32
    %dma_wait3A_1992 = tpu.memref_slice %arg21[%dma_wait3A_1991] : memref<4096xf32, #tpu.memory_space<vmem>> -> memref<1024xf32, #tpu.memory_space<vmem>>
    tpu.wait_dma2 semaphore(%arg37 : memref<!tpu.dma_semaphore, #tpu.memory_space<semaphore_mem>>) src(%dma_wait3A_1992 : memref<1024xf32, #tpu.memory_space<vmem>>) dst(%dma_wait3A_1990 : memref<1024xf32, #tpu.memory_space<hbm>>)
    return
  }
}

</mosaic_0001>

<sc_bundles>
// kernel: kernel.3.cloned.1.call-start
scs
__scs_entry_jumppad:
0x0: {  	(pc) =	sbr.rel $0x88, $3  }
0x1: {  	(tag) =	ssettag $0x0;
	lr =	simm.s32 $0x1  }
0x2: {  	[smem:$0x3F9F] =	sst lr;
	_ =	strace $0xD0000000  }
0x3: {  	_ = 	snop  }
0x4: {  	_ = 	snop  }
0x5: {  	_ = 	snop  }
0x6: {  	_ = 	snop  }
0x7: {  	_ = 	snop  }
__scs_overlays_trampoline_lowered:
0x8: {  	[smem:$0x3FAE] =	sst s0  }
0x9: {  	[smem:$0x3FAF] =	sst s1  }
0xa: {  	[smem:$0x3FB0] =	sst s2  }
0xb: {  	[smem:$0x3FB1] =	sst s3  }
0xc: {  	[smem:$0x3FB2] =	sst s4  }
0xd: {  	[smem:$0x3FB3] =	sst s5  }
0xe: {  	[smem:$0x3FB4] =	sst s6  }
0xf: {  	[smem:$0x3FB5] =	sst s7  }
0x10: {  	[smem:$0x3FB6] =	sst s8  }
0x11: {  	[smem:$0x3FB7] =	sst s9;
	s0 =	simm.s32 @!p0 $0x0  }
0x12: {  	s1 =	sld [smem:$0x3F9D];
	s0 =	simm.s32 @p0 $0x1  }
0x13: {  	[smem:$0x3FB8] =	sst s0;
	s0 =	simm.s32 @!p1 $0x0  }
0x14: {  	s2 =	sld [smem:$0x3F9C];
	s0 =	simm.s32 @p1 $0x1  }
0x15: {  	[smem:$0x3FB9] =	sst s0;
	s0 =	simm.s32 @!p2 $0x0  }
0x16: {  	s3 =	sld [smem:$0x3FDB];
	s0 =	simm.s32 @p2 $0x1  }
0x17: {  	s4 =	simm.s32 $0x1BF5;
	[smem:$0x3FBB] =	sst s0  }
0x18: {  	s0 =	sld [smem:$0x3F9E];
	_ =	swait.ge [sflag:s4], $0x0  }
0x19: {  	s7 =	sld [smem:$0x3F9F]  }
0x1a: {  	s8 =	sadd.s32 $0xFFFFE003, lr  }
0x1b: {  	s9 =	sadd.s32 $0xFFFFFEF7, lr;
	s5 =	simm.s32 $0xFFFFFFFF;
	p2 =	slt.u32 s8, $0xFFFFF086  }
0x1c: {  	p1 =	slt.u32 s9, $0xF7A;
	s5 =	simm.s32 @!p2 $0x0  }
0x1d: {  	s5 =	simm.s32 @p1 $0x1;
	p0 =	seq.s32 s7, s2  }
0x1e: {  	s7 =	smul.u32 @!p0 $0xF7A, s2;
	p2 =	seq.s32 @!p0 s5, $0x0  }
0x1f: {  	s9 =	smul.u32 $0xF7A, s1;
	s8 =	simm.s32 @!p0 $0x1BF5;
	p2 =	por !p2, p0  }
0x20: {  	[sflag:s8] =	ssyncset.s32 @!p0 $0xFFFFF086;
	s6 =	sadd.s32 @!p0 s3, s7;
	s7 =	simm.s32 @!p0 $0x108  }
0x21: {  	s3 =	sadd.s32 s3, s9;
	s6 =	sadd.s32 @!p0 $0x88, s6;
	s7 =	simm.s32 @p2 $0x1082  }
0x22: {  	[simem:s7], [sflag:s8] =	dma.local @!p0 [hbm:s6], $0xF7A  }
0x23: {  	s9 =	sor.u32 $0xD0000000, s2;
	s6 =	simm.s32 $0x108;
	_ =	swait.ge @!p0 [sflag:s8], $0x0  }
0x24: {  	s3 =	sadd.s32 $0x88, s3;
	s6 =	simm.s32 @!p1 $0x1082;
	[sflag:s4] =	ssyncset.s32 $0xFFFFF086  }
0x25: {  	[simem:s6], [sflag:s4] =	dma.local [hbm:s3], $0xF7A  }
0x26: {  	[smem:$0x3F9F] =	sst s1;
	(tag) =	ssettag s2;
	_ =	strace s9  }
0x27: {  	s1 =	sld [smem:$0x3FAF]  }
0x28: {  	s2 =	sld [smem:$0x3FB0]  }
0x29: {  	s4 =	sld [smem:$0x3FB2]  }
0x2a: {  	p0 =	seq.s32 s5, $0x0;
	s5 =	sld [smem:$0x3FB3]  }
0x2b: {  	s6 =	sld [smem:$0x3FB4]  }
0x2c: {  	s7 =	sld [smem:$0x3FB5]  }
0x2d: {  	s3 =	simm.s32 $0x108;
	s8 =	sld [smem:$0x3FB6]  }
0x2e: {  	s3 =	simm.s32 @!p0 $0x1082;
	s9 =	sld [smem:$0x3FB7]  }
0x2f: {  	lr =	sadd.s32 s0, s3;
	s0 =	sld [smem:$0x3FAE]  }
0x30: {  	s3 =	sld [smem:$0x3FB1]  }
0x31: {  	[smem:$0x3FBA] =	sst s10  }
0x32: {  	s10 =	sld [smem:$0x3FB8];
	_ =	sdelay $0x3  }
0x33: {  	p0 =	seq.s32 s10, $0x1;
	s10 =	sld [smem:$0x3FBA];
	_ =	sdelay $0x3  }
0x34: {  	[smem:$0x3FBA] =	sst s10  }
0x35: {  	s10 =	sld [smem:$0x3FB9];
	_ =	sdelay $0x3  }
0x36: {  	p1 =	seq.s32 s10, $0x1;
	s10 =	sld [smem:$0x3FBA];
	_ =	sdelay $0x3  }
0x37: {  	[smem:$0x3FBA] =	sst s10  }
0x38: {  	s10 =	sld [smem:$0x3FBB]  }
0x39: {  	_ = 	snop;
	(pc) =	sbr.ind lr, $3  }
0x3a: {  	_ = 	snop  }
0x3b: {  	_ = 	snop  }
0x3c: {  	p2 =	seq.s32 s10, $0x1;
	s10 =	sld [smem:$0x3FBA]  }
0x3d: {  	_ =	shalt  }
0x3e: {  	_ =	shalt  }
0x3f: {  	_ =	shalt  }
0x40: {  	_ =	shalt  }
0x41: {  	_ =	shalt  }
0x42: {  	_ =	shalt  }
0x43: {  	_ =	shalt  }
0x44: {  	_ =	shalt  }
0x45: {  	_ =	shalt  }
0x46: {  	_ =	shalt  }
0x47: {  	_ =	shalt  }
0x48: {  	_ =	shalt  }
0x49: {  	_ =	shalt  }
0x4a: {  	_ =	shalt  }
0x4b: {  	_ =	shalt  }
0x4c: {  	_ =	shalt  }
0x4d: {  	_ =	shalt  }
0x4e: {  	_ =	shalt  }
0x4f: {  	_ =	shalt  }
0x50: {  	_ =	shalt  }
0x51: {  	_ =	shalt  }
0x52: {  	_ =	shalt  }
0x53: {  	_ =	shalt  }
0x54: {  	_ =	shalt  }
0x55: {  	_ =	shalt  }
0x56: {  	_ =	shalt  }
0x57: {  	_ =	shalt  }
0x58: {  	_ =	shalt  }
0x59: {  	_ =	shalt  }
0x5a: {  	_ =	shalt  }
0x5b: {  	_ =	shalt  }
0x5c: {  	_ =	shalt  }
0x5d: {  	_ =	shalt  }
0x5e: {  	_ =	shalt  }
0x5f: {  	_ =	shalt  }
0x60: {  	_ =	shalt  }
0x61: {  	_ =	shalt  }
0x62: {  	_ =	shalt  }
0x63: {  	_ =	shalt  }
0x64: {  	_ =	shalt  }
0x65: {  	_ =	shalt  }
0x66: {  	_ =	shalt  }
0x67: {  	_ =	shalt  }
0x68: {  	_ =	shalt  }
0x69: {  	_ =	shalt  }
0x6a: {  	_ =	shalt  }
0x6b: {  	_ =	shalt  }
0x6c: {  	_ =	shalt  }
0x6d: {  	_ =	shalt  }
0x6e: {  	_ =	shalt  }
0x6f: {  	_ =	shalt  }
0x70: {  	_ =	shalt  }
0x71: {  	_ =	shalt  }
0x72: {  	_ =	shalt  }
0x73: {  	_ =	shalt  }
0x74: {  	_ =	shalt  }
0x75: {  	_ =	shalt  }
0x76: {  	_ =	shalt  }
0x77: {  	_ =	shalt  }
0x78: {  	_ =	shalt  }
0x79: {  	_ =	shalt  }
0x7a: {  	_ =	shalt  }
0x7b: {  	_ =	shalt  }
0x7c: {  	_ =	shalt  }
0x7d: {  	_ =	shalt  }
0x7e: {  	_ =	shalt  }
0x7f: {  	_ =	shalt  }
0x80: {  	_ =	shalt  }
0x81: {  	_ =	shalt  }
0x82: {  	_ =	shalt  }
0x83: {  	_ =	shalt  }
0x84: {  	_ =	shalt  }
0x85: {  	_ =	shalt  }
0x86: {  	_ =	shalt  }
0x87: {  	_ =	shalt  }
.Lfunc_end0:
.L_simem_size_0:
called_computation_lowered:
.L_overlay_start_0:
0x88: {  	s2 =	sld [smem:$0x3FD9]  }
0x89: {  	s3 =	sld [smem:$0x3FFE];
	_ =	sdelay $0x1  }
0x8a: {  	s1 =	srdreg.scid  }
0x8b: {  	s0 =	sand.u32 $0x1, s1  }
0x8c: {  	s17 =	sshll.u32 s0, $0xA;
	s2 =	sadd.s32 s3, s2  }
0x8d: {  	s2 =	sadd.s32 s2, s17  }
0x8e: {  	[smem:$0x3FC6] =	sst s2  }
0x8f: {  	_ = 	snop  }
0x90: {  	s2 =	sld [smem:$0x3FD0];
	(tm) =	ssettm $0x1  }
0x91: {  	s18 =	sld [smem:$0x3FFB];
	_ =	sdelay $0x3  }
0x92: {  	_ =	strace s18  }
0x93: {  	s3 =	sld [smem:$0x3FFC];
	_ =	sdelay $0x3  }
0x94: {  	_ =	strace s3  }
0x95: {  	s3 =	sld [smem:$0x3FFD];
	_ =	sdelay $0x3  }
0x96: {  	_ =	strace s3  }
0x97: {  	_ =	strace $0x8FFFFFFF  }
0x98: {  	s19 =	sld [smem:$0x3FDB];
	_ =	sdelay $0x1  }
0x99: {  	s4 =	simm.s32 $_scs_section_size  }
0x9a: {  	s5 =	simm.s32 $_size__tile_overlayer_lowered;
	s6 =	simm.s32 $_tile_overlayer_lowered  }
0x9b: {  	s22 =	simm.s32 $0x1BFF;
	s21 =	sshll.u32 s6, $0x1;
	s3 =	sadd.s32 s4, s19  }
0x9c: {  	s7 =	simm.s32 $0x0;
	s20 =	sshll.u32 s5, $0x1;
	s5 =	sadd.s32 s21, s3  }
0x9d: {  	[timem:s7], [sflag:s22] =	dma.local [hbm:s5], s20  }
0x9e: {  	_ =	swait.ge [sflag:s22], s20  }
0x9f: {  	s4 =	ssub.s32 $0x0, s20;
	[sflag:s22] =	ssyncset.done $0x0  }
0xa0: {  	[sflag:s22] =	ssyncadd.s32 s4;
	_ =	sdelay $0x1  }
0xa1: {  	s23 =	simm.s32 $0x1B8B  }
0xa2: {  	_ =	swait.ge [sflag:s23], $0x1  }
0xa3: {  	[sflag:s23] =	ssyncset.done $0x0  }
0xa4: {  	s25 =	simm.s32 $0x1B8E;
	s24 =	sld [smem:$0x3FFE];
	[sflag:s23] =	ssyncadd.s32 $0xFFFFFFFF  }
0xa5: {  	s26 =	simm.s32 $execute0_lowered;
	[smem:$0x3FD2] =	sst s25  }
0xa6: {  	s5 =	sshll.u32 s26, $0x1;
	_ =	strace $0x80000046;
	[dreg:$0x1] =	wrdreg $0xFFFFFFFF  }
0xa7: {  	s28 =	simm.s32 $_size_execute0_lowered;
	s3 =	sadd.s32 s3, s5;
	[dreg:$0x0] =	wrdreg $0x0  }
0xa8: {  	s5 =	sshll.u32 s28, $0x1;
	[dreg:$0x2] =	wrdreg s3  }
0xa9: {  	[dreg:$0x3] =	wrdreg s5  }
0xaa: {  	[dreg:$0x4] =	wrdreg $0xC0  }
0xab: {  	_ =	task [dreg:s7], $0x5FFFF  }
0xac: {  	[dreg:$0x1] =	wrdreg $0xFFFFFFFF  }
0xad: {  	[dreg:$0x0] =	wrdreg $0x60  }
0xae: {  	[dreg:$0x2] =	wrdreg s24  }
0xaf: {  	[dreg:$0x3] =	wrdreg s2  }
0xb0: {  	[dreg:$0x4] =	wrdreg $0x9  }
0xb1: {  	_ =	task.clear_ibuf [dreg:s7], $0x5FFFF;
	_ =	strace $0x90000046  }
0xb2: {  	s29 =	simm.s32 $0x9;
	_ =	strace $0x80000048  }
0xb3: {  	_ =	swait.ge [sflag:s29], $0x1  }
0xb4: {  	[sflag:s29] =	ssyncadd.s32 $0xFFFFFFFF  }
0xb5: {  	_ =	strace $0x90000048  }
0xb6: {  	_ =	sfence  }
0xb7: {  	s30 =	sld [smem:$0x0];
	_ =	sdelay $0x2  }
0xb8: {  	s31 =	sshll.u32 s1, $0xD;
	s1 =	sshrl.u32 s1, $0x2  }
0xb9: {  	s3 =	sand.u32 $0x4000, s31;
	s1 =	sadd.s32 s1, s30  }
0xba: {  	s0 =	sor.u32 s3, s0;
	s1 =	sshll.u32 s1, $0x11  }
0xbb: {  	s0 =	sor.u32 s1, s0  }
0xbc: {  	s0 =	sadd.s32 $0x8F2B, s0  }
0xbd: {  	[sflag:s0] =	ssyncadd.remote.s32 $0x1  }
0xbe: {  	_ =	sfence.sel $0xFFFF  }
0xbf: {  	[dreg:$0x0] =	wrdreg $0xFFFFFFFF;
	(pc) =	sbr.abs _section_cstart, $3  }
0xc0: {  	[dreg:$0x1] =	wrdreg $0xFFFFFFFF  }
0xc1: {  	_ =	task.clear_ibuf [dreg:s7], $0x2FFFF;
	_ =	strace $0x9FFFFFFF  }
0xc2: {  	(tm) =	ssettm $0x7FFFFFFF  }
0xc3: {  	_ =	shalt  }
tec
execute0_lowered:
.L_overlay_start_1:
0x0: {  	(tag) =	ssettag $0x1  }
0x1: {  	s1 =	srdreg.scid;
	s4 =	stileid.u32  }
0x2: {  	s1 =	sand.u32 $0x1, s1;
	s4 =	sshll.u32 s4, $0x1  }
0x3: {  	s0 =	rddreg [dreg:$0x0];
	s5 =	sor.u32 s1, s4  }
0x4: {  	s2 =	rddreg [dreg:$0x1];
	s3 =	simm.s32 $0x0;
	s4 =	sshll.u32 s5, $0x6  }
0x5: {  	[smem:$0x7FF] =	sst s3;
	s7 =	sshll.u32 s5, $0xC;
	s6 =	sadd.s32 s4, s0  }
0x6: {  	_ =	strace $0x80000047;
	[smem:$0x7C0] =	sst s7;
	s16 =	sadd.s32 $0x600, s6  }
0x7: {  	s17 =	sadd.s32 $0xE00, s6;
	[dreg:$0x3] =	wrdreg s16  }
0x8: {  	s18 =	sadd.s32 $0x1600, s6;
	[dreg:$0x4] =	wrdreg s17  }
0x9: {  	s19 =	sadd.s32 $0x1E00, s6;
	[dreg:$0x5] =	wrdreg s18  }
0xa: {  	s20 =	sadd.s32 $0x2600, s6;
	[dreg:$0x6] =	wrdreg s19  }
0xb: {  	s21 =	sadd.s32 $0x2E00, s6;
	[dreg:$0x7] =	wrdreg s20  }
0xc: {  	s22 =	sadd.s32 $0x3600, s6;
	[dreg:$0x8] =	wrdreg s21  }
0xd: {  	s23 =	sadd.s32 $0x3E00, s6;
	[dreg:$0x9] =	wrdreg s22  }
0xe: {  	s24 =	sadd.s32 $0x4600, s6;
	[dreg:$0xa] =	wrdreg s23  }
0xf: {  	s25 =	sadd.s32 $0x4E00, s6;
	[dreg:$0xb] =	wrdreg s24  }
0x10: {  	s26 =	sadd.s32 $0x5600, s6;
	[dreg:$0xc] =	wrdreg s25  }
0x11: {  	s29 =	sadd.s32 $0x5E00, s6;
	[dreg:$0xd] =	wrdreg s26  }
0x12: {  	s8 =	sadd.s32 $0x6600, s6;
	[dreg:$0xe] =	wrdreg s29  }
0x13: {  	s9 =	sadd.s32 $0x6E00, s6;
	[dreg:$0xf] =	wrdreg s8  }
0x14: {  	s10 =	sadd.s32 $0x7600, s6;
	[dreg:$0x10] =	wrdreg s9  }
0x15: {  	s11 =	sadd.s32 $0x7E00, s6;
	[dreg:$0x11] =	wrdreg s10  }
0x16: {  	s1 =	ssub.s32 $0x2, s1;
	s12 =	sadd.s32 $0x8600, s6;
	[dreg:$0x12] =	wrdreg s11  }
0x17: {  	s15 =	sshrl.u32 s1, $0x1;
	s13 =	sadd.s32 $0x8E00, s6;
	[dreg:$0x13] =	wrdreg s12  }
0x18: {  	s4 =	sadd.s32 $0xF42A00, s0;
	s14 =	sadd.s32 $0x9600, s6;
	[dreg:$0x14] =	wrdreg s13  }
0x19: {  	s0 =	ssub.s32 s1, s15;
	s15 =	sadd.s32 $0x9E00, s6;
	[dreg:$0x15] =	wrdreg s14  }
0x1a: {  	s0 =	smax.u32 s0, $0x1;
	[dreg:$0x16] =	wrdreg s15  }
0x1b: {  	s16 =	sadd.s32 $0xA600, s6;
	[smem:$0x7DC] =	sst s0  }
0x1c: {  	s17 =	sadd.s32 $0xAE00, s6;
	[dreg:$0x17] =	wrdreg s16  }
0x1d: {  	s18 =	sadd.s32 $0xB600, s6;
	[dreg:$0x18] =	wrdreg s17  }
0x1e: {  	s19 =	sadd.s32 $0xBE00, s6;
	[dreg:$0x19] =	wrdreg s18  }
0x1f: {  	s20 =	sadd.s32 $0xC600, s6;
	[dreg:$0x1a] =	wrdreg s19  }
0x20: {  	s21 =	sadd.s32 $0xCE00, s6;
	[dreg:$0x1b] =	wrdreg s20  }
0x21: {  	s22 =	sadd.s32 $0x4000, s2;
	[dreg:$0x1c] =	wrdreg s21  }
0x22: {  	s23 =	sadd.s32 $0x8000, s2;
	[smem:$0x7BC] =	sst s22  }
0x23: {  	s1 =	sshll.u32 s5, $0x9;
	s8 =	sadd.s32 $0xC000, s2;
	[smem:$0x7BD] =	sst s23  }
0x24: {  	s9 =	sadd.s32 s2, s1;
	[smem:$0x7BE] =	sst s8  }
0x25: {  	s5 =	sadd.s32 s1, s22;
	[dreg:$0x1d] =	wrdreg s9  }
0x26: {  	s30 =	sor.u32 $0xC00, s7;
	s24 =	sadd.s32 s1, s23;
	[dreg:$0x1e] =	wrdreg s5  }
0x27: {  	s29 =	sshrl.u32 s30, $0x3;
	s1 =	sadd.s32 s1, s8;
	[dreg:$0x1f] =	wrdreg s24  }
0x28: {  	s8 =	sadd.s32 s2, s29;
	[smem:$0x7BF] =	sst s1  }
0x29: {  	s10 =	sadd.s32 $0xC180, s9;
	[smem:$0x7C3] =	sst s8  }
0x2a: {  	s11 =	sadd.s32 $0x10000, s9;
	[smem:$0x7C4] =	sst s10  }
0x2b: {  	s14 =	sadd.s32 $0x14000, s9;
	[smem:$0x7C5] =	sst s11  }
0x2c: {  	s15 =	sadd.s32 $0x18000, s9;
	[smem:$0x7C6] =	sst s14  }
0x2d: {  	s16 =	sadd.s32 $0x1C000, s9;
	[smem:$0x7C7] =	sst s15  }
0x2e: {  	s17 =	sadd.s32 $0x10080, s9;
	[smem:$0x7C8] =	sst s16  }
0x2f: {  	s18 =	sadd.s32 $0x14080, s9;
	[smem:$0x7C9] =	sst s17  }
0x30: {  	s19 =	sadd.s32 $0x18080, s9;
	[smem:$0x7CA] =	sst s18  }
0x31: {  	s20 =	sadd.s32 $0x1C080, s9;
	[smem:$0x7CB] =	sst s19  }
0x32: {  	s21 =	sadd.s32 $0x10100, s9;
	[smem:$0x7CC] =	sst s20  }
0x33: {  	s22 =	sadd.s32 $0x14100, s9;
	[smem:$0x7CD] =	sst s21  }
0x34: {  	s25 =	sor.u32 $0x400, s7;
	s23 =	sadd.s32 $0x18100, s9;
	[smem:$0x7CE] =	sst s22  }
0x35: {  	s26 =	sor.u32 $0x800, s7;
	s29 =	sadd.s32 $0x18180, s9;
	[smem:$0x7CF] =	sst s23  }
0x36: {  	s12 =	smov.u32 s25;
	s6 =	sadd.s32 $0x184000, s9;
	[smem:$0x7D3] =	sst s29  }
0x37: {  	s13 =	smov.u32 s26;
	s24 =	sadd.s32 $0x1C100, s9;
	[smem:$0x7D5] =	sst s6  }
0x38: {  	s1 =	sshrl.u32 s25, $0x3;
	s25 =	sadd.s32 $0x10180, s9;
	[smem:$0x7D0] =	sst s24  }
0x39: {  	s5 =	sshrl.u32 s26, $0x3;
	s26 =	sadd.s32 $0x14180, s9;
	[smem:$0x7D1] =	sst s25  }
0x3a: {  	s8 =	sadd.s32 $0x18C000, s9;
	[smem:$0x7D2] =	sst s26  }
0x3b: {  	s10 =	sadd.s32 $0x180080, s9;
	[smem:$0x7D7] =	sst s8  }
0x3c: {  	s11 =	sadd.s32 $0x4080, s9;
	[smem:$0x7D8] =	sst s10  }
0x3d: {  	s14 =	sadd.s32 $0x184080, s9;
	[smem:$0x7D9] =	sst s11  }
0x3e: {  	s15 =	sadd.s32 $0x188080, s9;
	[smem:$0x7DA] =	sst s14  }
0x3f: {  	s16 =	sadd.s32 $0x18C080, s9;
	[smem:$0x7DB] =	sst s15  }
0x40: {  	s17 =	sadd.s32 $0x180100, s9;
	[smem:$0x7DD] =	sst s16  }
0x41: {  	s18 =	sadd.s32 $0x4100, s9;
	[smem:$0x7DE] =	sst s17  }
0x42: {  	s19 =	sadd.s32 $0x184100, s9;
	[smem:$0x7DF] =	sst s18  }
0x43: {  	s20 =	sadd.s32 $0x188100, s9;
	[smem:$0x7E0] =	sst s19  }
0x44: {  	s21 =	sadd.s32 $0xC100, s9;
	[smem:$0x7E1] =	sst s20  }
0x45: {  	s22 =	sadd.s32 $0x18C100, s9;
	[smem:$0x7E2] =	sst s21  }
0x46: {  	s23 =	sadd.s32 $0x180180, s9;
	[smem:$0x7E3] =	sst s22  }
0x47: {  	s29 =	sadd.s32 $0x18C180, s9;
	[smem:$0x7E4] =	sst s23  }
0x48: {  	s6 =	sadd.s32 $0x198000, s9;
	[smem:$0x7E8] =	sst s29  }
0x49: {  	s1 =	sadd.s32 s2, s1;
	[smem:$0x7EB] =	sst s6  }
0x4a: {  	s7 =	sadd.s32 s2, s5;
	[smem:$0x7C1] =	sst s1  }
0x4b: {  	s5 =	sadd.s32 $0x1C180, s9;
	[smem:$0x7C2] =	sst s7  }
0x4c: {  	s24 =	sadd.s32 $0x4180, s9;
	[smem:$0x7D4] =	sst s5  }
0x4d: {  	s25 =	sadd.s32 $0x184180, s9;
	[smem:$0x7E5] =	sst s24  }
0x4e: {  	s26 =	sadd.s32 $0x188180, s9;
	[smem:$0x7E6] =	sst s25  }
0x4f: {  	s8 =	sadd.s32 $0x190080, s9;
	[smem:$0x7E7] =	sst s26  }
0x50: {  	s10 =	sadd.s32 $0x8080, s9;
	[smem:$0x7ED] =	sst s8  }
0x51: {  	s11 =	sadd.s32 $0x194080, s9;
	[smem:$0x7EE] =	sst s10  }
0x52: {  	s14 =	sadd.s32 $0x198080, s9;
	[smem:$0x7EF] =	sst s11  }
0x53: {  	s15 =	sadd.s32 $0xC080, s9;
	[smem:$0x7F0] =	sst s14  }
0x54: {  	s16 =	sadd.s32 $0x19C080, s9;
	[smem:$0x7F1] =	sst s15  }
0x55: {  	s28 =	simm.s32 $0xB400;
	s17 =	sadd.s32 $0x190100, s9;
	[smem:$0x7F2] =	sst s16  }
0x56: {  	s18 =	sadd.s32 $0x8100, s9;
	s19 =	sadd.s32 $0x194100, s9;
	[smem:$0x7F3] =	sst s17  }
0x57: {  	s31 =	simm.s32 $0xF400;
	s20 =	sadd.s32 $0x198100, s9;
	[smem:$0x7F4] =	sst s18  }
0x58: {  	s0 =	simm.s32 $0xE;
	s22 =	sadd.s32 $0x19C100, s9;
	[smem:$0x7F5] =	sst s19  }
0x59: {  	s21 =	sadd.s32 $0x180000, s9;
	s23 =	sadd.s32 $0x190180, s9;
	[smem:$0x7F6] =	sst s20  }
0x5a: {  	s29 =	sadd.s32 $0x19C180, s9;
	s6 =	simm.s32 $0x0;
	[smem:$0x7F7] =	sst s21  }
0x5b: {  	s7 =	sadd.s32 $0x188000, s9;
	s1 =	sadd.s32 $0x190000, s9;
	[smem:$0x7F8] =	sst s22  }
0x5c: {  	s5 =	sadd.s32 $0x194000, s9;
	[smem:$0x7F9] =	sst s23;
	s25 =	sadd.s32 $0x194180, s9  }
0x5d: {  	s24 =	sadd.s32 $0x8180, s9;
	s26 =	sadd.s32 $0x198180, s9;
	[smem:$0x7FD] =	sst s29  }
0x5e: {  	s14 =	simm.s32 $0x600;
	s17 =	simm.s32 $0x80;
	[smem:$0x7D6] =	sst s7  }
0x5f: {  	s18 =	simm.s32 $0xD400;
	s23 =	simm.s32 $0xE400;
	[smem:$0x7E9] =	sst s1  }
0x60: {  	s20 =	simm.s32 $0x10400;
	s10 =	simm.s32 $0x11400;
	[smem:$0x7EA] =	sst s5  }
0x61: {  	s11 =	simm.s32 $0x9;
	s15 =	simm.s32 $0xA;
	[smem:$0x7FA] =	sst s24  }
0x62: {  	v0 =	vlaneseq.u32;
	s21 =	simm.s32 $0xB;
	s16 =	simm.s32 $0xC;
	[smem:$0x7FB] =	sst s25  }
0x63: {  	v0 =	vmul.u32 $0x80, v0;
	s22 =	simm.s32 $0x10;
	s7 =	sadd.s32 $0x19C000, s9;
	[smem:$0x7FC] =	sst s26  }
0x64: {  	s9 =	simm.s32 $0xC400;
	s25 =	simm.s32 $0x12400;
	s26 =	simm.s32 $0xD  }
0x65: {  	v1 =	vor.u32 $0x800, v0;
	s1 =	simm.s32 $0xF;
	[smem:$0x7EC] =	sst s7;
	s7 =	simm.s32 $0x400  }
.LBB2_1:
0x66: {  	[smem:$0x7BB] =	sst s6  }
0x67: {  	s5 =	rddreg [dreg:$0x3]  }
0x68: {  	[tilespmem:s3], [sflag:$0x11] =	stream.linear.gather [hbm4b:s5+s3], $0x200, $0x38;
	[tilespmem:$0x13400] =	vst v63  }
0x69: {  	s29 =	rddreg [dreg:$0x4];
	s6 =	simm.s32 $0x200  }
0x6a: {  	[tilespmem:s6], [sflag:$0x11] =	stream.linear.gather [hbm4b:s29+s3], $0x200, $0x38;
	[tilespmem:$0x13400] =	vst v63  }
0x6b: {  	s8 =	rddreg [dreg:$0x5]  }
0x6c: {  	[tilespmem:s7], [sflag:$0x11] =	stream.linear.gather [hbm4b:s8+s3], $0x200, $0x38;
	[tilespmem:$0x13400] =	vst v63  }
0x6d: {  	s19 =	rddreg [dreg:$0x6]  }
0x6e: {  	[tilespmem:s14], [sflag:$0x11] =	stream.linear.gather [hbm4b:s19+s3], $0x200, $0x38;
	[tilespmem:$0x13400] =	vst v63  }
0x6f: {  	s24 =	rddreg [dreg:$0x7];
	s19 =	simm.s32 $0x800  }
0x70: {  	[tilespmem:s19], [sflag:$0x11] =	stream.linear.gather [hbm4b:s24+s3], $0x200, $0x38;
	[tilespmem:$0x13400] =	vst v63  }
0x71: {  	s29 =	rddreg [dreg:$0x8];
	s8 =	simm.s32 $0xA00  }
0x72: {  	[tilespmem:s8], [sflag:$0x11] =	stream.linear.gather [hbm4b:s29+s3], $0x200, $0x38;
	[tilespmem:$0x13400] =	vst v63  }
0x73: {  	s19 =	rddreg [dreg:$0x9];
	s24 =	simm.s32 $0xC00  }
0x74: {  	[tilespmem:s24], [sflag:$0x11] =	stream.linear.gather [hbm4b:s19+s3], $0x200, $0x38;
	[tilespmem:$0x13400] =	vst v63  }
0x75: {  	s29 =	rddreg [dreg:$0xa];
	s8 =	simm.s32 $0xE00  }
0x76: {  	[tilespmem:s8], [sflag:$0x11] =	stream.linear.gather [hbm4b:s29+s3], $0x200, $0x38;
	[tilespmem:$0x13400] =	vst v63  }
0x77: {  	s19 =	rddreg [dreg:$0xb];
	s24 =	simm.s32 $0x1000  }
0x78: {  	[tilespmem:s24], [sflag:$0x11] =	stream.linear.gather [hbm4b:s19+s3], $0x200, $0x38;
	[tilespmem:$0x13400] =	vst v63  }
0x79: {  	s29 =	rddreg [dreg:$0xc];
	s8 =	simm.s32 $0x1200  }
0x7a: {  	[tilespmem:s8], [sflag:$0x11] =	stream.linear.gather [hbm4b:s29+s3], $0x200, $0x38;
	[tilespmem:$0x13400] =	vst v63  }
0x7b: {  	s19 =	rddreg [dreg:$0xd];
	s24 =	simm.s32 $0x1400  }
0x7c: {  	[tilespmem:s24], [sflag:$0x11] =	stream.linear.gather [hbm4b:s19+s3], $0x200, $0x38;
	[tilespmem:$0x13400] =	vst v63  }
0x7d: {  	s29 =	rddreg [dreg:$0xe];
	s8 =	simm.s32 $0x1600  }
0x7e: {  	[tilespmem:s8], [sflag:$0x11] =	stream.linear.gather [hbm4b:s29+s3], $0x200, $0x38;
	[tilespmem:$0x13400] =	vst v63  }
0x7f: {  	s19 =	rddreg [dreg:$0xf];
	s24 =	simm.s32 $0x1800  }
0x80: {  	[tilespmem:s24], [sflag:$0x11] =	stream.linear.gather [hbm4b:s19+s3], $0x200, $0x38;
	[tilespmem:$0x13400] =	vst v63  }
0x81: {  	s29 =	rddreg [dreg:$0x10];
	s8 =	simm.s32 $0x1A00  }
0x82: {  	[tilespmem:s8], [sflag:$0x11] =	stream.linear.gather [hbm4b:s29+s3], $0x200, $0x38;
	[tilespmem:$0x13400] =	vst v63  }
0x83: {  	s19 =	rddreg [dreg:$0x11];
	s24 =	simm.s32 $0x1C00  }
0x84: {  	[tilespmem:s24], [sflag:$0x11] =	stream.linear.gather [hbm4b:s19+s3], $0x200, $0x38;
	[tilespmem:$0x13400] =	vst v63  }
0x85: {  	s29 =	rddreg [dreg:$0x12];
	s8 =	simm.s32 $0x1E00  }
0x86: {  	[tilespmem:s8], [sflag:$0x11] =	stream.linear.gather [hbm4b:s29+s3], $0x200, $0x38;
	[tilespmem:$0x13400] =	vst v63  }
0x87: {  	s19 =	rddreg [dreg:$0x13];
	s24 =	simm.s32 $0x2000  }
0x88: {  	[tilespmem:s24], [sflag:$0x11] =	stream.linear.gather [hbm4b:s19+s3], $0x200, $0x38;
	[tilespmem:$0x13400] =	vst v63  }
0x89: {  	s29 =	rddreg [dreg:$0x14];
	s8 =	simm.s32 $0x2200  }
0x8a: {  	[tilespmem:s8], [sflag:$0x11] =	stream.linear.gather [hbm4b:s29+s3], $0x200, $0x38;
	[tilespmem:$0x13400] =	vst v63  }
0x8b: {  	s19 =	rddreg [dreg:$0x15];
	s24 =	simm.s32 $0x2400  }
0x8c: {  	[tilespmem:s24], [sflag:$0x11] =	stream.linear.gather [hbm4b:s19+s3], $0x200, $0x38;
	[tilespmem:$0x13400] =	vst v63  }
0x8d: {  	s29 =	rddreg [dreg:$0x16];
	s8 =	simm.s32 $0x2600  }
0x8e: {  	[tilespmem:s8], [sflag:$0x11] =	stream.linear.gather [hbm4b:s29+s3], $0x200, $0x38;
	[tilespmem:$0x13400] =	vst v63  }
0x8f: {  	s19 =	rddreg [dreg:$0x17];
	s24 =	simm.s32 $0x2800  }
0x90: {  	[tilespmem:s24], [sflag:$0x11] =	stream.linear.gather [hbm4b:s19+s3], $0x200, $0x38;
	[tilespmem:$0x13400] =	vst v63  }
0x91: {  	s29 =	rddreg [dreg:$0x18];
	s8 =	simm.s32 $0x2A00  }
0x92: {  	[tilespmem:s8], [sflag:$0x11] =	stream.linear.gather [hbm4b:s29+s3], $0x200, $0x38;
	[tilespmem:$0x13400] =	vst v63  }
0x93: {  	s19 =	rddreg [dreg:$0x19];
	s24 =	simm.s32 $0x2C00  }
0x94: {  	[tilespmem:s24], [sflag:$0x11] =	stream.linear.gather [hbm4b:s19+s3], $0x200, $0x38;
	[tilespmem:$0x13400] =	vst v63  }
0x95: {  	s29 =	rddreg [dreg:$0x1a];
	s8 =	simm.s32 $0x2E00  }
0x96: {  	[tilespmem:s8], [sflag:$0x11] =	stream.linear.gather [hbm4b:s29+s3], $0x200, $0x38;
	[tilespmem:$0x13400] =	vst v63  }
0x97: {  	s19 =	rddreg [dreg:$0x1b];
	s24 =	simm.s32 $0x3000  }
0x98: {  	[tilespmem:s24], [sflag:$0x11] =	stream.linear.gather [hbm4b:s19+s3], $0x200, $0x38;
	[tilespmem:$0x13400] =	vst v63  }
0x99: {  	s29 =	rddreg [dreg:$0x1c];
	s8 =	simm.s32 $0x3200;
	s24 =	simm.s32 $0x11  }
0x9a: {  	[tilespmem:s8], [sflag:$0x11] =	stream.linear.gather [hbm4b:s29+s3], $0x200, $0x38;
	[tilespmem:$0x13400] =	vst v63  }
0x9b: {  	_ =	swait.ge [sflag:s24], $0x200  }
0x9c: {  	[sflag:s24] =	ssyncset.done $0x0  }
0x9d: {  	[sflag:s24] =	ssyncadd.s32 $0xFFFFFE00  }
0x9e: {  	_ =	swait.ge [sflag:s24], $0x200  }
0x9f: {  	[sflag:s24] =	ssyncset.done $0x0  }
0xa0: {  	[sflag:s24] =	ssyncadd.s32 $0xFFFFFE00  }
0xa1: {  	_ =	swait.ge [sflag:s24], $0x200  }
0xa2: {  	[sflag:s24] =	ssyncset.done $0x0  }
0xa3: {  	[sflag:s24] =	ssyncadd.s32 $0xFFFFFE00  }
0xa4: {  	_ =	swait.ge [sflag:s24], $0x200  }
0xa5: {  	[sflag:s24] =	ssyncset.done $0x0  }
0xa6: {  	[sflag:s24] =	ssyncadd.s32 $0xFFFFFE00  }
0xa7: {  	_ =	swait.ge [sflag:s24], $0x200  }
0xa8: {  	[sflag:s24] =	ssyncset.done $0x0  }
0xa9: {  	[sflag:s24] =	ssyncadd.s32 $0xFFFFFE00  }
0xaa: {  	_ =	swait.ge [sflag:s24], $0x200  }
0xab: {  	[sflag:s24] =	ssyncset.done $0x0  }
0xac: {  	[sflag:s24] =	ssyncadd.s32 $0xFFFFFE00  }
0xad: {  	_ =	swait.ge [sflag:s24], $0x200  }
0xae: {  	[sflag:s24] =	ssyncset.done $0x0  }
0xaf: {  	[sflag:s24] =	ssyncadd.s32 $0xFFFFFE00  }
0xb0: {  	_ =	swait.ge [sflag:s24], $0x200  }
0xb1: {  	[sflag:s24] =	ssyncset.done $0x0  }
0xb2: {  	[sflag:s24] =	ssyncadd.s32 $0xFFFFFE00  }
0xb3: {  	_ =	swait.ge [sflag:s24], $0x200  }
0xb4: {  	[sflag:s24] =	ssyncset.done $0x0  }
0xb5: {  	[sflag:s24] =	ssyncadd.s32 $0xFFFFFE00  }
0xb6: {  	_ =	swait.ge [sflag:s24], $0x200  }
0xb7: {  	[sflag:s24] =	ssyncset.done $0x0  }
0xb8: {  	[sflag:s24] =	ssyncadd.s32 $0xFFFFFE00  }
0xb9: {  	_ =	swait.ge [sflag:s24], $0x200  }
0xba: {  	[sflag:s24] =	ssyncset.done $0x0  }
0xbb: {  	[sflag:s24] =	ssyncadd.s32 $0xFFFFFE00  }
0xbc: {  	_ =	swait.ge [sflag:s24], $0x200  }
0xbd: {  	[sflag:s24] =	ssyncset.done $0x0  }
0xbe: {  	[sflag:s24] =	ssyncadd.s32 $0xFFFFFE00  }
0xbf: {  	_ =	swait.ge [sflag:s24], $0x200  }
0xc0: {  	[sflag:s24] =	ssyncset.done $0x0  }
0xc1: {  	[sflag:s24] =	ssyncadd.s32 $0xFFFFFE00  }
0xc2: {  	_ =	swait.ge [sflag:s24], $0x200  }
0xc3: {  	[sflag:s24] =	ssyncset.done $0x0  }
0xc4: {  	[sflag:s24] =	ssyncadd.s32 $0xFFFFFE00  }
0xc5: {  	_ =	swait.ge [sflag:s24], $0x200  }
0xc6: {  	[sflag:s24] =	ssyncset.done $0x0  }
0xc7: {  	[sflag:s24] =	ssyncadd.s32 $0xFFFFFE00  }
0xc8: {  	_ =	swait.ge [sflag:s24], $0x200  }
0xc9: {  	[sflag:s24] =	ssyncset.done $0x0  }
0xca: {  	[sflag:s24] =	ssyncadd.s32 $0xFFFFFE00  }
0xcb: {  	_ =	swait.ge [sflag:s24], $0x200  }
0xcc: {  	[sflag:s24] =	ssyncset.done $0x0  }
0xcd: {  	[sflag:s24] =	ssyncadd.s32 $0xFFFFFE00  }
0xce: {  	_ =	swait.ge [sflag:s24], $0x200  }
0xcf: {  	[sflag:s24] =	ssyncset.done $0x0  }
0xd0: {  	[sflag:s24] =	ssyncadd.s32 $0xFFFFFE00  }
0xd1: {  	_ =	swait.ge [sflag:s24], $0x200  }
0xd2: {  	[sflag:s24] =	ssyncset.done $0x0  }
0xd3: {  	[sflag:s24] =	ssyncadd.s32 $0xFFFFFE00  }
0xd4: {  	_ =	swait.ge [sflag:s24], $0x200  }
0xd5: {  	[sflag:s24] =	ssyncset.done $0x0  }
0xd6: {  	[sflag:s24] =	ssyncadd.s32 $0xFFFFFE00  }
0xd7: {  	_ =	swait.ge [sflag:s24], $0x200  }
0xd8: {  	[sflag:s24] =	ssyncset.done $0x0  }
0xd9: {  	[sflag:s24] =	ssyncadd.s32 $0xFFFFFE00  }
0xda: {  	_ =	swait.ge [sflag:s24], $0x200  }
0xdb: {  	[sflag:s24] =	ssyncset.done $0x0  }
0xdc: {  	[sflag:s24] =	ssyncadd.s32 $0xFFFFFE00  }
0xdd: {  	_ =	swait.ge [sflag:s24], $0x200  }
0xde: {  	[sflag:s24] =	ssyncset.done $0x0  }
0xdf: {  	[sflag:s24] =	ssyncadd.s32 $0xFFFFFE00  }
0xe0: {  	_ =	swait.ge [sflag:s24], $0x200  }
0xe1: {  	[sflag:s24] =	ssyncset.done $0x0  }
0xe2: {  	[sflag:s24] =	ssyncadd.s32 $0xFFFFFE00  }
0xe3: {  	_ =	swait.ge [sflag:s24], $0x200  }
0xe4: {  	[sflag:s24] =	ssyncset.done $0x0  }
0xe5: {  	[sflag:s24] =	ssyncadd.s32 $0xFFFFFE00  }
0xe6: {  	_ =	swait.ge [sflag:s24], $0x200  }
0xe7: {  	[sflag:s24] =	ssyncset.done $0x0  }
0xe8: {  	s29 =	simm.s32 $0x3400;
	[sflag:s24] =	ssyncadd.s32 $0xFFFFFE00  }
0xe9: {  	[tilespmem:s29], [sflag:$0x1] =	stream.indirect.gather [hbm4b:s4+s17], $0x20, s3, s17, $0xb8;
	[tilespmem:$0x13400] =	vst v63  }
0xea: {  	s8 =	simm.s32 $0x4400  }
0xeb: {  	[tilespmem:s8], [sflag:$0x2] =	stream.indirect.gather [hbm4b:s4+s17], $0x20, s17, s17, $0xb8;
	[tilespmem:$0x13400] =	vst v63  }
0xec: {  	s19 =	simm.s32 $0x100;
	s24 =	simm.s32 $0x5400  }
0xed: {  	[tilespmem:s24], [sflag:$0x3] =	stream.indirect.gather [hbm4b:s4+s17], $0x20, s19, s17, $0xb8;
	[tilespmem:$0x13400] =	vst v63  }
0xee: {  	s29 =	simm.s32 $0x180;
	s8 =	simm.s32 $0x6400  }
0xef: {  	[tilespmem:s8], [sflag:$0x4] =	stream.indirect.gather [hbm4b:s4+s17], $0x20, s29, s17, $0xb8;
	[tilespmem:$0x13400] =	vst v63  }
0xf0: {  	s19 =	simm.s32 $0x7400  }
0xf1: {  	[tilespmem:s19], [sflag:$0x5] =	stream.indirect.gather [hbm4b:s4+s17], $0x20, s6, s17, $0xb8;
	[tilespmem:$0x13400] =	vst v63  }
0xf2: {  	s24 =	simm.s32 $0x280;
	s29 =	simm.s32 $0x8400  }
0xf3: {  	[tilespmem:s29], [sflag:$0x6] =	stream.indirect.gather [hbm4b:s4+s17], $0x20, s24, s17, $0xb8;
	[tilespmem:$0x13400] =	vst v63  }
0xf4: {  	s8 =	simm.s32 $0x9400;
	s6 =	simm.s32 $0x300  }
0xf5: {  	[tilespmem:s8], [sflag:$0x7] =	stream.indirect.gather [hbm4b:s4+s17], $0x20, s6, s17, $0xb8;
	[tilespmem:$0x13400] =	vst v63  }
0xf6: {  	s19 =	simm.s32 $0x380;
	s24 =	simm.s32 $0xA400;
	s29 =	simm.s32 $0x1  }
0xf7: {  	[tilespmem:s24], [sflag:$0x8] =	stream.indirect.gather [hbm4b:s4+s17], $0x20, s19, s17, $0xb8;
	[tilespmem:$0x13400] =	vst v63  }
0xf8: {  	_ =	swait.ge [sflag:s29], $0x1000  }
0xf9: {  	[sflag:s29] =	ssyncset.done $0x0  }
0xfa: {  	s5 =	simm.s32 $0x3410;
	[sflag:s29] =	ssyncadd.s32 $0xFFFFF000  }
0xfb: {  	v3 =	vor.u32 s3, v0;
	s6 =	simm.s32 $0x0;
	s19 =	simm.s32 $0x1;
	v2 =	vld [tilespmem:s5+$0xFFFFFFF0]  }
.LBB2_2:
0xfc: {  	p0 =	sne.s32 s19, $0x7F;
	_ =	sdelay $0x3  }
0xfd: {  	[tilespmem:v3+s28+$0x0] =	vst.idx.msk $0xffff, v2  }
0xfe: {  	v3 =	vor.u32 s6, v1;
	s6 =	smov.u32 s19;
	v2 =	vld [tilespmem:s5+$0x0];
	_ =	sdelay $0x1  }
.Ltmp0:
0xff: {  	(pc) =	sbr.rel @p0 .LBB2_2-.Ltmp0, $3  }
0x100: {  	_ =	sdelay $0x1  }
0x101: {  	s5 =	sadd.s32 $0x20, s5;
	[tilespmem:v3+s28+$0x0] =	vst.idx.msk $0xffff, v2  }
0x102: {  	s19 =	sadd.s32 $0x1, s19;
	v3 =	vor.u32 s6, v0;
	v2 =	vld [tilespmem:s5+$0xFFFFFFF0]  }
0x103: {  	_ =	sdelay $0x3  }
0x104: {  	[tilespmem:v3+s28+$0x0] =	vst.idx.msk $0xffff, v2  }
0x105: {  	v3 =	vor.u32 s6, v1;
	v2 =	vld [tilespmem:s5+$0x0];
	_ =	sdelay $0x4  }
0x106: {  	s8 =	simm.s32 $0x3400;
	s19 =	rddreg [dreg:$0x1d];
	[tilespmem:v3+s28+$0x0] =	vst.idx.msk $0xffff, v2  }
0x107: {  	[tilespmem:s8], [sflag:$0x1] =	stream.indirect.gather [hbm4b:s4+s17], $0x20, s7, s17, $0xb8;
	[tilespmem:$0x13400] =	vst v63  }
0x108: {  	s24 =	rddreg [dreg:$0x1e];
	s5 =	simm.s32 $0x0  }
0x109: {  	[hbm4b:s19+s5] =	stream.linear.scatter [tilespmem:s28], [sflag:$0x9], $0x400, $0x38;
	[tilespmem:$0x13400] =	vst v63  }
0x10a: {  	s29 =	simm.s32 $0xB800;
	s7 =	rddreg [dreg:$0x1f]  }
0x10b: {  	[hbm4b:s24+s5] =	stream.linear.scatter [tilespmem:s29], [sflag:$0x9], $0x400, $0x38;
	[tilespmem:$0x13400] =	vst v63  }
0x10c: {  	s8 =	simm.s32 $0xBC00;
	s19 =	sld [smem:$0x7BF]  }
0x10d: {  	[hbm4b:s7+s5] =	stream.linear.scatter [tilespmem:s8], [sflag:$0x9], $0x400, $0x38;
	[tilespmem:$0x13400] =	vst v63  }
0x10e: {  	s24 =	simm.s32 $0xC000;
	s29 =	simm.s32 $0x2  }
0x10f: {  	[hbm4b:s19+s5] =	stream.linear.scatter [tilespmem:s24], [sflag:$0x9], $0x400, $0x38;
	[tilespmem:$0x13400] =	vst v63  }
0x110: {  	_ =	swait.ge [sflag:s29], $0x1000  }
0x111: {  	[sflag:s29] =	ssyncset.done $0x0  }
0x112: {  	s19 =	simm.s32 $0x4410;
	[sflag:s29] =	ssyncadd.s32 $0xFFFFF000  }
0x113: {  	s6 =	simm.s32 $0x1;
	v3 =	vor.u32 s5, v0;
	v2 =	vld [tilespmem:s19+$0xFFFFFFF0]  }
.LBB2_4:
0x114: {  	p0 =	sne.s32 s6, $0x7F;
	_ =	sdelay $0x3  }
0x115: {  	[tilespmem:v3+s9+$0x0] =	vst.idx.msk $0xffff, v2  }
0x116: {  	v3 =	vor.u32 s5, v1;
	s5 =	smov.u32 s6;
	v2 =	vld [tilespmem:s19+$0x0];
	_ =	sdelay $0x1  }
.Ltmp1:
0x117: {  	(pc) =	sbr.rel @p0 .LBB2_4-.Ltmp1, $3  }
0x118: {  	_ =	sdelay $0x1  }
0x119: {  	s19 =	sadd.s32 $0x20, s19;
	[tilespmem:v3+s9+$0x0] =	vst.idx.msk $0xffff, v2  }
0x11a: {  	s6 =	sadd.s32 $0x1, s6;
	v3 =	vor.u32 s5, v0;
	v2 =	vld [tilespmem:s19+$0xFFFFFFF0]  }
0x11b: {  	_ =	sdelay $0x3  }
0x11c: {  	[tilespmem:v3+s9+$0x0] =	vst.idx.msk $0xffff, v2  }
0x11d: {  	v3 =	vor.u32 s5, v1;
	v2 =	vld [tilespmem:s19+$0x0];
	_ =	sdelay $0x4  }
0x11e: {  	s6 =	simm.s32 $0x480;
	s24 =	sld [smem:$0x7C1];
	s19 =	simm.s32 $0x4400;
	[tilespmem:v3+s9+$0x0] =	vst.idx.msk $0xffff, v2  }
0x11f: {  	[tilespmem:s19], [sflag:$0x2] =	stream.indirect.gather [hbm4b:s4+s17], $0x20, s6, s17, $0xb8;
	[tilespmem:$0x13400] =	vst v63  }
0x120: {  	s29 =	sld [smem:$0x7D9];
	s5 =	simm.s32 $0x0  }
0x121: {  	[hbm4b:s24+s5] =	stream.linear.scatter [tilespmem:s9], [sflag:$0xA], $0x400, $0x38;
	[tilespmem:$0x13400] =	vst v63  }
0x122: {  	s7 =	simm.s32 $0xC800  }
0x123: {  	[hbm4b:s29+s5] =	stream.linear.scatter [tilespmem:s7], [sflag:$0xA], $0x400, $0x38;
	[tilespmem:$0x13400] =	vst v63  }
0x124: {  	s7 =	sld [smem:$0x7EE];
	_ =	sdelay $0x1  }
0x125: {  	s8 =	simm.s32 $0xCC00;
	s19 =	sld [smem:$0x7F1]  }
0x126: {  	[hbm4b:s7+s5] =	stream.linear.scatter [tilespmem:s8], [sflag:$0xA], $0x400, $0x38;
	[tilespmem:$0x13400] =	vst v63  }
0x127: {  	s24 =	simm.s32 $0xD000;
	s29 =	simm.s32 $0x3  }
0x128: {  	[hbm4b:s19+s5] =	stream.linear.scatter [tilespmem:s24], [sflag:$0xA], $0x400, $0x38;
	[tilespmem:$0x13400] =	vst v63  }
0x129: {  	_ =	swait.ge [sflag:s29], $0x1000  }
0x12a: {  	[sflag:s29] =	ssyncset.done $0x0  }
0x12b: {  	s19 =	simm.s32 $0x5410;
	[sflag:s29] =	ssyncadd.s32 $0xFFFFF000  }
0x12c: {  	v3 =	vor.u32 s5, v0;
	s6 =	simm.s32 $0x1;
	v2 =	vld [tilespmem:s19+$0xFFFFFFF0]  }
.LBB2_6:
0x12d: {  	p0 =	sne.s32 s6, $0x7F;
	_ =	sdelay $0x3  }
0x12e: {  	[tilespmem:v3+s18+$0x0] =	vst.idx.msk $0xffff, v2  }
0x12f: {  	v3 =	vor.u32 s5, v1;
	s5 =	smov.u32 s6;
	v2 =	vld [tilespmem:s19+$0x0];
	_ =	sdelay $0x1  }
.Ltmp2:
0x130: {  	(pc) =	sbr.rel @p0 .LBB2_6-.Ltmp2, $3  }
0x131: {  	_ =	sdelay $0x1  }
0x132: {  	s19 =	sadd.s32 $0x20, s19;
	[tilespmem:v3+s18+$0x0] =	vst.idx.msk $0xffff, v2  }
0x133: {  	s6 =	sadd.s32 $0x1, s6;
	v3 =	vor.u32 s5, v0;
	v2 =	vld [tilespmem:s19+$0xFFFFFFF0]  }
0x134: {  	_ =	sdelay $0x3  }
0x135: {  	[tilespmem:v3+s18+$0x0] =	vst.idx.msk $0xffff, v2  }
0x136: {  	v3 =	vor.u32 s5, v1;
	v2 =	vld [tilespmem:s19+$0x0];
	_ =	sdelay $0x4  }
0x137: {  	s6 =	simm.s32 $0x500;
	s24 =	sld [smem:$0x7C2];
	s19 =	simm.s32 $0x5400;
	[tilespmem:v3+s18+$0x0] =	vst.idx.msk $0xffff, v2  }
0x138: {  	[tilespmem:s19], [sflag:$0x3] =	stream.indirect.gather [hbm4b:s4+s17], $0x20, s6, s17, $0xb8;
	[tilespmem:$0x13400] =	vst v63  }
0x139: {  	s29 =	sld [smem:$0x7DF];
	s5 =	simm.s32 $0x0  }
0x13a: {  	[hbm4b:s24+s5] =	stream.linear.scatter [tilespmem:s18], [sflag:$0xB], $0x400, $0x38;
	[tilespmem:$0x13400] =	vst v63  }
0x13b: {  	s7 =	simm.s32 $0xD800  }
0x13c: {  	[hbm4b:s29+s5] =	stream.linear.scatter [tilespmem:s7], [sflag:$0xB], $0x400, $0x38;
	[tilespmem:$0x13400] =	vst v63  }
0x13d: {  	s7 =	sld [smem:$0x7F4];
	_ =	sdelay $0x1  }
0x13e: {  	s8 =	simm.s32 $0xDC00;
	s19 =	sld [smem:$0x7E2]  }
0x13f: {  	[hbm4b:s7+s5] =	stream.linear.scatter [tilespmem:s8], [sflag:$0xB], $0x400, $0x38;
	[tilespmem:$0x13400] =	vst v63  }
0x140: {  	s24 =	simm.s32 $0xE000;
	s29 =	simm.s32 $0x4  }
0x141: {  	[hbm4b:s19+s5] =	stream.linear.scatter [tilespmem:s24], [sflag:$0xB], $0x400, $0x38;
	[tilespmem:$0x13400] =	vst v63  }
0x142: {  	_ =	swait.ge [sflag:s29], $0x1000  }
0x143: {  	[sflag:s29] =	ssyncset.done $0x0  }
0x144: {  	s19 =	simm.s32 $0x6410;
	[sflag:s29] =	ssyncadd.s32 $0xFFFFF000  }
0x145: {  	v3 =	vor.u32 s5, v0;
	s6 =	simm.s32 $0x1;
	v2 =	vld [tilespmem:s19+$0xFFFFFFF0]  }
.LBB2_8:
0x146: {  	p0 =	sne.s32 s6, $0x7F;
	_ =	sdelay $0x3  }
0x147: {  	[tilespmem:v3+s23+$0x0] =	vst.idx.msk $0xffff, v2  }
0x148: {  	v3 =	vor.u32 s5, v1;
	s5 =	smov.u32 s6;
	v2 =	vld [tilespmem:s19+$0x0];
	_ =	sdelay $0x1  }
.Ltmp3:
0x149: {  	(pc) =	sbr.rel @p0 .LBB2_8-.Ltmp3, $3  }
0x14a: {  	_ =	sdelay $0x1  }
0x14b: {  	s19 =	sadd.s32 $0x20, s19;
	[tilespmem:v3+s23+$0x0] =	vst.idx.msk $0xffff, v2  }
0x14c: {  	s6 =	sadd.s32 $0x1, s6;
	v3 =	vor.u32 s5, v0;
	v2 =	vld [tilespmem:s19+$0xFFFFFFF0]  }
0x14d: {  	_ =	sdelay $0x3  }
0x14e: {  	[tilespmem:v3+s23+$0x0] =	vst.idx.msk $0xffff, v2  }
0x14f: {  	v3 =	vor.u32 s5, v1;
	v2 =	vld [tilespmem:s19+$0x0];
	_ =	sdelay $0x4  }
0x150: {  	s6 =	simm.s32 $0x580;
	s24 =	sld [smem:$0x7C3];
	s19 =	simm.s32 $0x6400;
	[tilespmem:v3+s23+$0x0] =	vst.idx.msk $0xffff, v2  }
0x151: {  	[tilespmem:s19], [sflag:$0x4] =	stream.indirect.gather [hbm4b:s4+s17], $0x20, s6, s17, $0xb8;
	[tilespmem:$0x13400] =	vst v63  }
0x152: {  	s29 =	sld [smem:$0x7E5];
	s5 =	simm.s32 $0x0  }
0x153: {  	[hbm4b:s24+s5] =	stream.linear.scatter [tilespmem:s23], [sflag:$0xC], $0x400, $0x38;
	[tilespmem:$0x13400] =	vst v63  }
0x154: {  	s7 =	simm.s32 $0xE800  }
0x155: {  	[hbm4b:s29+s5] =	stream.linear.scatter [tilespmem:s7], [sflag:$0xC], $0x400, $0x38;
	[tilespmem:$0x13400] =	vst v63  }
0x156: {  	s7 =	sld [smem:$0x7FA];
	_ =	sdelay $0x1  }
0x157: {  	s8 =	simm.s32 $0xEC00;
	s19 =	sld [smem:$0x7C4]  }
0x158: {  	[hbm4b:s7+s5] =	stream.linear.scatter [tilespmem:s8], [sflag:$0xC], $0x400, $0x38;
	[tilespmem:$0x13400] =	vst v63  }
0x159: {  	s24 =	simm.s32 $0xF000;
	s29 =	simm.s32 $0x5  }
0x15a: {  	[hbm4b:s19+s5] =	stream.linear.scatter [tilespmem:s24], [sflag:$0xC], $0x400, $0x38;
	[tilespmem:$0x13400] =	vst v63  }
0x15b: {  	_ =	swait.ge [sflag:s29], $0x1000  }
0x15c: {  	[sflag:s29] =	ssyncset.done $0x0  }
0x15d: {  	s19 =	simm.s32 $0x7410;
	[sflag:s29] =	ssyncadd.s32 $0xFFFFF000  }
0x15e: {  	v3 =	vor.u32 s5, v0;
	s6 =	simm.s32 $0x1;
	v2 =	vld [tilespmem:s19+$0xFFFFFFF0]  }
.LBB2_10:
0x15f: {  	p0 =	sne.s32 s6, $0x7F;
	_ =	sdelay $0x3  }
0x160: {  	[tilespmem:v3+s31+$0x0] =	vst.idx.msk $0xffff, v2  }
0x161: {  	v3 =	vor.u32 s5, v1;
	s5 =	smov.u32 s6;
	v2 =	vld [tilespmem:s19+$0x0];
	_ =	sdelay $0x1  }
.Ltmp4:
0x162: {  	(pc) =	sbr.rel @p0 .LBB2_10-.Ltmp4, $3  }
0x163: {  	_ =	sdelay $0x1  }
0x164: {  	s19 =	sadd.s32 $0x20, s19;
	[tilespmem:v3+s31+$0x0] =	vst.idx.msk $0xffff, v2  }
0x165: {  	s6 =	sadd.s32 $0x1, s6;
	v3 =	vor.u32 s5, v0;
	v2 =	vld [tilespmem:s19+$0xFFFFFFF0]  }
0x166: {  	_ =	sdelay $0x3  }
0x167: {  	[tilespmem:v3+s31+$0x0] =	vst.idx.msk $0xffff, v2  }
0x168: {  	v3 =	vor.u32 s5, v1;
	v2 =	vld [tilespmem:s19+$0x0];
	_ =	sdelay $0x4  }
0x169: {  	s24 =	simm.s32 $0x7400;
	s6 =	sld [smem:$0x7C5];
	[tilespmem:v3+s31+$0x0] =	vst.idx.msk $0xffff, v2  }
0x16a: {  	[tilespmem:s24], [sflag:$0x5] =	stream.indirect.gather [hbm4b:s4+s17], $0x20, s14, s17, $0xb8;
	[tilespmem:$0x13400] =	vst v63  }
0x16b: {  	s29 =	sld [smem:$0x7C6];
	s5 =	simm.s32 $0x0  }
0x16c: {  	[hbm4b:s6+s5] =	stream.linear.scatter [tilespmem:s31], [sflag:$0xD], $0x400, $0x38;
	[tilespmem:$0x13400] =	vst v63  }
0x16d: {  	s7 =	simm.s32 $0xF800;
	s8 =	sld [smem:$0x7C7]  }
0x16e: {  	[hbm4b:s29+s5] =	stream.linear.scatter [tilespmem:s7], [sflag:$0xD], $0x400, $0x38;
	[tilespmem:$0x13400] =	vst v63  }
0x16f: {  	s19 =	sld [smem:$0x7C8];
	s14 =	simm.s32 $0xFC00  }
0x170: {  	[hbm4b:s8+s5] =	stream.linear.scatter [tilespmem:s14], [sflag:$0xD], $0x400, $0x38;
	[tilespmem:$0x13400] =	vst v63  }
0x171: {  	s24 =	simm.s32 $0x10000;
	s29 =	simm.s32 $0x6  }
0x172: {  	[hbm4b:s19+s5] =	stream.linear.scatter [tilespmem:s24], [sflag:$0xD], $0x400, $0x38;
	[tilespmem:$0x13400] =	vst v63  }
0x173: {  	_ =	swait.ge [sflag:s29], $0x1000  }
0x174: {  	[sflag:s29] =	ssyncset.done $0x0  }
0x175: {  	s19 =	simm.s32 $0x8410;
	[sflag:s29] =	ssyncadd.s32 $0xFFFFF000  }
0x176: {  	v3 =	vor.u32 s5, v0;
	s6 =	simm.s32 $0x1;
	v2 =	vld [tilespmem:s19+$0xFFFFFFF0]  }
.LBB2_12:
0x177: {  	p0 =	sne.s32 s6, $0x7F;
	_ =	sdelay $0x3  }
0x178: {  	[tilespmem:v3+s20+$0x0] =	vst.idx.msk $0xffff, v2  }
0x179: {  	v3 =	vor.u32 s5, v1;
	s5 =	smov.u32 s6;
	v2 =	vld [tilespmem:s19+$0x0];
	_ =	sdelay $0x1  }
.Ltmp5:
0x17a: {  	(pc) =	sbr.rel @p0 .LBB2_12-.Ltmp5, $3  }
0x17b: {  	_ =	sdelay $0x1  }
0x17c: {  	s19 =	sadd.s32 $0x20, s19;
	[tilespmem:v3+s20+$0x0] =	vst.idx.msk $0xffff, v2  }
0x17d: {  	s6 =	sadd.s32 $0x1, s6;
	v3 =	vor.u32 s5, v0;
	v2 =	vld [tilespmem:s19+$0xFFFFFFF0]  }
0x17e: {  	_ =	sdelay $0x3  }
0x17f: {  	[tilespmem:v3+s20+$0x0] =	vst.idx.msk $0xffff, v2  }
0x180: {  	v3 =	vor.u32 s5, v1;
	v2 =	vld [tilespmem:s19+$0x0];
	_ =	sdelay $0x4  }
0x181: {  	s6 =	simm.s32 $0x680;
	s24 =	sld [smem:$0x7C9];
	s19 =	simm.s32 $0x8400;
	[tilespmem:v3+s20+$0x0] =	vst.idx.msk $0xffff, v2  }
0x182: {  	[tilespmem:s19], [sflag:$0x6] =	stream.indirect.gather [hbm4b:s4+s17], $0x20, s6, s17, $0xb8;
	[tilespmem:$0x13400] =	vst v63  }
0x183: {  	s29 =	sld [smem:$0x7CA];
	s5 =	simm.s32 $0x0  }
0x184: {  	[hbm4b:s24+s5] =	stream.linear.scatter [tilespmem:s20], [sflag:$0xE], $0x400, $0x38;
	[tilespmem:$0x13400] =	vst v63  }
0x185: {  	s7 =	simm.s32 $0x10800;
	s8 =	sld [smem:$0x7CB]  }
0x186: {  	[hbm4b:s29+s5] =	stream.linear.scatter [tilespmem:s7], [sflag:$0xE], $0x400, $0x38;
	[tilespmem:$0x13400] =	vst v63  }
0x187: {  	s14 =	simm.s32 $0x10C00;
	s19 =	sld [smem:$0x7CC]  }
0x188: {  	[hbm4b:s8+s5] =	stream.linear.scatter [tilespmem:s14], [sflag:$0xE], $0x400, $0x38;
	[tilespmem:$0x13400] =	vst v63  }
0x189: {  	s24 =	simm.s32 $0x11000;
	s29 =	simm.s32 $0x7  }
0x18a: {  	[hbm4b:s19+s5] =	stream.linear.scatter [tilespmem:s24], [sflag:$0xE], $0x400, $0x38;
	[tilespmem:$0x13400] =	vst v63  }
0x18b: {  	_ =	swait.ge [sflag:s29], $0x1000  }
0x18c: {  	[sflag:s29] =	ssyncset.done $0x0  }
0x18d: {  	s19 =	simm.s32 $0x9410;
	[sflag:s29] =	ssyncadd.s32 $0xFFFFF000  }
0x18e: {  	v3 =	vor.u32 s5, v0;
	s6 =	simm.s32 $0x1;
	v2 =	vld [tilespmem:s19+$0xFFFFFFF0]  }
.LBB2_14:
0x18f: {  	p0 =	sne.s32 s6, $0x7F;
	_ =	sdelay $0x3  }
0x190: {  	[tilespmem:v3+s10+$0x0] =	vst.idx.msk $0xffff, v2  }
0x191: {  	v3 =	vor.u32 s5, v1;
	s5 =	smov.u32 s6;
	v2 =	vld [tilespmem:s19+$0x0];
	_ =	sdelay $0x1  }
.Ltmp6:
0x192: {  	(pc) =	sbr.rel @p0 .LBB2_14-.Ltmp6, $3  }
0x193: {  	_ =	sdelay $0x1  }
0x194: {  	s19 =	sadd.s32 $0x20, s19;
	[tilespmem:v3+s10+$0x0] =	vst.idx.msk $0xffff, v2  }
0x195: {  	s6 =	sadd.s32 $0x1, s6;
	v3 =	vor.u32 s5, v0;
	v2 =	vld [tilespmem:s19+$0xFFFFFFF0]  }
0x196: {  	_ =	sdelay $0x3  }
0x197: {  	[tilespmem:v3+s10+$0x0] =	vst.idx.msk $0xffff, v2  }
0x198: {  	v3 =	vor.u32 s5, v1;
	v2 =	vld [tilespmem:s19+$0x0];
	_ =	sdelay $0x4  }
0x199: {  	s6 =	simm.s32 $0x700;
	s24 =	sld [smem:$0x7CD];
	s19 =	simm.s32 $0x9400;
	[tilespmem:v3+s10+$0x0] =	vst.idx.msk $0xffff, v2  }
0x19a: {  	[tilespmem:s19], [sflag:$0x7] =	stream.indirect.gather [hbm4b:s4+s17], $0x20, s6, s17, $0xb8;
	[tilespmem:$0x13400] =	vst v63  }
0x19b: {  	s29 =	sld [smem:$0x7CE];
	s5 =	simm.s32 $0x0  }
0x19c: {  	[hbm4b:s24+s5] =	stream.linear.scatter [tilespmem:s10], [sflag:$0xF], $0x400, $0x38;
	[tilespmem:$0x13400] =	vst v63  }
0x19d: {  	s7 =	simm.s32 $0x11800;
	s8 =	sld [smem:$0x7CF]  }
0x19e: {  	[hbm4b:s29+s5] =	stream.linear.scatter [tilespmem:s7], [sflag:$0xF], $0x400, $0x38;
	[tilespmem:$0x13400] =	vst v63  }
0x19f: {  	s14 =	simm.s32 $0x11C00;
	s19 =	sld [smem:$0x7D0]  }
0x1a0: {  	[hbm4b:s8+s5] =	stream.linear.scatter [tilespmem:s14], [sflag:$0xF], $0x400, $0x38;
	[tilespmem:$0x13400] =	vst v63  }
0x1a1: {  	s24 =	simm.s32 $0x12000;
	s29 =	simm.s32 $0x8  }
0x1a2: {  	[hbm4b:s19+s5] =	stream.linear.scatter [tilespmem:s24], [sflag:$0xF], $0x400, $0x38;
	[tilespmem:$0x13400] =	vst v63  }
0x1a3: {  	_ =	swait.ge [sflag:s29], $0x1000  }
0x1a4: {  	[sflag:s29] =	ssyncset.done $0x0  }
0x1a5: {  	s19 =	simm.s32 $0xA410;
	[sflag:s29] =	ssyncadd.s32 $0xFFFFF000  }
0x1a6: {  	v3 =	vor.u32 s5, v0;
	s6 =	simm.s32 $0x1;
	v2 =	vld [tilespmem:s19+$0xFFFFFFF0]  }
.LBB2_16:
0x1a7: {  	p0 =	sne.s32 s6, $0x7F;
	_ =	sdelay $0x3  }
0x1a8: {  	[tilespmem:v3+s25+$0x0] =	vst.idx.msk $0xffff, v2  }
0x1a9: {  	v3 =	vor.u32 s5, v1;
	s5 =	smov.u32 s6;
	v2 =	vld [tilespmem:s19+$0x0];
	_ =	sdelay $0x1  }
.Ltmp7:
0x1aa: {  	(pc) =	sbr.rel @p0 .LBB2_16-.Ltmp7, $3  }
0x1ab: {  	_ =	sdelay $0x1  }
0x1ac: {  	s19 =	sadd.s32 $0x20, s19;
	[tilespmem:v3+s25+$0x0] =	vst.idx.msk $0xffff, v2  }
0x1ad: {  	s6 =	sadd.s32 $0x1, s6;
	v3 =	vor.u32 s5, v0;
	v2 =	vld [tilespmem:s19+$0xFFFFFFF0]  }
0x1ae: {  	_ =	sdelay $0x3  }
0x1af: {  	[tilespmem:v3+s25+$0x0] =	vst.idx.msk $0xffff, v2  }
0x1b0: {  	v3 =	vor.u32 s5, v1;
	v2 =	vld [tilespmem:s19+$0x0];
	_ =	sdelay $0x4  }
0x1b1: {  	s24 =	simm.s32 $0xA400;
	s6 =	simm.s32 $0x780;
	s29 =	sld [smem:$0x7D1];
	[tilespmem:v3+s25+$0x0] =	vst.idx.msk $0xffff, v2  }
0x1b2: {  	[tilespmem:s24], [sflag:$0x8] =	stream.indirect.gather [hbm4b:s4+s17], $0x20, s6, s17, $0xb8;
	[tilespmem:$0x13400] =	vst v63  }
0x1b3: {  	s7 =	simm.s32 $0x0;
	s6 =	sld [smem:$0x7D2]  }
0x1b4: {  	[hbm4b:s29+s7] =	stream.linear.scatter [tilespmem:s25], [sflag:$0x10], $0x400, $0x38;
	[tilespmem:$0x13400] =	vst v63  }
0x1b5: {  	s8 =	simm.s32 $0x12800;
	s14 =	sld [smem:$0x7D3]  }
0x1b6: {  	[hbm4b:s6+s7] =	stream.linear.scatter [tilespmem:s8], [sflag:$0x10], $0x400, $0x38;
	[tilespmem:$0x13400] =	vst v63  }
0x1b7: {  	s19 =	simm.s32 $0x12C00;
	s24 =	sld [smem:$0x7D4]  }
0x1b8: {  	[hbm4b:s14+s7] =	stream.linear.scatter [tilespmem:s19], [sflag:$0x10], $0x400, $0x38;
	[tilespmem:$0x13400] =	vst v63  }
0x1b9: {  	s29 =	simm.s32 $0x13000;
	s19 =	simm.s32 $0x0  }
0x1ba: {  	[hbm4b:s24+s7] =	stream.linear.scatter [tilespmem:s29], [sflag:$0x10], $0x400, $0x38;
	[tilespmem:$0x13400] =	vst v63  }
.LBB2_18:
0x1bb: {  	s5 =	simm.s32 $0x1  }
0x1bc: {  	_ =	swait.ge [sflag:s5], $0x1000  }
0x1bd: {  	[sflag:s5] =	ssyncset.done $0x0  }
0x1be: {  	[sflag:s5] =	ssyncadd.s32 $0xFFFFF000  }
0x1bf: {  	_ =	swait.ge [sflag:s11], $0x400  }
0x1c0: {  	[sflag:s11] =	ssyncset.done $0x0  }
0x1c1: {  	[sflag:s11] =	ssyncadd.s32 $0xFFFFFC00  }
0x1c2: {  	_ =	swait.ge [sflag:s11], $0x400  }
0x1c3: {  	[sflag:s11] =	ssyncset.done $0x0  }
0x1c4: {  	[sflag:s11] =	ssyncadd.s32 $0xFFFFFC00  }
0x1c5: {  	_ =	swait.ge [sflag:s11], $0x400  }
0x1c6: {  	[sflag:s11] =	ssyncset.done $0x0  }
0x1c7: {  	[sflag:s11] =	ssyncadd.s32 $0xFFFFFC00  }
0x1c8: {  	_ =	swait.ge [sflag:s11], $0x400  }
0x1c9: {  	[sflag:s11] =	ssyncset.done $0x0  }
0x1ca: {  	s6 =	simm.s32 $0x0;
	s5 =	simm.s32 $0x3410;
	[sflag:s11] =	ssyncadd.s32 $0xFFFFFC00  }
0x1cb: {  	s14 =	smov.u32 s30;
	s24 =	simm.s32 $0x1;
	v3 =	vor.u32 s6, v0;
	s6 =	simm.s32 $0x0;
	v2 =	vld [tilespmem:s5+$0xFFFFFFF0]  }
.LBB2_19:
0x1cc: {  	p0 =	sne.s32 s24, $0x7F;
	_ =	sdelay $0x3  }
0x1cd: {  	[tilespmem:v3+s28+$0x0] =	vst.idx.msk $0xffff, v2  }
0x1ce: {  	v3 =	vor.u32 s6, v1;
	s6 =	smov.u32 s24;
	v2 =	vld [tilespmem:s5+$0x0];
	_ =	sdelay $0x1  }
.Ltmp8:
0x1cf: {  	(pc) =	sbr.rel @p0 .LBB2_19-.Ltmp8, $3  }
0x1d0: {  	_ =	sdelay $0x1  }
0x1d1: {  	s5 =	sadd.s32 $0x20, s5;
	[tilespmem:v3+s28+$0x0] =	vst.idx.msk $0xffff, v2  }
0x1d2: {  	s24 =	sadd.s32 $0x1, s24;
	v3 =	vor.u32 s6, v0;
	v2 =	vld [tilespmem:s5+$0xFFFFFFF0]  }
0x1d3: {  	_ =	sdelay $0x3  }
0x1d4: {  	[tilespmem:v3+s28+$0x0] =	vst.idx.msk $0xffff, v2  }
0x1d5: {  	v3 =	vor.u32 s6, v1;
	v2 =	vld [tilespmem:s5+$0x0];
	_ =	sdelay $0x2  }
0x1d6: {  	s7 =	sshll.u32 s19, $0xA  }
0x1d7: {  	s24 =	sshll.u32 s19, $0x14;
	s29 =	sand.u32 $0x3FFFFC00, s7;
	s7 =	sld [smem:$0x7C0]  }
0x1d8: {  	s8 =	simm.s32 $0x3400;
	s30 =	sadd.s32 $0x100000, s24;
	s5 =	sadd.s32 $0x800, s29;
	[tilespmem:v3+s28+$0x0] =	vst.idx.msk $0xffff, v2  }
0x1d9: {  	[tilespmem:s8], [sflag:$0x1] =	stream.indirect.gather [hbm4b:s4+s17], $0x20, s5, s17, $0xb8;
	[tilespmem:$0x13400] =	vst v63  }
0x1da: {  	s5 =	sor.u32 s7, s30  }
0x1db: {  	s8 =	sld [smem:$0x7BC];
	s6 =	sshrl.u32 s5, $0x3  }
0x1dc: {  	s5 =	simm.s32 $0x0;
	s7 =	sadd.s32 s2, s6  }
0x1dd: {  	[hbm4b:s7+s5] =	stream.linear.scatter [tilespmem:s28], [sflag:$0x9], $0x400, $0x38;
	[tilespmem:$0x13400] =	vst v63  }
0x1de: {  	s7 =	sadd.s32 s6, s8;
	s8 =	simm.s32 $0xB800  }
0x1df: {  	[hbm4b:s7+s5] =	stream.linear.scatter [tilespmem:s8], [sflag:$0x9], $0x400, $0x38;
	[tilespmem:$0x13400] =	vst v63  }
0x1e0: {  	s8 =	sld [smem:$0x7BD];
	_ =	sdelay $0x2  }
0x1e1: {  	s7 =	sadd.s32 s6, s8;
	s8 =	simm.s32 $0xBC00  }
0x1e2: {  	[hbm4b:s7+s5] =	stream.linear.scatter [tilespmem:s8], [sflag:$0x9], $0x400, $0x38;
	[tilespmem:$0x13400] =	vst v63  }
0x1e3: {  	s8 =	sld [smem:$0x7BE];
	_ =	sdelay $0x2  }
0x1e4: {  	s6 =	sadd.s32 s6, s8;
	s8 =	simm.s32 $0xC000  }
0x1e5: {  	[hbm4b:s6+s5] =	stream.linear.scatter [tilespmem:s8], [sflag:$0x9], $0x400, $0x38;
	[tilespmem:$0x13400] =	vst v63  }
0x1e6: {  	s8 =	simm.s32 $0x2  }
0x1e7: {  	_ =	swait.ge [sflag:s8], $0x1000  }
0x1e8: {  	[sflag:s8] =	ssyncset.done $0x0  }
0x1e9: {  	[sflag:s8] =	ssyncadd.s32 $0xFFFFF000  }
0x1ea: {  	_ =	swait.ge [sflag:s15], $0x400  }
0x1eb: {  	[sflag:s15] =	ssyncset.done $0x0  }
0x1ec: {  	[sflag:s15] =	ssyncadd.s32 $0xFFFFFC00  }
0x1ed: {  	_ =	swait.ge [sflag:s15], $0x400  }
0x1ee: {  	[sflag:s15] =	ssyncset.done $0x0  }
0x1ef: {  	[sflag:s15] =	ssyncadd.s32 $0xFFFFFC00  }
0x1f0: {  	_ =	swait.ge [sflag:s15], $0x400  }
0x1f1: {  	[sflag:s15] =	ssyncset.done $0x0  }
0x1f2: {  	[sflag:s15] =	ssyncadd.s32 $0xFFFFFC00  }
0x1f3: {  	_ =	swait.ge [sflag:s15], $0x400  }
0x1f4: {  	[sflag:s15] =	ssyncset.done $0x0  }
0x1f5: {  	s6 =	simm.s32 $0x4410;
	[sflag:s15] =	ssyncadd.s32 $0xFFFFFC00  }
0x1f6: {  	v3 =	vor.u32 s5, v0;
	s7 =	simm.s32 $0x1;
	v2 =	vld [tilespmem:s6+$0xFFFFFFF0]  }
.LBB2_21:
0x1f7: {  	p0 =	sne.s32 s7, $0x7F;
	_ =	sdelay $0x3  }
0x1f8: {  	[tilespmem:v3+s9+$0x0] =	vst.idx.msk $0xffff, v2  }
0x1f9: {  	v3 =	vor.u32 s5, v1;
	s5 =	smov.u32 s7;
	v2 =	vld [tilespmem:s6+$0x0];
	_ =	sdelay $0x1  }
.Ltmp9:
0x1fa: {  	(pc) =	sbr.rel @p0 .LBB2_21-.Ltmp9, $3  }
0x1fb: {  	_ =	sdelay $0x1  }
0x1fc: {  	s6 =	sadd.s32 $0x20, s6;
	[tilespmem:v3+s9+$0x0] =	vst.idx.msk $0xffff, v2  }
0x1fd: {  	s7 =	sadd.s32 $0x1, s7;
	v3 =	vor.u32 s5, v0;
	v2 =	vld [tilespmem:s6+$0xFFFFFFF0]  }
0x1fe: {  	_ =	sdelay $0x3  }
0x1ff: {  	[tilespmem:v3+s9+$0x0] =	vst.idx.msk $0xffff, v2  }
0x200: {  	v3 =	vor.u32 s5, v1;
	v2 =	vld [tilespmem:s6+$0x0];
	_ =	sdelay $0x4  }
0x201: {  	s7 =	sadd.s32 $0x880, s29;
	s8 =	simm.s32 $0x4400;
	[tilespmem:v3+s9+$0x0] =	vst.idx.msk $0xffff, v2  }
0x202: {  	[tilespmem:s8], [sflag:$0x2] =	stream.indirect.gather [hbm4b:s4+s17], $0x20, s7, s17, $0xb8;
	[tilespmem:$0x13400] =	vst v63  }
0x203: {  	s7 =	sor.u32 s12, s30  }
0x204: {  	s6 =	sshrl.u32 s7, $0x3  }
0x205: {  	s5 =	simm.s32 $0x0;
	s7 =	sadd.s32 s2, s6;
	s8 =	sor.u32 $0x4000, s6  }
0x206: {  	[hbm4b:s7+s5] =	stream.linear.scatter [tilespmem:s9], [sflag:$0xA], $0x400, $0x38;
	[tilespmem:$0x13400] =	vst v63  }
0x207: {  	s7 =	sadd.s32 s2, s8;
	s8 =	simm.s32 $0xC800  }
0x208: {  	[hbm4b:s7+s5] =	stream.linear.scatter [tilespmem:s8], [sflag:$0xA], $0x400, $0x38;
	[tilespmem:$0x13400] =	vst v63  }
0x209: {  	s8 =	sor.u32 $0x8000, s6  }
0x20a: {  	s6 =	sor.u32 $0xC000, s6;
	s7 =	sadd.s32 s2, s8;
	s8 =	simm.s32 $0xCC00  }
0x20b: {  	[hbm4b:s7+s5] =	stream.linear.scatter [tilespmem:s8], [sflag:$0xA], $0x400, $0x38;
	[tilespmem:$0x13400] =	vst v63  }
0x20c: {  	s6 =	sadd.s32 s2, s6;
	s8 =	simm.s32 $0xD000  }
0x20d: {  	[hbm4b:s6+s5] =	stream.linear.scatter [tilespmem:s8], [sflag:$0xA], $0x400, $0x38;
	[tilespmem:$0x13400] =	vst v63  }
0x20e: {  	s8 =	simm.s32 $0x3  }
0x20f: {  	_ =	swait.ge [sflag:s8], $0x1000  }
0x210: {  	[sflag:s8] =	ssyncset.done $0x0  }
0x211: {  	[sflag:s8] =	ssyncadd.s32 $0xFFFFF000  }
0x212: {  	_ =	swait.ge [sflag:s21], $0x400  }
0x213: {  	[sflag:s21] =	ssyncset.done $0x0  }
0x214: {  	[sflag:s21] =	ssyncadd.s32 $0xFFFFFC00  }
0x215: {  	_ =	swait.ge [sflag:s21], $0x400  }
0x216: {  	[sflag:s21] =	ssyncset.done $0x0  }
0x217: {  	[sflag:s21] =	ssyncadd.s32 $0xFFFFFC00  }
0x218: {  	_ =	swait.ge [sflag:s21], $0x400  }
0x219: {  	[sflag:s21] =	ssyncset.done $0x0  }
0x21a: {  	[sflag:s21] =	ssyncadd.s32 $0xFFFFFC00  }
0x21b: {  	_ =	swait.ge [sflag:s21], $0x400  }
0x21c: {  	[sflag:s21] =	ssyncset.done $0x0  }
0x21d: {  	s6 =	simm.s32 $0x5410;
	[sflag:s21] =	ssyncadd.s32 $0xFFFFFC00  }
0x21e: {  	v3 =	vor.u32 s5, v0;
	s7 =	simm.s32 $0x1;
	v2 =	vld [tilespmem:s6+$0xFFFFFFF0]  }
.LBB2_23:
0x21f: {  	p0 =	sne.s32 s7, $0x7F;
	_ =	sdelay $0x3  }
0x220: {  	[tilespmem:v3+s18+$0x0] =	vst.idx.msk $0xffff, v2  }
0x221: {  	v3 =	vor.u32 s5, v1;
	s5 =	smov.u32 s7;
	v2 =	vld [tilespmem:s6+$0x0];
	_ =	sdelay $0x1  }
.Ltmp10:
0x222: {  	(pc) =	sbr.rel @p0 .LBB2_23-.Ltmp10, $3  }
0x223: {  	_ =	sdelay $0x1  }
0x224: {  	s6 =	sadd.s32 $0x20, s6;
	[tilespmem:v3+s18+$0x0] =	vst.idx.msk $0xffff, v2  }
0x225: {  	s7 =	sadd.s32 $0x1, s7;
	v3 =	vor.u32 s5, v0;
	v2 =	vld [tilespmem:s6+$0xFFFFFFF0]  }
0x226: {  	_ =	sdelay $0x3  }
0x227: {  	[tilespmem:v3+s18+$0x0] =	vst.idx.msk $0xffff, v2  }
0x228: {  	v3 =	vor.u32 s5, v1;
	v2 =	vld [tilespmem:s6+$0x0];
	_ =	sdelay $0x4  }
0x229: {  	s7 =	sadd.s32 $0x900, s29;
	s8 =	simm.s32 $0x5400;
	[tilespmem:v3+s18+$0x0] =	vst.idx.msk $0xffff, v2  }
0x22a: {  	[tilespmem:s8], [sflag:$0x3] =	stream.indirect.gather [hbm4b:s4+s17], $0x20, s7, s17, $0xb8;
	[tilespmem:$0x13400] =	vst v63  }
0x22b: {  	s7 =	sor.u32 s13, s30  }
0x22c: {  	s6 =	sshrl.u32 s7, $0x3  }
0x22d: {  	s5 =	simm.s32 $0x0;
	s7 =	sadd.s32 s2, s6;
	s8 =	sor.u32 $0x4000, s6  }
0x22e: {  	[hbm4b:s7+s5] =	stream.linear.scatter [tilespmem:s18], [sflag:$0xB], $0x400, $0x38;
	[tilespmem:$0x13400] =	vst v63  }
0x22f: {  	s7 =	sadd.s32 s2, s8;
	s8 =	simm.s32 $0xD800  }
0x230: {  	[hbm4b:s7+s5] =	stream.linear.scatter [tilespmem:s8], [sflag:$0xB], $0x400, $0x38;
	[tilespmem:$0x13400] =	vst v63  }
0x231: {  	s8 =	sor.u32 $0x8000, s6  }
0x232: {  	s6 =	sor.u32 $0xC000, s6;
	s7 =	sadd.s32 s2, s8;
	s8 =	simm.s32 $0xDC00  }
0x233: {  	[hbm4b:s7+s5] =	stream.linear.scatter [tilespmem:s8], [sflag:$0xB], $0x400, $0x38;
	[tilespmem:$0x13400] =	vst v63  }
0x234: {  	s6 =	sadd.s32 s2, s6;
	s8 =	simm.s32 $0xE000  }
0x235: {  	[hbm4b:s6+s5] =	stream.linear.scatter [tilespmem:s8], [sflag:$0xB], $0x400, $0x38;
	[tilespmem:$0x13400] =	vst v63  }
0x236: {  	s8 =	simm.s32 $0x4  }
0x237: {  	_ =	swait.ge [sflag:s8], $0x1000  }
0x238: {  	[sflag:s8] =	ssyncset.done $0x0  }
0x239: {  	[sflag:s8] =	ssyncadd.s32 $0xFFFFF000  }
0x23a: {  	_ =	swait.ge [sflag:s16], $0x400  }
0x23b: {  	[sflag:s16] =	ssyncset.done $0x0  }
0x23c: {  	[sflag:s16] =	ssyncadd.s32 $0xFFFFFC00  }
0x23d: {  	_ =	swait.ge [sflag:s16], $0x400  }
0x23e: {  	[sflag:s16] =	ssyncset.done $0x0  }
0x23f: {  	[sflag:s16] =	ssyncadd.s32 $0xFFFFFC00  }
0x240: {  	_ =	swait.ge [sflag:s16], $0x400  }
0x241: {  	[sflag:s16] =	ssyncset.done $0x0  }
0x242: {  	[sflag:s16] =	ssyncadd.s32 $0xFFFFFC00  }
0x243: {  	_ =	swait.ge [sflag:s16], $0x400  }
0x244: {  	[sflag:s16] =	ssyncset.done $0x0  }
0x245: {  	s6 =	simm.s32 $0x6410;
	[sflag:s16] =	ssyncadd.s32 $0xFFFFFC00  }
0x246: {  	v3 =	vor.u32 s5, v0;
	s7 =	simm.s32 $0x1;
	v2 =	vld [tilespmem:s6+$0xFFFFFFF0]  }
.LBB2_25:
0x247: {  	p0 =	sne.s32 s7, $0x7F;
	_ =	sdelay $0x3  }
0x248: {  	[tilespmem:v3+s23+$0x0] =	vst.idx.msk $0xffff, v2  }
0x249: {  	v3 =	vor.u32 s5, v1;
	s5 =	smov.u32 s7;
	v2 =	vld [tilespmem:s6+$0x0];
	_ =	sdelay $0x1  }
.Ltmp11:
0x24a: {  	(pc) =	sbr.rel @p0 .LBB2_25-.Ltmp11, $3  }
0x24b: {  	_ =	sdelay $0x1  }
0x24c: {  	s6 =	sadd.s32 $0x20, s6;
	[tilespmem:v3+s23+$0x0] =	vst.idx.msk $0xffff, v2  }
0x24d: {  	s7 =	sadd.s32 $0x1, s7;
	v3 =	vor.u32 s5, v0;
	v2 =	vld [tilespmem:s6+$0xFFFFFFF0]  }
0x24e: {  	_ =	sdelay $0x3  }
0x24f: {  	[tilespmem:v3+s23+$0x0] =	vst.idx.msk $0xffff, v2  }
0x250: {  	v3 =	vor.u32 s5, v1;
	v2 =	vld [tilespmem:s6+$0x0];
	_ =	sdelay $0x4  }
0x251: {  	s7 =	simm.s32 $0x6400;
	s8 =	sor.u32 s14, s30;
	s6 =	sadd.s32 $0x980, s29;
	[tilespmem:v3+s23+$0x0] =	vst.idx.msk $0xffff, v2  }
0x252: {  	[tilespmem:s7], [sflag:$0x4] =	stream.indirect.gather [hbm4b:s4+s17], $0x20, s6, s17, $0xb8;
	[tilespmem:$0x13400] =	vst v63  }
0x253: {  	s30 =	smov.u32 s14;
	s6 =	sshrl.u32 s8, $0x3  }
0x254: {  	s5 =	simm.s32 $0x0;
	s7 =	sadd.s32 s2, s6;
	s14 =	sor.u32 $0x4000, s6  }
0x255: {  	[hbm4b:s7+s5] =	stream.linear.scatter [tilespmem:s23], [sflag:$0xC], $0x400, $0x38;
	[tilespmem:$0x13400] =	vst v63  }
0x256: {  	s8 =	simm.s32 $0xE800;
	s7 =	sadd.s32 s2, s14  }
0x257: {  	[hbm4b:s7+s5] =	stream.linear.scatter [tilespmem:s8], [sflag:$0xC], $0x400, $0x38;
	[tilespmem:$0x13400] =	vst v63  }
0x258: {  	s8 =	sor.u32 $0x8000, s6  }
0x259: {  	s14 =	simm.s32 $0xEC00;
	s6 =	sor.u32 $0xC000, s6;
	s7 =	sadd.s32 s2, s8  }
0x25a: {  	[hbm4b:s7+s5] =	stream.linear.scatter [tilespmem:s14], [sflag:$0xC], $0x400, $0x38;
	[tilespmem:$0x13400] =	vst v63  }
0x25b: {  	s6 =	sadd.s32 s2, s6;
	s8 =	simm.s32 $0xF000;
	s14 =	simm.s32 $0x5  }
0x25c: {  	[hbm4b:s6+s5] =	stream.linear.scatter [tilespmem:s8], [sflag:$0xC], $0x400, $0x38;
	[tilespmem:$0x13400] =	vst v63  }
0x25d: {  	_ =	swait.ge [sflag:s14], $0x1000  }
0x25e: {  	[sflag:s14] =	ssyncset.done $0x0  }
0x25f: {  	[sflag:s14] =	ssyncadd.s32 $0xFFFFF000  }
0x260: {  	_ =	swait.ge [sflag:s26], $0x400  }
0x261: {  	[sflag:s26] =	ssyncset.done $0x0  }
0x262: {  	[sflag:s26] =	ssyncadd.s32 $0xFFFFFC00  }
0x263: {  	_ =	swait.ge [sflag:s26], $0x400  }
0x264: {  	[sflag:s26] =	ssyncset.done $0x0  }
0x265: {  	[sflag:s26] =	ssyncadd.s32 $0xFFFFFC00  }
0x266: {  	_ =	swait.ge [sflag:s26], $0x400  }
0x267: {  	[sflag:s26] =	ssyncset.done $0x0  }
0x268: {  	[sflag:s26] =	ssyncadd.s32 $0xFFFFFC00  }
0x269: {  	_ =	swait.ge [sflag:s26], $0x400  }
0x26a: {  	[sflag:s26] =	ssyncset.done $0x0  }
0x26b: {  	s6 =	simm.s32 $0x7410;
	[sflag:s26] =	ssyncadd.s32 $0xFFFFFC00  }
0x26c: {  	v3 =	vor.u32 s5, v0;
	s7 =	simm.s32 $0x1;
	v2 =	vld [tilespmem:s6+$0xFFFFFFF0]  }
.LBB2_27:
0x26d: {  	p0 =	sne.s32 s7, $0x7F;
	_ =	sdelay $0x3  }
0x26e: {  	[tilespmem:v3+s31+$0x0] =	vst.idx.msk $0xffff, v2  }
0x26f: {  	v3 =	vor.u32 s5, v1;
	s5 =	smov.u32 s7;
	v2 =	vld [tilespmem:s6+$0x0];
	_ =	sdelay $0x1  }
.Ltmp12:
0x270: {  	(pc) =	sbr.rel @p0 .LBB2_27-.Ltmp12, $3  }
0x271: {  	_ =	sdelay $0x1  }
0x272: {  	s6 =	sadd.s32 $0x20, s6;
	[tilespmem:v3+s31+$0x0] =	vst.idx.msk $0xffff, v2  }
0x273: {  	s7 =	sadd.s32 $0x1, s7;
	v3 =	vor.u32 s5, v0;
	v2 =	vld [tilespmem:s6+$0xFFFFFFF0]  }
0x274: {  	_ =	sdelay $0x3  }
0x275: {  	[tilespmem:v3+s31+$0x0] =	vst.idx.msk $0xffff, v2  }
0x276: {  	v3 =	vor.u32 s5, v1;
	v2 =	vld [tilespmem:s6+$0x0];
	_ =	sdelay $0x1  }
0x277: {  	s8 =	sld [smem:$0x7C0];
	_ =	sdelay $0x1  }
0x278: {  	s24 =	sadd.s32 $0x180000, s24  }
0x279: {  	s7 =	simm.s32 $0x7400;
	s5 =	sor.u32 s8, s24;
	s6 =	sadd.s32 $0xA00, s29;
	[tilespmem:v3+s31+$0x0] =	vst.idx.msk $0xffff, v2  }
0x27a: {  	[tilespmem:s7], [sflag:$0x5] =	stream.indirect.gather [hbm4b:s4+s17], $0x20, s6, s17, $0xb8;
	[tilespmem:$0x13400] =	vst v63  }
0x27b: {  	s14 =	sld [smem:$0x7BC];
	s6 =	sshrl.u32 s5, $0x3  }
0x27c: {  	s5 =	simm.s32 $0x0;
	s7 =	sadd.s32 s2, s6  }
0x27d: {  	[hbm4b:s7+s5] =	stream.linear.scatter [tilespmem:s31], [sflag:$0xD], $0x400, $0x38;
	[tilespmem:$0x13400] =	vst v63  }
0x27e: {  	s8 =	simm.s32 $0xF800;
	s7 =	sadd.s32 s6, s14  }
0x27f: {  	[hbm4b:s7+s5] =	stream.linear.scatter [tilespmem:s8], [sflag:$0xD], $0x400, $0x38;
	[tilespmem:$0x13400] =	vst v63  }
0x280: {  	s8 =	sld [smem:$0x7BD];
	_ =	sdelay $0x2  }
0x281: {  	s14 =	simm.s32 $0xFC00;
	s7 =	sadd.s32 s6, s8  }
0x282: {  	[hbm4b:s7+s5] =	stream.linear.scatter [tilespmem:s14], [sflag:$0xD], $0x400, $0x38;
	[tilespmem:$0x13400] =	vst v63  }
0x283: {  	s14 =	sld [smem:$0x7BE];
	_ =	sdelay $0x2  }
0x284: {  	s8 =	simm.s32 $0x10000;
	s6 =	sadd.s32 s6, s14;
	s14 =	simm.s32 $0x6  }
0x285: {  	[hbm4b:s6+s5] =	stream.linear.scatter [tilespmem:s8], [sflag:$0xD], $0x400, $0x38;
	[tilespmem:$0x13400] =	vst v63  }
0x286: {  	_ =	swait.ge [sflag:s14], $0x1000  }
0x287: {  	[sflag:s14] =	ssyncset.done $0x0  }
0x288: {  	[sflag:s14] =	ssyncadd.s32 $0xFFFFF000  }
0x289: {  	_ =	swait.ge [sflag:s0], $0x400  }
0x28a: {  	[sflag:s0] =	ssyncset.done $0x0  }
0x28b: {  	[sflag:s0] =	ssyncadd.s32 $0xFFFFFC00  }
0x28c: {  	_ =	swait.ge [sflag:s0], $0x400  }
0x28d: {  	[sflag:s0] =	ssyncset.done $0x0  }
0x28e: {  	[sflag:s0] =	ssyncadd.s32 $0xFFFFFC00  }
0x28f: {  	_ =	swait.ge [sflag:s0], $0x400  }
0x290: {  	[sflag:s0] =	ssyncset.done $0x0  }
0x291: {  	[sflag:s0] =	ssyncadd.s32 $0xFFFFFC00  }
0x292: {  	_ =	swait.ge [sflag:s0], $0x400  }
0x293: {  	[sflag:s0] =	ssyncset.done $0x0  }
0x294: {  	s6 =	simm.s32 $0x8410;
	[sflag:s0] =	ssyncadd.s32 $0xFFFFFC00  }
0x295: {  	v3 =	vor.u32 s5, v0;
	s7 =	simm.s32 $0x1;
	v2 =	vld [tilespmem:s6+$0xFFFFFFF0]  }
.LBB2_29:
0x296: {  	p0 =	sne.s32 s7, $0x7F;
	_ =	sdelay $0x3  }
0x297: {  	[tilespmem:v3+s20+$0x0] =	vst.idx.msk $0xffff, v2  }
0x298: {  	v3 =	vor.u32 s5, v1;
	s5 =	smov.u32 s7;
	v2 =	vld [tilespmem:s6+$0x0];
	_ =	sdelay $0x1  }
.Ltmp13:
0x299: {  	(pc) =	sbr.rel @p0 .LBB2_29-.Ltmp13, $3  }
0x29a: {  	_ =	sdelay $0x1  }
0x29b: {  	s6 =	sadd.s32 $0x20, s6;
	[tilespmem:v3+s20+$0x0] =	vst.idx.msk $0xffff, v2  }
0x29c: {  	s7 =	sadd.s32 $0x1, s7;
	v3 =	vor.u32 s5, v0;
	v2 =	vld [tilespmem:s6+$0xFFFFFFF0]  }
0x29d: {  	_ =	sdelay $0x3  }
0x29e: {  	[tilespmem:v3+s20+$0x0] =	vst.idx.msk $0xffff, v2  }
0x29f: {  	v3 =	vor.u32 s5, v1;
	v2 =	vld [tilespmem:s6+$0x0];
	_ =	sdelay $0x4  }
0x2a0: {  	s7 =	simm.s32 $0x8400;
	s8 =	sor.u32 s12, s24;
	s6 =	sadd.s32 $0xA80, s29;
	[tilespmem:v3+s20+$0x0] =	vst.idx.msk $0xffff, v2  }
0x2a1: {  	[tilespmem:s7], [sflag:$0x6] =	stream.indirect.gather [hbm4b:s4+s17], $0x20, s6, s17, $0xb8;
	[tilespmem:$0x13400] =	vst v63  }
0x2a2: {  	s6 =	sshrl.u32 s8, $0x3  }
0x2a3: {  	s5 =	simm.s32 $0x0;
	s7 =	sadd.s32 s2, s6;
	s14 =	sor.u32 $0x4000, s6  }
0x2a4: {  	[hbm4b:s7+s5] =	stream.linear.scatter [tilespmem:s20], [sflag:$0xE], $0x400, $0x38;
	[tilespmem:$0x13400] =	vst v63  }
0x2a5: {  	s8 =	simm.s32 $0x10800;
	s7 =	sadd.s32 s2, s14  }
0x2a6: {  	[hbm4b:s7+s5] =	stream.linear.scatter [tilespmem:s8], [sflag:$0xE], $0x400, $0x38;
	[tilespmem:$0x13400] =	vst v63  }
0x2a7: {  	s8 =	sor.u32 $0x8000, s6  }
0x2a8: {  	s14 =	simm.s32 $0x10C00;
	s6 =	sor.u32 $0xC000, s6;
	s7 =	sadd.s32 s2, s8  }
0x2a9: {  	[hbm4b:s7+s5] =	stream.linear.scatter [tilespmem:s14], [sflag:$0xE], $0x400, $0x38;
	[tilespmem:$0x13400] =	vst v63  }
0x2aa: {  	s6 =	sadd.s32 s2, s6;
	s8 =	simm.s32 $0x11000;
	s14 =	simm.s32 $0x7  }
0x2ab: {  	[hbm4b:s6+s5] =	stream.linear.scatter [tilespmem:s8], [sflag:$0xE], $0x400, $0x38;
	[tilespmem:$0x13400] =	vst v63  }
0x2ac: {  	_ =	swait.ge [sflag:s14], $0x1000  }
0x2ad: {  	[sflag:s14] =	ssyncset.done $0x0  }
0x2ae: {  	[sflag:s14] =	ssyncadd.s32 $0xFFFFF000  }
0x2af: {  	_ =	swait.ge [sflag:s1], $0x400  }
0x2b0: {  	[sflag:s1] =	ssyncset.done $0x0  }
0x2b1: {  	[sflag:s1] =	ssyncadd.s32 $0xFFFFFC00  }
0x2b2: {  	_ =	swait.ge [sflag:s1], $0x400  }
0x2b3: {  	[sflag:s1] =	ssyncset.done $0x0  }
0x2b4: {  	[sflag:s1] =	ssyncadd.s32 $0xFFFFFC00  }
0x2b5: {  	_ =	swait.ge [sflag:s1], $0x400  }
0x2b6: {  	[sflag:s1] =	ssyncset.done $0x0  }
0x2b7: {  	[sflag:s1] =	ssyncadd.s32 $0xFFFFFC00  }
0x2b8: {  	_ =	swait.ge [sflag:s1], $0x400  }
0x2b9: {  	[sflag:s1] =	ssyncset.done $0x0  }
0x2ba: {  	s6 =	simm.s32 $0x9410;
	[sflag:s1] =	ssyncadd.s32 $0xFFFFFC00  }
0x2bb: {  	v3 =	vor.u32 s5, v0;
	s7 =	simm.s32 $0x1;
	v2 =	vld [tilespmem:s6+$0xFFFFFFF0]  }
.LBB2_31:
0x2bc: {  	p0 =	sne.s32 s7, $0x7F;
	_ =	sdelay $0x3  }
0x2bd: {  	[tilespmem:v3+s10+$0x0] =	vst.idx.msk $0xffff, v2  }
0x2be: {  	v3 =	vor.u32 s5, v1;
	s5 =	smov.u32 s7;
	v2 =	vld [tilespmem:s6+$0x0];
	_ =	sdelay $0x1  }
.Ltmp14:
0x2bf: {  	(pc) =	sbr.rel @p0 .LBB2_31-.Ltmp14, $3  }
0x2c0: {  	_ =	sdelay $0x1  }
0x2c1: {  	s6 =	sadd.s32 $0x20, s6;
	[tilespmem:v3+s10+$0x0] =	vst.idx.msk $0xffff, v2  }
0x2c2: {  	s7 =	sadd.s32 $0x1, s7;
	v3 =	vor.u32 s5, v0;
	v2 =	vld [tilespmem:s6+$0xFFFFFFF0]  }
0x2c3: {  	_ =	sdelay $0x3  }
0x2c4: {  	[tilespmem:v3+s10+$0x0] =	vst.idx.msk $0xffff, v2  }
0x2c5: {  	v3 =	vor.u32 s5, v1;
	v2 =	vld [tilespmem:s6+$0x0];
	_ =	sdelay $0x4  }
0x2c6: {  	s7 =	simm.s32 $0x9400;
	s8 =	sor.u32 s13, s24;
	s6 =	sadd.s32 $0xB00, s29;
	[tilespmem:v3+s10+$0x0] =	vst.idx.msk $0xffff, v2  }
0x2c7: {  	[tilespmem:s7], [sflag:$0x7] =	stream.indirect.gather [hbm4b:s4+s17], $0x20, s6, s17, $0xb8;
	[tilespmem:$0x13400] =	vst v63  }
0x2c8: {  	s6 =	sshrl.u32 s8, $0x3  }
0x2c9: {  	s5 =	simm.s32 $0x0;
	s7 =	sadd.s32 s2, s6;
	s14 =	sor.u32 $0x4000, s6  }
0x2ca: {  	[hbm4b:s7+s5] =	stream.linear.scatter [tilespmem:s10], [sflag:$0xF], $0x400, $0x38;
	[tilespmem:$0x13400] =	vst v63  }
0x2cb: {  	s8 =	simm.s32 $0x11800;
	s7 =	sadd.s32 s2, s14  }
0x2cc: {  	[hbm4b:s7+s5] =	stream.linear.scatter [tilespmem:s8], [sflag:$0xF], $0x400, $0x38;
	[tilespmem:$0x13400] =	vst v63  }
0x2cd: {  	s8 =	sor.u32 $0x8000, s6  }
0x2ce: {  	s14 =	simm.s32 $0x11C00;
	s6 =	sor.u32 $0xC000, s6;
	s7 =	sadd.s32 s2, s8  }
0x2cf: {  	[hbm4b:s7+s5] =	stream.linear.scatter [tilespmem:s14], [sflag:$0xF], $0x400, $0x38;
	[tilespmem:$0x13400] =	vst v63  }
0x2d0: {  	s6 =	sadd.s32 s2, s6;
	s8 =	simm.s32 $0x12000;
	s14 =	simm.s32 $0x8  }
0x2d1: {  	[hbm4b:s6+s5] =	stream.linear.scatter [tilespmem:s8], [sflag:$0xF], $0x400, $0x38;
	[tilespmem:$0x13400] =	vst v63  }
0x2d2: {  	_ =	swait.ge [sflag:s14], $0x1000  }
0x2d3: {  	[sflag:s14] =	ssyncset.done $0x0  }
0x2d4: {  	[sflag:s14] =	ssyncadd.s32 $0xFFFFF000  }
0x2d5: {  	_ =	swait.ge [sflag:s22], $0x400  }
0x2d6: {  	[sflag:s22] =	ssyncset.done $0x0  }
0x2d7: {  	[sflag:s22] =	ssyncadd.s32 $0xFFFFFC00  }
0x2d8: {  	_ =	swait.ge [sflag:s22], $0x400  }
0x2d9: {  	[sflag:s22] =	ssyncset.done $0x0  }
0x2da: {  	[sflag:s22] =	ssyncadd.s32 $0xFFFFFC00  }
0x2db: {  	_ =	swait.ge [sflag:s22], $0x400  }
0x2dc: {  	[sflag:s22] =	ssyncset.done $0x0  }
0x2dd: {  	[sflag:s22] =	ssyncadd.s32 $0xFFFFFC00  }
0x2de: {  	_ =	swait.ge [sflag:s22], $0x400  }
0x2df: {  	[sflag:s22] =	ssyncset.done $0x0  }
0x2e0: {  	s6 =	simm.s32 $0xA410;
	[sflag:s22] =	ssyncadd.s32 $0xFFFFFC00  }
0x2e1: {  	v3 =	vor.u32 s5, v0;
	s7 =	simm.s32 $0x1;
	v2 =	vld [tilespmem:s6+$0xFFFFFFF0]  }
.LBB2_33:
0x2e2: {  	p0 =	sne.s32 s7, $0x7F;
	_ =	sdelay $0x3  }
0x2e3: {  	[tilespmem:v3+s25+$0x0] =	vst.idx.msk $0xffff, v2  }
0x2e4: {  	v3 =	vor.u32 s5, v1;
	s5 =	smov.u32 s7;
	v2 =	vld [tilespmem:s6+$0x0];
	_ =	sdelay $0x1  }
.Ltmp15:
0x2e5: {  	(pc) =	sbr.rel @p0 .LBB2_33-.Ltmp15, $3  }
0x2e6: {  	_ =	sdelay $0x1  }
0x2e7: {  	s6 =	sadd.s32 $0x20, s6;
	[tilespmem:v3+s25+$0x0] =	vst.idx.msk $0xffff, v2  }
0x2e8: {  	s7 =	sadd.s32 $0x1, s7;
	v3 =	vor.u32 s5, v0;
	v2 =	vld [tilespmem:s6+$0xFFFFFFF0]  }
0x2e9: {  	_ =	sdelay $0x3  }
0x2ea: {  	[tilespmem:v3+s25+$0x0] =	vst.idx.msk $0xffff, v2  }
0x2eb: {  	v3 =	vor.u32 s5, v1;
	v2 =	vld [tilespmem:s6+$0x0];
	_ =	sdelay $0x3  }
0x2ec: {  	s6 =	sor.u32 s30, s24  }
0x2ed: {  	s14 =	sadd.s32 $0xB80, s29;
	s29 =	simm.s32 $0xA400;
	s5 =	sshrl.u32 s6, $0x3;
	[tilespmem:v3+s25+$0x0] =	vst.idx.msk $0xffff, v2  }
0x2ee: {  	[tilespmem:s29], [sflag:$0x8] =	stream.indirect.gather [hbm4b:s4+s17], $0x20, s14, s17, $0xb8;
	[tilespmem:$0x13400] =	vst v63  }
0x2ef: {  	s19 =	sadd.s32 $0x1, s19;
	s7 =	sadd.s32 s2, s5;
	s8 =	sor.u32 $0x4000, s5  }
0x2f0: {  	[hbm4b:s7+s3] =	stream.linear.scatter [tilespmem:s25], [sflag:$0x10], $0x400, $0x38;
	[tilespmem:$0x13400] =	vst v63  }
0x2f1: {  	p0 =	sne.s32 s19, $0xB;
	s6 =	sadd.s32 s2, s8;
	s7 =	simm.s32 $0x12800  }
0x2f2: {  	[hbm4b:s6+s3] =	stream.linear.scatter [tilespmem:s7], [sflag:$0x10], $0x400, $0x38;
	[tilespmem:$0x13400] =	vst v63  }
.Ltmp16:
0x2f3: {  	s14 =	sor.u32 $0x8000, s5;
	(pc) =	sbr.rel @p0 .LBB2_18-.Ltmp16, $4  }
0x2f4: {  	s24 =	simm.s32 $0x12C00;
	s5 =	sor.u32 $0xC000, s5;
	s6 =	sadd.s32 s2, s14  }
0x2f5: {  	[hbm4b:s6+s3] =	stream.linear.scatter [tilespmem:s24], [sflag:$0x10], $0x400, $0x38;
	[tilespmem:$0x13400] =	vst v63  }
0x2f6: {  	s29 =	simm.s32 $0x13000;
	s5 =	sadd.s32 s2, s5  }
0x2f7: {  	[hbm4b:s5+s3] =	stream.linear.scatter [tilespmem:s29], [sflag:$0x10], $0x400, $0x38;
	[tilespmem:$0x13400] =	vst v63  }
0x2f8: {  	s5 =	simm.s32 $0x1  }
0x2f9: {  	_ =	swait.ge [sflag:s5], $0x1000  }
0x2fa: {  	[sflag:s5] =	ssyncset.done $0x0  }
0x2fb: {  	[sflag:s5] =	ssyncadd.s32 $0xFFFFF000  }
0x2fc: {  	_ =	swait.ge [sflag:s11], $0x400  }
0x2fd: {  	[sflag:s11] =	ssyncset.done $0x0  }
0x2fe: {  	[sflag:s11] =	ssyncadd.s32 $0xFFFFFC00  }
0x2ff: {  	_ =	swait.ge [sflag:s11], $0x400  }
0x300: {  	[sflag:s11] =	ssyncset.done $0x0  }
0x301: {  	[sflag:s11] =	ssyncadd.s32 $0xFFFFFC00  }
0x302: {  	_ =	swait.ge [sflag:s11], $0x400  }
0x303: {  	[sflag:s11] =	ssyncset.done $0x0  }
0x304: {  	[sflag:s11] =	ssyncadd.s32 $0xFFFFFC00  }
0x305: {  	_ =	swait.ge [sflag:s11], $0x400  }
0x306: {  	[sflag:s11] =	ssyncset.done $0x0  }
0x307: {  	s6 =	simm.s32 $0x3410;
	s5 =	simm.s32 $0x0;
	[sflag:s11] =	ssyncadd.s32 $0xFFFFFC00  }
0x308: {  	s7 =	simm.s32 $0x1;
	v3 =	vor.u32 s5, v0;
	v2 =	vld [tilespmem:s6+$0xFFFFFFF0]  }
.LBB2_36:
0x309: {  	p0 =	sne.s32 s7, $0x7F;
	_ =	sdelay $0x3  }
0x30a: {  	[tilespmem:v3+s28+$0x0] =	vst.idx.msk $0xffff, v2  }
0x30b: {  	v3 =	vor.u32 s5, v1;
	s5 =	smov.u32 s7;
	v2 =	vld [tilespmem:s6+$0x0];
	_ =	sdelay $0x1  }
.Ltmp17:
0x30c: {  	(pc) =	sbr.rel @p0 .LBB2_36-.Ltmp17, $3  }
0x30d: {  	_ =	sdelay $0x1  }
0x30e: {  	s6 =	sadd.s32 $0x20, s6;
	[tilespmem:v3+s28+$0x0] =	vst.idx.msk $0xffff, v2  }
0x30f: {  	s7 =	sadd.s32 $0x1, s7;
	v3 =	vor.u32 s5, v0;
	v2 =	vld [tilespmem:s6+$0xFFFFFFF0]  }
0x310: {  	_ =	sdelay $0x3  }
0x311: {  	[tilespmem:v3+s28+$0x0] =	vst.idx.msk $0xffff, v2  }
0x312: {  	v3 =	vor.u32 s5, v1;
	v2 =	vld [tilespmem:s6+$0x0];
	_ =	sdelay $0x2  }
0x313: {  	s24 =	sld [smem:$0x7F7];
	_ =	sdelay $0x1  }
0x314: {  	s29 =	sld [smem:$0x7D5];
	s5 =	simm.s32 $0x0;
	[tilespmem:v3+s28+$0x0] =	vst.idx.msk $0xffff, v2  }
0x315: {  	[hbm4b:s24+s5] =	stream.linear.scatter [tilespmem:s28], [sflag:$0x9], $0x400, $0x38;
	[tilespmem:$0x13400] =	vst v63  }
0x316: {  	s7 =	simm.s32 $0xB800;
	s8 =	sld [smem:$0x7D6]  }
0x317: {  	[hbm4b:s29+s5] =	stream.linear.scatter [tilespmem:s7], [sflag:$0x9], $0x400, $0x38;
	[tilespmem:$0x13400] =	vst v63  }
0x318: {  	s14 =	simm.s32 $0xBC00;
	s19 =	sld [smem:$0x7D7]  }
0x319: {  	[hbm4b:s8+s5] =	stream.linear.scatter [tilespmem:s14], [sflag:$0x9], $0x400, $0x38;
	[tilespmem:$0x13400] =	vst v63  }
0x31a: {  	s24 =	simm.s32 $0xC000;
	s29 =	simm.s32 $0x2  }
0x31b: {  	[hbm4b:s19+s5] =	stream.linear.scatter [tilespmem:s24], [sflag:$0x9], $0x400, $0x38;
	[tilespmem:$0x13400] =	vst v63  }
0x31c: {  	_ =	swait.ge [sflag:s29], $0x1000  }
0x31d: {  	[sflag:s29] =	ssyncset.done $0x0  }
0x31e: {  	[sflag:s29] =	ssyncadd.s32 $0xFFFFF000  }
0x31f: {  	_ =	swait.ge [sflag:s15], $0x400  }
0x320: {  	[sflag:s15] =	ssyncset.done $0x0  }
0x321: {  	[sflag:s15] =	ssyncadd.s32 $0xFFFFFC00  }
0x322: {  	_ =	swait.ge [sflag:s15], $0x400  }
0x323: {  	[sflag:s15] =	ssyncset.done $0x0  }
0x324: {  	[sflag:s15] =	ssyncadd.s32 $0xFFFFFC00  }
0x325: {  	_ =	swait.ge [sflag:s15], $0x400  }
0x326: {  	[sflag:s15] =	ssyncset.done $0x0  }
0x327: {  	[sflag:s15] =	ssyncadd.s32 $0xFFFFFC00  }
0x328: {  	_ =	swait.ge [sflag:s15], $0x400  }
0x329: {  	[sflag:s15] =	ssyncset.done $0x0  }
0x32a: {  	s6 =	simm.s32 $0x4410;
	[sflag:s15] =	ssyncadd.s32 $0xFFFFFC00  }
0x32b: {  	v3 =	vor.u32 s5, v0;
	s7 =	simm.s32 $0x1;
	v2 =	vld [tilespmem:s6+$0xFFFFFFF0]  }
.LBB2_38:
0x32c: {  	p0 =	sne.s32 s7, $0x7F;
	_ =	sdelay $0x3  }
0x32d: {  	[tilespmem:v3+s9+$0x0] =	vst.idx.msk $0xffff, v2  }
0x32e: {  	v3 =	vor.u32 s5, v1;
	s5 =	smov.u32 s7;
	v2 =	vld [tilespmem:s6+$0x0];
	_ =	sdelay $0x1  }
.Ltmp18:
0x32f: {  	(pc) =	sbr.rel @p0 .LBB2_38-.Ltmp18, $3  }
0x330: {  	_ =	sdelay $0x1  }
0x331: {  	s6 =	sadd.s32 $0x20, s6;
	[tilespmem:v3+s9+$0x0] =	vst.idx.msk $0xffff, v2  }
0x332: {  	s7 =	sadd.s32 $0x1, s7;
	v3 =	vor.u32 s5, v0;
	v2 =	vld [tilespmem:s6+$0xFFFFFFF0]  }
0x333: {  	_ =	sdelay $0x3  }
0x334: {  	[tilespmem:v3+s9+$0x0] =	vst.idx.msk $0xffff, v2  }
0x335: {  	v3 =	vor.u32 s5, v1;
	v2 =	vld [tilespmem:s6+$0x0];
	_ =	sdelay $0x2  }
0x336: {  	s24 =	sld [smem:$0x7D8];
	_ =	sdelay $0x1  }
0x337: {  	s29 =	sld [smem:$0x7DA];
	s5 =	simm.s32 $0x0;
	[tilespmem:v3+s9+$0x0] =	vst.idx.msk $0xffff, v2  }
0x338: {  	[hbm4b:s24+s5] =	stream.linear.scatter [tilespmem:s9], [sflag:$0xA], $0x400, $0x38;
	[tilespmem:$0x13400] =	vst v63  }
0x339: {  	s7 =	simm.s32 $0xC800;
	s8 =	sld [smem:$0x7DB]  }
0x33a: {  	[hbm4b:s29+s5] =	stream.linear.scatter [tilespmem:s7], [sflag:$0xA], $0x400, $0x38;
	[tilespmem:$0x13400] =	vst v63  }
0x33b: {  	s14 =	simm.s32 $0xCC00;
	s19 =	sld [smem:$0x7DD]  }
0x33c: {  	[hbm4b:s8+s5] =	stream.linear.scatter [tilespmem:s14], [sflag:$0xA], $0x400, $0x38;
	[tilespmem:$0x13400] =	vst v63  }
0x33d: {  	s24 =	simm.s32 $0xD000;
	s29 =	simm.s32 $0x3  }
0x33e: {  	[hbm4b:s19+s5] =	stream.linear.scatter [tilespmem:s24], [sflag:$0xA], $0x400, $0x38;
	[tilespmem:$0x13400] =	vst v63  }
0x33f: {  	_ =	swait.ge [sflag:s29], $0x1000  }
0x340: {  	[sflag:s29] =	ssyncset.done $0x0  }
0x341: {  	[sflag:s29] =	ssyncadd.s32 $0xFFFFF000  }
0x342: {  	_ =	swait.ge [sflag:s21], $0x400  }
0x343: {  	[sflag:s21] =	ssyncset.done $0x0  }
0x344: {  	[sflag:s21] =	ssyncadd.s32 $0xFFFFFC00  }
0x345: {  	_ =	swait.ge [sflag:s21], $0x400  }
0x346: {  	[sflag:s21] =	ssyncset.done $0x0  }
0x347: {  	[sflag:s21] =	ssyncadd.s32 $0xFFFFFC00  }
0x348: {  	_ =	swait.ge [sflag:s21], $0x400  }
0x349: {  	[sflag:s21] =	ssyncset.done $0x0  }
0x34a: {  	[sflag:s21] =	ssyncadd.s32 $0xFFFFFC00  }
0x34b: {  	_ =	swait.ge [sflag:s21], $0x400  }
0x34c: {  	[sflag:s21] =	ssyncset.done $0x0  }
0x34d: {  	s6 =	simm.s32 $0x5410;
	[sflag:s21] =	ssyncadd.s32 $0xFFFFFC00  }
0x34e: {  	v3 =	vor.u32 s5, v0;
	s7 =	simm.s32 $0x1;
	v2 =	vld [tilespmem:s6+$0xFFFFFFF0]  }
.LBB2_40:
0x34f: {  	p0 =	sne.s32 s7, $0x7F;
	_ =	sdelay $0x3  }
0x350: {  	[tilespmem:v3+s18+$0x0] =	vst.idx.msk $0xffff, v2  }
0x351: {  	v3 =	vor.u32 s5, v1;
	s5 =	smov.u32 s7;
	v2 =	vld [tilespmem:s6+$0x0];
	_ =	sdelay $0x1  }
.Ltmp19:
0x352: {  	(pc) =	sbr.rel @p0 .LBB2_40-.Ltmp19, $3  }
0x353: {  	_ =	sdelay $0x1  }
0x354: {  	s6 =	sadd.s32 $0x20, s6;
	[tilespmem:v3+s18+$0x0] =	vst.idx.msk $0xffff, v2  }
0x355: {  	s7 =	sadd.s32 $0x1, s7;
	v3 =	vor.u32 s5, v0;
	v2 =	vld [tilespmem:s6+$0xFFFFFFF0]  }
0x356: {  	_ =	sdelay $0x3  }
0x357: {  	[tilespmem:v3+s18+$0x0] =	vst.idx.msk $0xffff, v2  }
0x358: {  	v3 =	vor.u32 s5, v1;
	v2 =	vld [tilespmem:s6+$0x0];
	_ =	sdelay $0x2  }
0x359: {  	s24 =	sld [smem:$0x7DE];
	_ =	sdelay $0x1  }
0x35a: {  	s29 =	sld [smem:$0x7E0];
	s5 =	simm.s32 $0x0;
	[tilespmem:v3+s18+$0x0] =	vst.idx.msk $0xffff, v2  }
0x35b: {  	[hbm4b:s24+s5] =	stream.linear.scatter [tilespmem:s18], [sflag:$0xB], $0x400, $0x38;
	[tilespmem:$0x13400] =	vst v63  }
0x35c: {  	s7 =	simm.s32 $0xD800;
	s8 =	sld [smem:$0x7E1]  }
0x35d: {  	[hbm4b:s29+s5] =	stream.linear.scatter [tilespmem:s7], [sflag:$0xB], $0x400, $0x38;
	[tilespmem:$0x13400] =	vst v63  }
0x35e: {  	s14 =	simm.s32 $0xDC00;
	s19 =	sld [smem:$0x7E3]  }
0x35f: {  	[hbm4b:s8+s5] =	stream.linear.scatter [tilespmem:s14], [sflag:$0xB], $0x400, $0x38;
	[tilespmem:$0x13400] =	vst v63  }
0x360: {  	s24 =	simm.s32 $0xE000;
	s29 =	simm.s32 $0x4  }
0x361: {  	[hbm4b:s19+s5] =	stream.linear.scatter [tilespmem:s24], [sflag:$0xB], $0x400, $0x38;
	[tilespmem:$0x13400] =	vst v63  }
0x362: {  	_ =	swait.ge [sflag:s29], $0x1000  }
0x363: {  	[sflag:s29] =	ssyncset.done $0x0  }
0x364: {  	[sflag:s29] =	ssyncadd.s32 $0xFFFFF000  }
0x365: {  	_ =	swait.ge [sflag:s16], $0x400  }
0x366: {  	[sflag:s16] =	ssyncset.done $0x0  }
0x367: {  	[sflag:s16] =	ssyncadd.s32 $0xFFFFFC00  }
0x368: {  	_ =	swait.ge [sflag:s16], $0x400  }
0x369: {  	[sflag:s16] =	ssyncset.done $0x0  }
0x36a: {  	[sflag:s16] =	ssyncadd.s32 $0xFFFFFC00  }
0x36b: {  	_ =	swait.ge [sflag:s16], $0x400  }
0x36c: {  	[sflag:s16] =	ssyncset.done $0x0  }
0x36d: {  	[sflag:s16] =	ssyncadd.s32 $0xFFFFFC00  }
0x36e: {  	_ =	swait.ge [sflag:s16], $0x400  }
0x36f: {  	[sflag:s16] =	ssyncset.done $0x0  }
0x370: {  	s6 =	simm.s32 $0x6410;
	[sflag:s16] =	ssyncadd.s32 $0xFFFFFC00  }
0x371: {  	v3 =	vor.u32 s5, v0;
	s7 =	simm.s32 $0x1;
	s14 =	simm.s32 $0x600;
	v2 =	vld [tilespmem:s6+$0xFFFFFFF0]  }
.LBB2_42:
0x372: {  	p0 =	sne.s32 s7, $0x7F;
	_ =	sdelay $0x3  }
0x373: {  	[tilespmem:v3+s23+$0x0] =	vst.idx.msk $0xffff, v2  }
0x374: {  	v3 =	vor.u32 s5, v1;
	s5 =	smov.u32 s7;
	v2 =	vld [tilespmem:s6+$0x0];
	_ =	sdelay $0x1  }
.Ltmp20:
0x375: {  	(pc) =	sbr.rel @p0 .LBB2_42-.Ltmp20, $3  }
0x376: {  	_ =	sdelay $0x1  }
0x377: {  	s6 =	sadd.s32 $0x20, s6;
	[tilespmem:v3+s23+$0x0] =	vst.idx.msk $0xffff, v2  }
0x378: {  	s7 =	sadd.s32 $0x1, s7;
	v3 =	vor.u32 s5, v0;
	v2 =	vld [tilespmem:s6+$0xFFFFFFF0]  }
0x379: {  	_ =	sdelay $0x3  }
0x37a: {  	[tilespmem:v3+s23+$0x0] =	vst.idx.msk $0xffff, v2  }
0x37b: {  	v3 =	vor.u32 s5, v1;
	v2 =	vld [tilespmem:s6+$0x0];
	_ =	sdelay $0x2  }
0x37c: {  	s24 =	sld [smem:$0x7E4];
	_ =	sdelay $0x1  }
0x37d: {  	s29 =	sld [smem:$0x7E6];
	s5 =	simm.s32 $0x0;
	[tilespmem:v3+s23+$0x0] =	vst.idx.msk $0xffff, v2  }
0x37e: {  	[hbm4b:s24+s5] =	stream.linear.scatter [tilespmem:s23], [sflag:$0xC], $0x400, $0x38;
	[tilespmem:$0x13400] =	vst v63  }
0x37f: {  	s7 =	simm.s32 $0xE800  }
0x380: {  	[hbm4b:s29+s5] =	stream.linear.scatter [tilespmem:s7], [sflag:$0xC], $0x400, $0x38;
	[tilespmem:$0x13400] =	vst v63  }
0x381: {  	s7 =	sld [smem:$0x7E7];
	_ =	sdelay $0x1  }
0x382: {  	s8 =	simm.s32 $0xEC00;
	s19 =	sld [smem:$0x7E8]  }
0x383: {  	[hbm4b:s7+s5] =	stream.linear.scatter [tilespmem:s8], [sflag:$0xC], $0x400, $0x38;
	[tilespmem:$0x13400] =	vst v63  }
0x384: {  	s24 =	simm.s32 $0xF000;
	s29 =	simm.s32 $0x5  }
0x385: {  	[hbm4b:s19+s5] =	stream.linear.scatter [tilespmem:s24], [sflag:$0xC], $0x400, $0x38;
	[tilespmem:$0x13400] =	vst v63  }
0x386: {  	_ =	swait.ge [sflag:s29], $0x1000  }
0x387: {  	[sflag:s29] =	ssyncset.done $0x0  }
0x388: {  	[sflag:s29] =	ssyncadd.s32 $0xFFFFF000  }
0x389: {  	_ =	swait.ge [sflag:s26], $0x400  }
0x38a: {  	[sflag:s26] =	ssyncset.done $0x0  }
0x38b: {  	[sflag:s26] =	ssyncadd.s32 $0xFFFFFC00  }
0x38c: {  	_ =	swait.ge [sflag:s26], $0x400  }
0x38d: {  	[sflag:s26] =	ssyncset.done $0x0  }
0x38e: {  	[sflag:s26] =	ssyncadd.s32 $0xFFFFFC00  }
0x38f: {  	_ =	swait.ge [sflag:s26], $0x400  }
0x390: {  	[sflag:s26] =	ssyncset.done $0x0  }
0x391: {  	[sflag:s26] =	ssyncadd.s32 $0xFFFFFC00  }
0x392: {  	_ =	swait.ge [sflag:s26], $0x400  }
0x393: {  	[sflag:s26] =	ssyncset.done $0x0  }
0x394: {  	s6 =	simm.s32 $0x7410;
	[sflag:s26] =	ssyncadd.s32 $0xFFFFFC00  }
0x395: {  	v3 =	vor.u32 s5, v0;
	s7 =	simm.s32 $0x1;
	v2 =	vld [tilespmem:s6+$0xFFFFFFF0]  }
.LBB2_44:
0x396: {  	p0 =	sne.s32 s7, $0x7F;
	_ =	sdelay $0x3  }
0x397: {  	[tilespmem:v3+s31+$0x0] =	vst.idx.msk $0xffff, v2  }
0x398: {  	v3 =	vor.u32 s5, v1;
	s5 =	smov.u32 s7;
	v2 =	vld [tilespmem:s6+$0x0];
	_ =	sdelay $0x1  }
.Ltmp21:
0x399: {  	(pc) =	sbr.rel @p0 .LBB2_44-.Ltmp21, $3  }
0x39a: {  	_ =	sdelay $0x1  }
0x39b: {  	s6 =	sadd.s32 $0x20, s6;
	[tilespmem:v3+s31+$0x0] =	vst.idx.msk $0xffff, v2  }
0x39c: {  	s7 =	sadd.s32 $0x1, s7;
	v3 =	vor.u32 s5, v0;
	v2 =	vld [tilespmem:s6+$0xFFFFFFF0]  }
0x39d: {  	_ =	sdelay $0x3  }
0x39e: {  	[tilespmem:v3+s31+$0x0] =	vst.idx.msk $0xffff, v2  }
0x39f: {  	v3 =	vor.u32 s5, v1;
	v2 =	vld [tilespmem:s6+$0x0];
	_ =	sdelay $0x2  }
0x3a0: {  	s24 =	sld [smem:$0x7E9];
	_ =	sdelay $0x1  }
0x3a1: {  	s29 =	sld [smem:$0x7EA];
	s5 =	simm.s32 $0x0;
	[tilespmem:v3+s31+$0x0] =	vst.idx.msk $0xffff, v2  }
0x3a2: {  	[hbm4b:s24+s5] =	stream.linear.scatter [tilespmem:s31], [sflag:$0xD], $0x400, $0x38;
	[tilespmem:$0x13400] =	vst v63  }
0x3a3: {  	s7 =	simm.s32 $0xF800  }
0x3a4: {  	[hbm4b:s29+s5] =	stream.linear.scatter [tilespmem:s7], [sflag:$0xD], $0x400, $0x38;
	[tilespmem:$0x13400] =	vst v63  }
0x3a5: {  	s7 =	sld [smem:$0x7EB];
	_ =	sdelay $0x1  }
0x3a6: {  	s8 =	simm.s32 $0xFC00;
	s19 =	sld [smem:$0x7EC]  }
0x3a7: {  	[hbm4b:s7+s5] =	stream.linear.scatter [tilespmem:s8], [sflag:$0xD], $0x400, $0x38;
	[tilespmem:$0x13400] =	vst v63  }
0x3a8: {  	s24 =	simm.s32 $0x10000;
	s29 =	simm.s32 $0x6  }
0x3a9: {  	[hbm4b:s19+s5] =	stream.linear.scatter [tilespmem:s24], [sflag:$0xD], $0x400, $0x38;
	[tilespmem:$0x13400] =	vst v63  }
0x3aa: {  	_ =	swait.ge [sflag:s29], $0x1000  }
0x3ab: {  	[sflag:s29] =	ssyncset.done $0x0  }
0x3ac: {  	[sflag:s29] =	ssyncadd.s32 $0xFFFFF000  }
0x3ad: {  	_ =	swait.ge [sflag:s0], $0x400  }
0x3ae: {  	[sflag:s0] =	ssyncset.done $0x0  }
0x3af: {  	[sflag:s0] =	ssyncadd.s32 $0xFFFFFC00  }
0x3b0: {  	_ =	swait.ge [sflag:s0], $0x400  }
0x3b1: {  	[sflag:s0] =	ssyncset.done $0x0  }
0x3b2: {  	[sflag:s0] =	ssyncadd.s32 $0xFFFFFC00  }
0x3b3: {  	_ =	swait.ge [sflag:s0], $0x400  }
0x3b4: {  	[sflag:s0] =	ssyncset.done $0x0  }
0x3b5: {  	[sflag:s0] =	ssyncadd.s32 $0xFFFFFC00  }
0x3b6: {  	_ =	swait.ge [sflag:s0], $0x400  }
0x3b7: {  	[sflag:s0] =	ssyncset.done $0x0  }
0x3b8: {  	s6 =	simm.s32 $0x8410;
	[sflag:s0] =	ssyncadd.s32 $0xFFFFFC00  }
0x3b9: {  	v3 =	vor.u32 s5, v0;
	s7 =	simm.s32 $0x1;
	v2 =	vld [tilespmem:s6+$0xFFFFFFF0]  }
.LBB2_46:
0x3ba: {  	p0 =	sne.s32 s7, $0x7F;
	_ =	sdelay $0x3  }
0x3bb: {  	[tilespmem:v3+s20+$0x0] =	vst.idx.msk $0xffff, v2  }
0x3bc: {  	v3 =	vor.u32 s5, v1;
	s5 =	smov.u32 s7;
	v2 =	vld [tilespmem:s6+$0x0];
	_ =	sdelay $0x1  }
.Ltmp22:
0x3bd: {  	(pc) =	sbr.rel @p0 .LBB2_46-.Ltmp22, $3  }
0x3be: {  	_ =	sdelay $0x1  }
0x3bf: {  	s6 =	sadd.s32 $0x20, s6;
	[tilespmem:v3+s20+$0x0] =	vst.idx.msk $0xffff, v2  }
0x3c0: {  	s7 =	sadd.s32 $0x1, s7;
	v3 =	vor.u32 s5, v0;
	v2 =	vld [tilespmem:s6+$0xFFFFFFF0]  }
0x3c1: {  	_ =	sdelay $0x3  }
0x3c2: {  	[tilespmem:v3+s20+$0x0] =	vst.idx.msk $0xffff, v2  }
0x3c3: {  	v3 =	vor.u32 s5, v1;
	v2 =	vld [tilespmem:s6+$0x0];
	_ =	sdelay $0x2  }
0x3c4: {  	s24 =	sld [smem:$0x7ED];
	_ =	sdelay $0x1  }
0x3c5: {  	s29 =	sld [smem:$0x7EF];
	s5 =	simm.s32 $0x0;
	[tilespmem:v3+s20+$0x0] =	vst.idx.msk $0xffff, v2  }
0x3c6: {  	[hbm4b:s24+s5] =	stream.linear.scatter [tilespmem:s20], [sflag:$0xE], $0x400, $0x38;
	[tilespmem:$0x13400] =	vst v63  }
0x3c7: {  	s7 =	simm.s32 $0x10800  }
0x3c8: {  	[hbm4b:s29+s5] =	stream.linear.scatter [tilespmem:s7], [sflag:$0xE], $0x400, $0x38;
	[tilespmem:$0x13400] =	vst v63  }
0x3c9: {  	s7 =	sld [smem:$0x7F0];
	_ =	sdelay $0x1  }
0x3ca: {  	s8 =	simm.s32 $0x10C00;
	s19 =	sld [smem:$0x7F2]  }
0x3cb: {  	[hbm4b:s7+s5] =	stream.linear.scatter [tilespmem:s8], [sflag:$0xE], $0x400, $0x38;
	[tilespmem:$0x13400] =	vst v63  }
0x3cc: {  	s24 =	simm.s32 $0x11000;
	s29 =	simm.s32 $0x7  }
0x3cd: {  	[hbm4b:s19+s5] =	stream.linear.scatter [tilespmem:s24], [sflag:$0xE], $0x400, $0x38;
	[tilespmem:$0x13400] =	vst v63  }
0x3ce: {  	_ =	swait.ge [sflag:s29], $0x1000  }
0x3cf: {  	[sflag:s29] =	ssyncset.done $0x0  }
0x3d0: {  	[sflag:s29] =	ssyncadd.s32 $0xFFFFF000  }
0x3d1: {  	_ =	swait.ge [sflag:s1], $0x400  }
0x3d2: {  	[sflag:s1] =	ssyncset.done $0x0  }
0x3d3: {  	[sflag:s1] =	ssyncadd.s32 $0xFFFFFC00  }
0x3d4: {  	_ =	swait.ge [sflag:s1], $0x400  }
0x3d5: {  	[sflag:s1] =	ssyncset.done $0x0  }
0x3d6: {  	[sflag:s1] =	ssyncadd.s32 $0xFFFFFC00  }
0x3d7: {  	_ =	swait.ge [sflag:s1], $0x400  }
0x3d8: {  	[sflag:s1] =	ssyncset.done $0x0  }
0x3d9: {  	[sflag:s1] =	ssyncadd.s32 $0xFFFFFC00  }
0x3da: {  	_ =	swait.ge [sflag:s1], $0x400  }
0x3db: {  	[sflag:s1] =	ssyncset.done $0x0  }
0x3dc: {  	s6 =	simm.s32 $0x9410;
	[sflag:s1] =	ssyncadd.s32 $0xFFFFFC00  }
0x3dd: {  	v3 =	vor.u32 s5, v0;
	s7 =	simm.s32 $0x1;
	v2 =	vld [tilespmem:s6+$0xFFFFFFF0]  }
.LBB2_48:
0x3de: {  	p0 =	sne.s32 s7, $0x7F;
	_ =	sdelay $0x3  }
0x3df: {  	[tilespmem:v3+s10+$0x0] =	vst.idx.msk $0xffff, v2  }
0x3e0: {  	v3 =	vor.u32 s5, v1;
	s5 =	smov.u32 s7;
	v2 =	vld [tilespmem:s6+$0x0];
	_ =	sdelay $0x1  }
.Ltmp23:
0x3e1: {  	(pc) =	sbr.rel @p0 .LBB2_48-.Ltmp23, $3  }
0x3e2: {  	_ =	sdelay $0x1  }
0x3e3: {  	s6 =	sadd.s32 $0x20, s6;
	[tilespmem:v3+s10+$0x0] =	vst.idx.msk $0xffff, v2  }
0x3e4: {  	s7 =	sadd.s32 $0x1, s7;
	v3 =	vor.u32 s5, v0;
	v2 =	vld [tilespmem:s6+$0xFFFFFFF0]  }
0x3e5: {  	_ =	sdelay $0x3  }
0x3e6: {  	[tilespmem:v3+s10+$0x0] =	vst.idx.msk $0xffff, v2  }
0x3e7: {  	v3 =	vor.u32 s5, v1;
	v2 =	vld [tilespmem:s6+$0x0];
	_ =	sdelay $0x2  }
0x3e8: {  	s24 =	sld [smem:$0x7F3];
	_ =	sdelay $0x1  }
0x3e9: {  	s29 =	sld [smem:$0x7F5];
	s5 =	simm.s32 $0x0;
	[tilespmem:v3+s10+$0x0] =	vst.idx.msk $0xffff, v2  }
0x3ea: {  	[hbm4b:s24+s5] =	stream.linear.scatter [tilespmem:s10], [sflag:$0xF], $0x400, $0x38;
	[tilespmem:$0x13400] =	vst v63  }
0x3eb: {  	s7 =	simm.s32 $0x11800  }
0x3ec: {  	[hbm4b:s29+s5] =	stream.linear.scatter [tilespmem:s7], [sflag:$0xF], $0x400, $0x38;
	[tilespmem:$0x13400] =	vst v63  }
0x3ed: {  	s7 =	sld [smem:$0x7F6];
	_ =	sdelay $0x1  }
0x3ee: {  	s8 =	simm.s32 $0x11C00;
	s19 =	sld [smem:$0x7F8]  }
0x3ef: {  	[hbm4b:s7+s5] =	stream.linear.scatter [tilespmem:s8], [sflag:$0xF], $0x400, $0x38;
	[tilespmem:$0x13400] =	vst v63  }
0x3f0: {  	s24 =	simm.s32 $0x12000;
	s29 =	simm.s32 $0x8  }
0x3f1: {  	[hbm4b:s19+s5] =	stream.linear.scatter [tilespmem:s24], [sflag:$0xF], $0x400, $0x38;
	[tilespmem:$0x13400] =	vst v63  }
0x3f2: {  	_ =	swait.ge [sflag:s29], $0x1000  }
0x3f3: {  	[sflag:s29] =	ssyncset.done $0x0  }
0x3f4: {  	[sflag:s29] =	ssyncadd.s32 $0xFFFFF000  }
0x3f5: {  	_ =	swait.ge [sflag:s22], $0x400  }
0x3f6: {  	[sflag:s22] =	ssyncset.done $0x0  }
0x3f7: {  	[sflag:s22] =	ssyncadd.s32 $0xFFFFFC00  }
0x3f8: {  	_ =	swait.ge [sflag:s22], $0x400  }
0x3f9: {  	[sflag:s22] =	ssyncset.done $0x0  }
0x3fa: {  	[sflag:s22] =	ssyncadd.s32 $0xFFFFFC00  }
0x3fb: {  	_ =	swait.ge [sflag:s22], $0x400  }
0x3fc: {  	[sflag:s22] =	ssyncset.done $0x0  }
0x3fd: {  	[sflag:s22] =	ssyncadd.s32 $0xFFFFFC00  }
0x3fe: {  	_ =	swait.ge [sflag:s22], $0x400  }
0x3ff: {  	[sflag:s22] =	ssyncset.done $0x0  }
0x400: {  	s6 =	simm.s32 $0xA410;
	[sflag:s22] =	ssyncadd.s32 $0xFFFFFC00  }
0x401: {  	v3 =	vor.u32 s5, v0;
	s7 =	simm.s32 $0x1;
	v2 =	vld [tilespmem:s6+$0xFFFFFFF0]  }
.LBB2_50:
0x402: {  	p0 =	sne.s32 s7, $0x7F;
	_ =	sdelay $0x3  }
0x403: {  	[tilespmem:v3+s25+$0x0] =	vst.idx.msk $0xffff, v2  }
0x404: {  	v3 =	vor.u32 s5, v1;
	s5 =	smov.u32 s7;
	v2 =	vld [tilespmem:s6+$0x0];
	_ =	sdelay $0x1  }
.Ltmp24:
0x405: {  	(pc) =	sbr.rel @p0 .LBB2_50-.Ltmp24, $3  }
0x406: {  	_ =	sdelay $0x1  }
0x407: {  	s6 =	sadd.s32 $0x20, s6;
	[tilespmem:v3+s25+$0x0] =	vst.idx.msk $0xffff, v2  }
0x408: {  	s7 =	sadd.s32 $0x1, s7;
	v3 =	vor.u32 s5, v0;
	v2 =	vld [tilespmem:s6+$0xFFFFFFF0]  }
0x409: {  	_ =	sdelay $0x3  }
0x40a: {  	[tilespmem:v3+s25+$0x0] =	vst.idx.msk $0xffff, v2  }
0x40b: {  	v3 =	vor.u32 s5, v1;
	v2 =	vld [tilespmem:s6+$0x0];
	_ =	sdelay $0x2  }
0x40c: {  	s19 =	sld [smem:$0x7F9];
	_ =	sdelay $0x1  }
0x40d: {  	s24 =	sld [smem:$0x7FB];
	[tilespmem:v3+s25+$0x0] =	vst.idx.msk $0xffff, v2  }
0x40e: {  	[hbm4b:s19+s3] =	stream.linear.scatter [tilespmem:s25], [sflag:$0x10], $0x400, $0x38;
	[tilespmem:$0x13400] =	vst v63  }
0x40f: {  	s29 =	simm.s32 $0x12800;
	s6 =	sld [smem:$0x7FC]  }
0x410: {  	[hbm4b:s24+s3] =	stream.linear.scatter [tilespmem:s29], [sflag:$0x10], $0x400, $0x38;
	[tilespmem:$0x13400] =	vst v63  }
0x411: {  	s7 =	simm.s32 $0x12C00;
	s8 =	sld [smem:$0x7FD]  }
0x412: {  	[hbm4b:s6+s3] =	stream.linear.scatter [tilespmem:s7], [sflag:$0x10], $0x400, $0x38;
	[tilespmem:$0x13400] =	vst v63  }
0x413: {  	s19 =	simm.s32 $0x13000  }
0x414: {  	[hbm4b:s8+s3] =	stream.linear.scatter [tilespmem:s19], [sflag:$0x10], $0x400, $0x38;
	[tilespmem:$0x13400] =	vst v63  }
0x415: {  	_ =	swait.ge [sflag:s11], $0x400  }
0x416: {  	[sflag:s11] =	ssyncset.done $0x0  }
0x417: {  	[sflag:s11] =	ssyncadd.s32 $0xFFFFFC00  }
0x418: {  	_ =	swait.ge [sflag:s11], $0x400  }
0x419: {  	[sflag:s11] =	ssyncset.done $0x0  }
0x41a: {  	[sflag:s11] =	ssyncadd.s32 $0xFFFFFC00  }
0x41b: {  	_ =	swait.ge [sflag:s11], $0x400  }
0x41c: {  	[sflag:s11] =	ssyncset.done $0x0  }
0x41d: {  	[sflag:s11] =	ssyncadd.s32 $0xFFFFFC00  }
0x41e: {  	_ =	swait.ge [sflag:s11], $0x400  }
0x41f: {  	[sflag:s11] =	ssyncset.done $0x0  }
0x420: {  	[sflag:s11] =	ssyncadd.s32 $0xFFFFFC00  }
0x421: {  	_ =	swait.ge [sflag:s15], $0x400  }
0x422: {  	[sflag:s15] =	ssyncset.done $0x0  }
0x423: {  	[sflag:s15] =	ssyncadd.s32 $0xFFFFFC00  }
0x424: {  	_ =	swait.ge [sflag:s15], $0x400  }
0x425: {  	[sflag:s15] =	ssyncset.done $0x0  }
0x426: {  	[sflag:s15] =	ssyncadd.s32 $0xFFFFFC00  }
0x427: {  	_ =	swait.ge [sflag:s15], $0x400  }
0x428: {  	[sflag:s15] =	ssyncset.done $0x0  }
0x429: {  	[sflag:s15] =	ssyncadd.s32 $0xFFFFFC00  }
0x42a: {  	_ =	swait.ge [sflag:s15], $0x400  }
0x42b: {  	[sflag:s15] =	ssyncset.done $0x0  }
0x42c: {  	[sflag:s15] =	ssyncadd.s32 $0xFFFFFC00  }
0x42d: {  	_ =	swait.ge [sflag:s21], $0x400  }
0x42e: {  	[sflag:s21] =	ssyncset.done $0x0  }
0x42f: {  	[sflag:s21] =	ssyncadd.s32 $0xFFFFFC00  }
0x430: {  	_ =	swait.ge [sflag:s21], $0x400  }
0x431: {  	[sflag:s21] =	ssyncset.done $0x0  }
0x432: {  	[sflag:s21] =	ssyncadd.s32 $0xFFFFFC00  }
0x433: {  	_ =	swait.ge [sflag:s21], $0x400  }
0x434: {  	[sflag:s21] =	ssyncset.done $0x0  }
0x435: {  	[sflag:s21] =	ssyncadd.s32 $0xFFFFFC00  }
0x436: {  	_ =	swait.ge [sflag:s21], $0x400  }
0x437: {  	[sflag:s21] =	ssyncset.done $0x0  }
0x438: {  	[sflag:s21] =	ssyncadd.s32 $0xFFFFFC00  }
0x439: {  	_ =	swait.ge [sflag:s16], $0x400  }
0x43a: {  	[sflag:s16] =	ssyncset.done $0x0  }
0x43b: {  	[sflag:s16] =	ssyncadd.s32 $0xFFFFFC00  }
0x43c: {  	_ =	swait.ge [sflag:s16], $0x400  }
0x43d: {  	[sflag:s16] =	ssyncset.done $0x0  }
0x43e: {  	[sflag:s16] =	ssyncadd.s32 $0xFFFFFC00  }
0x43f: {  	_ =	swait.ge [sflag:s16], $0x400  }
0x440: {  	[sflag:s16] =	ssyncset.done $0x0  }
0x441: {  	[sflag:s16] =	ssyncadd.s32 $0xFFFFFC00  }
0x442: {  	_ =	swait.ge [sflag:s16], $0x400  }
0x443: {  	[sflag:s16] =	ssyncset.done $0x0  }
0x444: {  	[sflag:s16] =	ssyncadd.s32 $0xFFFFFC00  }
0x445: {  	_ =	swait.ge [sflag:s26], $0x400  }
0x446: {  	[sflag:s26] =	ssyncset.done $0x0  }
0x447: {  	[sflag:s26] =	ssyncadd.s32 $0xFFFFFC00  }
0x448: {  	_ =	swait.ge [sflag:s26], $0x400  }
0x449: {  	[sflag:s26] =	ssyncset.done $0x0  }
0x44a: {  	[sflag:s26] =	ssyncadd.s32 $0xFFFFFC00  }
0x44b: {  	_ =	swait.ge [sflag:s26], $0x400  }
0x44c: {  	[sflag:s26] =	ssyncset.done $0x0  }
0x44d: {  	[sflag:s26] =	ssyncadd.s32 $0xFFFFFC00  }
0x44e: {  	_ =	swait.ge [sflag:s26], $0x400  }
0x44f: {  	[sflag:s26] =	ssyncset.done $0x0  }
0x450: {  	[sflag:s26] =	ssyncadd.s32 $0xFFFFFC00  }
0x451: {  	_ =	swait.ge [sflag:s0], $0x400  }
0x452: {  	[sflag:s0] =	ssyncset.done $0x0  }
0x453: {  	[sflag:s0] =	ssyncadd.s32 $0xFFFFFC00  }
0x454: {  	_ =	swait.ge [sflag:s0], $0x400  }
0x455: {  	[sflag:s0] =	ssyncset.done $0x0  }
0x456: {  	[sflag:s0] =	ssyncadd.s32 $0xFFFFFC00  }
0x457: {  	_ =	swait.ge [sflag:s0], $0x400  }
0x458: {  	[sflag:s0] =	ssyncset.done $0x0  }
0x459: {  	[sflag:s0] =	ssyncadd.s32 $0xFFFFFC00  }
0x45a: {  	_ =	swait.ge [sflag:s0], $0x400  }
0x45b: {  	[sflag:s0] =	ssyncset.done $0x0  }
0x45c: {  	[sflag:s0] =	ssyncadd.s32 $0xFFFFFC00  }
0x45d: {  	_ =	swait.ge [sflag:s1], $0x400  }
0x45e: {  	[sflag:s1] =	ssyncset.done $0x0  }
0x45f: {  	[sflag:s1] =	ssyncadd.s32 $0xFFFFFC00  }
0x460: {  	_ =	swait.ge [sflag:s1], $0x400  }
0x461: {  	[sflag:s1] =	ssyncset.done $0x0  }
0x462: {  	[sflag:s1] =	ssyncadd.s32 $0xFFFFFC00  }
0x463: {  	_ =	swait.ge [sflag:s1], $0x400  }
0x464: {  	[sflag:s1] =	ssyncset.done $0x0  }
0x465: {  	[sflag:s1] =	ssyncadd.s32 $0xFFFFFC00  }
0x466: {  	_ =	swait.ge [sflag:s1], $0x400  }
0x467: {  	[sflag:s1] =	ssyncset.done $0x0  }
0x468: {  	[sflag:s1] =	ssyncadd.s32 $0xFFFFFC00  }
0x469: {  	_ =	swait.ge [sflag:s22], $0x400  }
0x46a: {  	[sflag:s22] =	ssyncset.done $0x0  }
0x46b: {  	[sflag:s22] =	ssyncadd.s32 $0xFFFFFC00  }
0x46c: {  	_ =	swait.ge [sflag:s22], $0x400  }
0x46d: {  	[sflag:s22] =	ssyncset.done $0x0  }
0x46e: {  	[sflag:s22] =	ssyncadd.s32 $0xFFFFFC00  }
0x46f: {  	_ =	swait.ge [sflag:s22], $0x400  }
0x470: {  	[sflag:s22] =	ssyncset.done $0x0  }
0x471: {  	[sflag:s22] =	ssyncadd.s32 $0xFFFFFC00  }
0x472: {  	_ =	swait.ge [sflag:s22], $0x400  }
0x473: {  	s24 =	sld [smem:$0x7BB]  }
0x474: {  	s29 =	sld [smem:$0x7DC];
	_ =	sdelay $0x1  }
0x475: {  	s6 =	sadd.s32 $0x1, s24  }
0x476: {  	p0 =	sne.s32 s6, s29  }
.Ltmp25:
0x477: {  	_ = 	snop;
	(pc) =	sbr.rel @p0 .LBB2_1-.Ltmp25, $3  }
0x478: {  	_ =	sdelay $0x1  }
0x479: {  	[sflag:s22] =	ssyncset.done $0x0  }
0x47a: {  	s7 =	simm.s32 $0x400;
	[sflag:s22] =	ssyncadd.s32 $0xFFFFFC00  }
0x47b: {  	_ =	sfence.sel $0x180000  }
0x47c: {  	[bflag:$0x0] =	sbarrier.arrive $0xFFFF  }
0x47d: {  	_ =	strace $0x90000047  }
0x47e: {  	s0 =	stileid.u32;
	[bflag:$0x2] =	sbarrier.arrive $0xFFFF  }
0x47f: {  	p0 =	sne.s32 s0, $0x0;
	s0 =	rddreg [dreg:$0x2]  }
0x480: {  	s0 =	sadd.s32 @!p0 $0x100000, s0  }
0x481: {  	[sflag:s0] =	ssyncadd.tile.s32 @!p0 $0x1;
	_ =	shalt  }
.Lfunc_end2:
_tile_overlayer_lowered:
.L_overlay_start_2:
0x482: {  	(tag) =	ssettag $0x2  }
0x483: {  	s0 =	rddreg [dreg:$0x0];
	s2 =	stileid.u32  }
0x484: {  	s1 =	rddreg [dreg:$0x1];
	p0 =	sne.s32 s2, $0x0  }
0x485: {  	s3 =	rddreg [dreg:$0x2];
	[bflag:$0x3] =	sbarrier.arrive $0xFFFF;
	s2 =	simm.s32 @!p0 $0x1C12  }
0x486: {  	[timem:s3], [sflag:s2] =	dma.local @!p0 [hbm:s0], s1  }
0x487: {  	s0 =	simm.s32 @!p0 $0x12  }
0x488: {  	_ =	swait.ge @!p0 [sflag:s0], s1  }
0x489: {  	s1 =	ssub.s32 @!p0 $0x0, s1;
	[sflag:s0] =	ssyncset.done @!p0 $0x0  }
0x48a: {  	[sflag:s0] =	ssyncadd.s32 @!p0 s1  }
0x48b: {  	[bflag:$0x3] =	sbarrier.arrive $0xFFFF  }
0x48c: {  	_ =	shalt  }

</sc_bundles>
